<compile_context>
chip_gen: v7x
topology: tpu7x:2x2x1
jax: 0.10.2.dev20260603
libtpu: 0.0.44.dev20260713+nightly
codegen_flags: <defaults>
</compile_context>

<pallas_src>
import functools

import jax
import jax.numpy as jnp
from jax import lax
from jax.experimental import pallas as pl
from jax.experimental.pallas import tpu as pltpu
from jax.experimental.pallas import tpu_sc as plsc

_N = 10000
_E = 160000
_DIN = 256
_F = 64
_H1 = 8

_NC, _NS, _L = 2, 16, 16
_NW = _NC * _NS
_NP = 10240
_RPT = _NP // _NS
_EPT = 5120
_EPAD = _NW * _EPT
_CH = 128
_NCHUNK = _EPT // _CH

_NB = 2

_ROWB = 1000
_GRID = _N // _ROWB



def _prep_body(x_ref, w_ref, as_ref, ad_ref,
               xw_ref, a_s_ref, a_d_ref, ms_ref, md_ref):
    i = pl.program_id(0)
    xw = jnp.dot(x_ref[...], w_ref[...], preferred_element_type=jnp.float32)
    xw_ref[...] = xw
    a_s = jnp.dot(xw, as_ref[...], preferred_element_type=jnp.float32)
    a_d = jnp.dot(xw, ad_ref[...], preferred_element_type=jnp.float32)
    a_s_ref[...] = jnp.concatenate([a_s, a_s], axis=1)
    a_d_ref[...] = jnp.concatenate([a_d, a_d], axis=1)
    bs = jnp.max(a_s, axis=0, keepdims=True)
    bd = jnp.max(a_d, axis=0, keepdims=True)
    neg = jnp.full_like(bs, -jnp.inf)
    prev_s = jnp.where(i == 0, neg, ms_ref[...])
    prev_d = jnp.where(i == 0, neg, md_ref[...])
    ms_ref[...] = jnp.maximum(prev_s, bs)
    md_ref[...] = jnp.maximum(prev_d, bd)


def _prep(x, w, a_src_m, a_dst_m, d_in):
    h = a_src_m.shape[1]
    return pl.pallas_call(
        _prep_body,
        grid=(_GRID,),
        in_specs=[
            pl.BlockSpec((_ROWB, d_in), lambda i: (i, 0)),
            pl.BlockSpec((d_in, _F), lambda i: (0, 0)),
            pl.BlockSpec((_F, h), lambda i: (0, 0)),
            pl.BlockSpec((_F, h), lambda i: (0, 0)),
        ],
        out_specs=[
            pl.BlockSpec((_ROWB, _F), lambda i: (i, 0)),
            pl.BlockSpec((_ROWB, 2 * h), lambda i: (i, 0)),
            pl.BlockSpec((_ROWB, 2 * h), lambda i: (i, 0)),
            pl.BlockSpec((1, h), lambda i: (0, 0)),
            pl.BlockSpec((1, h), lambda i: (0, 0)),
        ],
        out_shape=[
            jax.ShapeDtypeStruct((_NP, _F), jnp.float32),
            jax.ShapeDtypeStruct((_NP, 2 * h), jnp.float32),
            jax.ShapeDtypeStruct((_NP, 2 * h), jnp.float32),
            jax.ShapeDtypeStruct((1, h), jnp.float32),
            jax.ShapeDtypeStruct((1, h), jnp.float32),
        ],
    )(x, w, a_src_m, a_dst_m)


def _mid_body(ou_ref, dn_ref, as_ref, ad_ref, xw_ref, m_ref,
              w2_ref, a2s_ref, a2d_ref, b1_ref, p8_ref,
              xw2_ref, s2_ref, d2_ref, s2c_ref, d2c_ref, ms_ref, md_ref):
    i = pl.program_id(0)
    m1 = m_ref[0, 0]
    t = as_ref[...][:, :_H1] + ad_ref[...][:, :_H1]
    exs = jnp.exp(jnp.where(t >= 0, t, 0.2 * t) - m1)
    dn = dn_ref[...]
    dtot = dn[0][:, :_H1] + dn[1][:, :_H1] + exs
    ou = ou_ref[...]
    num = ou[0] + ou[1] + jnp.dot(exs, p8_ref[...],
                                  preferred_element_type=jnp.float32) * xw_ref[...]
    den = jnp.dot(dtot, p8_ref[...],
                  preferred_element_type=jnp.float32) + 1e-16
    h1 = num / den + b1_ref[...]
    h1 = jnp.where(h1 > 0, h1, jnp.exp(h1) - 1.0)
    xw2 = jnp.dot(h1, w2_ref[...], preferred_element_type=jnp.float32)
    xw2_ref[...] = xw2
    a2s = jnp.dot(xw2, a2s_ref[...], preferred_element_type=jnp.float32)
    a2d = jnp.dot(xw2, a2d_ref[...], preferred_element_type=jnp.float32)
    s2_ref[...] = a2s
    d2_ref[...] = a2d
    s2c_ref[...] = a2s[:, 0:1]
    d2c_ref[...] = a2d[:, 0:1]
    bs = jnp.max(a2s, axis=0, keepdims=True)
    bd = jnp.max(a2d, axis=0, keepdims=True)
    neg = jnp.full_like(bs, -jnp.inf)
    ms_ref[...] = jnp.maximum(jnp.where(i == 0, neg, ms_ref[...]), bs)
    md_ref[...] = jnp.maximum(jnp.where(i == 0, neg, md_ref[...]), bd)


def _mid(ou1, dn1, as1, ad1, xw1, m1s, w2, a2s_m, a2d_m, b1, p8):
    return pl.pallas_call(
        _mid_body,
        grid=(_GRID,),
        in_specs=[
            pl.BlockSpec((2, _ROWB, _F), lambda i: (0, i, 0)),
            pl.BlockSpec((2, _ROWB, 2 * _H1), lambda i: (0, i, 0)),
            pl.BlockSpec((_ROWB, 2 * _H1), lambda i: (i, 0)),
            pl.BlockSpec((_ROWB, 2 * _H1), lambda i: (i, 0)),
            pl.BlockSpec((_ROWB, _F), lambda i: (i, 0)),
            pl.BlockSpec((1, 1), lambda i: (0, 0)),
            pl.BlockSpec((_F, _F), lambda i: (0, 0)),
            pl.BlockSpec((_F, _H1), lambda i: (0, 0)),
            pl.BlockSpec((_F, _H1), lambda i: (0, 0)),
            pl.BlockSpec((1, _F), lambda i: (0, 0)),
            pl.BlockSpec((_H1, _F), lambda i: (0, 0)),
        ],
        out_specs=[
            pl.BlockSpec((_ROWB, _F), lambda i: (i, 0)),
            pl.BlockSpec((_ROWB, _H1), lambda i: (i, 0)),
            pl.BlockSpec((_ROWB, _H1), lambda i: (i, 0)),
            pl.BlockSpec((_ROWB, 1), lambda i: (i, 0)),
            pl.BlockSpec((_ROWB, 1), lambda i: (i, 0)),
            pl.BlockSpec((1, _H1), lambda i: (0, 0)),
            pl.BlockSpec((1, _H1), lambda i: (0, 0)),
        ],
        out_shape=[
            jax.ShapeDtypeStruct((_NP, _F), jnp.float32),
            jax.ShapeDtypeStruct((_N, _H1), jnp.float32),
            jax.ShapeDtypeStruct((_N, _H1), jnp.float32),
            jax.ShapeDtypeStruct((_NP, 1), jnp.float32),
            jax.ShapeDtypeStruct((_NP, 1), jnp.float32),
            jax.ShapeDtypeStruct((1, _H1), jnp.float32),
            jax.ShapeDtypeStruct((1, _H1), jnp.float32),
        ],
    )(ou1, dn1, as1, ad1, xw1, m1s, w2, a2s_m, a2d_m, b1, p8)


def _final_body(ou_ref, dn_ref, s2_ref, d2_ref, xw_ref, m_ref, b2_ref,
                out_ref):
    m2 = m_ref[0, 0]
    t = s2_ref[...][:, 0:1] + d2_ref[...][:, 0:1]
    exs = jnp.exp(jnp.where(t >= 0, t, 0.2 * t) - m2)
    dn = dn_ref[...]
    dtot = dn[0] + dn[1] + exs
    ou = ou_ref[...]
    num = ou[0] + ou[1] + exs * xw_ref[...]
    h = num / (dtot + 1e-16) + b2_ref[...]
    zmax = jnp.max(h, axis=1, keepdims=True)
    z = h - zmax
    lse = jnp.log(jnp.sum(jnp.exp(z), axis=1, keepdims=True))
    out_ref[...] = z - lse


def _final(ou2, dn2, s2, d2, xw2, m2s, b2):
    return pl.pallas_call(
        _final_body,
        grid=(_GRID,),
        in_specs=[
            pl.BlockSpec((2, _ROWB, _F), lambda i: (0, i, 0)),
            pl.BlockSpec((2, _ROWB, 1), lambda i: (0, i, 0)),
            pl.BlockSpec((_ROWB, _H1), lambda i: (i, 0)),
            pl.BlockSpec((_ROWB, _H1), lambda i: (i, 0)),
            pl.BlockSpec((_ROWB, _F), lambda i: (i, 0)),
            pl.BlockSpec((1, 1), lambda i: (0, 0)),
            pl.BlockSpec((1, _F), lambda i: (0, 0)),
        ],
        out_specs=pl.BlockSpec((_ROWB, _F), lambda i: (i, 0)),
        out_shape=jax.ShapeDtypeStruct((_N, _F), jnp.float32),
    )(ou2, dn2, s2, d2, xw2, m2s, b2)



def _edge_phase(heads, asrc, adst, xw, src3, dst3, m16, z64, zh):
    two_d = heads > 1
    nb = _NB
    dshape = (_NP, 16) if two_d else (_NP,)
    gshape = (_CH, 16) if two_d else (_CH,)
    exshape = gshape if two_d else (_CH + 16,)
    mesh = plsc.VectorSubcoreMesh(core_axis_name="c", subcore_axis_name="s")
    oshape = [jax.ShapeDtypeStruct((_NC, _NP, _F), jnp.float32),
              jax.ShapeDtypeStruct((_NC,) + dshape, jnp.float32)]
    scratch = [
        pltpu.VMEM_SHARED(dshape, jnp.float32),
        pltpu.VMEM_SHARED(dshape, jnp.float32),
        pltpu.VMEM_SHARED((_NP, _F), jnp.float32),
        pltpu.VMEM_SHARED(dshape, jnp.float32),
        pltpu.VMEM((_NCHUNK, _CH), jnp.int32),
        pltpu.VMEM((_NCHUNK, _CH), jnp.int32),
        pltpu.VMEM((16,), jnp.float32),
    ]
    if two_d:
        scratch += [pltpu.VMEM(gshape, jnp.float32) for _ in range(2 * nb)]
    else:
        scratch += [pltpu.VMEM((_NP,), jnp.float32) for _ in range(2)]
    scratch += [pltpu.VMEM((_CH, _F), jnp.float32) for _ in range(nb)]
    scratch += [pltpu.VMEM(exshape, jnp.float32) for _ in range(nb)]
    scratch += [pltpu.VMEM((_CH, _F), jnp.float32) for _ in range(nb)]
    nsem = 3 * nb if two_d else 2 * nb
    scratch += [pltpu.SemaphoreType.DMA for _ in range(nsem)]

    @functools.partial(pl.kernel, out_type=oshape, mesh=mesh,
                       scratch_types=scratch,
                       compiler_params=pltpu.CompilerParams(
                           needs_layout_passes=False,
                           use_tc_tiling_on_sc=False))
    def k(asrc_h, adst_h, xw_h, src_h, dst_h, m_h, z64_h, zh_h,
          out_h, dout_h,
          asrc_sh, adst_sh, acc_sh, den_sh,
          sidx, didx, m_v, *bufs):
        if two_d:
            ags = bufs[0:nb]
            dgs = bufs[nb:2 * nb]
            rest = bufs[2 * nb:]
        else:
            asrc_t, adst_t = bufs[0], bufs[1]
            rest = bufs[2:]
        xgs = rest[0:nb]
        exs = rest[nb:2 * nb]
        msgs = rest[2 * nb:3 * nb]
        sems = rest[3 * nb:]
        if two_d:
            lsems = sems[0:nb]
            gsems = sems[nb:2 * nb]
            ssems = sems[2 * nb:3 * nb]
        else:
            gsems = sems[0:nb]
            ssems = sems[nb:2 * nb]
        cid = lax.axis_index("c")
        sid = lax.axis_index("s")
        base = sid * _RPT
        rows = pl.ds(base, _RPT)
        if two_d:
            pltpu.sync_copy(asrc_h.at[rows], asrc_sh.at[rows])
            pltpu.sync_copy(adst_h.at[rows], adst_sh.at[rows])
        else:
            pltpu.sync_copy(asrc_h, asrc_t)
            pltpu.sync_copy(adst_h, adst_t)
        pltpu.sync_copy(z64_h.at[rows], acc_sh.at[rows])
        pltpu.sync_copy(zh_h.at[rows], den_sh.at[rows])
        pltpu.sync_copy(m_h, m_v)
        wid = cid * _NS + sid
        pltpu.sync_copy(src_h.at[wid], sidx)
        pltpu.sync_copy(dst_h.at[wid], didx)
        plsc.subcore_barrier()

        def start_chunk(b, cl):
            gx = pltpu.async_copy(xw_h.at[sidx.at[cl]], xgs[b], gsems[b])
            if two_d:
                ga = pltpu.async_copy(asrc_sh.at[sidx.at[cl]], ags[b],
                                      lsems[b])
                gd = pltpu.async_copy(adst_sh.at[didx.at[cl]], dgs[b],
                                      lsems[b])
                return (gx, ga, gd, cl)
            return (gx, None, None, cl)

        lane = lax.iota(jnp.int32, 16)
        low8 = lane < 8
        mv0 = m_v[...]

        def compute_chunk(b, descs):
            gx, ga, gd, cl = descs
            mv = mv0
            xwb = xgs[b]
            ex_s = exs[b]
            msg_s = msgs[b]
            dst_i = didx.at[cl]
            if two_d:
                agb, dgb = ags[b], dgs[b]
                ga.wait()
                gd.wait()

                def ex_body(i, _):
                    for kk in range(4):
                        r = 4 * i + kk
                        va = agb[r, pl.ds(0, 16)]
                        vb = dgb[r, pl.ds(0, 16)]
                        s = va + vb
                        e = jnp.exp(jnp.where(s >= 0, s, 0.2 * s) - mv)
                        ex_s[r, pl.ds(0, 16)] = e
                    return 0
                lax.fori_loop(0, _CH // 4, ex_body, 0)
            else:
                def ex_body(i, _):
                    for kk in range(2):
                        c0 = 16 * (2 * i + kk)
                        siv = sidx[cl, pl.ds(c0, 16)]
                        div = didx[cl, pl.ds(c0, 16)]
                        va = plsc.load_gather(asrc_t, [siv])
                        vb = plsc.load_gather(adst_t, [div])
                        s = va + vb
                        e = jnp.exp(jnp.where(s >= 0, s, 0.2 * s) - mv)
                        ex_s[pl.ds(c0, 16)] = e
                    return 0
                lax.fori_loop(0, _CH // 32, ex_body, 0)

            ex_src = ex_s if two_d else ex_s.at[pl.ds(0, _CH)]
            s0 = pltpu.async_copy(ex_src, den_sh.at[dst_i], ssems[b],
                                  add=True)
            gx.wait()

            def msg_body(r2, _):
                if not two_d:
                    ew = ex_s[pl.ds(4 * r2, 16)]
                for kk in range(4):
                    r = 4 * r2 + kk
                    if two_d:
                        ew = ex_s[r, pl.ds(0, 16)]
                        for j in range(4):
                            ca = jnp.broadcast_to(ew[2 * j], (16,))
                            cb = jnp.broadcast_to(ew[2 * j + 1], (16,))
                            coef = jnp.where(low8, ca, cb)
                            xv = xwb[r, pl.ds(16 * j, 16)]
                            msg_s[r, pl.ds(16 * j, 16)] = xv * coef
                    else:
                        ce = jnp.broadcast_to(ew[kk], (16,))
                        for j in range(4):
                            xv = xwb[r, pl.ds(16 * j, 16)]
                            msg_s[r, pl.ds(16 * j, 16)] = xv * ce
                return 0
            lax.fori_loop(0, _CH // 4, msg_body, 0)
            s1 = pltpu.async_copy(msg_s, acc_sh.at[dst_i], ssems[b],
                                  add=True)
            return (s0, s1)

        def outer_body(ci, _):
            c0 = nb * ci
            descs = [start_chunk(b, c0 + b) for b in range(nb)]
            sdescs = [compute_chunk(b, descs[b]) for b in range(nb)]
            for sd in sdescs:
                for s in sd:
                    s.wait()
            return 0

        lax.fori_loop(0, _NCHUNK // nb, outer_body, 0)

        plsc.subcore_barrier()
        pltpu.sync_copy(acc_sh.at[rows], out_h.at[cid, rows])
        pltpu.sync_copy(den_sh.at[rows], dout_h.at[cid, rows])

    return k(asrc, adst, xw, src3, dst3, m16, z64, zh)



def kernel(x, edge_index, W1, att_src1, att_dst1, bias1,
           W2, att_src2, att_dst2, bias2):
    f32 = jnp.float32
    eye8 = jnp.eye(_H1, dtype=f32)
    a1s_m = (att_src1[:, :, None] * eye8[:, None, :]).reshape(_F, _H1)
    a1d_m = (att_dst1[:, :, None] * eye8[:, None, :]).reshape(_F, _H1)
    p8 = jnp.repeat(eye8, _F // _H1, axis=1)
    a2s_m = jnp.pad(att_src2.T, ((0, 0), (0, _H1 - 1)))
    a2d_m = jnp.pad(att_dst2.T, ((0, 0), (0, _H1 - 1)))

    npad = _EPAD - _E
    pad_idx = (_N + (jnp.arange(npad, dtype=jnp.int32) % (_NP - _N)))
    srcp = jnp.concatenate([edge_index[0].astype(jnp.int32), pad_idx])
    dstp = jnp.concatenate([edge_index[1].astype(jnp.int32), pad_idx])
    src3 = srcp.reshape(_NW, _NCHUNK, _CH)
    dst3 = dstp.reshape(_NW, _NCHUNK, _CH)

    z64 = jnp.zeros((_NP, _F), f32)
    z8 = jnp.zeros((_NP, 2 * _H1), f32)
    z1 = jnp.zeros((_NP,), f32)

    xw1, as1, ad1, ms1, md1 = _prep(x, W1, a1s_m, a1d_m, _DIN)
    m1 = jnp.maximum(jnp.max(ms1) + jnp.max(md1), 0.0)
    ou1, dn1 = _edge_phase(_H1, as1, ad1, xw1, src3, dst3,
                           jnp.full((16,), m1, f32), z64, z8)

    xw2, s2, d2, s2c, d2c, ms2, md2 = _mid(ou1, dn1, as1, ad1, xw1,
                                           m1.reshape(1, 1), W2, a2s_m,
                                           a2d_m, bias1.reshape(1, _F), p8)
    m2 = jnp.maximum(jnp.max(ms2) + jnp.max(md2), 0.0)
    ou2, dn2 = _edge_phase(1, s2c.reshape(_NP), d2c.reshape(_NP),
                           xw2, src3, dst3,
                           jnp.full((16,), m2, f32), z64, z1)

    return _final(ou2, dn2.reshape(_NC, _NP, 1), s2, d2, xw2,
                  m2.reshape(1, 1), bias2.reshape(1, _F))

# --- scband reference (transcript-rebuilt; emitter-appended) ---
"""Pipeline reference for scband-gat-6451040878848 (READ-ONLY COPY).

The authoritative reference and input builder live on the scoring server;
editing this copy changes nothing except your own understanding.
"""

import jax, jax.numpy as jnp
import numpy as np

N = 10000
E = 160000
D_IN = 256
OUT = 64
H1, C1 = 8, 8


def setup_inputs(seed: int = 0) -> dict:
    key = jax.random.key(seed)
    ks = jax.random.split(key, 12)
    x = jax.random.normal(ks[0], (N, D_IN), dtype=jnp.float32)
    edge_index = jax.random.randint(ks[1], (2, E), 0, N, dtype=jnp.int32)
    s1 = 1.0 / np.sqrt(D_IN)
    W1 = jax.random.normal(ks[2], (D_IN, H1 * C1), dtype=jnp.float32) * s1
    att_src1 = jax.random.normal(ks[3], (H1, C1), dtype=jnp.float32) * 0.1
    att_dst1 = jax.random.normal(ks[4], (H1, C1), dtype=jnp.float32) * 0.1
    bias1 = jnp.zeros((H1 * C1,), dtype=jnp.float32)
    s2 = 1.0 / np.sqrt(H1 * C1)
    W2 = jax.random.normal(ks[5], (H1 * C1, OUT), dtype=jnp.float32) * s2
    att_src2 = jax.random.normal(ks[6], (1, OUT), dtype=jnp.float32) * 0.1
    att_dst2 = jax.random.normal(ks[7], (1, OUT), dtype=jnp.float32) * 0.1
    bias2 = jnp.zeros((OUT,), dtype=jnp.float32)
    return {"x": x, "edge_index": edge_index, "W1": W1, "att_src1": att_src1,
            "att_dst1": att_dst1, "bias1": bias1, "W2": W2, "att_src2": att_src2,
            "att_dst2": att_dst2, "bias2": bias2}


def _gat_conv(x, edge_index, W, att_src, att_dst, bias, concat):
    heads, ch = att_src.shape
    n = x.shape[0]
    xw = (x @ W).reshape(n, heads, ch)
    # PyG GATConv default: add self loops
    loop = jnp.arange(n, dtype=edge_index.dtype)
    src = jnp.concatenate([edge_index[0], loop])
    dst = jnp.concatenate([edge_index[1], loop])
    a_src = (xw * att_src[None, :, :]).sum(-1)  # [N, H]
    a_dst = (xw * att_dst[None, :, :]).sum(-1)  # [N, H]
    alpha = a_src[src] + a_dst[dst]             # [E+N, H]
    alpha = jax.nn.leaky_relu(alpha, 0.2)
    amax = jax.ops.segment_max(alpha, dst, num_segments=n)
    amax = jnp.where(jnp.isfinite(amax), amax, 0.0)
    ex = jnp.exp(alpha - amax[dst])
    denom = jax.ops.segment_sum(ex, dst, num_segments=n)
    coef = ex / (denom[dst] + 1e-16)
    msg = xw[src] * coef[..., None]
    out = jax.ops.segment_sum(msg, dst, num_segments=n)  # [N, H, C]
    if concat:
        out = out.reshape(n, heads * ch)
    else:
        out = out.mean(axis=1)
    return out + bias


def reference(x, edge_index, W1, att_src1, att_dst1, bias1, W2, att_src2, att_dst2, bias2):
    # dropout layers are identity in eval mode
    h = _gat_conv(x, edge_index, W1, att_src1, att_dst1, bias1, True)
    h = jax.nn.elu(h)
    h = _gat_conv(h, edge_index, W2, att_src2, att_dst2, bias2, False)
    return jax.nn.log_softmax(h, axis=1)

if __name__ == "__main__":
    import jax
    _d = setup_inputs()
    print(jax.jit(kernel)(*tuple(_d.values())))

</pallas_src>

<mosaic_0001>
#map = affine_map<(d0, d1) -> (0, 0)>
#map1 = affine_map<(d0, d1) -> (0, 0, 0)>
#map2 = affine_map<(d0, d1) -> (0)>
module attributes {stable_mosaic.version = 14 : i64} {
  func.func @k(%arg0: i32, %arg1: i32, %arg2: memref<10240x16xf32, #tpu.memory_space<hbm>>, %arg3: memref<10240x16xf32, #tpu.memory_space<hbm>>, %arg4: memref<10240x64xf32, #tpu.memory_space<hbm>>, %arg5: memref<32x40x128xi32, #tpu.memory_space<hbm>>, %arg6: memref<32x40x128xi32, #tpu.memory_space<hbm>>, %arg7: memref<16xf32, #tpu.memory_space<hbm>>, %arg8: memref<10240x64xf32, #tpu.memory_space<hbm>>, %arg9: memref<10240x16xf32, #tpu.memory_space<hbm>>, %arg10: memref<2x10240x64xf32, #tpu.memory_space<hbm>>, %arg11: memref<2x10240x16xf32, #tpu.memory_space<hbm>>, %arg12: memref<10240x16xf32, #tpu.memory_space<vmem_shared>>, %arg13: memref<10240x16xf32, #tpu.memory_space<vmem_shared>>, %arg14: memref<10240x64xf32, #tpu.memory_space<vmem_shared>>, %arg15: memref<10240x16xf32, #tpu.memory_space<vmem_shared>>, %arg16: memref<40x128xi32, #tpu.memory_space<vmem>>, %arg17: memref<40x128xi32, #tpu.memory_space<vmem>>, %arg18: memref<16xf32, #tpu.memory_space<vmem>>, %arg19: memref<128x16xf32, #tpu.memory_space<vmem>>, %arg20: memref<128x16xf32, #tpu.memory_space<vmem>>, %arg21: memref<128x16xf32, #tpu.memory_space<vmem>>, %arg22: memref<128x16xf32, #tpu.memory_space<vmem>>, %arg23: memref<128x64xf32, #tpu.memory_space<vmem>>, %arg24: memref<128x64xf32, #tpu.memory_space<vmem>>, %arg25: memref<128x16xf32, #tpu.memory_space<vmem>>, %arg26: memref<128x16xf32, #tpu.memory_space<vmem>>, %arg27: memref<128x64xf32, #tpu.memory_space<vmem>>, %arg28: memref<128x64xf32, #tpu.memory_space<vmem>>, %arg29: memref<!tpu.dma_semaphore, #tpu.memory_space<semaphore_mem>>, %arg30: memref<!tpu.dma_semaphore, #tpu.memory_space<semaphore_mem>>, %arg31: memref<!tpu.dma_semaphore, #tpu.memory_space<semaphore_mem>>, %arg32: memref<!tpu.dma_semaphore, #tpu.memory_space<semaphore_mem>>, %arg33: memref<!tpu.dma_semaphore, #tpu.memory_space<semaphore_mem>>, %arg34: memref<!tpu.dma_semaphore, #tpu.memory_space<semaphore_mem>>) attributes {dimension_semantics = [#tpu.dimension_semantics<core_parallel>, #tpu.dimension_semantics<subcore_parallel>], iteration_bounds = array<i64: 2, 16>, scalar_prefetch = 0 : i64, scratch_operands = 23 : i64, tpu.core_type = #tpu.core_type<sc_vector_subcore>, window_params = [{transform_indices = #map}, {transform_indices = #map}, {transform_indices = #map}, {transform_indices = #map1}, {transform_indices = #map1}, {transform_indices = #map2}, {transform_indices = #map}, {transform_indices = #map}, {transform_indices = #map1}, {transform_indices = #map1}]} {
    %mul3A = arith.constant 640 : i32
    %mul3A_0 = arith.muli %arg1, %mul3A : i32
    "tpu.region"() ({
      %run_scoped3A = tpu.sem_alloc : memref<!tpu.dma_semaphore, #tpu.memory_space<semaphore_mem>>
      %dma_start3A = arith.constant 0 : i32
      %dma_start3A_13 = tpu.memref_slice %arg12[%mul3A_0, %dma_start3A] : memref<10240x16xf32, #tpu.memory_space<vmem_shared>> -> memref<640x16xf32, #tpu.memory_space<vmem_shared>>
      %dma_start3A_14 = arith.constant 0 : i32
      %dma_start3A_15 = tpu.memref_slice %arg2[%mul3A_0, %dma_start3A_14] : memref<10240x16xf32, #tpu.memory_space<hbm>> -> memref<640x16xf32, #tpu.memory_space<hbm>>
      tpu.enqueue_dma source(%dma_start3A_15 : memref<640x16xf32, #tpu.memory_space<hbm>>) target(%dma_start3A_13 : memref<640x16xf32, #tpu.memory_space<vmem_shared>>) target_semaphore(%run_scoped3A : memref<!tpu.dma_semaphore, #tpu.memory_space<semaphore_mem>>)
      %dma_wait3A = arith.constant 0 : i32
      %dma_wait3A_16 = tpu.memref_slice %arg12[%mul3A_0, %dma_wait3A] : memref<10240x16xf32, #tpu.memory_space<vmem_shared>> -> memref<640x16xf32, #tpu.memory_space<vmem_shared>>
      %dma_wait3A_17 = arith.constant 0 : i32
      %dma_wait3A_18 = tpu.memref_slice %arg2[%mul3A_0, %dma_wait3A_17] : memref<10240x16xf32, #tpu.memory_space<hbm>> -> memref<640x16xf32, #tpu.memory_space<hbm>>
      tpu.wait_dma2 semaphore(%run_scoped3A : memref<!tpu.dma_semaphore, #tpu.memory_space<semaphore_mem>>) src(%dma_wait3A_18 : memref<640x16xf32, #tpu.memory_space<hbm>>) dst(%dma_wait3A_16 : memref<640x16xf32, #tpu.memory_space<vmem_shared>>)
      tpu.yield
    }) : () -> ()
    "tpu.region"() ({
      %run_scoped3A = tpu.sem_alloc : memref<!tpu.dma_semaphore, #tpu.memory_space<semaphore_mem>>
      %dma_start3A = arith.constant 0 : i32
      %dma_start3A_13 = tpu.memref_slice %arg13[%mul3A_0, %dma_start3A] : memref<10240x16xf32, #tpu.memory_space<vmem_shared>> -> memref<640x16xf32, #tpu.memory_space<vmem_shared>>
      %dma_start3A_14 = arith.constant 0 : i32
      %dma_start3A_15 = tpu.memref_slice %arg3[%mul3A_0, %dma_start3A_14] : memref<10240x16xf32, #tpu.memory_space<hbm>> -> memref<640x16xf32, #tpu.memory_space<hbm>>
      tpu.enqueue_dma source(%dma_start3A_15 : memref<640x16xf32, #tpu.memory_space<hbm>>) target(%dma_start3A_13 : memref<640x16xf32, #tpu.memory_space<vmem_shared>>) target_semaphore(%run_scoped3A : memref<!tpu.dma_semaphore, #tpu.memory_space<semaphore_mem>>)
      %dma_wait3A = arith.constant 0 : i32
      %dma_wait3A_16 = tpu.memref_slice %arg13[%mul3A_0, %dma_wait3A] : memref<10240x16xf32, #tpu.memory_space<vmem_shared>> -> memref<640x16xf32, #tpu.memory_space<vmem_shared>>
      %dma_wait3A_17 = arith.constant 0 : i32
      %dma_wait3A_18 = tpu.memref_slice %arg3[%mul3A_0, %dma_wait3A_17] : memref<10240x16xf32, #tpu.memory_space<hbm>> -> memref<640x16xf32, #tpu.memory_space<hbm>>
      tpu.wait_dma2 semaphore(%run_scoped3A : memref<!tpu.dma_semaphore, #tpu.memory_space<semaphore_mem>>) src(%dma_wait3A_18 : memref<640x16xf32, #tpu.memory_space<hbm>>) dst(%dma_wait3A_16 : memref<640x16xf32, #tpu.memory_space<vmem_shared>>)
      tpu.yield
    }) : () -> ()
    "tpu.region"() ({
      %run_scoped3A = tpu.sem_alloc : memref<!tpu.dma_semaphore, #tpu.memory_space<semaphore_mem>>
      %dma_start3A = arith.constant 0 : i32
      %dma_start3A_13 = tpu.memref_slice %arg14[%mul3A_0, %dma_start3A] : memref<10240x64xf32, #tpu.memory_space<vmem_shared>> -> memref<640x64xf32, #tpu.memory_space<vmem_shared>>
      %dma_start3A_14 = arith.constant 0 : i32
      %dma_start3A_15 = tpu.memref_slice %arg8[%mul3A_0, %dma_start3A_14] : memref<10240x64xf32, #tpu.memory_space<hbm>> -> memref<640x64xf32, #tpu.memory_space<hbm>>
      tpu.enqueue_dma source(%dma_start3A_15 : memref<640x64xf32, #tpu.memory_space<hbm>>) target(%dma_start3A_13 : memref<640x64xf32, #tpu.memory_space<vmem_shared>>) target_semaphore(%run_scoped3A : memref<!tpu.dma_semaphore, #tpu.memory_space<semaphore_mem>>)
      %dma_wait3A = arith.constant 0 : i32
      %dma_wait3A_16 = tpu.memref_slice %arg14[%mul3A_0, %dma_wait3A] : memref<10240x64xf32, #tpu.memory_space<vmem_shared>> -> memref<640x64xf32, #tpu.memory_space<vmem_shared>>
      %dma_wait3A_17 = arith.constant 0 : i32
      %dma_wait3A_18 = tpu.memref_slice %arg8[%mul3A_0, %dma_wait3A_17] : memref<10240x64xf32, #tpu.memory_space<hbm>> -> memref<640x64xf32, #tpu.memory_space<hbm>>
      tpu.wait_dma2 semaphore(%run_scoped3A : memref<!tpu.dma_semaphore, #tpu.memory_space<semaphore_mem>>) src(%dma_wait3A_18 : memref<640x64xf32, #tpu.memory_space<hbm>>) dst(%dma_wait3A_16 : memref<640x64xf32, #tpu.memory_space<vmem_shared>>)
      tpu.yield
    }) : () -> ()
    "tpu.region"() ({
      %run_scoped3A = tpu.sem_alloc : memref<!tpu.dma_semaphore, #tpu.memory_space<semaphore_mem>>
      %dma_start3A = arith.constant 0 : i32
      %dma_start3A_13 = tpu.memref_slice %arg15[%mul3A_0, %dma_start3A] : memref<10240x16xf32, #tpu.memory_space<vmem_shared>> -> memref<640x16xf32, #tpu.memory_space<vmem_shared>>
      %dma_start3A_14 = arith.constant 0 : i32
      %dma_start3A_15 = tpu.memref_slice %arg9[%mul3A_0, %dma_start3A_14] : memref<10240x16xf32, #tpu.memory_space<hbm>> -> memref<640x16xf32, #tpu.memory_space<hbm>>
      tpu.enqueue_dma source(%dma_start3A_15 : memref<640x16xf32, #tpu.memory_space<hbm>>) target(%dma_start3A_13 : memref<640x16xf32, #tpu.memory_space<vmem_shared>>) target_semaphore(%run_scoped3A : memref<!tpu.dma_semaphore, #tpu.memory_space<semaphore_mem>>)
      %dma_wait3A = arith.constant 0 : i32
      %dma_wait3A_16 = tpu.memref_slice %arg15[%mul3A_0, %dma_wait3A] : memref<10240x16xf32, #tpu.memory_space<vmem_shared>> -> memref<640x16xf32, #tpu.memory_space<vmem_shared>>
      %dma_wait3A_17 = arith.constant 0 : i32
      %dma_wait3A_18 = tpu.memref_slice %arg9[%mul3A_0, %dma_wait3A_17] : memref<10240x16xf32, #tpu.memory_space<hbm>> -> memref<640x16xf32, #tpu.memory_space<hbm>>
      tpu.wait_dma2 semaphore(%run_scoped3A : memref<!tpu.dma_semaphore, #tpu.memory_space<semaphore_mem>>) src(%dma_wait3A_18 : memref<640x16xf32, #tpu.memory_space<hbm>>) dst(%dma_wait3A_16 : memref<640x16xf32, #tpu.memory_space<vmem_shared>>)
      tpu.yield
    }) : () -> ()
    "tpu.region"() ({
      %run_scoped3A = tpu.sem_alloc : memref<!tpu.dma_semaphore, #tpu.memory_space<semaphore_mem>>
      tpu.enqueue_dma source(%arg7 : memref<16xf32, #tpu.memory_space<hbm>>) target(%arg18 : memref<16xf32, #tpu.memory_space<vmem>>) target_semaphore(%run_scoped3A : memref<!tpu.dma_semaphore, #tpu.memory_space<semaphore_mem>>)
      tpu.wait_dma2 semaphore(%run_scoped3A : memref<!tpu.dma_semaphore, #tpu.memory_space<semaphore_mem>>) src(%arg7 : memref<16xf32, #tpu.memory_space<hbm>>) dst(%arg18 : memref<16xf32, #tpu.memory_space<vmem>>)
      tpu.yield
    }) : () -> ()
    %mul3A_1 = arith.constant 16 : i32
    %mul3A_2 = arith.muli %arg0, %mul3A_1 : i32
    %add3A = arith.addi %mul3A_2, %arg1 : i32
    "tpu.region"() ({
      %run_scoped3A = tpu.sem_alloc : memref<!tpu.dma_semaphore, #tpu.memory_space<semaphore_mem>>
      %dma_start3A = arith.constant 0 : i32
      %dma_start3A_13 = arith.constant 0 : i32
      %dma_start3A_14 = tpu.memref_slice %arg5[%add3A, %dma_start3A, %dma_start3A_13] : memref<32x40x128xi32, #tpu.memory_space<hbm>> -> memref<1x40x128xi32, #tpu.memory_space<hbm>>
      %dma_start3A_15 = tpu.memref_squeeze %dma_start3A_14 : memref<1x40x128xi32, #tpu.memory_space<hbm>> -> memref<40x128xi32, #tpu.memory_space<hbm>>
      %dma_start3A_16 = arith.constant 0 : i32
      %dma_start3A_17 = arith.constant 0 : i32
      %dma_start3A_18 = tpu.memref_slice %arg5[%add3A, %dma_start3A_16, %dma_start3A_17] : memref<32x40x128xi32, #tpu.memory_space<hbm>> -> memref<1x40x128xi32, #tpu.memory_space<hbm>>
      %dma_start3A_19 = tpu.memref_squeeze %dma_start3A_18 : memref<1x40x128xi32, #tpu.memory_space<hbm>> -> memref<40x128xi32, #tpu.memory_space<hbm>>
      tpu.enqueue_dma source(%dma_start3A_19 : memref<40x128xi32, #tpu.memory_space<hbm>>) target(%arg16 : memref<40x128xi32, #tpu.memory_space<vmem>>) target_semaphore(%run_scoped3A : memref<!tpu.dma_semaphore, #tpu.memory_space<semaphore_mem>>)
      %dma_wait3A = arith.constant 0 : i32
      %dma_wait3A_20 = arith.constant 0 : i32
      %dma_wait3A_21 = tpu.memref_slice %arg5[%add3A, %dma_wait3A, %dma_wait3A_20] : memref<32x40x128xi32, #tpu.memory_space<hbm>> -> memref<1x40x128xi32, #tpu.memory_space<hbm>>
      %dma_wait3A_22 = tpu.memref_squeeze %dma_wait3A_21 : memref<1x40x128xi32, #tpu.memory_space<hbm>> -> memref<40x128xi32, #tpu.memory_space<hbm>>
      %dma_wait3A_23 = arith.constant 0 : i32
      %dma_wait3A_24 = arith.constant 0 : i32
      %dma_wait3A_25 = tpu.memref_slice %arg5[%add3A, %dma_wait3A_23, %dma_wait3A_24] : memref<32x40x128xi32, #tpu.memory_space<hbm>> -> memref<1x40x128xi32, #tpu.memory_space<hbm>>
      %dma_wait3A_26 = tpu.memref_squeeze %dma_wait3A_25 : memref<1x40x128xi32, #tpu.memory_space<hbm>> -> memref<40x128xi32, #tpu.memory_space<hbm>>
      tpu.wait_dma2 semaphore(%run_scoped3A : memref<!tpu.dma_semaphore, #tpu.memory_space<semaphore_mem>>) src(%dma_wait3A_26 : memref<40x128xi32, #tpu.memory_space<hbm>>) dst(%arg16 : memref<40x128xi32, #tpu.memory_space<vmem>>)
      tpu.yield
    }) : () -> ()
    "tpu.region"() ({
      %run_scoped3A = tpu.sem_alloc : memref<!tpu.dma_semaphore, #tpu.memory_space<semaphore_mem>>
      %dma_start3A = arith.constant 0 : i32
      %dma_start3A_13 = arith.constant 0 : i32
      %dma_start3A_14 = tpu.memref_slice %arg6[%add3A, %dma_start3A, %dma_start3A_13] : memref<32x40x128xi32, #tpu.memory_space<hbm>> -> memref<1x40x128xi32, #tpu.memory_space<hbm>>
      %dma_start3A_15 = tpu.memref_squeeze %dma_start3A_14 : memref<1x40x128xi32, #tpu.memory_space<hbm>> -> memref<40x128xi32, #tpu.memory_space<hbm>>
      %dma_start3A_16 = arith.constant 0 : i32
      %dma_start3A_17 = arith.constant 0 : i32
      %dma_start3A_18 = tpu.memref_slice %arg6[%add3A, %dma_start3A_16, %dma_start3A_17] : memref<32x40x128xi32, #tpu.memory_space<hbm>> -> memref<1x40x128xi32, #tpu.memory_space<hbm>>
      %dma_start3A_19 = tpu.memref_squeeze %dma_start3A_18 : memref<1x40x128xi32, #tpu.memory_space<hbm>> -> memref<40x128xi32, #tpu.memory_space<hbm>>
      tpu.enqueue_dma source(%dma_start3A_19 : memref<40x128xi32, #tpu.memory_space<hbm>>) target(%arg17 : memref<40x128xi32, #tpu.memory_space<vmem>>) target_semaphore(%run_scoped3A : memref<!tpu.dma_semaphore, #tpu.memory_space<semaphore_mem>>)
      %dma_wait3A = arith.constant 0 : i32
      %dma_wait3A_20 = arith.constant 0 : i32
      %dma_wait3A_21 = tpu.memref_slice %arg6[%add3A, %dma_wait3A, %dma_wait3A_20] : memref<32x40x128xi32, #tpu.memory_space<hbm>> -> memref<1x40x128xi32, #tpu.memory_space<hbm>>
      %dma_wait3A_22 = tpu.memref_squeeze %dma_wait3A_21 : memref<1x40x128xi32, #tpu.memory_space<hbm>> -> memref<40x128xi32, #tpu.memory_space<hbm>>
      %dma_wait3A_23 = arith.constant 0 : i32
      %dma_wait3A_24 = arith.constant 0 : i32
      %dma_wait3A_25 = tpu.memref_slice %arg6[%add3A, %dma_wait3A_23, %dma_wait3A_24] : memref<32x40x128xi32, #tpu.memory_space<hbm>> -> memref<1x40x128xi32, #tpu.memory_space<hbm>>
      %dma_wait3A_26 = tpu.memref_squeeze %dma_wait3A_25 : memref<1x40x128xi32, #tpu.memory_space<hbm>> -> memref<40x128xi32, #tpu.memory_space<hbm>>
      tpu.wait_dma2 semaphore(%run_scoped3A : memref<!tpu.dma_semaphore, #tpu.memory_space<semaphore_mem>>) src(%dma_wait3A_26 : memref<40x128xi32, #tpu.memory_space<hbm>>) dst(%arg17 : memref<40x128xi32, #tpu.memory_space<vmem>>)
      tpu.yield
    }) : () -> ()
    %barrier3A = arith.constant 0 : index
    tpu.barrier barrier_id(%barrier3A)
    %iota3A = tpu.iota {dimensions = array<i32: 0>} : vector<16xi32>
    %lt3A = arith.constant 8 : i32
    %lt3A_3 = vector.broadcast %lt3A : i32 to vector<16xi32>
    %lt3A_4 = arith.cmpi slt, %iota3A, %lt3A_3 : vector<16xi32>
    %get3A = arith.constant 0 : index
    %get3A_5 = tpu.vector_load %arg18[%get3A] {strides = array<i32>} : memref<16xf32, #tpu.memory_space<vmem>>, vector<16xf32>,
    %scan3A = arith.constant 0 : i32
    %scan3A_6 = arith.constant 0 : i32
    %scan3A_7 = arith.constant 20 : i32
    %scan3A_8 = arith.addi %scan3A_6, %scan3A_7 : i32
    %scan3A_9 = arith.constant 1 : i32
    %scan3A_10 = scf.for %scan3A_13 = %scan3A_6 to %scan3A_8 step %scan3A_9 iter_args(%scan3A_14 = %scan3A) -> (i32)  : i32 {
      %mul3A_15 = arith.constant 2 : i32
      %mul3A_16 = arith.muli %mul3A_15, %scan3A_13 : i32
      %add3A_17 = arith.constant 0 : i32
      %add3A_18 = arith.addi %mul3A_16, %add3A_17 : i32
      %dma_start3A = arith.constant 0 : i32
      %dma_start3A_19 = tpu.memref_slice %arg16[%add3A_18, %dma_start3A] : memref<40x128xi32, #tpu.memory_space<vmem>> -> memref<1x128xi32, #tpu.memory_space<vmem>>
      %dma_start3A_20 = tpu.memref_squeeze %dma_start3A_19 : memref<1x128xi32, #tpu.memory_space<vmem>> -> memref<128xi32, #tpu.memory_space<vmem>>
      %dma_start3A_21 = arith.constant 0 : i32
      %dma_start3A_22 = arith.constant 0 : i32
      %dma_start3A_23 = tpu.memref_slice %arg4[%dma_start3A_21, %dma_start3A_22] : memref<10240x64xf32, #tpu.memory_space<hbm>> -> memref<10240x64xf32, #tpu.memory_space<hbm>>
      tpu.enqueue_indirect_dma source(%dma_start3A_23 : memref<10240x64xf32, #tpu.memory_space<hbm>>) target(%arg23 : memref<128x64xf32, #tpu.memory_space<vmem>>) offsets(%dma_start3A_20 : memref<128xi32, #tpu.memory_space<vmem>>) semaphore(%arg31 : memref<!tpu.dma_semaphore, #tpu.memory_space<semaphore_mem>>)
      %dma_start3A_24 = arith.constant 0 : i32
      %dma_start3A_25 = tpu.memref_slice %arg16[%add3A_18, %dma_start3A_24] : memref<40x128xi32, #tpu.memory_space<vmem>> -> memref<1x128xi32, #tpu.memory_space<vmem>>
      %dma_start3A_26 = tpu.memref_squeeze %dma_start3A_25 : memref<1x128xi32, #tpu.memory_space<vmem>> -> memref<128xi32, #tpu.memory_space<vmem>>
      %dma_start3A_27 = arith.constant 0 : i32
      %dma_start3A_28 = arith.constant 0 : i32
      %dma_start3A_29 = tpu.memref_slice %arg12[%dma_start3A_27, %dma_start3A_28] : memref<10240x16xf32, #tpu.memory_space<vmem_shared>> -> memref<10240x16xf32, #tpu.memory_space<vmem_shared>>
      tpu.enqueue_indirect_dma source(%dma_start3A_29 : memref<10240x16xf32, #tpu.memory_space<vmem_shared>>) target(%arg19 : memref<128x16xf32, #tpu.memory_space<vmem>>) offsets(%dma_start3A_26 : memref<128xi32, #tpu.memory_space<vmem>>) semaphore(%arg29 : memref<!tpu.dma_semaphore, #tpu.memory_space<semaphore_mem>>)
      %dma_start3A_30 = arith.constant 0 : i32
      %dma_start3A_31 = tpu.memref_slice %arg17[%add3A_18, %dma_start3A_30] : memref<40x128xi32, #tpu.memory_space<vmem>> -> memref<1x128xi32, #tpu.memory_space<vmem>>
      %dma_start3A_32 = tpu.memref_squeeze %dma_start3A_31 : memref<1x128xi32, #tpu.memory_space<vmem>> -> memref<128xi32, #tpu.memory_space<vmem>>
      %dma_start3A_33 = arith.constant 0 : i32
      %dma_start3A_34 = arith.constant 0 : i32
      %dma_start3A_35 = tpu.memref_slice %arg13[%dma_start3A_33, %dma_start3A_34] : memref<10240x16xf32, #tpu.memory_space<vmem_shared>> -> memref<10240x16xf32, #tpu.memory_space<vmem_shared>>
      tpu.enqueue_indirect_dma source(%dma_start3A_35 : memref<10240x16xf32, #tpu.memory_space<vmem_shared>>) target(%arg21 : memref<128x16xf32, #tpu.memory_space<vmem>>) offsets(%dma_start3A_32 : memref<128xi32, #tpu.memory_space<vmem>>) semaphore(%arg29 : memref<!tpu.dma_semaphore, #tpu.memory_space<semaphore_mem>>)
      %add3A_36 = arith.constant 1 : i32
      %add3A_37 = arith.addi %mul3A_16, %add3A_36 : i32
      %dma_start3A_38 = arith.constant 0 : i32
      %dma_start3A_39 = tpu.memref_slice %arg16[%add3A_37, %dma_start3A_38] : memref<40x128xi32, #tpu.memory_space<vmem>> -> memref<1x128xi32, #tpu.memory_space<vmem>>
      %dma_start3A_40 = tpu.memref_squeeze %dma_start3A_39 : memref<1x128xi32, #tpu.memory_space<vmem>> -> memref<128xi32, #tpu.memory_space<vmem>>
      %dma_start3A_41 = arith.constant 0 : i32
      %dma_start3A_42 = arith.constant 0 : i32
      %dma_start3A_43 = tpu.memref_slice %arg4[%dma_start3A_41, %dma_start3A_42] : memref<10240x64xf32, #tpu.memory_space<hbm>> -> memref<10240x64xf32, #tpu.memory_space<hbm>>
      tpu.enqueue_indirect_dma source(%dma_start3A_43 : memref<10240x64xf32, #tpu.memory_space<hbm>>) target(%arg24 : memref<128x64xf32, #tpu.memory_space<vmem>>) offsets(%dma_start3A_40 : memref<128xi32, #tpu.memory_space<vmem>>) semaphore(%arg32 : memref<!tpu.dma_semaphore, #tpu.memory_space<semaphore_mem>>)
      %dma_start3A_44 = arith.constant 0 : i32
      %dma_start3A_45 = tpu.memref_slice %arg16[%add3A_37, %dma_start3A_44] : memref<40x128xi32, #tpu.memory_space<vmem>> -> memref<1x128xi32, #tpu.memory_space<vmem>>
      %dma_start3A_46 = tpu.memref_squeeze %dma_start3A_45 : memref<1x128xi32, #tpu.memory_space<vmem>> -> memref<128xi32, #tpu.memory_space<vmem>>
      %dma_start3A_47 = arith.constant 0 : i32
      %dma_start3A_48 = arith.constant 0 : i32
      %dma_start3A_49 = tpu.memref_slice %arg12[%dma_start3A_47, %dma_start3A_48] : memref<10240x16xf32, #tpu.memory_space<vmem_shared>> -> memref<10240x16xf32, #tpu.memory_space<vmem_shared>>
      tpu.enqueue_indirect_dma source(%dma_start3A_49 : memref<10240x16xf32, #tpu.memory_space<vmem_shared>>) target(%arg20 : memref<128x16xf32, #tpu.memory_space<vmem>>) offsets(%dma_start3A_46 : memref<128xi32, #tpu.memory_space<vmem>>) semaphore(%arg30 : memref<!tpu.dma_semaphore, #tpu.memory_space<semaphore_mem>>)
      %dma_start3A_50 = arith.constant 0 : i32
      %dma_start3A_51 = tpu.memref_slice %arg17[%add3A_37, %dma_start3A_50] : memref<40x128xi32, #tpu.memory_space<vmem>> -> memref<1x128xi32, #tpu.memory_space<vmem>>
      %dma_start3A_52 = tpu.memref_squeeze %dma_start3A_51 : memref<1x128xi32, #tpu.memory_space<vmem>> -> memref<128xi32, #tpu.memory_space<vmem>>
      %dma_start3A_53 = arith.constant 0 : i32
      %dma_start3A_54 = arith.constant 0 : i32
      %dma_start3A_55 = tpu.memref_slice %arg13[%dma_start3A_53, %dma_start3A_54] : memref<10240x16xf32, #tpu.memory_space<vmem_shared>> -> memref<10240x16xf32, #tpu.memory_space<vmem_shared>>
      tpu.enqueue_indirect_dma source(%dma_start3A_55 : memref<10240x16xf32, #tpu.memory_space<vmem_shared>>) target(%arg22 : memref<128x16xf32, #tpu.memory_space<vmem>>) offsets(%dma_start3A_52 : memref<128xi32, #tpu.memory_space<vmem>>) semaphore(%arg30 : memref<!tpu.dma_semaphore, #tpu.memory_space<semaphore_mem>>)
      %dma_wait3A = arith.constant 0 : i32
      %dma_wait3A_56 = tpu.memref_slice %arg16[%add3A_18, %dma_wait3A] : memref<40x128xi32, #tpu.memory_space<vmem>> -> memref<1x128xi32, #tpu.memory_space<vmem>>
      %dma_wait3A_57 = tpu.memref_squeeze %dma_wait3A_56 : memref<1x128xi32, #tpu.memory_space<vmem>> -> memref<128xi32, #tpu.memory_space<vmem>>
      %dma_wait3A_58 = arith.constant 0 : i32
      %dma_wait3A_59 = arith.constant 0 : i32
      %dma_wait3A_60 = tpu.memref_slice %arg12[%dma_wait3A_58, %dma_wait3A_59] : memref<10240x16xf32, #tpu.memory_space<vmem_shared>> -> memref<10240x16xf32, #tpu.memory_space<vmem_shared>>
      tpu.wait_indirect_dma semaphore(%arg29 : memref<!tpu.dma_semaphore, #tpu.memory_space<semaphore_mem>>) src(%dma_wait3A_60 : memref<10240x16xf32, #tpu.memory_space<vmem_shared>>) dst(%arg19 : memref<128x16xf32, #tpu.memory_space<vmem>>)
      %dma_wait3A_61 = arith.constant 0 : i32
      %dma_wait3A_62 = tpu.memref_slice %arg17[%add3A_18, %dma_wait3A_61] : memref<40x128xi32, #tpu.memory_space<vmem>> -> memref<1x128xi32, #tpu.memory_space<vmem>>
      %dma_wait3A_63 = tpu.memref_squeeze %dma_wait3A_62 : memref<1x128xi32, #tpu.memory_space<vmem>> -> memref<128xi32, #tpu.memory_space<vmem>>
      %dma_wait3A_64 = arith.constant 0 : i32
      %dma_wait3A_65 = arith.constant 0 : i32
      %dma_wait3A_66 = tpu.memref_slice %arg13[%dma_wait3A_64, %dma_wait3A_65] : memref<10240x16xf32, #tpu.memory_space<vmem_shared>> -> memref<10240x16xf32, #tpu.memory_space<vmem_shared>>
      tpu.wait_indirect_dma semaphore(%arg29 : memref<!tpu.dma_semaphore, #tpu.memory_space<semaphore_mem>>) src(%dma_wait3A_66 : memref<10240x16xf32, #tpu.memory_space<vmem_shared>>) dst(%arg21 : memref<128x16xf32, #tpu.memory_space<vmem>>)
      %scan3A_67 = arith.constant 0 : i32
      %scan3A_68 = arith.constant 0 : i32
      %scan3A_69 = arith.constant 32 : i32
      %scan3A_70 = arith.addi %scan3A_68, %scan3A_69 : i32
      %scan3A_71 = arith.constant 1 : i32
      %scan3A_72 = scf.for %scan3A_168 = %scan3A_68 to %scan3A_70 step %scan3A_71 iter_args(%scan3A_169 = %scan3A_67) -> (i32)  : i32 {
        %mul3A_170 = arith.constant 4 : i32
        %mul3A_171 = arith.muli %mul3A_170, %scan3A_168 : i32
        %add3A_172 = arith.constant 0 : i32
        %add3A_173 = arith.addi %mul3A_171, %add3A_172 : i32
        %get3A_174 = arith.index_cast %add3A_173 : i32 to index
        %get3A_175 = arith.constant 0 : index
        %get3A_176 = tpu.vector_load %arg19[%get3A_174, %get3A_175] {strides = array<i32>} : memref<128x16xf32, #tpu.memory_space<vmem>>, vector<16xf32>,
        %get3A_177 = arith.index_cast %add3A_173 : i32 to index
        %get3A_178 = arith.constant 0 : index
        %get3A_179 = tpu.vector_load %arg21[%get3A_177, %get3A_178] {strides = array<i32>} : memref<128x16xf32, #tpu.memory_space<vmem>>, vector<16xf32>,
        %add3A_180 = arith.addf %get3A_176, %get3A_179 : vector<16xf32>
        %ge3A = arith.constant 0.000000e+00 : f32
        %ge3A_181 = vector.broadcast %ge3A : f32 to vector<16xf32>
        %ge3A_182 = arith.cmpf oge, %add3A_180, %ge3A_181 : vector<16xf32>
        %mul3A_183 = arith.constant 2.000000e-01 : f32
        %mul3A_184 = vector.broadcast %mul3A_183 : f32 to vector<16xf32>
        %mul3A_185 = arith.mulf %mul3A_184, %add3A_180 : vector<16xf32>
        %select_n3A = arith.select %ge3A_182, %add3A_180, %mul3A_185 : vector<16xi1>, vector<16xf32>
        %sub3A = arith.subf %select_n3A, %get3A_5 : vector<16xf32>
        %exp3A = math.exp %sub3A : vector<16xf32>
        %swap3A = arith.index_cast %add3A_173 : i32 to index
        %swap3A_186 = arith.constant 0 : index
        %swap3A_187 = tpu.vector_load %arg25[%swap3A, %swap3A_186] {strides = array<i32>} : memref<128x16xf32, #tpu.memory_space<vmem>>, vector<16xf32>,
        tpu.vector_store %arg25[%swap3A, %swap3A_186], %exp3A {strides = array<i32>} : memref<128x16xf32, #tpu.memory_space<vmem>>, vector<16xf32>,
        %mul3A_188 = arith.constant 4 : i32
        %mul3A_189 = arith.muli %mul3A_188, %scan3A_168 : i32
        %add3A_190 = arith.constant 1 : i32
        %add3A_191 = arith.addi %mul3A_189, %add3A_190 : i32
        %get3A_192 = arith.index_cast %add3A_191 : i32 to index
        %get3A_193 = arith.constant 0 : index
        %get3A_194 = tpu.vector_load %arg19[%get3A_192, %get3A_193] {strides = array<i32>} : memref<128x16xf32, #tpu.memory_space<vmem>>, vector<16xf32>,
        %get3A_195 = arith.index_cast %add3A_191 : i32 to index
        %get3A_196 = arith.constant 0 : index
        %get3A_197 = tpu.vector_load %arg21[%get3A_195, %get3A_196] {strides = array<i32>} : memref<128x16xf32, #tpu.memory_space<vmem>>, vector<16xf32>,
        %add3A_198 = arith.addf %get3A_194, %get3A_197 : vector<16xf32>
        %ge3A_199 = arith.constant 0.000000e+00 : f32
        %ge3A_200 = vector.broadcast %ge3A_199 : f32 to vector<16xf32>
        %ge3A_201 = arith.cmpf oge, %add3A_198, %ge3A_200 : vector<16xf32>
        %mul3A_202 = arith.constant 2.000000e-01 : f32
        %mul3A_203 = vector.broadcast %mul3A_202 : f32 to vector<16xf32>
        %mul3A_204 = arith.mulf %mul3A_203, %add3A_198 : vector<16xf32>
        %select_n3A_205 = arith.select %ge3A_201, %add3A_198, %mul3A_204 : vector<16xi1>, vector<16xf32>
        %sub3A_206 = arith.subf %select_n3A_205, %get3A_5 : vector<16xf32>
        %exp3A_207 = math.exp %sub3A_206 : vector<16xf32>
        %swap3A_208 = arith.index_cast %add3A_191 : i32 to index
        %swap3A_209 = arith.constant 0 : index
        %swap3A_210 = tpu.vector_load %arg25[%swap3A_208, %swap3A_209] {strides = array<i32>} : memref<128x16xf32, #tpu.memory_space<vmem>>, vector<16xf32>,
        tpu.vector_store %arg25[%swap3A_208, %swap3A_209], %exp3A_207 {strides = array<i32>} : memref<128x16xf32, #tpu.memory_space<vmem>>, vector<16xf32>,
        %mul3A_211 = arith.constant 4 : i32
        %mul3A_212 = arith.muli %mul3A_211, %scan3A_168 : i32
        %add3A_213 = arith.constant 2 : i32
        %add3A_214 = arith.addi %mul3A_212, %add3A_213 : i32
        %get3A_215 = arith.index_cast %add3A_214 : i32 to index
        %get3A_216 = arith.constant 0 : index
        %get3A_217 = tpu.vector_load %arg19[%get3A_215, %get3A_216] {strides = array<i32>} : memref<128x16xf32, #tpu.memory_space<vmem>>, vector<16xf32>,
        %get3A_218 = arith.index_cast %add3A_214 : i32 to index
        %get3A_219 = arith.constant 0 : index
        %get3A_220 = tpu.vector_load %arg21[%get3A_218, %get3A_219] {strides = array<i32>} : memref<128x16xf32, #tpu.memory_space<vmem>>, vector<16xf32>,
        %add3A_221 = arith.addf %get3A_217, %get3A_220 : vector<16xf32>
        %ge3A_222 = arith.constant 0.000000e+00 : f32
        %ge3A_223 = vector.broadcast %ge3A_222 : f32 to vector<16xf32>
        %ge3A_224 = arith.cmpf oge, %add3A_221, %ge3A_223 : vector<16xf32>
        %mul3A_225 = arith.constant 2.000000e-01 : f32
        %mul3A_226 = vector.broadcast %mul3A_225 : f32 to vector<16xf32>
        %mul3A_227 = arith.mulf %mul3A_226, %add3A_221 : vector<16xf32>
        %select_n3A_228 = arith.select %ge3A_224, %add3A_221, %mul3A_227 : vector<16xi1>, vector<16xf32>
        %sub3A_229 = arith.subf %select_n3A_228, %get3A_5 : vector<16xf32>
        %exp3A_230 = math.exp %sub3A_229 : vector<16xf32>
        %swap3A_231 = arith.index_cast %add3A_214 : i32 to index
        %swap3A_232 = arith.constant 0 : index
        %swap3A_233 = tpu.vector_load %arg25[%swap3A_231, %swap3A_232] {strides = array<i32>} : memref<128x16xf32, #tpu.memory_space<vmem>>, vector<16xf32>,
        tpu.vector_store %arg25[%swap3A_231, %swap3A_232], %exp3A_230 {strides = array<i32>} : memref<128x16xf32, #tpu.memory_space<vmem>>, vector<16xf32>,
        %mul3A_234 = arith.constant 4 : i32
        %mul3A_235 = arith.muli %mul3A_234, %scan3A_168 : i32
        %add3A_236 = arith.constant 3 : i32
        %add3A_237 = arith.addi %mul3A_235, %add3A_236 : i32
        %get3A_238 = arith.index_cast %add3A_237 : i32 to index
        %get3A_239 = arith.constant 0 : index
        %get3A_240 = tpu.vector_load %arg19[%get3A_238, %get3A_239] {strides = array<i32>} : memref<128x16xf32, #tpu.memory_space<vmem>>, vector<16xf32>,
        %get3A_241 = arith.index_cast %add3A_237 : i32 to index
        %get3A_242 = arith.constant 0 : index
        %get3A_243 = tpu.vector_load %arg21[%get3A_241, %get3A_242] {strides = array<i32>} : memref<128x16xf32, #tpu.memory_space<vmem>>, vector<16xf32>,
        %add3A_244 = arith.addf %get3A_240, %get3A_243 : vector<16xf32>
        %ge3A_245 = arith.constant 0.000000e+00 : f32
        %ge3A_246 = vector.broadcast %ge3A_245 : f32 to vector<16xf32>
        %ge3A_247 = arith.cmpf oge, %add3A_244, %ge3A_246 : vector<16xf32>
        %mul3A_248 = arith.constant 2.000000e-01 : f32
        %mul3A_249 = vector.broadcast %mul3A_248 : f32 to vector<16xf32>
        %mul3A_250 = arith.mulf %mul3A_249, %add3A_244 : vector<16xf32>
        %select_n3A_251 = arith.select %ge3A_247, %add3A_244, %mul3A_250 : vector<16xi1>, vector<16xf32>
        %sub3A_252 = arith.subf %select_n3A_251, %get3A_5 : vector<16xf32>
        %exp3A_253 = math.exp %sub3A_252 : vector<16xf32>
        %swap3A_254 = arith.index_cast %add3A_237 : i32 to index
        %swap3A_255 = arith.constant 0 : index
        %swap3A_256 = tpu.vector_load %arg25[%swap3A_254, %swap3A_255] {strides = array<i32>} : memref<128x16xf32, #tpu.memory_space<vmem>>, vector<16xf32>,
        tpu.vector_store %arg25[%swap3A_254, %swap3A_255], %exp3A_253 {strides = array<i32>} : memref<128x16xf32, #tpu.memory_space<vmem>>, vector<16xf32>,
        %scan3A_257 = arith.constant 0 : i32
        scf.yield %scan3A_257 : i32
      }
      %scan3A_73 = arith.constant 32 : i32
      %dma_start3A_74 = arith.constant 0 : i32
      %dma_start3A_75 = tpu.memref_slice %arg17[%add3A_18, %dma_start3A_74] : memref<40x128xi32, #tpu.memory_space<vmem>> -> memref<1x128xi32, #tpu.memory_space<vmem>>
      %dma_start3A_76 = tpu.memref_squeeze %dma_start3A_75 : memref<1x128xi32, #tpu.memory_space<vmem>> -> memref<128xi32, #tpu.memory_space<vmem>>
      %dma_start3A_77 = arith.constant 0 : i32
      %dma_start3A_78 = arith.constant 0 : i32
      %dma_start3A_79 = tpu.memref_slice %arg15[%dma_start3A_77, %dma_start3A_78] : memref<10240x16xf32, #tpu.memory_space<vmem_shared>> -> memref<10240x16xf32, #tpu.memory_space<vmem_shared>>
      tpu.enqueue_indirect_dma source(%arg25 : memref<128x16xf32, #tpu.memory_space<vmem>>) target(%dma_start3A_79 : memref<10240x16xf32, #tpu.memory_space<vmem_shared>>) offsets(%dma_start3A_76 : memref<128xi32, #tpu.memory_space<vmem>>) semaphore(%arg33 : memref<!tpu.dma_semaphore, #tpu.memory_space<semaphore_mem>>) {add = true}
      %dma_wait3A_80 = arith.constant 0 : i32
      %dma_wait3A_81 = tpu.memref_slice %arg16[%add3A_18, %dma_wait3A_80] : memref<40x128xi32, #tpu.memory_space<vmem>> -> memref<1x128xi32, #tpu.memory_space<vmem>>
      %dma_wait3A_82 = tpu.memref_squeeze %dma_wait3A_81 : memref<1x128xi32, #tpu.memory_space<vmem>> -> memref<128xi32, #tpu.memory_space<vmem>>
      %dma_wait3A_83 = arith.constant 0 : i32
      %dma_wait3A_84 = arith.constant 0 : i32
      %dma_wait3A_85 = tpu.memref_slice %arg4[%dma_wait3A_83, %dma_wait3A_84] : memref<10240x64xf32, #tpu.memory_space<hbm>> -> memref<10240x64xf32, #tpu.memory_space<hbm>>
      tpu.wait_indirect_dma semaphore(%arg31 : memref<!tpu.dma_semaphore, #tpu.memory_space<semaphore_mem>>) src(%dma_wait3A_85 : memref<10240x64xf32, #tpu.memory_space<hbm>>) dst(%arg23 : memref<128x64xf32, #tpu.memory_space<vmem>>)
      %scan3A_86 = arith.constant 0 : i32
      %scan3A_87 = arith.constant 0 : i32
      %scan3A_88 = arith.constant 32 : i32
      %scan3A_89 = arith.addi %scan3A_87, %scan3A_88 : i32
      %scan3A_90 = arith.constant 1 : i32
      %scan3A_91 = scf.for %scan3A_168 = %scan3A_87 to %scan3A_89 step %scan3A_90 iter_args(%scan3A_169 = %scan3A_86) -> (i32)  : i32 {
        %mul3A_170 = arith.constant 4 : i32
        %mul3A_171 = arith.muli %mul3A_170, %scan3A_168 : i32
        %add3A_172 = arith.constant 0 : i32
        %add3A_173 = arith.addi %mul3A_171, %add3A_172 : i32
        %get3A_174 = arith.index_cast %add3A_173 : i32 to index
        %get3A_175 = arith.constant 0 : index
        %get3A_176 = tpu.vector_load %arg25[%get3A_174, %get3A_175] {strides = array<i32>} : memref<128x16xf32, #tpu.memory_space<vmem>>, vector<16xf32>,
        %slice3A = vector.extract_strided_slice %get3A_176 {offsets = [0], sizes = [1], strides = [1]} : vector<16xf32> to vector<1xf32>
        %squeeze3A = vector.extract %slice3A[0] : f32 from vector<1xf32>
        %broadcast_in_dim3A = vector.broadcast %squeeze3A : f32 to vector<16xf32>
        %slice3A_177 = vector.extract_strided_slice %get3A_176 {offsets = [1], sizes = [1], strides = [1]} : vector<16xf32> to vector<1xf32>
        %squeeze3A_178 = vector.extract %slice3A_177[0] : f32 from vector<1xf32>
        %broadcast_in_dim3A_179 = vector.broadcast %squeeze3A_178 : f32 to vector<16xf32>
        %select_n3A = arith.select %lt3A_4, %broadcast_in_dim3A, %broadcast_in_dim3A_179 : vector<16xi1>, vector<16xf32>
        %get3A_180 = arith.index_cast %add3A_173 : i32 to index
        %get3A_181 = arith.constant 0 : index
        %get3A_182 = tpu.vector_load %arg23[%get3A_180, %get3A_181] {strides = array<i32>} : memref<128x64xf32, #tpu.memory_space<vmem>>, vector<16xf32>,
        %mul3A_183 = arith.mulf %get3A_182, %select_n3A : vector<16xf32>
        %swap3A = arith.index_cast %add3A_173 : i32 to index
        %swap3A_184 = arith.constant 0 : index
        %swap3A_185 = tpu.vector_load %arg27[%swap3A, %swap3A_184] {strides = array<i32>} : memref<128x64xf32, #tpu.memory_space<vmem>>, vector<16xf32>,
        tpu.vector_store %arg27[%swap3A, %swap3A_184], %mul3A_183 {strides = array<i32>} : memref<128x64xf32, #tpu.memory_space<vmem>>, vector<16xf32>,
        %slice3A_186 = vector.extract_strided_slice %get3A_176 {offsets = [2], sizes = [1], strides = [1]} : vector<16xf32> to vector<1xf32>
        %squeeze3A_187 = vector.extract %slice3A_186[0] : f32 from vector<1xf32>
        %broadcast_in_dim3A_188 = vector.broadcast %squeeze3A_187 : f32 to vector<16xf32>
        %slice3A_189 = vector.extract_strided_slice %get3A_176 {offsets = [3], sizes = [1], strides = [1]} : vector<16xf32> to vector<1xf32>
        %squeeze3A_190 = vector.extract %slice3A_189[0] : f32 from vector<1xf32>
        %broadcast_in_dim3A_191 = vector.broadcast %squeeze3A_190 : f32 to vector<16xf32>
        %select_n3A_192 = arith.select %lt3A_4, %broadcast_in_dim3A_188, %broadcast_in_dim3A_191 : vector<16xi1>, vector<16xf32>
        %get3A_193 = arith.index_cast %add3A_173 : i32 to index
        %get3A_194 = arith.constant 16 : index
        %get3A_195 = tpu.vector_load %arg23[%get3A_193, %get3A_194] {strides = array<i32>} : memref<128x64xf32, #tpu.memory_space<vmem>>, vector<16xf32>,
        %mul3A_196 = arith.mulf %get3A_195, %select_n3A_192 : vector<16xf32>
        %swap3A_197 = arith.index_cast %add3A_173 : i32 to index
        %swap3A_198 = arith.constant 16 : index
        %swap3A_199 = tpu.vector_load %arg27[%swap3A_197, %swap3A_198] {strides = array<i32>} : memref<128x64xf32, #tpu.memory_space<vmem>>, vector<16xf32>,
        tpu.vector_store %arg27[%swap3A_197, %swap3A_198], %mul3A_196 {strides = array<i32>} : memref<128x64xf32, #tpu.memory_space<vmem>>, vector<16xf32>,
        %slice3A_200 = vector.extract_strided_slice %get3A_176 {offsets = [4], sizes = [1], strides = [1]} : vector<16xf32> to vector<1xf32>
        %squeeze3A_201 = vector.extract %slice3A_200[0] : f32 from vector<1xf32>
        %broadcast_in_dim3A_202 = vector.broadcast %squeeze3A_201 : f32 to vector<16xf32>
        %slice3A_203 = vector.extract_strided_slice %get3A_176 {offsets = [5], sizes = [1], strides = [1]} : vector<16xf32> to vector<1xf32>
        %squeeze3A_204 = vector.extract %slice3A_203[0] : f32 from vector<1xf32>
        %broadcast_in_dim3A_205 = vector.broadcast %squeeze3A_204 : f32 to vector<16xf32>
        %select_n3A_206 = arith.select %lt3A_4, %broadcast_in_dim3A_202, %broadcast_in_dim3A_205 : vector<16xi1>, vector<16xf32>
        %get3A_207 = arith.index_cast %add3A_173 : i32 to index
        %get3A_208 = arith.constant 32 : index
        %get3A_209 = tpu.vector_load %arg23[%get3A_207, %get3A_208] {strides = array<i32>} : memref<128x64xf32, #tpu.memory_space<vmem>>, vector<16xf32>,
        %mul3A_210 = arith.mulf %get3A_209, %select_n3A_206 : vector<16xf32>
        %swap3A_211 = arith.index_cast %add3A_173 : i32 to index
        %swap3A_212 = arith.constant 32 : index
        %swap3A_213 = tpu.vector_load %arg27[%swap3A_211, %swap3A_212] {strides = array<i32>} : memref<128x64xf32, #tpu.memory_space<vmem>>, vector<16xf32>,
        tpu.vector_store %arg27[%swap3A_211, %swap3A_212], %mul3A_210 {strides = array<i32>} : memref<128x64xf32, #tpu.memory_space<vmem>>, vector<16xf32>,
        %slice3A_214 = vector.extract_strided_slice %get3A_176 {offsets = [6], sizes = [1], strides = [1]} : vector<16xf32> to vector<1xf32>
        %squeeze3A_215 = vector.extract %slice3A_214[0] : f32 from vector<1xf32>
        %broadcast_in_dim3A_216 = vector.broadcast %squeeze3A_215 : f32 to vector<16xf32>
        %slice3A_217 = vector.extract_strided_slice %get3A_176 {offsets = [7], sizes = [1], strides = [1]} : vector<16xf32> to vector<1xf32>
        %squeeze3A_218 = vector.extract %slice3A_217[0] : f32 from vector<1xf32>
        %broadcast_in_dim3A_219 = vector.broadcast %squeeze3A_218 : f32 to vector<16xf32>
        %select_n3A_220 = arith.select %lt3A_4, %broadcast_in_dim3A_216, %broadcast_in_dim3A_219 : vector<16xi1>, vector<16xf32>
        %get3A_221 = arith.index_cast %add3A_173 : i32 to index
        %get3A_222 = arith.constant 48 : index
        %get3A_223 = tpu.vector_load %arg23[%get3A_221, %get3A_222] {strides = array<i32>} : memref<128x64xf32, #tpu.memory_space<vmem>>, vector<16xf32>,
        %mul3A_224 = arith.mulf %get3A_223, %select_n3A_220 : vector<16xf32>
        %swap3A_225 = arith.index_cast %add3A_173 : i32 to index
        %swap3A_226 = arith.constant 48 : index
        %swap3A_227 = tpu.vector_load %arg27[%swap3A_225, %swap3A_226] {strides = array<i32>} : memref<128x64xf32, #tpu.memory_space<vmem>>, vector<16xf32>,
        tpu.vector_store %arg27[%swap3A_225, %swap3A_226], %mul3A_224 {strides = array<i32>} : memref<128x64xf32, #tpu.memory_space<vmem>>, vector<16xf32>,
        %mul3A_228 = arith.constant 4 : i32
        %mul3A_229 = arith.muli %mul3A_228, %scan3A_168 : i32
        %add3A_230 = arith.constant 1 : i32
        %add3A_231 = arith.addi %mul3A_229, %add3A_230 : i32
        %get3A_232 = arith.index_cast %add3A_231 : i32 to index
        %get3A_233 = arith.constant 0 : index
        %get3A_234 = tpu.vector_load %arg25[%get3A_232, %get3A_233] {strides = array<i32>} : memref<128x16xf32, #tpu.memory_space<vmem>>, vector<16xf32>,
        %slice3A_235 = vector.extract_strided_slice %get3A_234 {offsets = [0], sizes = [1], strides = [1]} : vector<16xf32> to vector<1xf32>
        %squeeze3A_236 = vector.extract %slice3A_235[0] : f32 from vector<1xf32>
        %broadcast_in_dim3A_237 = vector.broadcast %squeeze3A_236 : f32 to vector<16xf32>
        %slice3A_238 = vector.extract_strided_slice %get3A_234 {offsets = [1], sizes = [1], strides = [1]} : vector<16xf32> to vector<1xf32>
        %squeeze3A_239 = vector.extract %slice3A_238[0] : f32 from vector<1xf32>
        %broadcast_in_dim3A_240 = vector.broadcast %squeeze3A_239 : f32 to vector<16xf32>
        %select_n3A_241 = arith.select %lt3A_4, %broadcast_in_dim3A_237, %broadcast_in_dim3A_240 : vector<16xi1>, vector<16xf32>
        %get3A_242 = arith.index_cast %add3A_231 : i32 to index
        %get3A_243 = arith.constant 0 : index
        %get3A_244 = tpu.vector_load %arg23[%get3A_242, %get3A_243] {strides = array<i32>} : memref<128x64xf32, #tpu.memory_space<vmem>>, vector<16xf32>,
        %mul3A_245 = arith.mulf %get3A_244, %select_n3A_241 : vector<16xf32>
        %swap3A_246 = arith.index_cast %add3A_231 : i32 to index
        %swap3A_247 = arith.constant 0 : index
        %swap3A_248 = tpu.vector_load %arg27[%swap3A_246, %swap3A_247] {strides = array<i32>} : memref<128x64xf32, #tpu.memory_space<vmem>>, vector<16xf32>,
        tpu.vector_store %arg27[%swap3A_246, %swap3A_247], %mul3A_245 {strides = array<i32>} : memref<128x64xf32, #tpu.memory_space<vmem>>, vector<16xf32>,
        %slice3A_249 = vector.extract_strided_slice %get3A_234 {offsets = [2], sizes = [1], strides = [1]} : vector<16xf32> to vector<1xf32>
        %squeeze3A_250 = vector.extract %slice3A_249[0] : f32 from vector<1xf32>
        %broadcast_in_dim3A_251 = vector.broadcast %squeeze3A_250 : f32 to vector<16xf32>
        %slice3A_252 = vector.extract_strided_slice %get3A_234 {offsets = [3], sizes = [1], strides = [1]} : vector<16xf32> to vector<1xf32>
        %squeeze3A_253 = vector.extract %slice3A_252[0] : f32 from vector<1xf32>
        %broadcast_in_dim3A_254 = vector.broadcast %squeeze3A_253 : f32 to vector<16xf32>
        %select_n3A_255 = arith.select %lt3A_4, %broadcast_in_dim3A_251, %broadcast_in_dim3A_254 : vector<16xi1>, vector<16xf32>
        %get3A_256 = arith.index_cast %add3A_231 : i32 to index
        %get3A_257 = arith.constant 16 : index
        %get3A_258 = tpu.vector_load %arg23[%get3A_256, %get3A_257] {strides = array<i32>} : memref<128x64xf32, #tpu.memory_space<vmem>>, vector<16xf32>,
        %mul3A_259 = arith.mulf %get3A_258, %select_n3A_255 : vector<16xf32>
        %swap3A_260 = arith.index_cast %add3A_231 : i32 to index
        %swap3A_261 = arith.constant 16 : index
        %swap3A_262 = tpu.vector_load %arg27[%swap3A_260, %swap3A_261] {strides = array<i32>} : memref<128x64xf32, #tpu.memory_space<vmem>>, vector<16xf32>,
        tpu.vector_store %arg27[%swap3A_260, %swap3A_261], %mul3A_259 {strides = array<i32>} : memref<128x64xf32, #tpu.memory_space<vmem>>, vector<16xf32>,
        %slice3A_263 = vector.extract_strided_slice %get3A_234 {offsets = [4], sizes = [1], strides = [1]} : vector<16xf32> to vector<1xf32>
        %squeeze3A_264 = vector.extract %slice3A_263[0] : f32 from vector<1xf32>
        %broadcast_in_dim3A_265 = vector.broadcast %squeeze3A_264 : f32 to vector<16xf32>
        %slice3A_266 = vector.extract_strided_slice %get3A_234 {offsets = [5], sizes = [1], strides = [1]} : vector<16xf32> to vector<1xf32>
        %squeeze3A_267 = vector.extract %slice3A_266[0] : f32 from vector<1xf32>
        %broadcast_in_dim3A_268 = vector.broadcast %squeeze3A_267 : f32 to vector<16xf32>
        %select_n3A_269 = arith.select %lt3A_4, %broadcast_in_dim3A_265, %broadcast_in_dim3A_268 : vector<16xi1>, vector<16xf32>
        %get3A_270 = arith.index_cast %add3A_231 : i32 to index
        %get3A_271 = arith.constant 32 : index
        %get3A_272 = tpu.vector_load %arg23[%get3A_270, %get3A_271] {strides = array<i32>} : memref<128x64xf32, #tpu.memory_space<vmem>>, vector<16xf32>,
        %mul3A_273 = arith.mulf %get3A_272, %select_n3A_269 : vector<16xf32>
        %swap3A_274 = arith.index_cast %add3A_231 : i32 to index
        %swap3A_275 = arith.constant 32 : index
        %swap3A_276 = tpu.vector_load %arg27[%swap3A_274, %swap3A_275] {strides = array<i32>} : memref<128x64xf32, #tpu.memory_space<vmem>>, vector<16xf32>,
        tpu.vector_store %arg27[%swap3A_274, %swap3A_275], %mul3A_273 {strides = array<i32>} : memref<128x64xf32, #tpu.memory_space<vmem>>, vector<16xf32>,
        %slice3A_277 = vector.extract_strided_slice %get3A_234 {offsets = [6], sizes = [1], strides = [1]} : vector<16xf32> to vector<1xf32>
        %squeeze3A_278 = vector.extract %slice3A_277[0] : f32 from vector<1xf32>
        %broadcast_in_dim3A_279 = vector.broadcast %squeeze3A_278 : f32 to vector<16xf32>
        %slice3A_280 = vector.extract_strided_slice %get3A_234 {offsets = [7], sizes = [1], strides = [1]} : vector<16xf32> to vector<1xf32>
        %squeeze3A_281 = vector.extract %slice3A_280[0] : f32 from vector<1xf32>
        %broadcast_in_dim3A_282 = vector.broadcast %squeeze3A_281 : f32 to vector<16xf32>
        %select_n3A_283 = arith.select %lt3A_4, %broadcast_in_dim3A_279, %broadcast_in_dim3A_282 : vector<16xi1>, vector<16xf32>
        %get3A_284 = arith.index_cast %add3A_231 : i32 to index
        %get3A_285 = arith.constant 48 : index
        %get3A_286 = tpu.vector_load %arg23[%get3A_284, %get3A_285] {strides = array<i32>} : memref<128x64xf32, #tpu.memory_space<vmem>>, vector<16xf32>,
        %mul3A_287 = arith.mulf %get3A_286, %select_n3A_283 : vector<16xf32>
        %swap3A_288 = arith.index_cast %add3A_231 : i32 to index
        %swap3A_289 = arith.constant 48 : index
        %swap3A_290 = tpu.vector_load %arg27[%swap3A_288, %swap3A_289] {strides = array<i32>} : memref<128x64xf32, #tpu.memory_space<vmem>>, vector<16xf32>,
        tpu.vector_store %arg27[%swap3A_288, %swap3A_289], %mul3A_287 {strides = array<i32>} : memref<128x64xf32, #tpu.memory_space<vmem>>, vector<16xf32>,
        %mul3A_291 = arith.constant 4 : i32
        %mul3A_292 = arith.muli %mul3A_291, %scan3A_168 : i32
        %add3A_293 = arith.constant 2 : i32
        %add3A_294 = arith.addi %mul3A_292, %add3A_293 : i32
        %get3A_295 = arith.index_cast %add3A_294 : i32 to index
        %get3A_296 = arith.constant 0 : index
        %get3A_297 = tpu.vector_load %arg25[%get3A_295, %get3A_296] {strides = array<i32>} : memref<128x16xf32, #tpu.memory_space<vmem>>, vector<16xf32>,
        %slice3A_298 = vector.extract_strided_slice %get3A_297 {offsets = [0], sizes = [1], strides = [1]} : vector<16xf32> to vector<1xf32>
        %squeeze3A_299 = vector.extract %slice3A_298[0] : f32 from vector<1xf32>
        %broadcast_in_dim3A_300 = vector.broadcast %squeeze3A_299 : f32 to vector<16xf32>
        %slice3A_301 = vector.extract_strided_slice %get3A_297 {offsets = [1], sizes = [1], strides = [1]} : vector<16xf32> to vector<1xf32>
        %squeeze3A_302 = vector.extract %slice3A_301[0] : f32 from vector<1xf32>
        %broadcast_in_dim3A_303 = vector.broadcast %squeeze3A_302 : f32 to vector<16xf32>
        %select_n3A_304 = arith.select %lt3A_4, %broadcast_in_dim3A_300, %broadcast_in_dim3A_303 : vector<16xi1>, vector<16xf32>
        %get3A_305 = arith.index_cast %add3A_294 : i32 to index
        %get3A_306 = arith.constant 0 : index
        %get3A_307 = tpu.vector_load %arg23[%get3A_305, %get3A_306] {strides = array<i32>} : memref<128x64xf32, #tpu.memory_space<vmem>>, vector<16xf32>,
        %mul3A_308 = arith.mulf %get3A_307, %select_n3A_304 : vector<16xf32>
        %swap3A_309 = arith.index_cast %add3A_294 : i32 to index
        %swap3A_310 = arith.constant 0 : index
        %swap3A_311 = tpu.vector_load %arg27[%swap3A_309, %swap3A_310] {strides = array<i32>} : memref<128x64xf32, #tpu.memory_space<vmem>>, vector<16xf32>,
        tpu.vector_store %arg27[%swap3A_309, %swap3A_310], %mul3A_308 {strides = array<i32>} : memref<128x64xf32, #tpu.memory_space<vmem>>, vector<16xf32>,
        %slice3A_312 = vector.extract_strided_slice %get3A_297 {offsets = [2], sizes = [1], strides = [1]} : vector<16xf32> to vector<1xf32>
        %squeeze3A_313 = vector.extract %slice3A_312[0] : f32 from vector<1xf32>
        %broadcast_in_dim3A_314 = vector.broadcast %squeeze3A_313 : f32 to vector<16xf32>
        %slice3A_315 = vector.extract_strided_slice %get3A_297 {offsets = [3], sizes = [1], strides = [1]} : vector<16xf32> to vector<1xf32>
        %squeeze3A_316 = vector.extract %slice3A_315[0] : f32 from vector<1xf32>
        %broadcast_in_dim3A_317 = vector.broadcast %squeeze3A_316 : f32 to vector<16xf32>
        %select_n3A_318 = arith.select %lt3A_4, %broadcast_in_dim3A_314, %broadcast_in_dim3A_317 : vector<16xi1>, vector<16xf32>
        %get3A_319 = arith.index_cast %add3A_294 : i32 to index
        %get3A_320 = arith.constant 16 : index
        %get3A_321 = tpu.vector_load %arg23[%get3A_319, %get3A_320] {strides = array<i32>} : memref<128x64xf32, #tpu.memory_space<vmem>>, vector<16xf32>,
        %mul3A_322 = arith.mulf %get3A_321, %select_n3A_318 : vector<16xf32>
        %swap3A_323 = arith.index_cast %add3A_294 : i32 to index
        %swap3A_324 = arith.constant 16 : index
        %swap3A_325 = tpu.vector_load %arg27[%swap3A_323, %swap3A_324] {strides = array<i32>} : memref<128x64xf32, #tpu.memory_space<vmem>>, vector<16xf32>,
        tpu.vector_store %arg27[%swap3A_323, %swap3A_324], %mul3A_322 {strides = array<i32>} : memref<128x64xf32, #tpu.memory_space<vmem>>, vector<16xf32>,
        %slice3A_326 = vector.extract_strided_slice %get3A_297 {offsets = [4], sizes = [1], strides = [1]} : vector<16xf32> to vector<1xf32>
        %squeeze3A_327 = vector.extract %slice3A_326[0] : f32 from vector<1xf32>
        %broadcast_in_dim3A_328 = vector.broadcast %squeeze3A_327 : f32 to vector<16xf32>
        %slice3A_329 = vector.extract_strided_slice %get3A_297 {offsets = [5], sizes = [1], strides = [1]} : vector<16xf32> to vector<1xf32>
        %squeeze3A_330 = vector.extract %slice3A_329[0] : f32 from vector<1xf32>
        %broadcast_in_dim3A_331 = vector.broadcast %squeeze3A_330 : f32 to vector<16xf32>
        %select_n3A_332 = arith.select %lt3A_4, %broadcast_in_dim3A_328, %broadcast_in_dim3A_331 : vector<16xi1>, vector<16xf32>
        %get3A_333 = arith.index_cast %add3A_294 : i32 to index
        %get3A_334 = arith.constant 32 : index
        %get3A_335 = tpu.vector_load %arg23[%get3A_333, %get3A_334] {strides = array<i32>} : memref<128x64xf32, #tpu.memory_space<vmem>>, vector<16xf32>,
        %mul3A_336 = arith.mulf %get3A_335, %select_n3A_332 : vector<16xf32>
        %swap3A_337 = arith.index_cast %add3A_294 : i32 to index
        %swap3A_338 = arith.constant 32 : index
        %swap3A_339 = tpu.vector_load %arg27[%swap3A_337, %swap3A_338] {strides = array<i32>} : memref<128x64xf32, #tpu.memory_space<vmem>>, vector<16xf32>,
        tpu.vector_store %arg27[%swap3A_337, %swap3A_338], %mul3A_336 {strides = array<i32>} : memref<128x64xf32, #tpu.memory_space<vmem>>, vector<16xf32>,
        %slice3A_340 = vector.extract_strided_slice %get3A_297 {offsets = [6], sizes = [1], strides = [1]} : vector<16xf32> to vector<1xf32>
        %squeeze3A_341 = vector.extract %slice3A_340[0] : f32 from vector<1xf32>
        %broadcast_in_dim3A_342 = vector.broadcast %squeeze3A_341 : f32 to vector<16xf32>
        %slice3A_343 = vector.extract_strided_slice %get3A_297 {offsets = [7], sizes = [1], strides = [1]} : vector<16xf32> to vector<1xf32>
        %squeeze3A_344 = vector.extract %slice3A_343[0] : f32 from vector<1xf32>
        %broadcast_in_dim3A_345 = vector.broadcast %squeeze3A_344 : f32 to vector<16xf32>
        %select_n3A_346 = arith.select %lt3A_4, %broadcast_in_dim3A_342, %broadcast_in_dim3A_345 : vector<16xi1>, vector<16xf32>
        %get3A_347 = arith.index_cast %add3A_294 : i32 to index
        %get3A_348 = arith.constant 48 : index
        %get3A_349 = tpu.vector_load %arg23[%get3A_347, %get3A_348] {strides = array<i32>} : memref<128x64xf32, #tpu.memory_space<vmem>>, vector<16xf32>,
        %mul3A_350 = arith.mulf %get3A_349, %select_n3A_346 : vector<16xf32>
        %swap3A_351 = arith.index_cast %add3A_294 : i32 to index
        %swap3A_352 = arith.constant 48 : index
        %swap3A_353 = tpu.vector_load %arg27[%swap3A_351, %swap3A_352] {strides = array<i32>} : memref<128x64xf32, #tpu.memory_space<vmem>>, vector<16xf32>,
        tpu.vector_store %arg27[%swap3A_351, %swap3A_352], %mul3A_350 {strides = array<i32>} : memref<128x64xf32, #tpu.memory_space<vmem>>, vector<16xf32>,
        %mul3A_354 = arith.constant 4 : i32
        %mul3A_355 = arith.muli %mul3A_354, %scan3A_168 : i32
        %add3A_356 = arith.constant 3 : i32
        %add3A_357 = arith.addi %mul3A_355, %add3A_356 : i32
        %get3A_358 = arith.index_cast %add3A_357 : i32 to index
        %get3A_359 = arith.constant 0 : index
        %get3A_360 = tpu.vector_load %arg25[%get3A_358, %get3A_359] {strides = array<i32>} : memref<128x16xf32, #tpu.memory_space<vmem>>, vector<16xf32>,
        %slice3A_361 = vector.extract_strided_slice %get3A_360 {offsets = [0], sizes = [1], strides = [1]} : vector<16xf32> to vector<1xf32>
        %squeeze3A_362 = vector.extract %slice3A_361[0] : f32 from vector<1xf32>
        %broadcast_in_dim3A_363 = vector.broadcast %squeeze3A_362 : f32 to vector<16xf32>
        %slice3A_364 = vector.extract_strided_slice %get3A_360 {offsets = [1], sizes = [1], strides = [1]} : vector<16xf32> to vector<1xf32>
        %squeeze3A_365 = vector.extract %slice3A_364[0] : f32 from vector<1xf32>
        %broadcast_in_dim3A_366 = vector.broadcast %squeeze3A_365 : f32 to vector<16xf32>
        %select_n3A_367 = arith.select %lt3A_4, %broadcast_in_dim3A_363, %broadcast_in_dim3A_366 : vector<16xi1>, vector<16xf32>
        %get3A_368 = arith.index_cast %add3A_357 : i32 to index
        %get3A_369 = arith.constant 0 : index
        %get3A_370 = tpu.vector_load %arg23[%get3A_368, %get3A_369] {strides = array<i32>} : memref<128x64xf32, #tpu.memory_space<vmem>>, vector<16xf32>,
        %mul3A_371 = arith.mulf %get3A_370, %select_n3A_367 : vector<16xf32>
        %swap3A_372 = arith.index_cast %add3A_357 : i32 to index
        %swap3A_373 = arith.constant 0 : index
        %swap3A_374 = tpu.vector_load %arg27[%swap3A_372, %swap3A_373] {strides = array<i32>} : memref<128x64xf32, #tpu.memory_space<vmem>>, vector<16xf32>,
        tpu.vector_store %arg27[%swap3A_372, %swap3A_373], %mul3A_371 {strides = array<i32>} : memref<128x64xf32, #tpu.memory_space<vmem>>, vector<16xf32>,
        %slice3A_375 = vector.extract_strided_slice %get3A_360 {offsets = [2], sizes = [1], strides = [1]} : vector<16xf32> to vector<1xf32>
        %squeeze3A_376 = vector.extract %slice3A_375[0] : f32 from vector<1xf32>
        %broadcast_in_dim3A_377 = vector.broadcast %squeeze3A_376 : f32 to vector<16xf32>
        %slice3A_378 = vector.extract_strided_slice %get3A_360 {offsets = [3], sizes = [1], strides = [1]} : vector<16xf32> to vector<1xf32>
        %squeeze3A_379 = vector.extract %slice3A_378[0] : f32 from vector<1xf32>
        %broadcast_in_dim3A_380 = vector.broadcast %squeeze3A_379 : f32 to vector<16xf32>
        %select_n3A_381 = arith.select %lt3A_4, %broadcast_in_dim3A_377, %broadcast_in_dim3A_380 : vector<16xi1>, vector<16xf32>
        %get3A_382 = arith.index_cast %add3A_357 : i32 to index
        %get3A_383 = arith.constant 16 : index
        %get3A_384 = tpu.vector_load %arg23[%get3A_382, %get3A_383] {strides = array<i32>} : memref<128x64xf32, #tpu.memory_space<vmem>>, vector<16xf32>,
        %mul3A_385 = arith.mulf %get3A_384, %select_n3A_381 : vector<16xf32>
        %swap3A_386 = arith.index_cast %add3A_357 : i32 to index
        %swap3A_387 = arith.constant 16 : index
        %swap3A_388 = tpu.vector_load %arg27[%swap3A_386, %swap3A_387] {strides = array<i32>} : memref<128x64xf32, #tpu.memory_space<vmem>>, vector<16xf32>,
        tpu.vector_store %arg27[%swap3A_386, %swap3A_387], %mul3A_385 {strides = array<i32>} : memref<128x64xf32, #tpu.memory_space<vmem>>, vector<16xf32>,
        %slice3A_389 = vector.extract_strided_slice %get3A_360 {offsets = [4], sizes = [1], strides = [1]} : vector<16xf32> to vector<1xf32>
        %squeeze3A_390 = vector.extract %slice3A_389[0] : f32 from vector<1xf32>
        %broadcast_in_dim3A_391 = vector.broadcast %squeeze3A_390 : f32 to vector<16xf32>
        %slice3A_392 = vector.extract_strided_slice %get3A_360 {offsets = [5], sizes = [1], strides = [1]} : vector<16xf32> to vector<1xf32>
        %squeeze3A_393 = vector.extract %slice3A_392[0] : f32 from vector<1xf32>
        %broadcast_in_dim3A_394 = vector.broadcast %squeeze3A_393 : f32 to vector<16xf32>
        %select_n3A_395 = arith.select %lt3A_4, %broadcast_in_dim3A_391, %broadcast_in_dim3A_394 : vector<16xi1>, vector<16xf32>
        %get3A_396 = arith.index_cast %add3A_357 : i32 to index
        %get3A_397 = arith.constant 32 : index
        %get3A_398 = tpu.vector_load %arg23[%get3A_396, %get3A_397] {strides = array<i32>} : memref<128x64xf32, #tpu.memory_space<vmem>>, vector<16xf32>,
        %mul3A_399 = arith.mulf %get3A_398, %select_n3A_395 : vector<16xf32>
        %swap3A_400 = arith.index_cast %add3A_357 : i32 to index
        %swap3A_401 = arith.constant 32 : index
        %swap3A_402 = tpu.vector_load %arg27[%swap3A_400, %swap3A_401] {strides = array<i32>} : memref<128x64xf32, #tpu.memory_space<vmem>>, vector<16xf32>,
        tpu.vector_store %arg27[%swap3A_400, %swap3A_401], %mul3A_399 {strides = array<i32>} : memref<128x64xf32, #tpu.memory_space<vmem>>, vector<16xf32>,
        %slice3A_403 = vector.extract_strided_slice %get3A_360 {offsets = [6], sizes = [1], strides = [1]} : vector<16xf32> to vector<1xf32>
        %squeeze3A_404 = vector.extract %slice3A_403[0] : f32 from vector<1xf32>
        %broadcast_in_dim3A_405 = vector.broadcast %squeeze3A_404 : f32 to vector<16xf32>
        %slice3A_406 = vector.extract_strided_slice %get3A_360 {offsets = [7], sizes = [1], strides = [1]} : vector<16xf32> to vector<1xf32>
        %squeeze3A_407 = vector.extract %slice3A_406[0] : f32 from vector<1xf32>
        %broadcast_in_dim3A_408 = vector.broadcast %squeeze3A_407 : f32 to vector<16xf32>
        %select_n3A_409 = arith.select %lt3A_4, %broadcast_in_dim3A_405, %broadcast_in_dim3A_408 : vector<16xi1>, vector<16xf32>
        %get3A_410 = arith.index_cast %add3A_357 : i32 to index
        %get3A_411 = arith.constant 48 : index
        %get3A_412 = tpu.vector_load %arg23[%get3A_410, %get3A_411] {strides = array<i32>} : memref<128x64xf32, #tpu.memory_space<vmem>>, vector<16xf32>,
        %mul3A_413 = arith.mulf %get3A_412, %select_n3A_409 : vector<16xf32>
        %swap3A_414 = arith.index_cast %add3A_357 : i32 to index
        %swap3A_415 = arith.constant 48 : index
        %swap3A_416 = tpu.vector_load %arg27[%swap3A_414, %swap3A_415] {strides = array<i32>} : memref<128x64xf32, #tpu.memory_space<vmem>>, vector<16xf32>,
        tpu.vector_store %arg27[%swap3A_414, %swap3A_415], %mul3A_413 {strides = array<i32>} : memref<128x64xf32, #tpu.memory_space<vmem>>, vector<16xf32>,
        %scan3A_417 = arith.constant 0 : i32
        scf.yield %scan3A_417 : i32
      }
      %scan3A_92 = arith.constant 32 : i32
      %dma_start3A_93 = arith.constant 0 : i32
      %dma_start3A_94 = tpu.memref_slice %arg17[%add3A_18, %dma_start3A_93] : memref<40x128xi32, #tpu.memory_space<vmem>> -> memref<1x128xi32, #tpu.memory_space<vmem>>
      %dma_start3A_95 = tpu.memref_squeeze %dma_start3A_94 : memref<1x128xi32, #tpu.memory_space<vmem>> -> memref<128xi32, #tpu.memory_space<vmem>>
      %dma_start3A_96 = arith.constant 0 : i32
      %dma_start3A_97 = arith.constant 0 : i32
      %dma_start3A_98 = tpu.memref_slice %arg14[%dma_start3A_96, %dma_start3A_97] : memref<10240x64xf32, #tpu.memory_space<vmem_shared>> -> memref<10240x64xf32, #tpu.memory_space<vmem_shared>>
      tpu.enqueue_indirect_dma source(%arg27 : memref<128x64xf32, #tpu.memory_space<vmem>>) target(%dma_start3A_98 : memref<10240x64xf32, #tpu.memory_space<vmem_shared>>) offsets(%dma_start3A_95 : memref<128xi32, #tpu.memory_space<vmem>>) semaphore(%arg33 : memref<!tpu.dma_semaphore, #tpu.memory_space<semaphore_mem>>) {add = true}
      %dma_wait3A_99 = arith.constant 0 : i32
      %dma_wait3A_100 = tpu.memref_slice %arg16[%add3A_37, %dma_wait3A_99] : memref<40x128xi32, #tpu.memory_space<vmem>> -> memref<1x128xi32, #tpu.memory_space<vmem>>
      %dma_wait3A_101 = tpu.memref_squeeze %dma_wait3A_100 : memref<1x128xi32, #tpu.memory_space<vmem>> -> memref<128xi32, #tpu.memory_space<vmem>>
      %dma_wait3A_102 = arith.constant 0 : i32
      %dma_wait3A_103 = arith.constant 0 : i32
      %dma_wait3A_104 = tpu.memref_slice %arg12[%dma_wait3A_102, %dma_wait3A_103] : memref<10240x16xf32, #tpu.memory_space<vmem_shared>> -> memref<10240x16xf32, #tpu.memory_space<vmem_shared>>
      tpu.wait_indirect_dma semaphore(%arg30 : memref<!tpu.dma_semaphore, #tpu.memory_space<semaphore_mem>>) src(%dma_wait3A_104 : memref<10240x16xf32, #tpu.memory_space<vmem_shared>>) dst(%arg20 : memref<128x16xf32, #tpu.memory_space<vmem>>)
      %dma_wait3A_105 = arith.constant 0 : i32
      %dma_wait3A_106 = tpu.memref_slice %arg17[%add3A_37, %dma_wait3A_105] : memref<40x128xi32, #tpu.memory_space<vmem>> -> memref<1x128xi32, #tpu.memory_space<vmem>>
      %dma_wait3A_107 = tpu.memref_squeeze %dma_wait3A_106 : memref<1x128xi32, #tpu.memory_space<vmem>> -> memref<128xi32, #tpu.memory_space<vmem>>
      %dma_wait3A_108 = arith.constant 0 : i32
      %dma_wait3A_109 = arith.constant 0 : i32
      %dma_wait3A_110 = tpu.memref_slice %arg13[%dma_wait3A_108, %dma_wait3A_109] : memref<10240x16xf32, #tpu.memory_space<vmem_shared>> -> memref<10240x16xf32, #tpu.memory_space<vmem_shared>>
      tpu.wait_indirect_dma semaphore(%arg30 : memref<!tpu.dma_semaphore, #tpu.memory_space<semaphore_mem>>) src(%dma_wait3A_110 : memref<10240x16xf32, #tpu.memory_space<vmem_shared>>) dst(%arg22 : memref<128x16xf32, #tpu.memory_space<vmem>>)
      %scan3A_111 = arith.constant 0 : i32
      %scan3A_112 = arith.constant 0 : i32
      %scan3A_113 = arith.constant 32 : i32
      %scan3A_114 = arith.addi %scan3A_112, %scan3A_113 : i32
      %scan3A_115 = arith.constant 1 : i32
      %scan3A_116 = scf.for %scan3A_168 = %scan3A_112 to %scan3A_114 step %scan3A_115 iter_args(%scan3A_169 = %scan3A_111) -> (i32)  : i32 {
        %mul3A_170 = arith.constant 4 : i32
        %mul3A_171 = arith.muli %mul3A_170, %scan3A_168 : i32
        %add3A_172 = arith.constant 0 : i32
        %add3A_173 = arith.addi %mul3A_171, %add3A_172 : i32
        %get3A_174 = arith.index_cast %add3A_173 : i32 to index
        %get3A_175 = arith.constant 0 : index
        %get3A_176 = tpu.vector_load %arg20[%get3A_174, %get3A_175] {strides = array<i32>} : memref<128x16xf32, #tpu.memory_space<vmem>>, vector<16xf32>,
        %get3A_177 = arith.index_cast %add3A_173 : i32 to index
        %get3A_178 = arith.constant 0 : index
        %get3A_179 = tpu.vector_load %arg22[%get3A_177, %get3A_178] {strides = array<i32>} : memref<128x16xf32, #tpu.memory_space<vmem>>, vector<16xf32>,
        %add3A_180 = arith.addf %get3A_176, %get3A_179 : vector<16xf32>
        %ge3A = arith.constant 0.000000e+00 : f32
        %ge3A_181 = vector.broadcast %ge3A : f32 to vector<16xf32>
        %ge3A_182 = arith.cmpf oge, %add3A_180, %ge3A_181 : vector<16xf32>
        %mul3A_183 = arith.constant 2.000000e-01 : f32
        %mul3A_184 = vector.broadcast %mul3A_183 : f32 to vector<16xf32>
        %mul3A_185 = arith.mulf %mul3A_184, %add3A_180 : vector<16xf32>
        %select_n3A = arith.select %ge3A_182, %add3A_180, %mul3A_185 : vector<16xi1>, vector<16xf32>
        %sub3A = arith.subf %select_n3A, %get3A_5 : vector<16xf32>
        %exp3A = math.exp %sub3A : vector<16xf32>
        %swap3A = arith.index_cast %add3A_173 : i32 to index
        %swap3A_186 = arith.constant 0 : index
        %swap3A_187 = tpu.vector_load %arg26[%swap3A, %swap3A_186] {strides = array<i32>} : memref<128x16xf32, #tpu.memory_space<vmem>>, vector<16xf32>,
        tpu.vector_store %arg26[%swap3A, %swap3A_186], %exp3A {strides = array<i32>} : memref<128x16xf32, #tpu.memory_space<vmem>>, vector<16xf32>,
        %mul3A_188 = arith.constant 4 : i32
        %mul3A_189 = arith.muli %mul3A_188, %scan3A_168 : i32
        %add3A_190 = arith.constant 1 : i32
        %add3A_191 = arith.addi %mul3A_189, %add3A_190 : i32
        %get3A_192 = arith.index_cast %add3A_191 : i32 to index
        %get3A_193 = arith.constant 0 : index
        %get3A_194 = tpu.vector_load %arg20[%get3A_192, %get3A_193] {strides = array<i32>} : memref<128x16xf32, #tpu.memory_space<vmem>>, vector<16xf32>,
        %get3A_195 = arith.index_cast %add3A_191 : i32 to index
        %get3A_196 = arith.constant 0 : index
        %get3A_197 = tpu.vector_load %arg22[%get3A_195, %get3A_196] {strides = array<i32>} : memref<128x16xf32, #tpu.memory_space<vmem>>, vector<16xf32>,
        %add3A_198 = arith.addf %get3A_194, %get3A_197 : vector<16xf32>
        %ge3A_199 = arith.constant 0.000000e+00 : f32
        %ge3A_200 = vector.broadcast %ge3A_199 : f32 to vector<16xf32>
        %ge3A_201 = arith.cmpf oge, %add3A_198, %ge3A_200 : vector<16xf32>
        %mul3A_202 = arith.constant 2.000000e-01 : f32
        %mul3A_203 = vector.broadcast %mul3A_202 : f32 to vector<16xf32>
        %mul3A_204 = arith.mulf %mul3A_203, %add3A_198 : vector<16xf32>
        %select_n3A_205 = arith.select %ge3A_201, %add3A_198, %mul3A_204 : vector<16xi1>, vector<16xf32>
        %sub3A_206 = arith.subf %select_n3A_205, %get3A_5 : vector<16xf32>
        %exp3A_207 = math.exp %sub3A_206 : vector<16xf32>
        %swap3A_208 = arith.index_cast %add3A_191 : i32 to index
        %swap3A_209 = arith.constant 0 : index
        %swap3A_210 = tpu.vector_load %arg26[%swap3A_208, %swap3A_209] {strides = array<i32>} : memref<128x16xf32, #tpu.memory_space<vmem>>, vector<16xf32>,
        tpu.vector_store %arg26[%swap3A_208, %swap3A_209], %exp3A_207 {strides = array<i32>} : memref<128x16xf32, #tpu.memory_space<vmem>>, vector<16xf32>,
        %mul3A_211 = arith.constant 4 : i32
        %mul3A_212 = arith.muli %mul3A_211, %scan3A_168 : i32
        %add3A_213 = arith.constant 2 : i32
        %add3A_214 = arith.addi %mul3A_212, %add3A_213 : i32
        %get3A_215 = arith.index_cast %add3A_214 : i32 to index
        %get3A_216 = arith.constant 0 : index
        %get3A_217 = tpu.vector_load %arg20[%get3A_215, %get3A_216] {strides = array<i32>} : memref<128x16xf32, #tpu.memory_space<vmem>>, vector<16xf32>,
        %get3A_218 = arith.index_cast %add3A_214 : i32 to index
        %get3A_219 = arith.constant 0 : index
        %get3A_220 = tpu.vector_load %arg22[%get3A_218, %get3A_219] {strides = array<i32>} : memref<128x16xf32, #tpu.memory_space<vmem>>, vector<16xf32>,
        %add3A_221 = arith.addf %get3A_217, %get3A_220 : vector<16xf32>
        %ge3A_222 = arith.constant 0.000000e+00 : f32
        %ge3A_223 = vector.broadcast %ge3A_222 : f32 to vector<16xf32>
        %ge3A_224 = arith.cmpf oge, %add3A_221, %ge3A_223 : vector<16xf32>
        %mul3A_225 = arith.constant 2.000000e-01 : f32
        %mul3A_226 = vector.broadcast %mul3A_225 : f32 to vector<16xf32>
        %mul3A_227 = arith.mulf %mul3A_226, %add3A_221 : vector<16xf32>
        %select_n3A_228 = arith.select %ge3A_224, %add3A_221, %mul3A_227 : vector<16xi1>, vector<16xf32>
        %sub3A_229 = arith.subf %select_n3A_228, %get3A_5 : vector<16xf32>
        %exp3A_230 = math.exp %sub3A_229 : vector<16xf32>
        %swap3A_231 = arith.index_cast %add3A_214 : i32 to index
        %swap3A_232 = arith.constant 0 : index
        %swap3A_233 = tpu.vector_load %arg26[%swap3A_231, %swap3A_232] {strides = array<i32>} : memref<128x16xf32, #tpu.memory_space<vmem>>, vector<16xf32>,
        tpu.vector_store %arg26[%swap3A_231, %swap3A_232], %exp3A_230 {strides = array<i32>} : memref<128x16xf32, #tpu.memory_space<vmem>>, vector<16xf32>,
        %mul3A_234 = arith.constant 4 : i32
        %mul3A_235 = arith.muli %mul3A_234, %scan3A_168 : i32
        %add3A_236 = arith.constant 3 : i32
        %add3A_237 = arith.addi %mul3A_235, %add3A_236 : i32
        %get3A_238 = arith.index_cast %add3A_237 : i32 to index
        %get3A_239 = arith.constant 0 : index
        %get3A_240 = tpu.vector_load %arg20[%get3A_238, %get3A_239] {strides = array<i32>} : memref<128x16xf32, #tpu.memory_space<vmem>>, vector<16xf32>,
        %get3A_241 = arith.index_cast %add3A_237 : i32 to index
        %get3A_242 = arith.constant 0 : index
        %get3A_243 = tpu.vector_load %arg22[%get3A_241, %get3A_242] {strides = array<i32>} : memref<128x16xf32, #tpu.memory_space<vmem>>, vector<16xf32>,
        %add3A_244 = arith.addf %get3A_240, %get3A_243 : vector<16xf32>
        %ge3A_245 = arith.constant 0.000000e+00 : f32
        %ge3A_246 = vector.broadcast %ge3A_245 : f32 to vector<16xf32>
        %ge3A_247 = arith.cmpf oge, %add3A_244, %ge3A_246 : vector<16xf32>
        %mul3A_248 = arith.constant 2.000000e-01 : f32
        %mul3A_249 = vector.broadcast %mul3A_248 : f32 to vector<16xf32>
        %mul3A_250 = arith.mulf %mul3A_249, %add3A_244 : vector<16xf32>
        %select_n3A_251 = arith.select %ge3A_247, %add3A_244, %mul3A_250 : vector<16xi1>, vector<16xf32>
        %sub3A_252 = arith.subf %select_n3A_251, %get3A_5 : vector<16xf32>
        %exp3A_253 = math.exp %sub3A_252 : vector<16xf32>
        %swap3A_254 = arith.index_cast %add3A_237 : i32 to index
        %swap3A_255 = arith.constant 0 : index
        %swap3A_256 = tpu.vector_load %arg26[%swap3A_254, %swap3A_255] {strides = array<i32>} : memref<128x16xf32, #tpu.memory_space<vmem>>, vector<16xf32>,
        tpu.vector_store %arg26[%swap3A_254, %swap3A_255], %exp3A_253 {strides = array<i32>} : memref<128x16xf32, #tpu.memory_space<vmem>>, vector<16xf32>,
        %scan3A_257 = arith.constant 0 : i32
        scf.yield %scan3A_257 : i32
      }
      %scan3A_117 = arith.constant 32 : i32
      %dma_start3A_118 = arith.constant 0 : i32
      %dma_start3A_119 = tpu.memref_slice %arg17[%add3A_37, %dma_start3A_118] : memref<40x128xi32, #tpu.memory_space<vmem>> -> memref<1x128xi32, #tpu.memory_space<vmem>>
      %dma_start3A_120 = tpu.memref_squeeze %dma_start3A_119 : memref<1x128xi32, #tpu.memory_space<vmem>> -> memref<128xi32, #tpu.memory_space<vmem>>
      %dma_start3A_121 = arith.constant 0 : i32
      %dma_start3A_122 = arith.constant 0 : i32
      %dma_start3A_123 = tpu.memref_slice %arg15[%dma_start3A_121, %dma_start3A_122] : memref<10240x16xf32, #tpu.memory_space<vmem_shared>> -> memref<10240x16xf32, #tpu.memory_space<vmem_shared>>
      tpu.enqueue_indirect_dma source(%arg26 : memref<128x16xf32, #tpu.memory_space<vmem>>) target(%dma_start3A_123 : memref<10240x16xf32, #tpu.memory_space<vmem_shared>>) offsets(%dma_start3A_120 : memref<128xi32, #tpu.memory_space<vmem>>) semaphore(%arg34 : memref<!tpu.dma_semaphore, #tpu.memory_space<semaphore_mem>>) {add = true}
      %dma_wait3A_124 = arith.constant 0 : i32
      %dma_wait3A_125 = tpu.memref_slice %arg16[%add3A_37, %dma_wait3A_124] : memref<40x128xi32, #tpu.memory_space<vmem>> -> memref<1x128xi32, #tpu.memory_space<vmem>>
      %dma_wait3A_126 = tpu.memref_squeeze %dma_wait3A_125 : memref<1x128xi32, #tpu.memory_space<vmem>> -> memref<128xi32, #tpu.memory_space<vmem>>
      %dma_wait3A_127 = arith.constant 0 : i32
      %dma_wait3A_128 = arith.constant 0 : i32
      %dma_wait3A_129 = tpu.memref_slice %arg4[%dma_wait3A_127, %dma_wait3A_128] : memref<10240x64xf32, #tpu.memory_space<hbm>> -> memref<10240x64xf32, #tpu.memory_space<hbm>>
      tpu.wait_indirect_dma semaphore(%arg32 : memref<!tpu.dma_semaphore, #tpu.memory_space<semaphore_mem>>) src(%dma_wait3A_129 : memref<10240x64xf32, #tpu.memory_space<hbm>>) dst(%arg24 : memref<128x64xf32, #tpu.memory_space<vmem>>)
      %scan3A_130 = arith.constant 0 : i32
      %scan3A_131 = arith.constant 0 : i32
      %scan3A_132 = arith.constant 32 : i32
      %scan3A_133 = arith.addi %scan3A_131, %scan3A_132 : i32
      %scan3A_134 = arith.constant 1 : i32
      %scan3A_135 = scf.for %scan3A_168 = %scan3A_131 to %scan3A_133 step %scan3A_134 iter_args(%scan3A_169 = %scan3A_130) -> (i32)  : i32 {
        %mul3A_170 = arith.constant 4 : i32
        %mul3A_171 = arith.muli %mul3A_170, %scan3A_168 : i32
        %add3A_172 = arith.constant 0 : i32
        %add3A_173 = arith.addi %mul3A_171, %add3A_172 : i32
        %get3A_174 = arith.index_cast %add3A_173 : i32 to index
        %get3A_175 = arith.constant 0 : index
        %get3A_176 = tpu.vector_load %arg26[%get3A_174, %get3A_175] {strides = array<i32>} : memref<128x16xf32, #tpu.memory_space<vmem>>, vector<16xf32>,
        %slice3A = vector.extract_strided_slice %get3A_176 {offsets = [0], sizes = [1], strides = [1]} : vector<16xf32> to vector<1xf32>
        %squeeze3A = vector.extract %slice3A[0] : f32 from vector<1xf32>
        %broadcast_in_dim3A = vector.broadcast %squeeze3A : f32 to vector<16xf32>
        %slice3A_177 = vector.extract_strided_slice %get3A_176 {offsets = [1], sizes = [1], strides = [1]} : vector<16xf32> to vector<1xf32>
        %squeeze3A_178 = vector.extract %slice3A_177[0] : f32 from vector<1xf32>
        %broadcast_in_dim3A_179 = vector.broadcast %squeeze3A_178 : f32 to vector<16xf32>
        %select_n3A = arith.select %lt3A_4, %broadcast_in_dim3A, %broadcast_in_dim3A_179 : vector<16xi1>, vector<16xf32>
        %get3A_180 = arith.index_cast %add3A_173 : i32 to index
        %get3A_181 = arith.constant 0 : index
        %get3A_182 = tpu.vector_load %arg24[%get3A_180, %get3A_181] {strides = array<i32>} : memref<128x64xf32, #tpu.memory_space<vmem>>, vector<16xf32>,
        %mul3A_183 = arith.mulf %get3A_182, %select_n3A : vector<16xf32>
        %swap3A = arith.index_cast %add3A_173 : i32 to index
        %swap3A_184 = arith.constant 0 : index
        %swap3A_185 = tpu.vector_load %arg28[%swap3A, %swap3A_184] {strides = array<i32>} : memref<128x64xf32, #tpu.memory_space<vmem>>, vector<16xf32>,
        tpu.vector_store %arg28[%swap3A, %swap3A_184], %mul3A_183 {strides = array<i32>} : memref<128x64xf32, #tpu.memory_space<vmem>>, vector<16xf32>,
        %slice3A_186 = vector.extract_strided_slice %get3A_176 {offsets = [2], sizes = [1], strides = [1]} : vector<16xf32> to vector<1xf32>
        %squeeze3A_187 = vector.extract %slice3A_186[0] : f32 from vector<1xf32>
        %broadcast_in_dim3A_188 = vector.broadcast %squeeze3A_187 : f32 to vector<16xf32>
        %slice3A_189 = vector.extract_strided_slice %get3A_176 {offsets = [3], sizes = [1], strides = [1]} : vector<16xf32> to vector<1xf32>
        %squeeze3A_190 = vector.extract %slice3A_189[0] : f32 from vector<1xf32>
        %broadcast_in_dim3A_191 = vector.broadcast %squeeze3A_190 : f32 to vector<16xf32>
        %select_n3A_192 = arith.select %lt3A_4, %broadcast_in_dim3A_188, %broadcast_in_dim3A_191 : vector<16xi1>, vector<16xf32>
        %get3A_193 = arith.index_cast %add3A_173 : i32 to index
        %get3A_194 = arith.constant 16 : index
        %get3A_195 = tpu.vector_load %arg24[%get3A_193, %get3A_194] {strides = array<i32>} : memref<128x64xf32, #tpu.memory_space<vmem>>, vector<16xf32>,
        %mul3A_196 = arith.mulf %get3A_195, %select_n3A_192 : vector<16xf32>
        %swap3A_197 = arith.index_cast %add3A_173 : i32 to index
        %swap3A_198 = arith.constant 16 : index
        %swap3A_199 = tpu.vector_load %arg28[%swap3A_197, %swap3A_198] {strides = array<i32>} : memref<128x64xf32, #tpu.memory_space<vmem>>, vector<16xf32>,
        tpu.vector_store %arg28[%swap3A_197, %swap3A_198], %mul3A_196 {strides = array<i32>} : memref<128x64xf32, #tpu.memory_space<vmem>>, vector<16xf32>,
        %slice3A_200 = vector.extract_strided_slice %get3A_176 {offsets = [4], sizes = [1], strides = [1]} : vector<16xf32> to vector<1xf32>
        %squeeze3A_201 = vector.extract %slice3A_200[0] : f32 from vector<1xf32>
        %broadcast_in_dim3A_202 = vector.broadcast %squeeze3A_201 : f32 to vector<16xf32>
        %slice3A_203 = vector.extract_strided_slice %get3A_176 {offsets = [5], sizes = [1], strides = [1]} : vector<16xf32> to vector<1xf32>
        %squeeze3A_204 = vector.extract %slice3A_203[0] : f32 from vector<1xf32>
        %broadcast_in_dim3A_205 = vector.broadcast %squeeze3A_204 : f32 to vector<16xf32>
        %select_n3A_206 = arith.select %lt3A_4, %broadcast_in_dim3A_202, %broadcast_in_dim3A_205 : vector<16xi1>, vector<16xf32>
        %get3A_207 = arith.index_cast %add3A_173 : i32 to index
        %get3A_208 = arith.constant 32 : index
        %get3A_209 = tpu.vector_load %arg24[%get3A_207, %get3A_208] {strides = array<i32>} : memref<128x64xf32, #tpu.memory_space<vmem>>, vector<16xf32>,
        %mul3A_210 = arith.mulf %get3A_209, %select_n3A_206 : vector<16xf32>
        %swap3A_211 = arith.index_cast %add3A_173 : i32 to index
        %swap3A_212 = arith.constant 32 : index
        %swap3A_213 = tpu.vector_load %arg28[%swap3A_211, %swap3A_212] {strides = array<i32>} : memref<128x64xf32, #tpu.memory_space<vmem>>, vector<16xf32>,
        tpu.vector_store %arg28[%swap3A_211, %swap3A_212], %mul3A_210 {strides = array<i32>} : memref<128x64xf32, #tpu.memory_space<vmem>>, vector<16xf32>,
        %slice3A_214 = vector.extract_strided_slice %get3A_176 {offsets = [6], sizes = [1], strides = [1]} : vector<16xf32> to vector<1xf32>
        %squeeze3A_215 = vector.extract %slice3A_214[0] : f32 from vector<1xf32>
        %broadcast_in_dim3A_216 = vector.broadcast %squeeze3A_215 : f32 to vector<16xf32>
        %slice3A_217 = vector.extract_strided_slice %get3A_176 {offsets = [7], sizes = [1], strides = [1]} : vector<16xf32> to vector<1xf32>
        %squeeze3A_218 = vector.extract %slice3A_217[0] : f32 from vector<1xf32>
        %broadcast_in_dim3A_219 = vector.broadcast %squeeze3A_218 : f32 to vector<16xf32>
        %select_n3A_220 = arith.select %lt3A_4, %broadcast_in_dim3A_216, %broadcast_in_dim3A_219 : vector<16xi1>, vector<16xf32>
        %get3A_221 = arith.index_cast %add3A_173 : i32 to index
        %get3A_222 = arith.constant 48 : index
        %get3A_223 = tpu.vector_load %arg24[%get3A_221, %get3A_222] {strides = array<i32>} : memref<128x64xf32, #tpu.memory_space<vmem>>, vector<16xf32>,
        %mul3A_224 = arith.mulf %get3A_223, %select_n3A_220 : vector<16xf32>
        %swap3A_225 = arith.index_cast %add3A_173 : i32 to index
        %swap3A_226 = arith.constant 48 : index
        %swap3A_227 = tpu.vector_load %arg28[%swap3A_225, %swap3A_226] {strides = array<i32>} : memref<128x64xf32, #tpu.memory_space<vmem>>, vector<16xf32>,
        tpu.vector_store %arg28[%swap3A_225, %swap3A_226], %mul3A_224 {strides = array<i32>} : memref<128x64xf32, #tpu.memory_space<vmem>>, vector<16xf32>,
        %mul3A_228 = arith.constant 4 : i32
        %mul3A_229 = arith.muli %mul3A_228, %scan3A_168 : i32
        %add3A_230 = arith.constant 1 : i32
        %add3A_231 = arith.addi %mul3A_229, %add3A_230 : i32
        %get3A_232 = arith.index_cast %add3A_231 : i32 to index
        %get3A_233 = arith.constant 0 : index
        %get3A_234 = tpu.vector_load %arg26[%get3A_232, %get3A_233] {strides = array<i32>} : memref<128x16xf32, #tpu.memory_space<vmem>>, vector<16xf32>,
        %slice3A_235 = vector.extract_strided_slice %get3A_234 {offsets = [0], sizes = [1], strides = [1]} : vector<16xf32> to vector<1xf32>
        %squeeze3A_236 = vector.extract %slice3A_235[0] : f32 from vector<1xf32>
        %broadcast_in_dim3A_237 = vector.broadcast %squeeze3A_236 : f32 to vector<16xf32>
        %slice3A_238 = vector.extract_strided_slice %get3A_234 {offsets = [1], sizes = [1], strides = [1]} : vector<16xf32> to vector<1xf32>
        %squeeze3A_239 = vector.extract %slice3A_238[0] : f32 from vector<1xf32>
        %broadcast_in_dim3A_240 = vector.broadcast %squeeze3A_239 : f32 to vector<16xf32>
        %select_n3A_241 = arith.select %lt3A_4, %broadcast_in_dim3A_237, %broadcast_in_dim3A_240 : vector<16xi1>, vector<16xf32>
        %get3A_242 = arith.index_cast %add3A_231 : i32 to index
        %get3A_243 = arith.constant 0 : index
        %get3A_244 = tpu.vector_load %arg24[%get3A_242, %get3A_243] {strides = array<i32>} : memref<128x64xf32, #tpu.memory_space<vmem>>, vector<16xf32>,
        %mul3A_245 = arith.mulf %get3A_244, %select_n3A_241 : vector<16xf32>
        %swap3A_246 = arith.index_cast %add3A_231 : i32 to index
        %swap3A_247 = arith.constant 0 : index
        %swap3A_248 = tpu.vector_load %arg28[%swap3A_246, %swap3A_247] {strides = array<i32>} : memref<128x64xf32, #tpu.memory_space<vmem>>, vector<16xf32>,
        tpu.vector_store %arg28[%swap3A_246, %swap3A_247], %mul3A_245 {strides = array<i32>} : memref<128x64xf32, #tpu.memory_space<vmem>>, vector<16xf32>,
        %slice3A_249 = vector.extract_strided_slice %get3A_234 {offsets = [2], sizes = [1], strides = [1]} : vector<16xf32> to vector<1xf32>
        %squeeze3A_250 = vector.extract %slice3A_249[0] : f32 from vector<1xf32>
        %broadcast_in_dim3A_251 = vector.broadcast %squeeze3A_250 : f32 to vector<16xf32>
        %slice3A_252 = vector.extract_strided_slice %get3A_234 {offsets = [3], sizes = [1], strides = [1]} : vector<16xf32> to vector<1xf32>
        %squeeze3A_253 = vector.extract %slice3A_252[0] : f32 from vector<1xf32>
        %broadcast_in_dim3A_254 = vector.broadcast %squeeze3A_253 : f32 to vector<16xf32>
        %select_n3A_255 = arith.select %lt3A_4, %broadcast_in_dim3A_251, %broadcast_in_dim3A_254 : vector<16xi1>, vector<16xf32>
        %get3A_256 = arith.index_cast %add3A_231 : i32 to index
        %get3A_257 = arith.constant 16 : index
        %get3A_258 = tpu.vector_load %arg24[%get3A_256, %get3A_257] {strides = array<i32>} : memref<128x64xf32, #tpu.memory_space<vmem>>, vector<16xf32>,
        %mul3A_259 = arith.mulf %get3A_258, %select_n3A_255 : vector<16xf32>
        %swap3A_260 = arith.index_cast %add3A_231 : i32 to index
        %swap3A_261 = arith.constant 16 : index
        %swap3A_262 = tpu.vector_load %arg28[%swap3A_260, %swap3A_261] {strides = array<i32>} : memref<128x64xf32, #tpu.memory_space<vmem>>, vector<16xf32>,
        tpu.vector_store %arg28[%swap3A_260, %swap3A_261], %mul3A_259 {strides = array<i32>} : memref<128x64xf32, #tpu.memory_space<vmem>>, vector<16xf32>,
        %slice3A_263 = vector.extract_strided_slice %get3A_234 {offsets = [4], sizes = [1], strides = [1]} : vector<16xf32> to vector<1xf32>
        %squeeze3A_264 = vector.extract %slice3A_263[0] : f32 from vector<1xf32>
        %broadcast_in_dim3A_265 = vector.broadcast %squeeze3A_264 : f32 to vector<16xf32>
        %slice3A_266 = vector.extract_strided_slice %get3A_234 {offsets = [5], sizes = [1], strides = [1]} : vector<16xf32> to vector<1xf32>
        %squeeze3A_267 = vector.extract %slice3A_266[0] : f32 from vector<1xf32>
        %broadcast_in_dim3A_268 = vector.broadcast %squeeze3A_267 : f32 to vector<16xf32>
        %select_n3A_269 = arith.select %lt3A_4, %broadcast_in_dim3A_265, %broadcast_in_dim3A_268 : vector<16xi1>, vector<16xf32>
        %get3A_270 = arith.index_cast %add3A_231 : i32 to index
        %get3A_271 = arith.constant 32 : index
        %get3A_272 = tpu.vector_load %arg24[%get3A_270, %get3A_271] {strides = array<i32>} : memref<128x64xf32, #tpu.memory_space<vmem>>, vector<16xf32>,
        %mul3A_273 = arith.mulf %get3A_272, %select_n3A_269 : vector<16xf32>
        %swap3A_274 = arith.index_cast %add3A_231 : i32 to index
        %swap3A_275 = arith.constant 32 : index
        %swap3A_276 = tpu.vector_load %arg28[%swap3A_274, %swap3A_275] {strides = array<i32>} : memref<128x64xf32, #tpu.memory_space<vmem>>, vector<16xf32>,
        tpu.vector_store %arg28[%swap3A_274, %swap3A_275], %mul3A_273 {strides = array<i32>} : memref<128x64xf32, #tpu.memory_space<vmem>>, vector<16xf32>,
        %slice3A_277 = vector.extract_strided_slice %get3A_234 {offsets = [6], sizes = [1], strides = [1]} : vector<16xf32> to vector<1xf32>
        %squeeze3A_278 = vector.extract %slice3A_277[0] : f32 from vector<1xf32>
        %broadcast_in_dim3A_279 = vector.broadcast %squeeze3A_278 : f32 to vector<16xf32>
        %slice3A_280 = vector.extract_strided_slice %get3A_234 {offsets = [7], sizes = [1], strides = [1]} : vector<16xf32> to vector<1xf32>
        %squeeze3A_281 = vector.extract %slice3A_280[0] : f32 from vector<1xf32>
        %broadcast_in_dim3A_282 = vector.broadcast %squeeze3A_281 : f32 to vector<16xf32>
        %select_n3A_283 = arith.select %lt3A_4, %broadcast_in_dim3A_279, %broadcast_in_dim3A_282 : vector<16xi1>, vector<16xf32>
        %get3A_284 = arith.index_cast %add3A_231 : i32 to index
        %get3A_285 = arith.constant 48 : index
        %get3A_286 = tpu.vector_load %arg24[%get3A_284, %get3A_285] {strides = array<i32>} : memref<128x64xf32, #tpu.memory_space<vmem>>, vector<16xf32>,
        %mul3A_287 = arith.mulf %get3A_286, %select_n3A_283 : vector<16xf32>
        %swap3A_288 = arith.index_cast %add3A_231 : i32 to index
        %swap3A_289 = arith.constant 48 : index
        %swap3A_290 = tpu.vector_load %arg28[%swap3A_288, %swap3A_289] {strides = array<i32>} : memref<128x64xf32, #tpu.memory_space<vmem>>, vector<16xf32>,
        tpu.vector_store %arg28[%swap3A_288, %swap3A_289], %mul3A_287 {strides = array<i32>} : memref<128x64xf32, #tpu.memory_space<vmem>>, vector<16xf32>,
        %mul3A_291 = arith.constant 4 : i32
        %mul3A_292 = arith.muli %mul3A_291, %scan3A_168 : i32
        %add3A_293 = arith.constant 2 : i32
        %add3A_294 = arith.addi %mul3A_292, %add3A_293 : i32
        %get3A_295 = arith.index_cast %add3A_294 : i32 to index
        %get3A_296 = arith.constant 0 : index
        %get3A_297 = tpu.vector_load %arg26[%get3A_295, %get3A_296] {strides = array<i32>} : memref<128x16xf32, #tpu.memory_space<vmem>>, vector<16xf32>,
        %slice3A_298 = vector.extract_strided_slice %get3A_297 {offsets = [0], sizes = [1], strides = [1]} : vector<16xf32> to vector<1xf32>
        %squeeze3A_299 = vector.extract %slice3A_298[0] : f32 from vector<1xf32>
        %broadcast_in_dim3A_300 = vector.broadcast %squeeze3A_299 : f32 to vector<16xf32>
        %slice3A_301 = vector.extract_strided_slice %get3A_297 {offsets = [1], sizes = [1], strides = [1]} : vector<16xf32> to vector<1xf32>
        %squeeze3A_302 = vector.extract %slice3A_301[0] : f32 from vector<1xf32>
        %broadcast_in_dim3A_303 = vector.broadcast %squeeze3A_302 : f32 to vector<16xf32>
        %select_n3A_304 = arith.select %lt3A_4, %broadcast_in_dim3A_300, %broadcast_in_dim3A_303 : vector<16xi1>, vector<16xf32>
        %get3A_305 = arith.index_cast %add3A_294 : i32 to index
        %get3A_306 = arith.constant 0 : index
        %get3A_307 = tpu.vector_load %arg24[%get3A_305, %get3A_306] {strides = array<i32>} : memref<128x64xf32, #tpu.memory_space<vmem>>, vector<16xf32>,
        %mul3A_308 = arith.mulf %get3A_307, %select_n3A_304 : vector<16xf32>
        %swap3A_309 = arith.index_cast %add3A_294 : i32 to index
        %swap3A_310 = arith.constant 0 : index
        %swap3A_311 = tpu.vector_load %arg28[%swap3A_309, %swap3A_310] {strides = array<i32>} : memref<128x64xf32, #tpu.memory_space<vmem>>, vector<16xf32>,
        tpu.vector_store %arg28[%swap3A_309, %swap3A_310], %mul3A_308 {strides = array<i32>} : memref<128x64xf32, #tpu.memory_space<vmem>>, vector<16xf32>,
        %slice3A_312 = vector.extract_strided_slice %get3A_297 {offsets = [2], sizes = [1], strides = [1]} : vector<16xf32> to vector<1xf32>
        %squeeze3A_313 = vector.extract %slice3A_312[0] : f32 from vector<1xf32>
        %broadcast_in_dim3A_314 = vector.broadcast %squeeze3A_313 : f32 to vector<16xf32>
        %slice3A_315 = vector.extract_strided_slice %get3A_297 {offsets = [3], sizes = [1], strides = [1]} : vector<16xf32> to vector<1xf32>
        %squeeze3A_316 = vector.extract %slice3A_315[0] : f32 from vector<1xf32>
        %broadcast_in_dim3A_317 = vector.broadcast %squeeze3A_316 : f32 to vector<16xf32>
        %select_n3A_318 = arith.select %lt3A_4, %broadcast_in_dim3A_314, %broadcast_in_dim3A_317 : vector<16xi1>, vector<16xf32>
        %get3A_319 = arith.index_cast %add3A_294 : i32 to index
        %get3A_320 = arith.constant 16 : index
        %get3A_321 = tpu.vector_load %arg24[%get3A_319, %get3A_320] {strides = array<i32>} : memref<128x64xf32, #tpu.memory_space<vmem>>, vector<16xf32>,
        %mul3A_322 = arith.mulf %get3A_321, %select_n3A_318 : vector<16xf32>
        %swap3A_323 = arith.index_cast %add3A_294 : i32 to index
        %swap3A_324 = arith.constant 16 : index
        %swap3A_325 = tpu.vector_load %arg28[%swap3A_323, %swap3A_324] {strides = array<i32>} : memref<128x64xf32, #tpu.memory_space<vmem>>, vector<16xf32>,
        tpu.vector_store %arg28[%swap3A_323, %swap3A_324], %mul3A_322 {strides = array<i32>} : memref<128x64xf32, #tpu.memory_space<vmem>>, vector<16xf32>,
        %slice3A_326 = vector.extract_strided_slice %get3A_297 {offsets = [4], sizes = [1], strides = [1]} : vector<16xf32> to vector<1xf32>
        %squeeze3A_327 = vector.extract %slice3A_326[0] : f32 from vector<1xf32>
        %broadcast_in_dim3A_328 = vector.broadcast %squeeze3A_327 : f32 to vector<16xf32>
        %slice3A_329 = vector.extract_strided_slice %get3A_297 {offsets = [5], sizes = [1], strides = [1]} : vector<16xf32> to vector<1xf32>
        %squeeze3A_330 = vector.extract %slice3A_329[0] : f32 from vector<1xf32>
        %broadcast_in_dim3A_331 = vector.broadcast %squeeze3A_330 : f32 to vector<16xf32>
        %select_n3A_332 = arith.select %lt3A_4, %broadcast_in_dim3A_328, %broadcast_in_dim3A_331 : vector<16xi1>, vector<16xf32>
        %get3A_333 = arith.index_cast %add3A_294 : i32 to index
        %get3A_334 = arith.constant 32 : index
        %get3A_335 = tpu.vector_load %arg24[%get3A_333, %get3A_334] {strides = array<i32>} : memref<128x64xf32, #tpu.memory_space<vmem>>, vector<16xf32>,
        %mul3A_336 = arith.mulf %get3A_335, %select_n3A_332 : vector<16xf32>
        %swap3A_337 = arith.index_cast %add3A_294 : i32 to index
        %swap3A_338 = arith.constant 32 : index
        %swap3A_339 = tpu.vector_load %arg28[%swap3A_337, %swap3A_338] {strides = array<i32>} : memref<128x64xf32, #tpu.memory_space<vmem>>, vector<16xf32>,
        tpu.vector_store %arg28[%swap3A_337, %swap3A_338], %mul3A_336 {strides = array<i32>} : memref<128x64xf32, #tpu.memory_space<vmem>>, vector<16xf32>,
        %slice3A_340 = vector.extract_strided_slice %get3A_297 {offsets = [6], sizes = [1], strides = [1]} : vector<16xf32> to vector<1xf32>
        %squeeze3A_341 = vector.extract %slice3A_340[0] : f32 from vector<1xf32>
        %broadcast_in_dim3A_342 = vector.broadcast %squeeze3A_341 : f32 to vector<16xf32>
        %slice3A_343 = vector.extract_strided_slice %get3A_297 {offsets = [7], sizes = [1], strides = [1]} : vector<16xf32> to vector<1xf32>
        %squeeze3A_344 = vector.extract %slice3A_343[0] : f32 from vector<1xf32>
        %broadcast_in_dim3A_345 = vector.broadcast %squeeze3A_344 : f32 to vector<16xf32>
        %select_n3A_346 = arith.select %lt3A_4, %broadcast_in_dim3A_342, %broadcast_in_dim3A_345 : vector<16xi1>, vector<16xf32>
        %get3A_347 = arith.index_cast %add3A_294 : i32 to index
        %get3A_348 = arith.constant 48 : index
        %get3A_349 = tpu.vector_load %arg24[%get3A_347, %get3A_348] {strides = array<i32>} : memref<128x64xf32, #tpu.memory_space<vmem>>, vector<16xf32>,
        %mul3A_350 = arith.mulf %get3A_349, %select_n3A_346 : vector<16xf32>
        %swap3A_351 = arith.index_cast %add3A_294 : i32 to index
        %swap3A_352 = arith.constant 48 : index
        %swap3A_353 = tpu.vector_load %arg28[%swap3A_351, %swap3A_352] {strides = array<i32>} : memref<128x64xf32, #tpu.memory_space<vmem>>, vector<16xf32>,
        tpu.vector_store %arg28[%swap3A_351, %swap3A_352], %mul3A_350 {strides = array<i32>} : memref<128x64xf32, #tpu.memory_space<vmem>>, vector<16xf32>,
        %mul3A_354 = arith.constant 4 : i32
        %mul3A_355 = arith.muli %mul3A_354, %scan3A_168 : i32
        %add3A_356 = arith.constant 3 : i32
        %add3A_357 = arith.addi %mul3A_355, %add3A_356 : i32
        %get3A_358 = arith.index_cast %add3A_357 : i32 to index
        %get3A_359 = arith.constant 0 : index
        %get3A_360 = tpu.vector_load %arg26[%get3A_358, %get3A_359] {strides = array<i32>} : memref<128x16xf32, #tpu.memory_space<vmem>>, vector<16xf32>,
        %slice3A_361 = vector.extract_strided_slice %get3A_360 {offsets = [0], sizes = [1], strides = [1]} : vector<16xf32> to vector<1xf32>
        %squeeze3A_362 = vector.extract %slice3A_361[0] : f32 from vector<1xf32>
        %broadcast_in_dim3A_363 = vector.broadcast %squeeze3A_362 : f32 to vector<16xf32>
        %slice3A_364 = vector.extract_strided_slice %get3A_360 {offsets = [1], sizes = [1], strides = [1]} : vector<16xf32> to vector<1xf32>
        %squeeze3A_365 = vector.extract %slice3A_364[0] : f32 from vector<1xf32>
        %broadcast_in_dim3A_366 = vector.broadcast %squeeze3A_365 : f32 to vector<16xf32>
        %select_n3A_367 = arith.select %lt3A_4, %broadcast_in_dim3A_363, %broadcast_in_dim3A_366 : vector<16xi1>, vector<16xf32>
        %get3A_368 = arith.index_cast %add3A_357 : i32 to index
        %get3A_369 = arith.constant 0 : index
        %get3A_370 = tpu.vector_load %arg24[%get3A_368, %get3A_369] {strides = array<i32>} : memref<128x64xf32, #tpu.memory_space<vmem>>, vector<16xf32>,
        %mul3A_371 = arith.mulf %get3A_370, %select_n3A_367 : vector<16xf32>
        %swap3A_372 = arith.index_cast %add3A_357 : i32 to index
        %swap3A_373 = arith.constant 0 : index
        %swap3A_374 = tpu.vector_load %arg28[%swap3A_372, %swap3A_373] {strides = array<i32>} : memref<128x64xf32, #tpu.memory_space<vmem>>, vector<16xf32>,
        tpu.vector_store %arg28[%swap3A_372, %swap3A_373], %mul3A_371 {strides = array<i32>} : memref<128x64xf32, #tpu.memory_space<vmem>>, vector<16xf32>,
        %slice3A_375 = vector.extract_strided_slice %get3A_360 {offsets = [2], sizes = [1], strides = [1]} : vector<16xf32> to vector<1xf32>
        %squeeze3A_376 = vector.extract %slice3A_375[0] : f32 from vector<1xf32>
        %broadcast_in_dim3A_377 = vector.broadcast %squeeze3A_376 : f32 to vector<16xf32>
        %slice3A_378 = vector.extract_strided_slice %get3A_360 {offsets = [3], sizes = [1], strides = [1]} : vector<16xf32> to vector<1xf32>
        %squeeze3A_379 = vector.extract %slice3A_378[0] : f32 from vector<1xf32>
        %broadcast_in_dim3A_380 = vector.broadcast %squeeze3A_379 : f32 to vector<16xf32>
        %select_n3A_381 = arith.select %lt3A_4, %broadcast_in_dim3A_377, %broadcast_in_dim3A_380 : vector<16xi1>, vector<16xf32>
        %get3A_382 = arith.index_cast %add3A_357 : i32 to index
        %get3A_383 = arith.constant 16 : index
        %get3A_384 = tpu.vector_load %arg24[%get3A_382, %get3A_383] {strides = array<i32>} : memref<128x64xf32, #tpu.memory_space<vmem>>, vector<16xf32>,
        %mul3A_385 = arith.mulf %get3A_384, %select_n3A_381 : vector<16xf32>
        %swap3A_386 = arith.index_cast %add3A_357 : i32 to index
        %swap3A_387 = arith.constant 16 : index
        %swap3A_388 = tpu.vector_load %arg28[%swap3A_386, %swap3A_387] {strides = array<i32>} : memref<128x64xf32, #tpu.memory_space<vmem>>, vector<16xf32>,
        tpu.vector_store %arg28[%swap3A_386, %swap3A_387], %mul3A_385 {strides = array<i32>} : memref<128x64xf32, #tpu.memory_space<vmem>>, vector<16xf32>,
        %slice3A_389 = vector.extract_strided_slice %get3A_360 {offsets = [4], sizes = [1], strides = [1]} : vector<16xf32> to vector<1xf32>
        %squeeze3A_390 = vector.extract %slice3A_389[0] : f32 from vector<1xf32>
        %broadcast_in_dim3A_391 = vector.broadcast %squeeze3A_390 : f32 to vector<16xf32>
        %slice3A_392 = vector.extract_strided_slice %get3A_360 {offsets = [5], sizes = [1], strides = [1]} : vector<16xf32> to vector<1xf32>
        %squeeze3A_393 = vector.extract %slice3A_392[0] : f32 from vector<1xf32>
        %broadcast_in_dim3A_394 = vector.broadcast %squeeze3A_393 : f32 to vector<16xf32>
        %select_n3A_395 = arith.select %lt3A_4, %broadcast_in_dim3A_391, %broadcast_in_dim3A_394 : vector<16xi1>, vector<16xf32>
        %get3A_396 = arith.index_cast %add3A_357 : i32 to index
        %get3A_397 = arith.constant 32 : index
        %get3A_398 = tpu.vector_load %arg24[%get3A_396, %get3A_397] {strides = array<i32>} : memref<128x64xf32, #tpu.memory_space<vmem>>, vector<16xf32>,
        %mul3A_399 = arith.mulf %get3A_398, %select_n3A_395 : vector<16xf32>
        %swap3A_400 = arith.index_cast %add3A_357 : i32 to index
        %swap3A_401 = arith.constant 32 : index
        %swap3A_402 = tpu.vector_load %arg28[%swap3A_400, %swap3A_401] {strides = array<i32>} : memref<128x64xf32, #tpu.memory_space<vmem>>, vector<16xf32>,
        tpu.vector_store %arg28[%swap3A_400, %swap3A_401], %mul3A_399 {strides = array<i32>} : memref<128x64xf32, #tpu.memory_space<vmem>>, vector<16xf32>,
        %slice3A_403 = vector.extract_strided_slice %get3A_360 {offsets = [6], sizes = [1], strides = [1]} : vector<16xf32> to vector<1xf32>
        %squeeze3A_404 = vector.extract %slice3A_403[0] : f32 from vector<1xf32>
        %broadcast_in_dim3A_405 = vector.broadcast %squeeze3A_404 : f32 to vector<16xf32>
        %slice3A_406 = vector.extract_strided_slice %get3A_360 {offsets = [7], sizes = [1], strides = [1]} : vector<16xf32> to vector<1xf32>
        %squeeze3A_407 = vector.extract %slice3A_406[0] : f32 from vector<1xf32>
        %broadcast_in_dim3A_408 = vector.broadcast %squeeze3A_407 : f32 to vector<16xf32>
        %select_n3A_409 = arith.select %lt3A_4, %broadcast_in_dim3A_405, %broadcast_in_dim3A_408 : vector<16xi1>, vector<16xf32>
        %get3A_410 = arith.index_cast %add3A_357 : i32 to index
        %get3A_411 = arith.constant 48 : index
        %get3A_412 = tpu.vector_load %arg24[%get3A_410, %get3A_411] {strides = array<i32>} : memref<128x64xf32, #tpu.memory_space<vmem>>, vector<16xf32>,
        %mul3A_413 = arith.mulf %get3A_412, %select_n3A_409 : vector<16xf32>
        %swap3A_414 = arith.index_cast %add3A_357 : i32 to index
        %swap3A_415 = arith.constant 48 : index
        %swap3A_416 = tpu.vector_load %arg28[%swap3A_414, %swap3A_415] {strides = array<i32>} : memref<128x64xf32, #tpu.memory_space<vmem>>, vector<16xf32>,
        tpu.vector_store %arg28[%swap3A_414, %swap3A_415], %mul3A_413 {strides = array<i32>} : memref<128x64xf32, #tpu.memory_space<vmem>>, vector<16xf32>,
        %scan3A_417 = arith.constant 0 : i32
        scf.yield %scan3A_417 : i32
      }
      %scan3A_136 = arith.constant 32 : i32
      %dma_start3A_137 = arith.constant 0 : i32
      %dma_start3A_138 = tpu.memref_slice %arg17[%add3A_37, %dma_start3A_137] : memref<40x128xi32, #tpu.memory_space<vmem>> -> memref<1x128xi32, #tpu.memory_space<vmem>>
      %dma_start3A_139 = tpu.memref_squeeze %dma_start3A_138 : memref<1x128xi32, #tpu.memory_space<vmem>> -> memref<128xi32, #tpu.memory_space<vmem>>
      %dma_start3A_140 = arith.constant 0 : i32
      %dma_start3A_141 = arith.constant 0 : i32
      %dma_start3A_142 = tpu.memref_slice %arg14[%dma_start3A_140, %dma_start3A_141] : memref<10240x64xf32, #tpu.memory_space<vmem_shared>> -> memref<10240x64xf32, #tpu.memory_space<vmem_shared>>
      tpu.enqueue_indirect_dma source(%arg28 : memref<128x64xf32, #tpu.memory_space<vmem>>) target(%dma_start3A_142 : memref<10240x64xf32, #tpu.memory_space<vmem_shared>>) offsets(%dma_start3A_139 : memref<128xi32, #tpu.memory_space<vmem>>) semaphore(%arg34 : memref<!tpu.dma_semaphore, #tpu.memory_space<semaphore_mem>>) {add = true}
      %dma_wait3A_143 = arith.constant 0 : i32
      %dma_wait3A_144 = tpu.memref_slice %arg17[%add3A_18, %dma_wait3A_143] : memref<40x128xi32, #tpu.memory_space<vmem>> -> memref<1x128xi32, #tpu.memory_space<vmem>>
      %dma_wait3A_145 = tpu.memref_squeeze %dma_wait3A_144 : memref<1x128xi32, #tpu.memory_space<vmem>> -> memref<128xi32, #tpu.memory_space<vmem>>
      %dma_wait3A_146 = arith.constant 0 : i32
      %dma_wait3A_147 = arith.constant 0 : i32
      %dma_wait3A_148 = tpu.memref_slice %arg15[%dma_wait3A_146, %dma_wait3A_147] : memref<10240x16xf32, #tpu.memory_space<vmem_shared>> -> memref<10240x16xf32, #tpu.memory_space<vmem_shared>>
      tpu.wait_indirect_dma semaphore(%arg33 : memref<!tpu.dma_semaphore, #tpu.memory_space<semaphore_mem>>) src(%arg25 : memref<128x16xf32, #tpu.memory_space<vmem>>) dst(%dma_wait3A_148 : memref<10240x16xf32, #tpu.memory_space<vmem_shared>>)
      %dma_wait3A_149 = arith.constant 0 : i32
      %dma_wait3A_150 = tpu.memref_slice %arg17[%add3A_18, %dma_wait3A_149] : memref<40x128xi32, #tpu.memory_space<vmem>> -> memref<1x128xi32, #tpu.memory_space<vmem>>
      %dma_wait3A_151 = tpu.memref_squeeze %dma_wait3A_150 : memref<1x128xi32, #tpu.memory_space<vmem>> -> memref<128xi32, #tpu.memory_space<vmem>>
      %dma_wait3A_152 = arith.constant 0 : i32
      %dma_wait3A_153 = arith.constant 0 : i32
      %dma_wait3A_154 = tpu.memref_slice %arg14[%dma_wait3A_152, %dma_wait3A_153] : memref<10240x64xf32, #tpu.memory_space<vmem_shared>> -> memref<10240x64xf32, #tpu.memory_space<vmem_shared>>
      tpu.wait_indirect_dma semaphore(%arg33 : memref<!tpu.dma_semaphore, #tpu.memory_space<semaphore_mem>>) src(%arg27 : memref<128x64xf32, #tpu.memory_space<vmem>>) dst(%dma_wait3A_154 : memref<10240x64xf32, #tpu.memory_space<vmem_shared>>)
      %dma_wait3A_155 = arith.constant 0 : i32
      %dma_wait3A_156 = tpu.memref_slice %arg17[%add3A_37, %dma_wait3A_155] : memref<40x128xi32, #tpu.memory_space<vmem>> -> memref<1x128xi32, #tpu.memory_space<vmem>>
      %dma_wait3A_157 = tpu.memref_squeeze %dma_wait3A_156 : memref<1x128xi32, #tpu.memory_space<vmem>> -> memref<128xi32, #tpu.memory_space<vmem>>
      %dma_wait3A_158 = arith.constant 0 : i32
      %dma_wait3A_159 = arith.constant 0 : i32
      %dma_wait3A_160 = tpu.memref_slice %arg15[%dma_wait3A_158, %dma_wait3A_159] : memref<10240x16xf32, #tpu.memory_space<vmem_shared>> -> memref<10240x16xf32, #tpu.memory_space<vmem_shared>>
      tpu.wait_indirect_dma semaphore(%arg34 : memref<!tpu.dma_semaphore, #tpu.memory_space<semaphore_mem>>) src(%arg26 : memref<128x16xf32, #tpu.memory_space<vmem>>) dst(%dma_wait3A_160 : memref<10240x16xf32, #tpu.memory_space<vmem_shared>>)
      %dma_wait3A_161 = arith.constant 0 : i32
      %dma_wait3A_162 = tpu.memref_slice %arg17[%add3A_37, %dma_wait3A_161] : memref<40x128xi32, #tpu.memory_space<vmem>> -> memref<1x128xi32, #tpu.memory_space<vmem>>
      %dma_wait3A_163 = tpu.memref_squeeze %dma_wait3A_162 : memref<1x128xi32, #tpu.memory_space<vmem>> -> memref<128xi32, #tpu.memory_space<vmem>>
      %dma_wait3A_164 = arith.constant 0 : i32
      %dma_wait3A_165 = arith.constant 0 : i32
      %dma_wait3A_166 = tpu.memref_slice %arg14[%dma_wait3A_164, %dma_wait3A_165] : memref<10240x64xf32, #tpu.memory_space<vmem_shared>> -> memref<10240x64xf32, #tpu.memory_space<vmem_shared>>
      tpu.wait_indirect_dma semaphore(%arg34 : memref<!tpu.dma_semaphore, #tpu.memory_space<semaphore_mem>>) src(%arg28 : memref<128x64xf32, #tpu.memory_space<vmem>>) dst(%dma_wait3A_166 : memref<10240x64xf32, #tpu.memory_space<vmem_shared>>)
      %scan3A_167 = arith.constant 0 : i32
      scf.yield %scan3A_167 : i32
    }
    %scan3A_11 = arith.constant 20 : i32
    %barrier3A_12 = arith.constant 0 : index
    tpu.barrier barrier_id(%barrier3A_12)
    "tpu.region"() ({
      %run_scoped3A = tpu.sem_alloc : memref<!tpu.dma_semaphore, #tpu.memory_space<semaphore_mem>>
      %dma_start3A = arith.constant 0 : i32
      %dma_start3A_13 = tpu.memref_slice %arg10[%arg0, %mul3A_0, %dma_start3A] : memref<2x10240x64xf32, #tpu.memory_space<hbm>> -> memref<1x640x64xf32, #tpu.memory_space<hbm>>
      %dma_start3A_14 = tpu.memref_squeeze %dma_start3A_13 : memref<1x640x64xf32, #tpu.memory_space<hbm>> -> memref<640x64xf32, #tpu.memory_space<hbm>>
      %dma_start3A_15 = arith.constant 0 : i32
      %dma_start3A_16 = tpu.memref_slice %arg14[%mul3A_0, %dma_start3A_15] : memref<10240x64xf32, #tpu.memory_space<vmem_shared>> -> memref<640x64xf32, #tpu.memory_space<vmem_shared>>
      tpu.enqueue_dma source(%dma_start3A_16 : memref<640x64xf32, #tpu.memory_space<vmem_shared>>) target(%dma_start3A_14 : memref<640x64xf32, #tpu.memory_space<hbm>>) target_semaphore(%run_scoped3A : memref<!tpu.dma_semaphore, #tpu.memory_space<semaphore_mem>>)
      %dma_wait3A = arith.constant 0 : i32
      %dma_wait3A_17 = tpu.memref_slice %arg10[%arg0, %mul3A_0, %dma_wait3A] : memref<2x10240x64xf32, #tpu.memory_space<hbm>> -> memref<1x640x64xf32, #tpu.memory_space<hbm>>
      %dma_wait3A_18 = tpu.memref_squeeze %dma_wait3A_17 : memref<1x640x64xf32, #tpu.memory_space<hbm>> -> memref<640x64xf32, #tpu.memory_space<hbm>>
      %dma_wait3A_19 = arith.constant 0 : i32
      %dma_wait3A_20 = tpu.memref_slice %arg14[%mul3A_0, %dma_wait3A_19] : memref<10240x64xf32, #tpu.memory_space<vmem_shared>> -> memref<640x64xf32, #tpu.memory_space<vmem_shared>>
      tpu.wait_dma2 semaphore(%run_scoped3A : memref<!tpu.dma_semaphore, #tpu.memory_space<semaphore_mem>>) src(%dma_wait3A_20 : memref<640x64xf32, #tpu.memory_space<vmem_shared>>) dst(%dma_wait3A_18 : memref<640x64xf32, #tpu.memory_space<hbm>>)
      tpu.yield
    }) : () -> ()
    "tpu.region"() ({
      %run_scoped3A = tpu.sem_alloc : memref<!tpu.dma_semaphore, #tpu.memory_space<semaphore_mem>>
      %dma_start3A = arith.constant 0 : i32
      %dma_start3A_13 = tpu.memref_slice %arg11[%arg0, %mul3A_0, %dma_start3A] : memref<2x10240x16xf32, #tpu.memory_space<hbm>> -> memref<1x640x16xf32, #tpu.memory_space<hbm>>
      %dma_start3A_14 = tpu.memref_squeeze %dma_start3A_13 : memref<1x640x16xf32, #tpu.memory_space<hbm>> -> memref<640x16xf32, #tpu.memory_space<hbm>>
      %dma_start3A_15 = arith.constant 0 : i32
      %dma_start3A_16 = tpu.memref_slice %arg15[%mul3A_0, %dma_start3A_15] : memref<10240x16xf32, #tpu.memory_space<vmem_shared>> -> memref<640x16xf32, #tpu.memory_space<vmem_shared>>
      tpu.enqueue_dma source(%dma_start3A_16 : memref<640x16xf32, #tpu.memory_space<vmem_shared>>) target(%dma_start3A_14 : memref<640x16xf32, #tpu.memory_space<hbm>>) target_semaphore(%run_scoped3A : memref<!tpu.dma_semaphore, #tpu.memory_space<semaphore_mem>>)
      %dma_wait3A = arith.constant 0 : i32
      %dma_wait3A_17 = tpu.memref_slice %arg11[%arg0, %mul3A_0, %dma_wait3A] : memref<2x10240x16xf32, #tpu.memory_space<hbm>> -> memref<1x640x16xf32, #tpu.memory_space<hbm>>
      %dma_wait3A_18 = tpu.memref_squeeze %dma_wait3A_17 : memref<1x640x16xf32, #tpu.memory_space<hbm>> -> memref<640x16xf32, #tpu.memory_space<hbm>>
      %dma_wait3A_19 = arith.constant 0 : i32
      %dma_wait3A_20 = tpu.memref_slice %arg15[%mul3A_0, %dma_wait3A_19] : memref<10240x16xf32, #tpu.memory_space<vmem_shared>> -> memref<640x16xf32, #tpu.memory_space<vmem_shared>>
      tpu.wait_dma2 semaphore(%run_scoped3A : memref<!tpu.dma_semaphore, #tpu.memory_space<semaphore_mem>>) src(%dma_wait3A_20 : memref<640x16xf32, #tpu.memory_space<vmem_shared>>) dst(%dma_wait3A_18 : memref<640x16xf32, #tpu.memory_space<hbm>>)
      tpu.yield
    }) : () -> ()
    return
  }
}

#map = affine_map<(d0, d1) -> (0)>
#map1 = affine_map<(d0, d1) -> (0, 0)>
#map2 = affine_map<(d0, d1) -> (0, 0, 0)>
module attributes {stable_mosaic.version = 14 : i64} {
  func.func @k(%arg0: i32, %arg1: i32, %arg2: memref<10240xf32, #tpu.memory_space<hbm>>, %arg3: memref<10240xf32, #tpu.memory_space<hbm>>, %arg4: memref<10240x64xf32, #tpu.memory_space<hbm>>, %arg5: memref<32x40x128xi32, #tpu.memory_space<hbm>>, %arg6: memref<32x40x128xi32, #tpu.memory_space<hbm>>, %arg7: memref<16xf32, #tpu.memory_space<hbm>>, %arg8: memref<10240x64xf32, #tpu.memory_space<hbm>>, %arg9: memref<10240xf32, #tpu.memory_space<hbm>>, %arg10: memref<2x10240x64xf32, #tpu.memory_space<hbm>>, %arg11: memref<2x10240xf32, #tpu.memory_space<hbm>>, %arg12: memref<10240xf32, #tpu.memory_space<vmem_shared>>, %arg13: memref<10240xf32, #tpu.memory_space<vmem_shared>>, %arg14: memref<10240x64xf32, #tpu.memory_space<vmem_shared>>, %arg15: memref<10240xf32, #tpu.memory_space<vmem_shared>>, %arg16: memref<40x128xi32, #tpu.memory_space<vmem>>, %arg17: memref<40x128xi32, #tpu.memory_space<vmem>>, %arg18: memref<16xf32, #tpu.memory_space<vmem>>, %arg19: memref<10240xf32, #tpu.memory_space<vmem>>, %arg20: memref<10240xf32, #tpu.memory_space<vmem>>, %arg21: memref<128x64xf32, #tpu.memory_space<vmem>>, %arg22: memref<128x64xf32, #tpu.memory_space<vmem>>, %arg23: memref<144xf32, #tpu.memory_space<vmem>>, %arg24: memref<144xf32, #tpu.memory_space<vmem>>, %arg25: memref<128x64xf32, #tpu.memory_space<vmem>>, %arg26: memref<128x64xf32, #tpu.memory_space<vmem>>, %arg27: memref<!tpu.dma_semaphore, #tpu.memory_space<semaphore_mem>>, %arg28: memref<!tpu.dma_semaphore, #tpu.memory_space<semaphore_mem>>, %arg29: memref<!tpu.dma_semaphore, #tpu.memory_space<semaphore_mem>>, %arg30: memref<!tpu.dma_semaphore, #tpu.memory_space<semaphore_mem>>) attributes {dimension_semantics = [#tpu.dimension_semantics<core_parallel>, #tpu.dimension_semantics<subcore_parallel>], iteration_bounds = array<i64: 2, 16>, scalar_prefetch = 0 : i64, scratch_operands = 19 : i64, tpu.core_type = #tpu.core_type<sc_vector_subcore>, window_params = [{transform_indices = #map}, {transform_indices = #map}, {transform_indices = #map1}, {transform_indices = #map2}, {transform_indices = #map2}, {transform_indices = #map}, {transform_indices = #map1}, {transform_indices = #map}, {transform_indices = #map2}, {transform_indices = #map1}]} {
    %mul3A = arith.constant 640 : i32
    %mul3A_0 = arith.muli %arg1, %mul3A : i32
    "tpu.region"() ({
      %run_scoped3A = tpu.sem_alloc : memref<!tpu.dma_semaphore, #tpu.memory_space<semaphore_mem>>
      tpu.enqueue_dma source(%arg2 : memref<10240xf32, #tpu.memory_space<hbm>>) target(%arg19 : memref<10240xf32, #tpu.memory_space<vmem>>) target_semaphore(%run_scoped3A : memref<!tpu.dma_semaphore, #tpu.memory_space<semaphore_mem>>)
      tpu.wait_dma2 semaphore(%run_scoped3A : memref<!tpu.dma_semaphore, #tpu.memory_space<semaphore_mem>>) src(%arg2 : memref<10240xf32, #tpu.memory_space<hbm>>) dst(%arg19 : memref<10240xf32, #tpu.memory_space<vmem>>)
      tpu.yield
    }) : () -> ()
    "tpu.region"() ({
      %run_scoped3A = tpu.sem_alloc : memref<!tpu.dma_semaphore, #tpu.memory_space<semaphore_mem>>
      tpu.enqueue_dma source(%arg3 : memref<10240xf32, #tpu.memory_space<hbm>>) target(%arg20 : memref<10240xf32, #tpu.memory_space<vmem>>) target_semaphore(%run_scoped3A : memref<!tpu.dma_semaphore, #tpu.memory_space<semaphore_mem>>)
      tpu.wait_dma2 semaphore(%run_scoped3A : memref<!tpu.dma_semaphore, #tpu.memory_space<semaphore_mem>>) src(%arg3 : memref<10240xf32, #tpu.memory_space<hbm>>) dst(%arg20 : memref<10240xf32, #tpu.memory_space<vmem>>)
      tpu.yield
    }) : () -> ()
    "tpu.region"() ({
      %run_scoped3A = tpu.sem_alloc : memref<!tpu.dma_semaphore, #tpu.memory_space<semaphore_mem>>
      %dma_start3A = arith.constant 0 : i32
      %dma_start3A_13 = tpu.memref_slice %arg14[%mul3A_0, %dma_start3A] : memref<10240x64xf32, #tpu.memory_space<vmem_shared>> -> memref<640x64xf32, #tpu.memory_space<vmem_shared>>
      %dma_start3A_14 = arith.constant 0 : i32
      %dma_start3A_15 = tpu.memref_slice %arg8[%mul3A_0, %dma_start3A_14] : memref<10240x64xf32, #tpu.memory_space<hbm>> -> memref<640x64xf32, #tpu.memory_space<hbm>>
      tpu.enqueue_dma source(%dma_start3A_15 : memref<640x64xf32, #tpu.memory_space<hbm>>) target(%dma_start3A_13 : memref<640x64xf32, #tpu.memory_space<vmem_shared>>) target_semaphore(%run_scoped3A : memref<!tpu.dma_semaphore, #tpu.memory_space<semaphore_mem>>)
      %dma_wait3A = arith.constant 0 : i32
      %dma_wait3A_16 = tpu.memref_slice %arg14[%mul3A_0, %dma_wait3A] : memref<10240x64xf32, #tpu.memory_space<vmem_shared>> -> memref<640x64xf32, #tpu.memory_space<vmem_shared>>
      %dma_wait3A_17 = arith.constant 0 : i32
      %dma_wait3A_18 = tpu.memref_slice %arg8[%mul3A_0, %dma_wait3A_17] : memref<10240x64xf32, #tpu.memory_space<hbm>> -> memref<640x64xf32, #tpu.memory_space<hbm>>
      tpu.wait_dma2 semaphore(%run_scoped3A : memref<!tpu.dma_semaphore, #tpu.memory_space<semaphore_mem>>) src(%dma_wait3A_18 : memref<640x64xf32, #tpu.memory_space<hbm>>) dst(%dma_wait3A_16 : memref<640x64xf32, #tpu.memory_space<vmem_shared>>)
      tpu.yield
    }) : () -> ()
    "tpu.region"() ({
      %run_scoped3A = tpu.sem_alloc : memref<!tpu.dma_semaphore, #tpu.memory_space<semaphore_mem>>
      %dma_start3A = tpu.memref_slice %arg15[%mul3A_0] : memref<10240xf32, #tpu.memory_space<vmem_shared>> -> memref<640xf32, #tpu.memory_space<vmem_shared>>
      %dma_start3A_13 = tpu.memref_slice %arg9[%mul3A_0] : memref<10240xf32, #tpu.memory_space<hbm>> -> memref<640xf32, #tpu.memory_space<hbm>>
      tpu.enqueue_dma source(%dma_start3A_13 : memref<640xf32, #tpu.memory_space<hbm>>) target(%dma_start3A : memref<640xf32, #tpu.memory_space<vmem_shared>>) target_semaphore(%run_scoped3A : memref<!tpu.dma_semaphore, #tpu.memory_space<semaphore_mem>>)
      %dma_wait3A = tpu.memref_slice %arg15[%mul3A_0] : memref<10240xf32, #tpu.memory_space<vmem_shared>> -> memref<640xf32, #tpu.memory_space<vmem_shared>>
      %dma_wait3A_14 = tpu.memref_slice %arg9[%mul3A_0] : memref<10240xf32, #tpu.memory_space<hbm>> -> memref<640xf32, #tpu.memory_space<hbm>>
      tpu.wait_dma2 semaphore(%run_scoped3A : memref<!tpu.dma_semaphore, #tpu.memory_space<semaphore_mem>>) src(%dma_wait3A_14 : memref<640xf32, #tpu.memory_space<hbm>>) dst(%dma_wait3A : memref<640xf32, #tpu.memory_space<vmem_shared>>)
      tpu.yield
    }) : () -> ()
    "tpu.region"() ({
      %run_scoped3A = tpu.sem_alloc : memref<!tpu.dma_semaphore, #tpu.memory_space<semaphore_mem>>
      tpu.enqueue_dma source(%arg7 : memref<16xf32, #tpu.memory_space<hbm>>) target(%arg18 : memref<16xf32, #tpu.memory_space<vmem>>) target_semaphore(%run_scoped3A : memref<!tpu.dma_semaphore, #tpu.memory_space<semaphore_mem>>)
      tpu.wait_dma2 semaphore(%run_scoped3A : memref<!tpu.dma_semaphore, #tpu.memory_space<semaphore_mem>>) src(%arg7 : memref<16xf32, #tpu.memory_space<hbm>>) dst(%arg18 : memref<16xf32, #tpu.memory_space<vmem>>)
      tpu.yield
    }) : () -> ()
    %mul3A_1 = arith.constant 16 : i32
    %mul3A_2 = arith.muli %arg0, %mul3A_1 : i32
    %add3A = arith.addi %mul3A_2, %arg1 : i32
    "tpu.region"() ({
      %run_scoped3A = tpu.sem_alloc : memref<!tpu.dma_semaphore, #tpu.memory_space<semaphore_mem>>
      %dma_start3A = arith.constant 0 : i32
      %dma_start3A_13 = arith.constant 0 : i32
      %dma_start3A_14 = tpu.memref_slice %arg5[%add3A, %dma_start3A, %dma_start3A_13] : memref<32x40x128xi32, #tpu.memory_space<hbm>> -> memref<1x40x128xi32, #tpu.memory_space<hbm>>
      %dma_start3A_15 = tpu.memref_squeeze %dma_start3A_14 : memref<1x40x128xi32, #tpu.memory_space<hbm>> -> memref<40x128xi32, #tpu.memory_space<hbm>>
      %dma_start3A_16 = arith.constant 0 : i32
      %dma_start3A_17 = arith.constant 0 : i32
      %dma_start3A_18 = tpu.memref_slice %arg5[%add3A, %dma_start3A_16, %dma_start3A_17] : memref<32x40x128xi32, #tpu.memory_space<hbm>> -> memref<1x40x128xi32, #tpu.memory_space<hbm>>
      %dma_start3A_19 = tpu.memref_squeeze %dma_start3A_18 : memref<1x40x128xi32, #tpu.memory_space<hbm>> -> memref<40x128xi32, #tpu.memory_space<hbm>>
      tpu.enqueue_dma source(%dma_start3A_19 : memref<40x128xi32, #tpu.memory_space<hbm>>) target(%arg16 : memref<40x128xi32, #tpu.memory_space<vmem>>) target_semaphore(%run_scoped3A : memref<!tpu.dma_semaphore, #tpu.memory_space<semaphore_mem>>)
      %dma_wait3A = arith.constant 0 : i32
      %dma_wait3A_20 = arith.constant 0 : i32
      %dma_wait3A_21 = tpu.memref_slice %arg5[%add3A, %dma_wait3A, %dma_wait3A_20] : memref<32x40x128xi32, #tpu.memory_space<hbm>> -> memref<1x40x128xi32, #tpu.memory_space<hbm>>
      %dma_wait3A_22 = tpu.memref_squeeze %dma_wait3A_21 : memref<1x40x128xi32, #tpu.memory_space<hbm>> -> memref<40x128xi32, #tpu.memory_space<hbm>>
      %dma_wait3A_23 = arith.constant 0 : i32
      %dma_wait3A_24 = arith.constant 0 : i32
      %dma_wait3A_25 = tpu.memref_slice %arg5[%add3A, %dma_wait3A_23, %dma_wait3A_24] : memref<32x40x128xi32, #tpu.memory_space<hbm>> -> memref<1x40x128xi32, #tpu.memory_space<hbm>>
      %dma_wait3A_26 = tpu.memref_squeeze %dma_wait3A_25 : memref<1x40x128xi32, #tpu.memory_space<hbm>> -> memref<40x128xi32, #tpu.memory_space<hbm>>
      tpu.wait_dma2 semaphore(%run_scoped3A : memref<!tpu.dma_semaphore, #tpu.memory_space<semaphore_mem>>) src(%dma_wait3A_26 : memref<40x128xi32, #tpu.memory_space<hbm>>) dst(%arg16 : memref<40x128xi32, #tpu.memory_space<vmem>>)
      tpu.yield
    }) : () -> ()
    "tpu.region"() ({
      %run_scoped3A = tpu.sem_alloc : memref<!tpu.dma_semaphore, #tpu.memory_space<semaphore_mem>>
      %dma_start3A = arith.constant 0 : i32
      %dma_start3A_13 = arith.constant 0 : i32
      %dma_start3A_14 = tpu.memref_slice %arg6[%add3A, %dma_start3A, %dma_start3A_13] : memref<32x40x128xi32, #tpu.memory_space<hbm>> -> memref<1x40x128xi32, #tpu.memory_space<hbm>>
      %dma_start3A_15 = tpu.memref_squeeze %dma_start3A_14 : memref<1x40x128xi32, #tpu.memory_space<hbm>> -> memref<40x128xi32, #tpu.memory_space<hbm>>
      %dma_start3A_16 = arith.constant 0 : i32
      %dma_start3A_17 = arith.constant 0 : i32
      %dma_start3A_18 = tpu.memref_slice %arg6[%add3A, %dma_start3A_16, %dma_start3A_17] : memref<32x40x128xi32, #tpu.memory_space<hbm>> -> memref<1x40x128xi32, #tpu.memory_space<hbm>>
      %dma_start3A_19 = tpu.memref_squeeze %dma_start3A_18 : memref<1x40x128xi32, #tpu.memory_space<hbm>> -> memref<40x128xi32, #tpu.memory_space<hbm>>
      tpu.enqueue_dma source(%dma_start3A_19 : memref<40x128xi32, #tpu.memory_space<hbm>>) target(%arg17 : memref<40x128xi32, #tpu.memory_space<vmem>>) target_semaphore(%run_scoped3A : memref<!tpu.dma_semaphore, #tpu.memory_space<semaphore_mem>>)
      %dma_wait3A = arith.constant 0 : i32
      %dma_wait3A_20 = arith.constant 0 : i32
      %dma_wait3A_21 = tpu.memref_slice %arg6[%add3A, %dma_wait3A, %dma_wait3A_20] : memref<32x40x128xi32, #tpu.memory_space<hbm>> -> memref<1x40x128xi32, #tpu.memory_space<hbm>>
      %dma_wait3A_22 = tpu.memref_squeeze %dma_wait3A_21 : memref<1x40x128xi32, #tpu.memory_space<hbm>> -> memref<40x128xi32, #tpu.memory_space<hbm>>
      %dma_wait3A_23 = arith.constant 0 : i32
      %dma_wait3A_24 = arith.constant 0 : i32
      %dma_wait3A_25 = tpu.memref_slice %arg6[%add3A, %dma_wait3A_23, %dma_wait3A_24] : memref<32x40x128xi32, #tpu.memory_space<hbm>> -> memref<1x40x128xi32, #tpu.memory_space<hbm>>
      %dma_wait3A_26 = tpu.memref_squeeze %dma_wait3A_25 : memref<1x40x128xi32, #tpu.memory_space<hbm>> -> memref<40x128xi32, #tpu.memory_space<hbm>>
      tpu.wait_dma2 semaphore(%run_scoped3A : memref<!tpu.dma_semaphore, #tpu.memory_space<semaphore_mem>>) src(%dma_wait3A_26 : memref<40x128xi32, #tpu.memory_space<hbm>>) dst(%arg17 : memref<40x128xi32, #tpu.memory_space<vmem>>)
      tpu.yield
    }) : () -> ()
    %barrier3A = arith.constant 0 : index
    tpu.barrier barrier_id(%barrier3A)
    %iota3A = tpu.iota {dimensions = array<i32: 0>} : vector<16xi32>
    %lt3A = arith.constant 8 : i32
    %lt3A_3 = vector.broadcast %lt3A : i32 to vector<16xi32>
    %lt3A_4 = arith.cmpi slt, %iota3A, %lt3A_3 : vector<16xi32>
    %get3A = arith.constant 0 : index
    %get3A_5 = tpu.vector_load %arg18[%get3A] {strides = array<i32>} : memref<16xf32, #tpu.memory_space<vmem>>, vector<16xf32>,
    %scan3A = arith.constant 0 : i32
    %scan3A_6 = arith.constant 0 : i32
    %scan3A_7 = arith.constant 20 : i32
    %scan3A_8 = arith.addi %scan3A_6, %scan3A_7 : i32
    %scan3A_9 = arith.constant 1 : i32
    %scan3A_10 = scf.for %scan3A_13 = %scan3A_6 to %scan3A_8 step %scan3A_9 iter_args(%scan3A_14 = %scan3A) -> (i32)  : i32 {
      %mul3A_15 = arith.constant 2 : i32
      %mul3A_16 = arith.muli %mul3A_15, %scan3A_13 : i32
      %add3A_17 = arith.constant 0 : i32
      %add3A_18 = arith.addi %mul3A_16, %add3A_17 : i32
      %dma_start3A = arith.constant 0 : i32
      %dma_start3A_19 = tpu.memref_slice %arg16[%add3A_18, %dma_start3A] : memref<40x128xi32, #tpu.memory_space<vmem>> -> memref<1x128xi32, #tpu.memory_space<vmem>>
      %dma_start3A_20 = tpu.memref_squeeze %dma_start3A_19 : memref<1x128xi32, #tpu.memory_space<vmem>> -> memref<128xi32, #tpu.memory_space<vmem>>
      %dma_start3A_21 = arith.constant 0 : i32
      %dma_start3A_22 = arith.constant 0 : i32
      %dma_start3A_23 = tpu.memref_slice %arg4[%dma_start3A_21, %dma_start3A_22] : memref<10240x64xf32, #tpu.memory_space<hbm>> -> memref<10240x64xf32, #tpu.memory_space<hbm>>
      tpu.enqueue_indirect_dma source(%dma_start3A_23 : memref<10240x64xf32, #tpu.memory_space<hbm>>) target(%arg21 : memref<128x64xf32, #tpu.memory_space<vmem>>) offsets(%dma_start3A_20 : memref<128xi32, #tpu.memory_space<vmem>>) semaphore(%arg27 : memref<!tpu.dma_semaphore, #tpu.memory_space<semaphore_mem>>)
      %add3A_24 = arith.constant 1 : i32
      %add3A_25 = arith.addi %mul3A_16, %add3A_24 : i32
      %dma_start3A_26 = arith.constant 0 : i32
      %dma_start3A_27 = tpu.memref_slice %arg16[%add3A_25, %dma_start3A_26] : memref<40x128xi32, #tpu.memory_space<vmem>> -> memref<1x128xi32, #tpu.memory_space<vmem>>
      %dma_start3A_28 = tpu.memref_squeeze %dma_start3A_27 : memref<1x128xi32, #tpu.memory_space<vmem>> -> memref<128xi32, #tpu.memory_space<vmem>>
      %dma_start3A_29 = arith.constant 0 : i32
      %dma_start3A_30 = arith.constant 0 : i32
      %dma_start3A_31 = tpu.memref_slice %arg4[%dma_start3A_29, %dma_start3A_30] : memref<10240x64xf32, #tpu.memory_space<hbm>> -> memref<10240x64xf32, #tpu.memory_space<hbm>>
      tpu.enqueue_indirect_dma source(%dma_start3A_31 : memref<10240x64xf32, #tpu.memory_space<hbm>>) target(%arg22 : memref<128x64xf32, #tpu.memory_space<vmem>>) offsets(%dma_start3A_28 : memref<128xi32, #tpu.memory_space<vmem>>) semaphore(%arg28 : memref<!tpu.dma_semaphore, #tpu.memory_space<semaphore_mem>>)
      %scan3A_32 = arith.constant 0 : i32
      %scan3A_33 = arith.constant 0 : i32
      %scan3A_34 = arith.constant 4 : i32
      %scan3A_35 = arith.addi %scan3A_33, %scan3A_34 : i32
      %scan3A_36 = arith.constant 1 : i32
      %scan3A_37 = scf.for %scan3A_124 = %scan3A_33 to %scan3A_35 step %scan3A_36 iter_args(%scan3A_125 = %scan3A_32) -> (i32)  : i32 {
        %mul3A_126 = arith.constant 2 : i32
        %mul3A_127 = arith.muli %mul3A_126, %scan3A_124 : i32
        %add3A_128 = arith.constant 0 : i32
        %add3A_129 = arith.addi %mul3A_127, %add3A_128 : i32
        %mul3A_130 = arith.constant 16 : i32
        %mul3A_131 = arith.muli %mul3A_130, %add3A_129 : i32
        %get3A_132 = arith.index_cast %add3A_18 : i32 to index
        %get3A_133 = arith.index_cast %mul3A_131 : i32 to index
        %get3A_134 = tpu.vector_load %arg16[%get3A_132, %get3A_133] {strides = array<i32>} : memref<40x128xi32, #tpu.memory_space<vmem>>, vector<16xi32>,
        %get3A_135 = arith.index_cast %add3A_18 : i32 to index
        %get3A_136 = arith.index_cast %mul3A_131 : i32 to index
        %get3A_137 = tpu.vector_load %arg17[%get3A_135, %get3A_136] {strides = array<i32>} : memref<40x128xi32, #tpu.memory_space<vmem>>, vector<16xi32>,
        %gather3A = tpu.vector_load_idx %arg19[%get3A_134] : memref<10240xf32, #tpu.memory_space<vmem>>[vector<16xi32>], vector<16xf32>,
        %gather3A_138 = tpu.vector_load_idx %arg20[%get3A_137] : memref<10240xf32, #tpu.memory_space<vmem>>[vector<16xi32>], vector<16xf32>,
        %add3A_139 = arith.addf %gather3A, %gather3A_138 : vector<16xf32>
        %ge3A = arith.constant 0.000000e+00 : f32
        %ge3A_140 = vector.broadcast %ge3A : f32 to vector<16xf32>
        %ge3A_141 = arith.cmpf oge, %add3A_139, %ge3A_140 : vector<16xf32>
        %mul3A_142 = arith.constant 2.000000e-01 : f32
        %mul3A_143 = vector.broadcast %mul3A_142 : f32 to vector<16xf32>
        %mul3A_144 = arith.mulf %mul3A_143, %add3A_139 : vector<16xf32>
        %select_n3A = arith.select %ge3A_141, %add3A_139, %mul3A_144 : vector<16xi1>, vector<16xf32>
        %sub3A = arith.subf %select_n3A, %get3A_5 : vector<16xf32>
        %exp3A = math.exp %sub3A : vector<16xf32>
        %swap3A = arith.index_cast %mul3A_131 : i32 to index
        %swap3A_145 = tpu.vector_load %arg23[%swap3A] {strides = array<i32>} : memref<144xf32, #tpu.memory_space<vmem>>, vector<16xf32>,
        tpu.vector_store %arg23[%swap3A], %exp3A {strides = array<i32>} : memref<144xf32, #tpu.memory_space<vmem>>, vector<16xf32>,
        %mul3A_146 = arith.constant 2 : i32
        %mul3A_147 = arith.muli %mul3A_146, %scan3A_124 : i32
        %add3A_148 = arith.constant 1 : i32
        %add3A_149 = arith.addi %mul3A_147, %add3A_148 : i32
        %mul3A_150 = arith.constant 16 : i32
        %mul3A_151 = arith.muli %mul3A_150, %add3A_149 : i32
        %get3A_152 = arith.index_cast %add3A_18 : i32 to index
        %get3A_153 = arith.index_cast %mul3A_151 : i32 to index
        %get3A_154 = tpu.vector_load %arg16[%get3A_152, %get3A_153] {strides = array<i32>} : memref<40x128xi32, #tpu.memory_space<vmem>>, vector<16xi32>,
        %get3A_155 = arith.index_cast %add3A_18 : i32 to index
        %get3A_156 = arith.index_cast %mul3A_151 : i32 to index
        %get3A_157 = tpu.vector_load %arg17[%get3A_155, %get3A_156] {strides = array<i32>} : memref<40x128xi32, #tpu.memory_space<vmem>>, vector<16xi32>,
        %gather3A_158 = tpu.vector_load_idx %arg19[%get3A_154] : memref<10240xf32, #tpu.memory_space<vmem>>[vector<16xi32>], vector<16xf32>,
        %gather3A_159 = tpu.vector_load_idx %arg20[%get3A_157] : memref<10240xf32, #tpu.memory_space<vmem>>[vector<16xi32>], vector<16xf32>,
        %add3A_160 = arith.addf %gather3A_158, %gather3A_159 : vector<16xf32>
        %ge3A_161 = arith.constant 0.000000e+00 : f32
        %ge3A_162 = vector.broadcast %ge3A_161 : f32 to vector<16xf32>
        %ge3A_163 = arith.cmpf oge, %add3A_160, %ge3A_162 : vector<16xf32>
        %mul3A_164 = arith.constant 2.000000e-01 : f32
        %mul3A_165 = vector.broadcast %mul3A_164 : f32 to vector<16xf32>
        %mul3A_166 = arith.mulf %mul3A_165, %add3A_160 : vector<16xf32>
        %select_n3A_167 = arith.select %ge3A_163, %add3A_160, %mul3A_166 : vector<16xi1>, vector<16xf32>
        %sub3A_168 = arith.subf %select_n3A_167, %get3A_5 : vector<16xf32>
        %exp3A_169 = math.exp %sub3A_168 : vector<16xf32>
        %swap3A_170 = arith.index_cast %mul3A_151 : i32 to index
        %swap3A_171 = tpu.vector_load %arg23[%swap3A_170] {strides = array<i32>} : memref<144xf32, #tpu.memory_space<vmem>>, vector<16xf32>,
        tpu.vector_store %arg23[%swap3A_170], %exp3A_169 {strides = array<i32>} : memref<144xf32, #tpu.memory_space<vmem>>, vector<16xf32>,
        %scan3A_172 = arith.constant 0 : i32
        scf.yield %scan3A_172 : i32
      }
      %scan3A_38 = arith.constant 4 : i32
      %dma_start3A_39 = arith.constant 0 : i32
      %dma_start3A_40 = tpu.memref_slice %arg23[%dma_start3A_39] : memref<144xf32, #tpu.memory_space<vmem>> -> memref<128xf32, #tpu.memory_space<vmem>>
      %dma_start3A_41 = arith.constant 0 : i32
      %dma_start3A_42 = tpu.memref_slice %arg17[%add3A_18, %dma_start3A_41] : memref<40x128xi32, #tpu.memory_space<vmem>> -> memref<1x128xi32, #tpu.memory_space<vmem>>
      %dma_start3A_43 = tpu.memref_squeeze %dma_start3A_42 : memref<1x128xi32, #tpu.memory_space<vmem>> -> memref<128xi32, #tpu.memory_space<vmem>>
      %dma_start3A_44 = arith.constant 0 : i32
      %dma_start3A_45 = tpu.memref_slice %arg15[%dma_start3A_44] : memref<10240xf32, #tpu.memory_space<vmem_shared>> -> memref<10240xf32, #tpu.memory_space<vmem_shared>>
      tpu.enqueue_indirect_dma source(%dma_start3A_40 : memref<128xf32, #tpu.memory_space<vmem>>) target(%dma_start3A_45 : memref<10240xf32, #tpu.memory_space<vmem_shared>>) offsets(%dma_start3A_43 : memref<128xi32, #tpu.memory_space<vmem>>) semaphore(%arg29 : memref<!tpu.dma_semaphore, #tpu.memory_space<semaphore_mem>>) {add = true}
      %dma_wait3A = arith.constant 0 : i32
      %dma_wait3A_46 = tpu.memref_slice %arg16[%add3A_18, %dma_wait3A] : memref<40x128xi32, #tpu.memory_space<vmem>> -> memref<1x128xi32, #tpu.memory_space<vmem>>
      %dma_wait3A_47 = tpu.memref_squeeze %dma_wait3A_46 : memref<1x128xi32, #tpu.memory_space<vmem>> -> memref<128xi32, #tpu.memory_space<vmem>>
      %dma_wait3A_48 = arith.constant 0 : i32
      %dma_wait3A_49 = arith.constant 0 : i32
      %dma_wait3A_50 = tpu.memref_slice %arg4[%dma_wait3A_48, %dma_wait3A_49] : memref<10240x64xf32, #tpu.memory_space<hbm>> -> memref<10240x64xf32, #tpu.memory_space<hbm>>
      tpu.wait_indirect_dma semaphore(%arg27 : memref<!tpu.dma_semaphore, #tpu.memory_space<semaphore_mem>>) src(%dma_wait3A_50 : memref<10240x64xf32, #tpu.memory_space<hbm>>) dst(%arg21 : memref<128x64xf32, #tpu.memory_space<vmem>>)
      %scan3A_51 = arith.constant 0 : i32
      %scan3A_52 = arith.constant 0 : i32
      %scan3A_53 = arith.constant 32 : i32
      %scan3A_54 = arith.addi %scan3A_52, %scan3A_53 : i32
      %scan3A_55 = arith.constant 1 : i32
      %scan3A_56 = scf.for %scan3A_124 = %scan3A_52 to %scan3A_54 step %scan3A_55 iter_args(%scan3A_125 = %scan3A_51) -> (i32)  : i32 {
        %mul3A_126 = arith.constant 4 : i32
        %mul3A_127 = arith.muli %mul3A_126, %scan3A_124 : i32
        %get3A_128 = arith.index_cast %mul3A_127 : i32 to index
        %get3A_129 = tpu.vector_load %arg23[%get3A_128] {strides = array<i32>} : memref<144xf32, #tpu.memory_space<vmem>>, vector<16xf32>,
        %mul3A_130 = arith.constant 4 : i32
        %mul3A_131 = arith.muli %mul3A_130, %scan3A_124 : i32
        %add3A_132 = arith.constant 0 : i32
        %add3A_133 = arith.addi %mul3A_131, %add3A_132 : i32
        %slice3A = vector.extract_strided_slice %get3A_129 {offsets = [0], sizes = [1], strides = [1]} : vector<16xf32> to vector<1xf32>
        %squeeze3A = vector.extract %slice3A[0] : f32 from vector<1xf32>
        %broadcast_in_dim3A = vector.broadcast %squeeze3A : f32 to vector<16xf32>
        %get3A_134 = arith.index_cast %add3A_133 : i32 to index
        %get3A_135 = arith.constant 0 : index
        %get3A_136 = tpu.vector_load %arg21[%get3A_134, %get3A_135] {strides = array<i32>} : memref<128x64xf32, #tpu.memory_space<vmem>>, vector<16xf32>,
        %mul3A_137 = arith.mulf %get3A_136, %broadcast_in_dim3A : vector<16xf32>
        %swap3A = arith.index_cast %add3A_133 : i32 to index
        %swap3A_138 = arith.constant 0 : index
        %swap3A_139 = tpu.vector_load %arg25[%swap3A, %swap3A_138] {strides = array<i32>} : memref<128x64xf32, #tpu.memory_space<vmem>>, vector<16xf32>,
        tpu.vector_store %arg25[%swap3A, %swap3A_138], %mul3A_137 {strides = array<i32>} : memref<128x64xf32, #tpu.memory_space<vmem>>, vector<16xf32>,
        %get3A_140 = arith.index_cast %add3A_133 : i32 to index
        %get3A_141 = arith.constant 16 : index
        %get3A_142 = tpu.vector_load %arg21[%get3A_140, %get3A_141] {strides = array<i32>} : memref<128x64xf32, #tpu.memory_space<vmem>>, vector<16xf32>,
        %mul3A_143 = arith.mulf %get3A_142, %broadcast_in_dim3A : vector<16xf32>
        %swap3A_144 = arith.index_cast %add3A_133 : i32 to index
        %swap3A_145 = arith.constant 16 : index
        %swap3A_146 = tpu.vector_load %arg25[%swap3A_144, %swap3A_145] {strides = array<i32>} : memref<128x64xf32, #tpu.memory_space<vmem>>, vector<16xf32>,
        tpu.vector_store %arg25[%swap3A_144, %swap3A_145], %mul3A_143 {strides = array<i32>} : memref<128x64xf32, #tpu.memory_space<vmem>>, vector<16xf32>,
        %get3A_147 = arith.index_cast %add3A_133 : i32 to index
        %get3A_148 = arith.constant 32 : index
        %get3A_149 = tpu.vector_load %arg21[%get3A_147, %get3A_148] {strides = array<i32>} : memref<128x64xf32, #tpu.memory_space<vmem>>, vector<16xf32>,
        %mul3A_150 = arith.mulf %get3A_149, %broadcast_in_dim3A : vector<16xf32>
        %swap3A_151 = arith.index_cast %add3A_133 : i32 to index
        %swap3A_152 = arith.constant 32 : index
        %swap3A_153 = tpu.vector_load %arg25[%swap3A_151, %swap3A_152] {strides = array<i32>} : memref<128x64xf32, #tpu.memory_space<vmem>>, vector<16xf32>,
        tpu.vector_store %arg25[%swap3A_151, %swap3A_152], %mul3A_150 {strides = array<i32>} : memref<128x64xf32, #tpu.memory_space<vmem>>, vector<16xf32>,
        %get3A_154 = arith.index_cast %add3A_133 : i32 to index
        %get3A_155 = arith.constant 48 : index
        %get3A_156 = tpu.vector_load %arg21[%get3A_154, %get3A_155] {strides = array<i32>} : memref<128x64xf32, #tpu.memory_space<vmem>>, vector<16xf32>,
        %mul3A_157 = arith.mulf %get3A_156, %broadcast_in_dim3A : vector<16xf32>
        %swap3A_158 = arith.index_cast %add3A_133 : i32 to index
        %swap3A_159 = arith.constant 48 : index
        %swap3A_160 = tpu.vector_load %arg25[%swap3A_158, %swap3A_159] {strides = array<i32>} : memref<128x64xf32, #tpu.memory_space<vmem>>, vector<16xf32>,
        tpu.vector_store %arg25[%swap3A_158, %swap3A_159], %mul3A_157 {strides = array<i32>} : memref<128x64xf32, #tpu.memory_space<vmem>>, vector<16xf32>,
        %mul3A_161 = arith.constant 4 : i32
        %mul3A_162 = arith.muli %mul3A_161, %scan3A_124 : i32
        %add3A_163 = arith.constant 1 : i32
        %add3A_164 = arith.addi %mul3A_162, %add3A_163 : i32
        %slice3A_165 = vector.extract_strided_slice %get3A_129 {offsets = [1], sizes = [1], strides = [1]} : vector<16xf32> to vector<1xf32>
        %squeeze3A_166 = vector.extract %slice3A_165[0] : f32 from vector<1xf32>
        %broadcast_in_dim3A_167 = vector.broadcast %squeeze3A_166 : f32 to vector<16xf32>
        %get3A_168 = arith.index_cast %add3A_164 : i32 to index
        %get3A_169 = arith.constant 0 : index
        %get3A_170 = tpu.vector_load %arg21[%get3A_168, %get3A_169] {strides = array<i32>} : memref<128x64xf32, #tpu.memory_space<vmem>>, vector<16xf32>,
        %mul3A_171 = arith.mulf %get3A_170, %broadcast_in_dim3A_167 : vector<16xf32>
        %swap3A_172 = arith.index_cast %add3A_164 : i32 to index
        %swap3A_173 = arith.constant 0 : index
        %swap3A_174 = tpu.vector_load %arg25[%swap3A_172, %swap3A_173] {strides = array<i32>} : memref<128x64xf32, #tpu.memory_space<vmem>>, vector<16xf32>,
        tpu.vector_store %arg25[%swap3A_172, %swap3A_173], %mul3A_171 {strides = array<i32>} : memref<128x64xf32, #tpu.memory_space<vmem>>, vector<16xf32>,
        %get3A_175 = arith.index_cast %add3A_164 : i32 to index
        %get3A_176 = arith.constant 16 : index
        %get3A_177 = tpu.vector_load %arg21[%get3A_175, %get3A_176] {strides = array<i32>} : memref<128x64xf32, #tpu.memory_space<vmem>>, vector<16xf32>,
        %mul3A_178 = arith.mulf %get3A_177, %broadcast_in_dim3A_167 : vector<16xf32>
        %swap3A_179 = arith.index_cast %add3A_164 : i32 to index
        %swap3A_180 = arith.constant 16 : index
        %swap3A_181 = tpu.vector_load %arg25[%swap3A_179, %swap3A_180] {strides = array<i32>} : memref<128x64xf32, #tpu.memory_space<vmem>>, vector<16xf32>,
        tpu.vector_store %arg25[%swap3A_179, %swap3A_180], %mul3A_178 {strides = array<i32>} : memref<128x64xf32, #tpu.memory_space<vmem>>, vector<16xf32>,
        %get3A_182 = arith.index_cast %add3A_164 : i32 to index
        %get3A_183 = arith.constant 32 : index
        %get3A_184 = tpu.vector_load %arg21[%get3A_182, %get3A_183] {strides = array<i32>} : memref<128x64xf32, #tpu.memory_space<vmem>>, vector<16xf32>,
        %mul3A_185 = arith.mulf %get3A_184, %broadcast_in_dim3A_167 : vector<16xf32>
        %swap3A_186 = arith.index_cast %add3A_164 : i32 to index
        %swap3A_187 = arith.constant 32 : index
        %swap3A_188 = tpu.vector_load %arg25[%swap3A_186, %swap3A_187] {strides = array<i32>} : memref<128x64xf32, #tpu.memory_space<vmem>>, vector<16xf32>,
        tpu.vector_store %arg25[%swap3A_186, %swap3A_187], %mul3A_185 {strides = array<i32>} : memref<128x64xf32, #tpu.memory_space<vmem>>, vector<16xf32>,
        %get3A_189 = arith.index_cast %add3A_164 : i32 to index
        %get3A_190 = arith.constant 48 : index
        %get3A_191 = tpu.vector_load %arg21[%get3A_189, %get3A_190] {strides = array<i32>} : memref<128x64xf32, #tpu.memory_space<vmem>>, vector<16xf32>,
        %mul3A_192 = arith.mulf %get3A_191, %broadcast_in_dim3A_167 : vector<16xf32>
        %swap3A_193 = arith.index_cast %add3A_164 : i32 to index
        %swap3A_194 = arith.constant 48 : index
        %swap3A_195 = tpu.vector_load %arg25[%swap3A_193, %swap3A_194] {strides = array<i32>} : memref<128x64xf32, #tpu.memory_space<vmem>>, vector<16xf32>,
        tpu.vector_store %arg25[%swap3A_193, %swap3A_194], %mul3A_192 {strides = array<i32>} : memref<128x64xf32, #tpu.memory_space<vmem>>, vector<16xf32>,
        %mul3A_196 = arith.constant 4 : i32
        %mul3A_197 = arith.muli %mul3A_196, %scan3A_124 : i32
        %add3A_198 = arith.constant 2 : i32
        %add3A_199 = arith.addi %mul3A_197, %add3A_198 : i32
        %slice3A_200 = vector.extract_strided_slice %get3A_129 {offsets = [2], sizes = [1], strides = [1]} : vector<16xf32> to vector<1xf32>
        %squeeze3A_201 = vector.extract %slice3A_200[0] : f32 from vector<1xf32>
        %broadcast_in_dim3A_202 = vector.broadcast %squeeze3A_201 : f32 to vector<16xf32>
        %get3A_203 = arith.index_cast %add3A_199 : i32 to index
        %get3A_204 = arith.constant 0 : index
        %get3A_205 = tpu.vector_load %arg21[%get3A_203, %get3A_204] {strides = array<i32>} : memref<128x64xf32, #tpu.memory_space<vmem>>, vector<16xf32>,
        %mul3A_206 = arith.mulf %get3A_205, %broadcast_in_dim3A_202 : vector<16xf32>
        %swap3A_207 = arith.index_cast %add3A_199 : i32 to index
        %swap3A_208 = arith.constant 0 : index
        %swap3A_209 = tpu.vector_load %arg25[%swap3A_207, %swap3A_208] {strides = array<i32>} : memref<128x64xf32, #tpu.memory_space<vmem>>, vector<16xf32>,
        tpu.vector_store %arg25[%swap3A_207, %swap3A_208], %mul3A_206 {strides = array<i32>} : memref<128x64xf32, #tpu.memory_space<vmem>>, vector<16xf32>,
        %get3A_210 = arith.index_cast %add3A_199 : i32 to index
        %get3A_211 = arith.constant 16 : index
        %get3A_212 = tpu.vector_load %arg21[%get3A_210, %get3A_211] {strides = array<i32>} : memref<128x64xf32, #tpu.memory_space<vmem>>, vector<16xf32>,
        %mul3A_213 = arith.mulf %get3A_212, %broadcast_in_dim3A_202 : vector<16xf32>
        %swap3A_214 = arith.index_cast %add3A_199 : i32 to index
        %swap3A_215 = arith.constant 16 : index
        %swap3A_216 = tpu.vector_load %arg25[%swap3A_214, %swap3A_215] {strides = array<i32>} : memref<128x64xf32, #tpu.memory_space<vmem>>, vector<16xf32>,
        tpu.vector_store %arg25[%swap3A_214, %swap3A_215], %mul3A_213 {strides = array<i32>} : memref<128x64xf32, #tpu.memory_space<vmem>>, vector<16xf32>,
        %get3A_217 = arith.index_cast %add3A_199 : i32 to index
        %get3A_218 = arith.constant 32 : index
        %get3A_219 = tpu.vector_load %arg21[%get3A_217, %get3A_218] {strides = array<i32>} : memref<128x64xf32, #tpu.memory_space<vmem>>, vector<16xf32>,
        %mul3A_220 = arith.mulf %get3A_219, %broadcast_in_dim3A_202 : vector<16xf32>
        %swap3A_221 = arith.index_cast %add3A_199 : i32 to index
        %swap3A_222 = arith.constant 32 : index
        %swap3A_223 = tpu.vector_load %arg25[%swap3A_221, %swap3A_222] {strides = array<i32>} : memref<128x64xf32, #tpu.memory_space<vmem>>, vector<16xf32>,
        tpu.vector_store %arg25[%swap3A_221, %swap3A_222], %mul3A_220 {strides = array<i32>} : memref<128x64xf32, #tpu.memory_space<vmem>>, vector<16xf32>,
        %get3A_224 = arith.index_cast %add3A_199 : i32 to index
        %get3A_225 = arith.constant 48 : index
        %get3A_226 = tpu.vector_load %arg21[%get3A_224, %get3A_225] {strides = array<i32>} : memref<128x64xf32, #tpu.memory_space<vmem>>, vector<16xf32>,
        %mul3A_227 = arith.mulf %get3A_226, %broadcast_in_dim3A_202 : vector<16xf32>
        %swap3A_228 = arith.index_cast %add3A_199 : i32 to index
        %swap3A_229 = arith.constant 48 : index
        %swap3A_230 = tpu.vector_load %arg25[%swap3A_228, %swap3A_229] {strides = array<i32>} : memref<128x64xf32, #tpu.memory_space<vmem>>, vector<16xf32>,
        tpu.vector_store %arg25[%swap3A_228, %swap3A_229], %mul3A_227 {strides = array<i32>} : memref<128x64xf32, #tpu.memory_space<vmem>>, vector<16xf32>,
        %mul3A_231 = arith.constant 4 : i32
        %mul3A_232 = arith.muli %mul3A_231, %scan3A_124 : i32
        %add3A_233 = arith.constant 3 : i32
        %add3A_234 = arith.addi %mul3A_232, %add3A_233 : i32
        %slice3A_235 = vector.extract_strided_slice %get3A_129 {offsets = [3], sizes = [1], strides = [1]} : vector<16xf32> to vector<1xf32>
        %squeeze3A_236 = vector.extract %slice3A_235[0] : f32 from vector<1xf32>
        %broadcast_in_dim3A_237 = vector.broadcast %squeeze3A_236 : f32 to vector<16xf32>
        %get3A_238 = arith.index_cast %add3A_234 : i32 to index
        %get3A_239 = arith.constant 0 : index
        %get3A_240 = tpu.vector_load %arg21[%get3A_238, %get3A_239] {strides = array<i32>} : memref<128x64xf32, #tpu.memory_space<vmem>>, vector<16xf32>,
        %mul3A_241 = arith.mulf %get3A_240, %broadcast_in_dim3A_237 : vector<16xf32>
        %swap3A_242 = arith.index_cast %add3A_234 : i32 to index
        %swap3A_243 = arith.constant 0 : index
        %swap3A_244 = tpu.vector_load %arg25[%swap3A_242, %swap3A_243] {strides = array<i32>} : memref<128x64xf32, #tpu.memory_space<vmem>>, vector<16xf32>,
        tpu.vector_store %arg25[%swap3A_242, %swap3A_243], %mul3A_241 {strides = array<i32>} : memref<128x64xf32, #tpu.memory_space<vmem>>, vector<16xf32>,
        %get3A_245 = arith.index_cast %add3A_234 : i32 to index
        %get3A_246 = arith.constant 16 : index
        %get3A_247 = tpu.vector_load %arg21[%get3A_245, %get3A_246] {strides = array<i32>} : memref<128x64xf32, #tpu.memory_space<vmem>>, vector<16xf32>,
        %mul3A_248 = arith.mulf %get3A_247, %broadcast_in_dim3A_237 : vector<16xf32>
        %swap3A_249 = arith.index_cast %add3A_234 : i32 to index
        %swap3A_250 = arith.constant 16 : index
        %swap3A_251 = tpu.vector_load %arg25[%swap3A_249, %swap3A_250] {strides = array<i32>} : memref<128x64xf32, #tpu.memory_space<vmem>>, vector<16xf32>,
        tpu.vector_store %arg25[%swap3A_249, %swap3A_250], %mul3A_248 {strides = array<i32>} : memref<128x64xf32, #tpu.memory_space<vmem>>, vector<16xf32>,
        %get3A_252 = arith.index_cast %add3A_234 : i32 to index
        %get3A_253 = arith.constant 32 : index
        %get3A_254 = tpu.vector_load %arg21[%get3A_252, %get3A_253] {strides = array<i32>} : memref<128x64xf32, #tpu.memory_space<vmem>>, vector<16xf32>,
        %mul3A_255 = arith.mulf %get3A_254, %broadcast_in_dim3A_237 : vector<16xf32>
        %swap3A_256 = arith.index_cast %add3A_234 : i32 to index
        %swap3A_257 = arith.constant 32 : index
        %swap3A_258 = tpu.vector_load %arg25[%swap3A_256, %swap3A_257] {strides = array<i32>} : memref<128x64xf32, #tpu.memory_space<vmem>>, vector<16xf32>,
        tpu.vector_store %arg25[%swap3A_256, %swap3A_257], %mul3A_255 {strides = array<i32>} : memref<128x64xf32, #tpu.memory_space<vmem>>, vector<16xf32>,
        %get3A_259 = arith.index_cast %add3A_234 : i32 to index
        %get3A_260 = arith.constant 48 : index
        %get3A_261 = tpu.vector_load %arg21[%get3A_259, %get3A_260] {strides = array<i32>} : memref<128x64xf32, #tpu.memory_space<vmem>>, vector<16xf32>,
        %mul3A_262 = arith.mulf %get3A_261, %broadcast_in_dim3A_237 : vector<16xf32>
        %swap3A_263 = arith.index_cast %add3A_234 : i32 to index
        %swap3A_264 = arith.constant 48 : index
        %swap3A_265 = tpu.vector_load %arg25[%swap3A_263, %swap3A_264] {strides = array<i32>} : memref<128x64xf32, #tpu.memory_space<vmem>>, vector<16xf32>,
        tpu.vector_store %arg25[%swap3A_263, %swap3A_264], %mul3A_262 {strides = array<i32>} : memref<128x64xf32, #tpu.memory_space<vmem>>, vector<16xf32>,
        %scan3A_266 = arith.constant 0 : i32
        scf.yield %scan3A_266 : i32
      }
      %scan3A_57 = arith.constant 32 : i32
      %dma_start3A_58 = arith.constant 0 : i32
      %dma_start3A_59 = tpu.memref_slice %arg17[%add3A_18, %dma_start3A_58] : memref<40x128xi32, #tpu.memory_space<vmem>> -> memref<1x128xi32, #tpu.memory_space<vmem>>
      %dma_start3A_60 = tpu.memref_squeeze %dma_start3A_59 : memref<1x128xi32, #tpu.memory_space<vmem>> -> memref<128xi32, #tpu.memory_space<vmem>>
      %dma_start3A_61 = arith.constant 0 : i32
      %dma_start3A_62 = arith.constant 0 : i32
      %dma_start3A_63 = tpu.memref_slice %arg14[%dma_start3A_61, %dma_start3A_62] : memref<10240x64xf32, #tpu.memory_space<vmem_shared>> -> memref<10240x64xf32, #tpu.memory_space<vmem_shared>>
      tpu.enqueue_indirect_dma source(%arg25 : memref<128x64xf32, #tpu.memory_space<vmem>>) target(%dma_start3A_63 : memref<10240x64xf32, #tpu.memory_space<vmem_shared>>) offsets(%dma_start3A_60 : memref<128xi32, #tpu.memory_space<vmem>>) semaphore(%arg29 : memref<!tpu.dma_semaphore, #tpu.memory_space<semaphore_mem>>) {add = true}
      %scan3A_64 = arith.constant 0 : i32
      %scan3A_65 = arith.constant 0 : i32
      %scan3A_66 = arith.constant 4 : i32
      %scan3A_67 = arith.addi %scan3A_65, %scan3A_66 : i32
      %scan3A_68 = arith.constant 1 : i32
      %scan3A_69 = scf.for %scan3A_124 = %scan3A_65 to %scan3A_67 step %scan3A_68 iter_args(%scan3A_125 = %scan3A_64) -> (i32)  : i32 {
        %mul3A_126 = arith.constant 2 : i32
        %mul3A_127 = arith.muli %mul3A_126, %scan3A_124 : i32
        %add3A_128 = arith.constant 0 : i32
        %add3A_129 = arith.addi %mul3A_127, %add3A_128 : i32
        %mul3A_130 = arith.constant 16 : i32
        %mul3A_131 = arith.muli %mul3A_130, %add3A_129 : i32
        %get3A_132 = arith.index_cast %add3A_25 : i32 to index
        %get3A_133 = arith.index_cast %mul3A_131 : i32 to index
        %get3A_134 = tpu.vector_load %arg16[%get3A_132, %get3A_133] {strides = array<i32>} : memref<40x128xi32, #tpu.memory_space<vmem>>, vector<16xi32>,
        %get3A_135 = arith.index_cast %add3A_25 : i32 to index
        %get3A_136 = arith.index_cast %mul3A_131 : i32 to index
        %get3A_137 = tpu.vector_load %arg17[%get3A_135, %get3A_136] {strides = array<i32>} : memref<40x128xi32, #tpu.memory_space<vmem>>, vector<16xi32>,
        %gather3A = tpu.vector_load_idx %arg19[%get3A_134] : memref<10240xf32, #tpu.memory_space<vmem>>[vector<16xi32>], vector<16xf32>,
        %gather3A_138 = tpu.vector_load_idx %arg20[%get3A_137] : memref<10240xf32, #tpu.memory_space<vmem>>[vector<16xi32>], vector<16xf32>,
        %add3A_139 = arith.addf %gather3A, %gather3A_138 : vector<16xf32>
        %ge3A = arith.constant 0.000000e+00 : f32
        %ge3A_140 = vector.broadcast %ge3A : f32 to vector<16xf32>
        %ge3A_141 = arith.cmpf oge, %add3A_139, %ge3A_140 : vector<16xf32>
        %mul3A_142 = arith.constant 2.000000e-01 : f32
        %mul3A_143 = vector.broadcast %mul3A_142 : f32 to vector<16xf32>
        %mul3A_144 = arith.mulf %mul3A_143, %add3A_139 : vector<16xf32>
        %select_n3A = arith.select %ge3A_141, %add3A_139, %mul3A_144 : vector<16xi1>, vector<16xf32>
        %sub3A = arith.subf %select_n3A, %get3A_5 : vector<16xf32>
        %exp3A = math.exp %sub3A : vector<16xf32>
        %swap3A = arith.index_cast %mul3A_131 : i32 to index
        %swap3A_145 = tpu.vector_load %arg24[%swap3A] {strides = array<i32>} : memref<144xf32, #tpu.memory_space<vmem>>, vector<16xf32>,
        tpu.vector_store %arg24[%swap3A], %exp3A {strides = array<i32>} : memref<144xf32, #tpu.memory_space<vmem>>, vector<16xf32>,
        %mul3A_146 = arith.constant 2 : i32
        %mul3A_147 = arith.muli %mul3A_146, %scan3A_124 : i32
        %add3A_148 = arith.constant 1 : i32
        %add3A_149 = arith.addi %mul3A_147, %add3A_148 : i32
        %mul3A_150 = arith.constant 16 : i32
        %mul3A_151 = arith.muli %mul3A_150, %add3A_149 : i32
        %get3A_152 = arith.index_cast %add3A_25 : i32 to index
        %get3A_153 = arith.index_cast %mul3A_151 : i32 to index
        %get3A_154 = tpu.vector_load %arg16[%get3A_152, %get3A_153] {strides = array<i32>} : memref<40x128xi32, #tpu.memory_space<vmem>>, vector<16xi32>,
        %get3A_155 = arith.index_cast %add3A_25 : i32 to index
        %get3A_156 = arith.index_cast %mul3A_151 : i32 to index
        %get3A_157 = tpu.vector_load %arg17[%get3A_155, %get3A_156] {strides = array<i32>} : memref<40x128xi32, #tpu.memory_space<vmem>>, vector<16xi32>,
        %gather3A_158 = tpu.vector_load_idx %arg19[%get3A_154] : memref<10240xf32, #tpu.memory_space<vmem>>[vector<16xi32>], vector<16xf32>,
        %gather3A_159 = tpu.vector_load_idx %arg20[%get3A_157] : memref<10240xf32, #tpu.memory_space<vmem>>[vector<16xi32>], vector<16xf32>,
        %add3A_160 = arith.addf %gather3A_158, %gather3A_159 : vector<16xf32>
        %ge3A_161 = arith.constant 0.000000e+00 : f32
        %ge3A_162 = vector.broadcast %ge3A_161 : f32 to vector<16xf32>
        %ge3A_163 = arith.cmpf oge, %add3A_160, %ge3A_162 : vector<16xf32>
        %mul3A_164 = arith.constant 2.000000e-01 : f32
        %mul3A_165 = vector.broadcast %mul3A_164 : f32 to vector<16xf32>
        %mul3A_166 = arith.mulf %mul3A_165, %add3A_160 : vector<16xf32>
        %select_n3A_167 = arith.select %ge3A_163, %add3A_160, %mul3A_166 : vector<16xi1>, vector<16xf32>
        %sub3A_168 = arith.subf %select_n3A_167, %get3A_5 : vector<16xf32>
        %exp3A_169 = math.exp %sub3A_168 : vector<16xf32>
        %swap3A_170 = arith.index_cast %mul3A_151 : i32 to index
        %swap3A_171 = tpu.vector_load %arg24[%swap3A_170] {strides = array<i32>} : memref<144xf32, #tpu.memory_space<vmem>>, vector<16xf32>,
        tpu.vector_store %arg24[%swap3A_170], %exp3A_169 {strides = array<i32>} : memref<144xf32, #tpu.memory_space<vmem>>, vector<16xf32>,
        %scan3A_172 = arith.constant 0 : i32
        scf.yield %scan3A_172 : i32
      }
      %scan3A_70 = arith.constant 4 : i32
      %dma_start3A_71 = arith.constant 0 : i32
      %dma_start3A_72 = tpu.memref_slice %arg24[%dma_start3A_71] : memref<144xf32, #tpu.memory_space<vmem>> -> memref<128xf32, #tpu.memory_space<vmem>>
      %dma_start3A_73 = arith.constant 0 : i32
      %dma_start3A_74 = tpu.memref_slice %arg17[%add3A_25, %dma_start3A_73] : memref<40x128xi32, #tpu.memory_space<vmem>> -> memref<1x128xi32, #tpu.memory_space<vmem>>
      %dma_start3A_75 = tpu.memref_squeeze %dma_start3A_74 : memref<1x128xi32, #tpu.memory_space<vmem>> -> memref<128xi32, #tpu.memory_space<vmem>>
      %dma_start3A_76 = arith.constant 0 : i32
      %dma_start3A_77 = tpu.memref_slice %arg15[%dma_start3A_76] : memref<10240xf32, #tpu.memory_space<vmem_shared>> -> memref<10240xf32, #tpu.memory_space<vmem_shared>>
      tpu.enqueue_indirect_dma source(%dma_start3A_72 : memref<128xf32, #tpu.memory_space<vmem>>) target(%dma_start3A_77 : memref<10240xf32, #tpu.memory_space<vmem_shared>>) offsets(%dma_start3A_75 : memref<128xi32, #tpu.memory_space<vmem>>) semaphore(%arg30 : memref<!tpu.dma_semaphore, #tpu.memory_space<semaphore_mem>>) {add = true}
      %dma_wait3A_78 = arith.constant 0 : i32
      %dma_wait3A_79 = tpu.memref_slice %arg16[%add3A_25, %dma_wait3A_78] : memref<40x128xi32, #tpu.memory_space<vmem>> -> memref<1x128xi32, #tpu.memory_space<vmem>>
      %dma_wait3A_80 = tpu.memref_squeeze %dma_wait3A_79 : memref<1x128xi32, #tpu.memory_space<vmem>> -> memref<128xi32, #tpu.memory_space<vmem>>
      %dma_wait3A_81 = arith.constant 0 : i32
      %dma_wait3A_82 = arith.constant 0 : i32
      %dma_wait3A_83 = tpu.memref_slice %arg4[%dma_wait3A_81, %dma_wait3A_82] : memref<10240x64xf32, #tpu.memory_space<hbm>> -> memref<10240x64xf32, #tpu.memory_space<hbm>>
      tpu.wait_indirect_dma semaphore(%arg28 : memref<!tpu.dma_semaphore, #tpu.memory_space<semaphore_mem>>) src(%dma_wait3A_83 : memref<10240x64xf32, #tpu.memory_space<hbm>>) dst(%arg22 : memref<128x64xf32, #tpu.memory_space<vmem>>)
      %scan3A_84 = arith.constant 0 : i32
      %scan3A_85 = arith.constant 0 : i32
      %scan3A_86 = arith.constant 32 : i32
      %scan3A_87 = arith.addi %scan3A_85, %scan3A_86 : i32
      %scan3A_88 = arith.constant 1 : i32
      %scan3A_89 = scf.for %scan3A_124 = %scan3A_85 to %scan3A_87 step %scan3A_88 iter_args(%scan3A_125 = %scan3A_84) -> (i32)  : i32 {
        %mul3A_126 = arith.constant 4 : i32
        %mul3A_127 = arith.muli %mul3A_126, %scan3A_124 : i32
        %get3A_128 = arith.index_cast %mul3A_127 : i32 to index
        %get3A_129 = tpu.vector_load %arg24[%get3A_128] {strides = array<i32>} : memref<144xf32, #tpu.memory_space<vmem>>, vector<16xf32>,
        %mul3A_130 = arith.constant 4 : i32
        %mul3A_131 = arith.muli %mul3A_130, %scan3A_124 : i32
        %add3A_132 = arith.constant 0 : i32
        %add3A_133 = arith.addi %mul3A_131, %add3A_132 : i32
        %slice3A = vector.extract_strided_slice %get3A_129 {offsets = [0], sizes = [1], strides = [1]} : vector<16xf32> to vector<1xf32>
        %squeeze3A = vector.extract %slice3A[0] : f32 from vector<1xf32>
        %broadcast_in_dim3A = vector.broadcast %squeeze3A : f32 to vector<16xf32>
        %get3A_134 = arith.index_cast %add3A_133 : i32 to index
        %get3A_135 = arith.constant 0 : index
        %get3A_136 = tpu.vector_load %arg22[%get3A_134, %get3A_135] {strides = array<i32>} : memref<128x64xf32, #tpu.memory_space<vmem>>, vector<16xf32>,
        %mul3A_137 = arith.mulf %get3A_136, %broadcast_in_dim3A : vector<16xf32>
        %swap3A = arith.index_cast %add3A_133 : i32 to index
        %swap3A_138 = arith.constant 0 : index
        %swap3A_139 = tpu.vector_load %arg26[%swap3A, %swap3A_138] {strides = array<i32>} : memref<128x64xf32, #tpu.memory_space<vmem>>, vector<16xf32>,
        tpu.vector_store %arg26[%swap3A, %swap3A_138], %mul3A_137 {strides = array<i32>} : memref<128x64xf32, #tpu.memory_space<vmem>>, vector<16xf32>,
        %get3A_140 = arith.index_cast %add3A_133 : i32 to index
        %get3A_141 = arith.constant 16 : index
        %get3A_142 = tpu.vector_load %arg22[%get3A_140, %get3A_141] {strides = array<i32>} : memref<128x64xf32, #tpu.memory_space<vmem>>, vector<16xf32>,
        %mul3A_143 = arith.mulf %get3A_142, %broadcast_in_dim3A : vector<16xf32>
        %swap3A_144 = arith.index_cast %add3A_133 : i32 to index
        %swap3A_145 = arith.constant 16 : index
        %swap3A_146 = tpu.vector_load %arg26[%swap3A_144, %swap3A_145] {strides = array<i32>} : memref<128x64xf32, #tpu.memory_space<vmem>>, vector<16xf32>,
        tpu.vector_store %arg26[%swap3A_144, %swap3A_145], %mul3A_143 {strides = array<i32>} : memref<128x64xf32, #tpu.memory_space<vmem>>, vector<16xf32>,
        %get3A_147 = arith.index_cast %add3A_133 : i32 to index
        %get3A_148 = arith.constant 32 : index
        %get3A_149 = tpu.vector_load %arg22[%get3A_147, %get3A_148] {strides = array<i32>} : memref<128x64xf32, #tpu.memory_space<vmem>>, vector<16xf32>,
        %mul3A_150 = arith.mulf %get3A_149, %broadcast_in_dim3A : vector<16xf32>
        %swap3A_151 = arith.index_cast %add3A_133 : i32 to index
        %swap3A_152 = arith.constant 32 : index
        %swap3A_153 = tpu.vector_load %arg26[%swap3A_151, %swap3A_152] {strides = array<i32>} : memref<128x64xf32, #tpu.memory_space<vmem>>, vector<16xf32>,
        tpu.vector_store %arg26[%swap3A_151, %swap3A_152], %mul3A_150 {strides = array<i32>} : memref<128x64xf32, #tpu.memory_space<vmem>>, vector<16xf32>,
        %get3A_154 = arith.index_cast %add3A_133 : i32 to index
        %get3A_155 = arith.constant 48 : index
        %get3A_156 = tpu.vector_load %arg22[%get3A_154, %get3A_155] {strides = array<i32>} : memref<128x64xf32, #tpu.memory_space<vmem>>, vector<16xf32>,
        %mul3A_157 = arith.mulf %get3A_156, %broadcast_in_dim3A : vector<16xf32>
        %swap3A_158 = arith.index_cast %add3A_133 : i32 to index
        %swap3A_159 = arith.constant 48 : index
        %swap3A_160 = tpu.vector_load %arg26[%swap3A_158, %swap3A_159] {strides = array<i32>} : memref<128x64xf32, #tpu.memory_space<vmem>>, vector<16xf32>,
        tpu.vector_store %arg26[%swap3A_158, %swap3A_159], %mul3A_157 {strides = array<i32>} : memref<128x64xf32, #tpu.memory_space<vmem>>, vector<16xf32>,
        %mul3A_161 = arith.constant 4 : i32
        %mul3A_162 = arith.muli %mul3A_161, %scan3A_124 : i32
        %add3A_163 = arith.constant 1 : i32
        %add3A_164 = arith.addi %mul3A_162, %add3A_163 : i32
        %slice3A_165 = vector.extract_strided_slice %get3A_129 {offsets = [1], sizes = [1], strides = [1]} : vector<16xf32> to vector<1xf32>
        %squeeze3A_166 = vector.extract %slice3A_165[0] : f32 from vector<1xf32>
        %broadcast_in_dim3A_167 = vector.broadcast %squeeze3A_166 : f32 to vector<16xf32>
        %get3A_168 = arith.index_cast %add3A_164 : i32 to index
        %get3A_169 = arith.constant 0 : index
        %get3A_170 = tpu.vector_load %arg22[%get3A_168, %get3A_169] {strides = array<i32>} : memref<128x64xf32, #tpu.memory_space<vmem>>, vector<16xf32>,
        %mul3A_171 = arith.mulf %get3A_170, %broadcast_in_dim3A_167 : vector<16xf32>
        %swap3A_172 = arith.index_cast %add3A_164 : i32 to index
        %swap3A_173 = arith.constant 0 : index
        %swap3A_174 = tpu.vector_load %arg26[%swap3A_172, %swap3A_173] {strides = array<i32>} : memref<128x64xf32, #tpu.memory_space<vmem>>, vector<16xf32>,
        tpu.vector_store %arg26[%swap3A_172, %swap3A_173], %mul3A_171 {strides = array<i32>} : memref<128x64xf32, #tpu.memory_space<vmem>>, vector<16xf32>,
        %get3A_175 = arith.index_cast %add3A_164 : i32 to index
        %get3A_176 = arith.constant 16 : index
        %get3A_177 = tpu.vector_load %arg22[%get3A_175, %get3A_176] {strides = array<i32>} : memref<128x64xf32, #tpu.memory_space<vmem>>, vector<16xf32>,
        %mul3A_178 = arith.mulf %get3A_177, %broadcast_in_dim3A_167 : vector<16xf32>
        %swap3A_179 = arith.index_cast %add3A_164 : i32 to index
        %swap3A_180 = arith.constant 16 : index
        %swap3A_181 = tpu.vector_load %arg26[%swap3A_179, %swap3A_180] {strides = array<i32>} : memref<128x64xf32, #tpu.memory_space<vmem>>, vector<16xf32>,
        tpu.vector_store %arg26[%swap3A_179, %swap3A_180], %mul3A_178 {strides = array<i32>} : memref<128x64xf32, #tpu.memory_space<vmem>>, vector<16xf32>,
        %get3A_182 = arith.index_cast %add3A_164 : i32 to index
        %get3A_183 = arith.constant 32 : index
        %get3A_184 = tpu.vector_load %arg22[%get3A_182, %get3A_183] {strides = array<i32>} : memref<128x64xf32, #tpu.memory_space<vmem>>, vector<16xf32>,
        %mul3A_185 = arith.mulf %get3A_184, %broadcast_in_dim3A_167 : vector<16xf32>
        %swap3A_186 = arith.index_cast %add3A_164 : i32 to index
        %swap3A_187 = arith.constant 32 : index
        %swap3A_188 = tpu.vector_load %arg26[%swap3A_186, %swap3A_187] {strides = array<i32>} : memref<128x64xf32, #tpu.memory_space<vmem>>, vector<16xf32>,
        tpu.vector_store %arg26[%swap3A_186, %swap3A_187], %mul3A_185 {strides = array<i32>} : memref<128x64xf32, #tpu.memory_space<vmem>>, vector<16xf32>,
        %get3A_189 = arith.index_cast %add3A_164 : i32 to index
        %get3A_190 = arith.constant 48 : index
        %get3A_191 = tpu.vector_load %arg22[%get3A_189, %get3A_190] {strides = array<i32>} : memref<128x64xf32, #tpu.memory_space<vmem>>, vector<16xf32>,
        %mul3A_192 = arith.mulf %get3A_191, %broadcast_in_dim3A_167 : vector<16xf32>
        %swap3A_193 = arith.index_cast %add3A_164 : i32 to index
        %swap3A_194 = arith.constant 48 : index
        %swap3A_195 = tpu.vector_load %arg26[%swap3A_193, %swap3A_194] {strides = array<i32>} : memref<128x64xf32, #tpu.memory_space<vmem>>, vector<16xf32>,
        tpu.vector_store %arg26[%swap3A_193, %swap3A_194], %mul3A_192 {strides = array<i32>} : memref<128x64xf32, #tpu.memory_space<vmem>>, vector<16xf32>,
        %mul3A_196 = arith.constant 4 : i32
        %mul3A_197 = arith.muli %mul3A_196, %scan3A_124 : i32
        %add3A_198 = arith.constant 2 : i32
        %add3A_199 = arith.addi %mul3A_197, %add3A_198 : i32
        %slice3A_200 = vector.extract_strided_slice %get3A_129 {offsets = [2], sizes = [1], strides = [1]} : vector<16xf32> to vector<1xf32>
        %squeeze3A_201 = vector.extract %slice3A_200[0] : f32 from vector<1xf32>
        %broadcast_in_dim3A_202 = vector.broadcast %squeeze3A_201 : f32 to vector<16xf32>
        %get3A_203 = arith.index_cast %add3A_199 : i32 to index
        %get3A_204 = arith.constant 0 : index
        %get3A_205 = tpu.vector_load %arg22[%get3A_203, %get3A_204] {strides = array<i32>} : memref<128x64xf32, #tpu.memory_space<vmem>>, vector<16xf32>,
        %mul3A_206 = arith.mulf %get3A_205, %broadcast_in_dim3A_202 : vector<16xf32>
        %swap3A_207 = arith.index_cast %add3A_199 : i32 to index
        %swap3A_208 = arith.constant 0 : index
        %swap3A_209 = tpu.vector_load %arg26[%swap3A_207, %swap3A_208] {strides = array<i32>} : memref<128x64xf32, #tpu.memory_space<vmem>>, vector<16xf32>,
        tpu.vector_store %arg26[%swap3A_207, %swap3A_208], %mul3A_206 {strides = array<i32>} : memref<128x64xf32, #tpu.memory_space<vmem>>, vector<16xf32>,
        %get3A_210 = arith.index_cast %add3A_199 : i32 to index
        %get3A_211 = arith.constant 16 : index
        %get3A_212 = tpu.vector_load %arg22[%get3A_210, %get3A_211] {strides = array<i32>} : memref<128x64xf32, #tpu.memory_space<vmem>>, vector<16xf32>,
        %mul3A_213 = arith.mulf %get3A_212, %broadcast_in_dim3A_202 : vector<16xf32>
        %swap3A_214 = arith.index_cast %add3A_199 : i32 to index
        %swap3A_215 = arith.constant 16 : index
        %swap3A_216 = tpu.vector_load %arg26[%swap3A_214, %swap3A_215] {strides = array<i32>} : memref<128x64xf32, #tpu.memory_space<vmem>>, vector<16xf32>,
        tpu.vector_store %arg26[%swap3A_214, %swap3A_215], %mul3A_213 {strides = array<i32>} : memref<128x64xf32, #tpu.memory_space<vmem>>, vector<16xf32>,
        %get3A_217 = arith.index_cast %add3A_199 : i32 to index
        %get3A_218 = arith.constant 32 : index
        %get3A_219 = tpu.vector_load %arg22[%get3A_217, %get3A_218] {strides = array<i32>} : memref<128x64xf32, #tpu.memory_space<vmem>>, vector<16xf32>,
        %mul3A_220 = arith.mulf %get3A_219, %broadcast_in_dim3A_202 : vector<16xf32>
        %swap3A_221 = arith.index_cast %add3A_199 : i32 to index
        %swap3A_222 = arith.constant 32 : index
        %swap3A_223 = tpu.vector_load %arg26[%swap3A_221, %swap3A_222] {strides = array<i32>} : memref<128x64xf32, #tpu.memory_space<vmem>>, vector<16xf32>,
        tpu.vector_store %arg26[%swap3A_221, %swap3A_222], %mul3A_220 {strides = array<i32>} : memref<128x64xf32, #tpu.memory_space<vmem>>, vector<16xf32>,
        %get3A_224 = arith.index_cast %add3A_199 : i32 to index
        %get3A_225 = arith.constant 48 : index
        %get3A_226 = tpu.vector_load %arg22[%get3A_224, %get3A_225] {strides = array<i32>} : memref<128x64xf32, #tpu.memory_space<vmem>>, vector<16xf32>,
        %mul3A_227 = arith.mulf %get3A_226, %broadcast_in_dim3A_202 : vector<16xf32>
        %swap3A_228 = arith.index_cast %add3A_199 : i32 to index
        %swap3A_229 = arith.constant 48 : index
        %swap3A_230 = tpu.vector_load %arg26[%swap3A_228, %swap3A_229] {strides = array<i32>} : memref<128x64xf32, #tpu.memory_space<vmem>>, vector<16xf32>,
        tpu.vector_store %arg26[%swap3A_228, %swap3A_229], %mul3A_227 {strides = array<i32>} : memref<128x64xf32, #tpu.memory_space<vmem>>, vector<16xf32>,
        %mul3A_231 = arith.constant 4 : i32
        %mul3A_232 = arith.muli %mul3A_231, %scan3A_124 : i32
        %add3A_233 = arith.constant 3 : i32
        %add3A_234 = arith.addi %mul3A_232, %add3A_233 : i32
        %slice3A_235 = vector.extract_strided_slice %get3A_129 {offsets = [3], sizes = [1], strides = [1]} : vector<16xf32> to vector<1xf32>
        %squeeze3A_236 = vector.extract %slice3A_235[0] : f32 from vector<1xf32>
        %broadcast_in_dim3A_237 = vector.broadcast %squeeze3A_236 : f32 to vector<16xf32>
        %get3A_238 = arith.index_cast %add3A_234 : i32 to index
        %get3A_239 = arith.constant 0 : index
        %get3A_240 = tpu.vector_load %arg22[%get3A_238, %get3A_239] {strides = array<i32>} : memref<128x64xf32, #tpu.memory_space<vmem>>, vector<16xf32>,
        %mul3A_241 = arith.mulf %get3A_240, %broadcast_in_dim3A_237 : vector<16xf32>
        %swap3A_242 = arith.index_cast %add3A_234 : i32 to index
        %swap3A_243 = arith.constant 0 : index
        %swap3A_244 = tpu.vector_load %arg26[%swap3A_242, %swap3A_243] {strides = array<i32>} : memref<128x64xf32, #tpu.memory_space<vmem>>, vector<16xf32>,
        tpu.vector_store %arg26[%swap3A_242, %swap3A_243], %mul3A_241 {strides = array<i32>} : memref<128x64xf32, #tpu.memory_space<vmem>>, vector<16xf32>,
        %get3A_245 = arith.index_cast %add3A_234 : i32 to index
        %get3A_246 = arith.constant 16 : index
        %get3A_247 = tpu.vector_load %arg22[%get3A_245, %get3A_246] {strides = array<i32>} : memref<128x64xf32, #tpu.memory_space<vmem>>, vector<16xf32>,
        %mul3A_248 = arith.mulf %get3A_247, %broadcast_in_dim3A_237 : vector<16xf32>
        %swap3A_249 = arith.index_cast %add3A_234 : i32 to index
        %swap3A_250 = arith.constant 16 : index
        %swap3A_251 = tpu.vector_load %arg26[%swap3A_249, %swap3A_250] {strides = array<i32>} : memref<128x64xf32, #tpu.memory_space<vmem>>, vector<16xf32>,
        tpu.vector_store %arg26[%swap3A_249, %swap3A_250], %mul3A_248 {strides = array<i32>} : memref<128x64xf32, #tpu.memory_space<vmem>>, vector<16xf32>,
        %get3A_252 = arith.index_cast %add3A_234 : i32 to index
        %get3A_253 = arith.constant 32 : index
        %get3A_254 = tpu.vector_load %arg22[%get3A_252, %get3A_253] {strides = array<i32>} : memref<128x64xf32, #tpu.memory_space<vmem>>, vector<16xf32>,
        %mul3A_255 = arith.mulf %get3A_254, %broadcast_in_dim3A_237 : vector<16xf32>
        %swap3A_256 = arith.index_cast %add3A_234 : i32 to index
        %swap3A_257 = arith.constant 32 : index
        %swap3A_258 = tpu.vector_load %arg26[%swap3A_256, %swap3A_257] {strides = array<i32>} : memref<128x64xf32, #tpu.memory_space<vmem>>, vector<16xf32>,
        tpu.vector_store %arg26[%swap3A_256, %swap3A_257], %mul3A_255 {strides = array<i32>} : memref<128x64xf32, #tpu.memory_space<vmem>>, vector<16xf32>,
        %get3A_259 = arith.index_cast %add3A_234 : i32 to index
        %get3A_260 = arith.constant 48 : index
        %get3A_261 = tpu.vector_load %arg22[%get3A_259, %get3A_260] {strides = array<i32>} : memref<128x64xf32, #tpu.memory_space<vmem>>, vector<16xf32>,
        %mul3A_262 = arith.mulf %get3A_261, %broadcast_in_dim3A_237 : vector<16xf32>
        %swap3A_263 = arith.index_cast %add3A_234 : i32 to index
        %swap3A_264 = arith.constant 48 : index
        %swap3A_265 = tpu.vector_load %arg26[%swap3A_263, %swap3A_264] {strides = array<i32>} : memref<128x64xf32, #tpu.memory_space<vmem>>, vector<16xf32>,
        tpu.vector_store %arg26[%swap3A_263, %swap3A_264], %mul3A_262 {strides = array<i32>} : memref<128x64xf32, #tpu.memory_space<vmem>>, vector<16xf32>,
        %scan3A_266 = arith.constant 0 : i32
        scf.yield %scan3A_266 : i32
      }
      %scan3A_90 = arith.constant 32 : i32
      %dma_start3A_91 = arith.constant 0 : i32
      %dma_start3A_92 = tpu.memref_slice %arg17[%add3A_25, %dma_start3A_91] : memref<40x128xi32, #tpu.memory_space<vmem>> -> memref<1x128xi32, #tpu.memory_space<vmem>>
      %dma_start3A_93 = tpu.memref_squeeze %dma_start3A_92 : memref<1x128xi32, #tpu.memory_space<vmem>> -> memref<128xi32, #tpu.memory_space<vmem>>
      %dma_start3A_94 = arith.constant 0 : i32
      %dma_start3A_95 = arith.constant 0 : i32
      %dma_start3A_96 = tpu.memref_slice %arg14[%dma_start3A_94, %dma_start3A_95] : memref<10240x64xf32, #tpu.memory_space<vmem_shared>> -> memref<10240x64xf32, #tpu.memory_space<vmem_shared>>
      tpu.enqueue_indirect_dma source(%arg26 : memref<128x64xf32, #tpu.memory_space<vmem>>) target(%dma_start3A_96 : memref<10240x64xf32, #tpu.memory_space<vmem_shared>>) offsets(%dma_start3A_93 : memref<128xi32, #tpu.memory_space<vmem>>) semaphore(%arg30 : memref<!tpu.dma_semaphore, #tpu.memory_space<semaphore_mem>>) {add = true}
      %dma_wait3A_97 = arith.constant 0 : i32
      %dma_wait3A_98 = tpu.memref_slice %arg23[%dma_wait3A_97] : memref<144xf32, #tpu.memory_space<vmem>> -> memref<128xf32, #tpu.memory_space<vmem>>
      %dma_wait3A_99 = arith.constant 0 : i32
      %dma_wait3A_100 = tpu.memref_slice %arg17[%add3A_18, %dma_wait3A_99] : memref<40x128xi32, #tpu.memory_space<vmem>> -> memref<1x128xi32, #tpu.memory_space<vmem>>
      %dma_wait3A_101 = tpu.memref_squeeze %dma_wait3A_100 : memref<1x128xi32, #tpu.memory_space<vmem>> -> memref<128xi32, #tpu.memory_space<vmem>>
      %dma_wait3A_102 = arith.constant 0 : i32
      %dma_wait3A_103 = tpu.memref_slice %arg15[%dma_wait3A_102] : memref<10240xf32, #tpu.memory_space<vmem_shared>> -> memref<10240xf32, #tpu.memory_space<vmem_shared>>
      tpu.wait_indirect_dma semaphore(%arg29 : memref<!tpu.dma_semaphore, #tpu.memory_space<semaphore_mem>>) src(%dma_wait3A_98 : memref<128xf32, #tpu.memory_space<vmem>>) dst(%dma_wait3A_103 : memref<10240xf32, #tpu.memory_space<vmem_shared>>)
      %dma_wait3A_104 = arith.constant 0 : i32
      %dma_wait3A_105 = tpu.memref_slice %arg17[%add3A_18, %dma_wait3A_104] : memref<40x128xi32, #tpu.memory_space<vmem>> -> memref<1x128xi32, #tpu.memory_space<vmem>>
      %dma_wait3A_106 = tpu.memref_squeeze %dma_wait3A_105 : memref<1x128xi32, #tpu.memory_space<vmem>> -> memref<128xi32, #tpu.memory_space<vmem>>
      %dma_wait3A_107 = arith.constant 0 : i32
      %dma_wait3A_108 = arith.constant 0 : i32
      %dma_wait3A_109 = tpu.memref_slice %arg14[%dma_wait3A_107, %dma_wait3A_108] : memref<10240x64xf32, #tpu.memory_space<vmem_shared>> -> memref<10240x64xf32, #tpu.memory_space<vmem_shared>>
      tpu.wait_indirect_dma semaphore(%arg29 : memref<!tpu.dma_semaphore, #tpu.memory_space<semaphore_mem>>) src(%arg25 : memref<128x64xf32, #tpu.memory_space<vmem>>) dst(%dma_wait3A_109 : memref<10240x64xf32, #tpu.memory_space<vmem_shared>>)
      %dma_wait3A_110 = arith.constant 0 : i32
      %dma_wait3A_111 = tpu.memref_slice %arg24[%dma_wait3A_110] : memref<144xf32, #tpu.memory_space<vmem>> -> memref<128xf32, #tpu.memory_space<vmem>>
      %dma_wait3A_112 = arith.constant 0 : i32
      %dma_wait3A_113 = tpu.memref_slice %arg17[%add3A_25, %dma_wait3A_112] : memref<40x128xi32, #tpu.memory_space<vmem>> -> memref<1x128xi32, #tpu.memory_space<vmem>>
      %dma_wait3A_114 = tpu.memref_squeeze %dma_wait3A_113 : memref<1x128xi32, #tpu.memory_space<vmem>> -> memref<128xi32, #tpu.memory_space<vmem>>
      %dma_wait3A_115 = arith.constant 0 : i32
      %dma_wait3A_116 = tpu.memref_slice %arg15[%dma_wait3A_115] : memref<10240xf32, #tpu.memory_space<vmem_shared>> -> memref<10240xf32, #tpu.memory_space<vmem_shared>>
      tpu.wait_indirect_dma semaphore(%arg30 : memref<!tpu.dma_semaphore, #tpu.memory_space<semaphore_mem>>) src(%dma_wait3A_111 : memref<128xf32, #tpu.memory_space<vmem>>) dst(%dma_wait3A_116 : memref<10240xf32, #tpu.memory_space<vmem_shared>>)
      %dma_wait3A_117 = arith.constant 0 : i32
      %dma_wait3A_118 = tpu.memref_slice %arg17[%add3A_25, %dma_wait3A_117] : memref<40x128xi32, #tpu.memory_space<vmem>> -> memref<1x128xi32, #tpu.memory_space<vmem>>
      %dma_wait3A_119 = tpu.memref_squeeze %dma_wait3A_118 : memref<1x128xi32, #tpu.memory_space<vmem>> -> memref<128xi32, #tpu.memory_space<vmem>>
      %dma_wait3A_120 = arith.constant 0 : i32
      %dma_wait3A_121 = arith.constant 0 : i32
      %dma_wait3A_122 = tpu.memref_slice %arg14[%dma_wait3A_120, %dma_wait3A_121] : memref<10240x64xf32, #tpu.memory_space<vmem_shared>> -> memref<10240x64xf32, #tpu.memory_space<vmem_shared>>
      tpu.wait_indirect_dma semaphore(%arg30 : memref<!tpu.dma_semaphore, #tpu.memory_space<semaphore_mem>>) src(%arg26 : memref<128x64xf32, #tpu.memory_space<vmem>>) dst(%dma_wait3A_122 : memref<10240x64xf32, #tpu.memory_space<vmem_shared>>)
      %scan3A_123 = arith.constant 0 : i32
      scf.yield %scan3A_123 : i32
    }
    %scan3A_11 = arith.constant 20 : i32
    %barrier3A_12 = arith.constant 0 : index
    tpu.barrier barrier_id(%barrier3A_12)
    "tpu.region"() ({
      %run_scoped3A = tpu.sem_alloc : memref<!tpu.dma_semaphore, #tpu.memory_space<semaphore_mem>>
      %dma_start3A = arith.constant 0 : i32
      %dma_start3A_13 = tpu.memref_slice %arg10[%arg0, %mul3A_0, %dma_start3A] : memref<2x10240x64xf32, #tpu.memory_space<hbm>> -> memref<1x640x64xf32, #tpu.memory_space<hbm>>
      %dma_start3A_14 = tpu.memref_squeeze %dma_start3A_13 : memref<1x640x64xf32, #tpu.memory_space<hbm>> -> memref<640x64xf32, #tpu.memory_space<hbm>>
      %dma_start3A_15 = arith.constant 0 : i32
      %dma_start3A_16 = tpu.memref_slice %arg14[%mul3A_0, %dma_start3A_15] : memref<10240x64xf32, #tpu.memory_space<vmem_shared>> -> memref<640x64xf32, #tpu.memory_space<vmem_shared>>
      tpu.enqueue_dma source(%dma_start3A_16 : memref<640x64xf32, #tpu.memory_space<vmem_shared>>) target(%dma_start3A_14 : memref<640x64xf32, #tpu.memory_space<hbm>>) target_semaphore(%run_scoped3A : memref<!tpu.dma_semaphore, #tpu.memory_space<semaphore_mem>>)
      %dma_wait3A = arith.constant 0 : i32
      %dma_wait3A_17 = tpu.memref_slice %arg10[%arg0, %mul3A_0, %dma_wait3A] : memref<2x10240x64xf32, #tpu.memory_space<hbm>> -> memref<1x640x64xf32, #tpu.memory_space<hbm>>
      %dma_wait3A_18 = tpu.memref_squeeze %dma_wait3A_17 : memref<1x640x64xf32, #tpu.memory_space<hbm>> -> memref<640x64xf32, #tpu.memory_space<hbm>>
      %dma_wait3A_19 = arith.constant 0 : i32
      %dma_wait3A_20 = tpu.memref_slice %arg14[%mul3A_0, %dma_wait3A_19] : memref<10240x64xf32, #tpu.memory_space<vmem_shared>> -> memref<640x64xf32, #tpu.memory_space<vmem_shared>>
      tpu.wait_dma2 semaphore(%run_scoped3A : memref<!tpu.dma_semaphore, #tpu.memory_space<semaphore_mem>>) src(%dma_wait3A_20 : memref<640x64xf32, #tpu.memory_space<vmem_shared>>) dst(%dma_wait3A_18 : memref<640x64xf32, #tpu.memory_space<hbm>>)
      tpu.yield
    }) : () -> ()
    "tpu.region"() ({
      %run_scoped3A = tpu.sem_alloc : memref<!tpu.dma_semaphore, #tpu.memory_space<semaphore_mem>>
      %dma_start3A = tpu.memref_slice %arg11[%arg0, %mul3A_0] : memref<2x10240xf32, #tpu.memory_space<hbm>> -> memref<1x640xf32, #tpu.memory_space<hbm>>
      %dma_start3A_13 = tpu.memref_squeeze %dma_start3A : memref<1x640xf32, #tpu.memory_space<hbm>> -> memref<640xf32, #tpu.memory_space<hbm>>
      %dma_start3A_14 = tpu.memref_slice %arg15[%mul3A_0] : memref<10240xf32, #tpu.memory_space<vmem_shared>> -> memref<640xf32, #tpu.memory_space<vmem_shared>>
      tpu.enqueue_dma source(%dma_start3A_14 : memref<640xf32, #tpu.memory_space<vmem_shared>>) target(%dma_start3A_13 : memref<640xf32, #tpu.memory_space<hbm>>) target_semaphore(%run_scoped3A : memref<!tpu.dma_semaphore, #tpu.memory_space<semaphore_mem>>)
      %dma_wait3A = tpu.memref_slice %arg11[%arg0, %mul3A_0] : memref<2x10240xf32, #tpu.memory_space<hbm>> -> memref<1x640xf32, #tpu.memory_space<hbm>>
      %dma_wait3A_15 = tpu.memref_squeeze %dma_wait3A : memref<1x640xf32, #tpu.memory_space<hbm>> -> memref<640xf32, #tpu.memory_space<hbm>>
      %dma_wait3A_16 = tpu.memref_slice %arg15[%mul3A_0] : memref<10240xf32, #tpu.memory_space<vmem_shared>> -> memref<640xf32, #tpu.memory_space<vmem_shared>>
      tpu.wait_dma2 semaphore(%run_scoped3A : memref<!tpu.dma_semaphore, #tpu.memory_space<semaphore_mem>>) src(%dma_wait3A_16 : memref<640xf32, #tpu.memory_space<vmem_shared>>) dst(%dma_wait3A_15 : memref<640xf32, #tpu.memory_space<hbm>>)
      tpu.yield
    }) : () -> ()
    return
  }
}

module attributes {stable_mosaic.version = 14 : i64} {
  func.func @_prep_body(%arg0: i32, %arg1: memref<1000x256xf32, #tpu.memory_space<vmem>>, %arg2: memref<256x64xf32, #tpu.memory_space<vmem>>, %arg3: memref<64x8xf32, #tpu.memory_space<vmem>>, %arg4: memref<64x8xf32, #tpu.memory_space<vmem>>, %arg5: memref<1000x64xf32, #tpu.memory_space<vmem>>, %arg6: memref<1000x16xf32, #tpu.memory_space<vmem>>, %arg7: memref<1000x16xf32, #tpu.memory_space<vmem>>, %arg8: memref<1x8xf32, #tpu.memory_space<vmem>>, %arg9: memref<1x8xf32, #tpu.memory_space<vmem>>) attributes {dimension_semantics = [#tpu.dimension_semantics<arbitrary>], iteration_bounds = array<i64: 10>, scalar_prefetch = 0 : i64, scratch_operands = 0 : i64, tpu.core_type = #tpu.core_type<tc>, window_params = [{transform_indices = @transform_0, window_bounds = array<i64: 1000, 256>}, {pipeline_mode = #tpu.pipeline_mode<synchronous>, transform_indices = @transform_1, window_bounds = array<i64: 256, 64>}, {pipeline_mode = #tpu.pipeline_mode<synchronous>, transform_indices = @transform_2, window_bounds = array<i64: 64, 8>}, {pipeline_mode = #tpu.pipeline_mode<synchronous>, transform_indices = @transform_3, window_bounds = array<i64: 64, 8>}, {transform_indices = @transform_4, window_bounds = array<i64: 1000, 64>}, {transform_indices = @transform_5, window_bounds = array<i64: 1000, 16>}, {transform_indices = @transform_6, window_bounds = array<i64: 1000, 16>}, {pipeline_mode = #tpu.pipeline_mode<synchronous>, transform_indices = @transform_7, window_bounds = array<i64: 1, 8>}, {pipeline_mode = #tpu.pipeline_mode<synchronous>, transform_indices = @transform_8, window_bounds = array<i64: 1, 8>}]} {
    %get3A = arith.constant 0 : index
    %get3A_0 = arith.constant 0 : index
    %get3A_1 = vector.load %arg1[%get3A, %get3A_0] : memref<1000x256xf32, #tpu.memory_space<vmem>>, vector<1000x256xf32>
    %get3A_2 = arith.constant 0 : index
    %get3A_3 = arith.constant 0 : index
    %get3A_4 = vector.load %arg2[%get3A_2, %get3A_3] : memref<256x64xf32, #tpu.memory_space<vmem>>, vector<256x64xf32>
    %dot_general3A = arith.constant dense<0.000000e+00> : vector<1000x64xf32>
    %dot_general3A_5 = tpu.matmul %get3A_1, %get3A_4, %dot_general3A {dimension_numbers = #tpu.dot_dimension_numbers<[1], [0], [0], [1], [0, 0, 1, 1], [], []>, transpose_lhs_hint = false} : vector<1000x256xf32>, vector<256x64xf32>, vector<1000x64xf32> -> vector<1000x64xf32>
    %swap3A = arith.constant 0 : index
    %swap3A_6 = arith.constant 0 : index
    %swap3A_7 = vector.load %arg5[%swap3A, %swap3A_6] : memref<1000x64xf32, #tpu.memory_space<vmem>>, vector<1000x64xf32>
    tpu.vector_store %arg5[%swap3A, %swap3A_6], %dot_general3A_5 {strides = array<i32>} : memref<1000x64xf32, #tpu.memory_space<vmem>>, vector<1000x64xf32>,
    %get3A_8 = arith.constant 0 : index
    %get3A_9 = arith.constant 0 : index
    %get3A_10 = vector.load %arg3[%get3A_8, %get3A_9] : memref<64x8xf32, #tpu.memory_space<vmem>>, vector<64x8xf32>
    %dot_general3A_11 = arith.constant dense<0.000000e+00> : vector<1000x8xf32>
    %dot_general3A_12 = tpu.matmul %dot_general3A_5, %get3A_10, %dot_general3A_11 {dimension_numbers = #tpu.dot_dimension_numbers<[1], [0], [0], [1], [0, 0, 1, 1], [], []>, transpose_lhs_hint = false} : vector<1000x64xf32>, vector<64x8xf32>, vector<1000x8xf32> -> vector<1000x8xf32>
    %get3A_13 = arith.constant 0 : index
    %get3A_14 = arith.constant 0 : index
    %get3A_15 = vector.load %arg4[%get3A_13, %get3A_14] : memref<64x8xf32, #tpu.memory_space<vmem>>, vector<64x8xf32>
    %dot_general3A_16 = arith.constant dense<0.000000e+00> : vector<1000x8xf32>
    %dot_general3A_17 = tpu.matmul %dot_general3A_5, %get3A_15, %dot_general3A_16 {dimension_numbers = #tpu.dot_dimension_numbers<[1], [0], [0], [1], [0, 0, 1, 1], [], []>, transpose_lhs_hint = false} : vector<1000x64xf32>, vector<64x8xf32>, vector<1000x8xf32> -> vector<1000x8xf32>
    %concatenate3A = tpu.concatenate %dot_general3A_12, %dot_general3A_12 in 1 : vector<1000x8xf32>, vector<1000x8xf32> -> vector<1000x16xf32>
    %swap3A_18 = arith.constant 0 : index
    %swap3A_19 = arith.constant 0 : index
    %swap3A_20 = vector.load %arg6[%swap3A_18, %swap3A_19] : memref<1000x16xf32, #tpu.memory_space<vmem>>, vector<1000x16xf32>
    tpu.vector_store %arg6[%swap3A_18, %swap3A_19], %concatenate3A {strides = array<i32>} : memref<1000x16xf32, #tpu.memory_space<vmem>>, vector<1000x16xf32>,
    %concatenate3A_21 = tpu.concatenate %dot_general3A_17, %dot_general3A_17 in 1 : vector<1000x8xf32>, vector<1000x8xf32> -> vector<1000x16xf32>
    %swap3A_22 = arith.constant 0 : index
    %swap3A_23 = arith.constant 0 : index
    %swap3A_24 = vector.load %arg7[%swap3A_22, %swap3A_23] : memref<1000x16xf32, #tpu.memory_space<vmem>>, vector<1000x16xf32>
    tpu.vector_store %arg7[%swap3A_22, %swap3A_23], %concatenate3A_21 {strides = array<i32>} : memref<1000x16xf32, #tpu.memory_space<vmem>>, vector<1000x16xf32>,
    %reduce_max3A = arith.constant dense<0xFF800000> : vector<8xf32>
    %reduce_max3A_25 = vector.multi_reduction <maximumf>, %dot_general3A_12, %reduce_max3A [0] : vector<1000x8xf32> to vector<8xf32>
    %broadcast_in_dim3A = vector.shape_cast %reduce_max3A_25 : vector<8xf32> to vector<1x8xf32>
    %reduce_max3A_26 = arith.constant dense<0xFF800000> : vector<8xf32>
    %reduce_max3A_27 = vector.multi_reduction <maximumf>, %dot_general3A_17, %reduce_max3A_26 [0] : vector<1000x8xf32> to vector<8xf32>
    %broadcast_in_dim3A_28 = vector.shape_cast %reduce_max3A_27 : vector<8xf32> to vector<1x8xf32>
    %broadcast_in_dim3A_29 = arith.constant 0xFF800000 : f32
    %broadcast_in_dim3A_30 = vector.broadcast %broadcast_in_dim3A_29 : f32 to vector<1x8xf32>
    %eq3A = arith.constant 0 : i32
    %eq3A_31 = arith.cmpi eq, %arg0, %eq3A : i32
    %get3A_32 = arith.constant 0 : index
    %get3A_33 = arith.constant 0 : index
    %get3A_34 = vector.load %arg8[%get3A_32, %get3A_33] : memref<1x8xf32, #tpu.memory_space<vmem>>, vector<1x8xf32>
    %select_n3A = arith.select %eq3A_31, %broadcast_in_dim3A_30, %get3A_34 : vector<1x8xf32>
    %eq3A_35 = arith.constant 0 : i32
    %eq3A_36 = arith.cmpi eq, %arg0, %eq3A_35 : i32
    %get3A_37 = arith.constant 0 : index
    %get3A_38 = arith.constant 0 : index
    %get3A_39 = vector.load %arg9[%get3A_37, %get3A_38] : memref<1x8xf32, #tpu.memory_space<vmem>>, vector<1x8xf32>
    %select_n3A_40 = arith.select %eq3A_36, %broadcast_in_dim3A_30, %get3A_39 : vector<1x8xf32>
    %max3A = arith.maximumf %select_n3A, %broadcast_in_dim3A : vector<1x8xf32>
    %swap3A_41 = arith.constant 0 : index
    %swap3A_42 = arith.constant 0 : index
    %swap3A_43 = vector.load %arg8[%swap3A_41, %swap3A_42] : memref<1x8xf32, #tpu.memory_space<vmem>>, vector<1x8xf32>
    tpu.vector_store %arg8[%swap3A_41, %swap3A_42], %max3A {strides = array<i32>} : memref<1x8xf32, #tpu.memory_space<vmem>>, vector<1x8xf32>,
    %max3A_44 = arith.maximumf %select_n3A_40, %broadcast_in_dim3A_28 : vector<1x8xf32>
    %swap3A_45 = arith.constant 0 : index
    %swap3A_46 = arith.constant 0 : index
    %swap3A_47 = vector.load %arg9[%swap3A_45, %swap3A_46] : memref<1x8xf32, #tpu.memory_space<vmem>>, vector<1x8xf32>
    tpu.vector_store %arg9[%swap3A_45, %swap3A_46], %max3A_44 {strides = array<i32>} : memref<1x8xf32, #tpu.memory_space<vmem>>, vector<1x8xf32>,
    return
  }
  func.func @transform_0(%arg0: i32) -> (i32, i32) {
    %c0_i32 = arith.constant 0 : i32
    %c0_i32_0 = arith.constant 0 : i32
    return %arg0, %c0_i32 : i32, i32
  }
  func.func @transform_1(%arg0: i32) -> (i32, i32) {
    %c0_i32 = arith.constant 0 : i32
    %c0_i32_0 = arith.constant 0 : i32
    %c0_i32_1 = arith.constant 0 : i32
    return %c0_i32, %c0_i32_0 : i32, i32
  }
  func.func @transform_2(%arg0: i32) -> (i32, i32) {
    %c0_i32 = arith.constant 0 : i32
    %c0_i32_0 = arith.constant 0 : i32
    %c0_i32_1 = arith.constant 0 : i32
    return %c0_i32, %c0_i32_0 : i32, i32
  }
  func.func @transform_3(%arg0: i32) -> (i32, i32) {
    %c0_i32 = arith.constant 0 : i32
    %c0_i32_0 = arith.constant 0 : i32
    %c0_i32_1 = arith.constant 0 : i32
    return %c0_i32, %c0_i32_0 : i32, i32
  }
  func.func @transform_4(%arg0: i32) -> (i32, i32) {
    %c0_i32 = arith.constant 0 : i32
    %c0_i32_0 = arith.constant 0 : i32
    return %arg0, %c0_i32 : i32, i32
  }
  func.func @transform_5(%arg0: i32) -> (i32, i32) {
    %c0_i32 = arith.constant 0 : i32
    %c0_i32_0 = arith.constant 0 : i32
    return %arg0, %c0_i32 : i32, i32
  }
  func.func @transform_6(%arg0: i32) -> (i32, i32) {
    %c0_i32 = arith.constant 0 : i32
    %c0_i32_0 = arith.constant 0 : i32
    return %arg0, %c0_i32 : i32, i32
  }
  func.func @transform_7(%arg0: i32) -> (i32, i32) {
    %c0_i32 = arith.constant 0 : i32
    %c0_i32_0 = arith.constant 0 : i32
    %c0_i32_1 = arith.constant 0 : i32
    return %c0_i32, %c0_i32_0 : i32, i32
  }
  func.func @transform_8(%arg0: i32) -> (i32, i32) {
    %c0_i32 = arith.constant 0 : i32
    %c0_i32_0 = arith.constant 0 : i32
    %c0_i32_1 = arith.constant 0 : i32
    return %c0_i32, %c0_i32_0 : i32, i32
  }
}

module attributes {stable_mosaic.version = 14 : i64} {
  func.func @_mid_body(%arg0: i32, %arg1: memref<2x1000x64xf32, #tpu.memory_space<vmem>>, %arg2: memref<2x1000x16xf32, #tpu.memory_space<vmem>>, %arg3: memref<1000x16xf32, #tpu.memory_space<vmem>>, %arg4: memref<1000x16xf32, #tpu.memory_space<vmem>>, %arg5: memref<1000x64xf32, #tpu.memory_space<vmem>>, %arg6: memref<1x1xf32, #tpu.memory_space<vmem>>, %arg7: memref<64x64xf32, #tpu.memory_space<vmem>>, %arg8: memref<64x8xf32, #tpu.memory_space<vmem>>, %arg9: memref<64x8xf32, #tpu.memory_space<vmem>>, %arg10: memref<1x64xf32, #tpu.memory_space<vmem>>, %arg11: memref<8x64xf32, #tpu.memory_space<vmem>>, %arg12: memref<1000x64xf32, #tpu.memory_space<vmem>>, %arg13: memref<1000x8xf32, #tpu.memory_space<vmem>>, %arg14: memref<1000x8xf32, #tpu.memory_space<vmem>>, %arg15: memref<1000x1xf32, #tpu.memory_space<vmem>>, %arg16: memref<1000x1xf32, #tpu.memory_space<vmem>>, %arg17: memref<1x8xf32, #tpu.memory_space<vmem>>, %arg18: memref<1x8xf32, #tpu.memory_space<vmem>>) attributes {dimension_semantics = [#tpu.dimension_semantics<arbitrary>], iteration_bounds = array<i64: 10>, scalar_prefetch = 0 : i64, scratch_operands = 0 : i64, tpu.core_type = #tpu.core_type<tc>, window_params = [{transform_indices = @transform_0, window_bounds = array<i64: 2, 1000, 64>}, {transform_indices = @transform_1, window_bounds = array<i64: 2, 1000, 16>}, {transform_indices = @transform_2, window_bounds = array<i64: 1000, 16>}, {transform_indices = @transform_3, window_bounds = array<i64: 1000, 16>}, {transform_indices = @transform_4, window_bounds = array<i64: 1000, 64>}, {pipeline_mode = #tpu.pipeline_mode<synchronous>, transform_indices = @transform_5, window_bounds = array<i64: 1, 1>}, {pipeline_mode = #tpu.pipeline_mode<synchronous>, transform_indices = @transform_6, window_bounds = array<i64: 64, 64>}, {pipeline_mode = #tpu.pipeline_mode<synchronous>, transform_indices = @transform_7, window_bounds = array<i64: 64, 8>}, {pipeline_mode = #tpu.pipeline_mode<synchronous>, transform_indices = @transform_8, window_bounds = array<i64: 64, 8>}, {pipeline_mode = #tpu.pipeline_mode<synchronous>, transform_indices = @transform_9, window_bounds = array<i64: 1, 64>}, {pipeline_mode = #tpu.pipeline_mode<synchronous>, transform_indices = @transform_10, window_bounds = array<i64: 8, 64>}, {transform_indices = @transform_11, window_bounds = array<i64: 1000, 64>}, {transform_indices = @transform_12, window_bounds = array<i64: 1000, 8>}, {transform_indices = @transform_13, window_bounds = array<i64: 1000, 8>}, {transform_indices = @transform_14, window_bounds = array<i64: 1000, 1>}, {transform_indices = @transform_15, window_bounds = array<i64: 1000, 1>}, {pipeline_mode = #tpu.pipeline_mode<synchronous>, transform_indices = @transform_16, window_bounds = array<i64: 1, 8>}, {pipeline_mode = #tpu.pipeline_mode<synchronous>, transform_indices = @transform_17, window_bounds = array<i64: 1, 8>}]} {
    %get3A = arith.constant 0 : index
    %get3A_0 = arith.constant 0 : index
    %get3A_1 = vector.load %arg6[%get3A, %get3A_0] : memref<1x1xf32, #tpu.memory_space<vmem>>, vector<1x1xf32>
    %get3A_2 = vector.extract %get3A_1[0, 0] : f32 from vector<1x1xf32>
    %get3A_3 = arith.constant 0 : index
    %get3A_4 = arith.constant 0 : index
    %get3A_5 = vector.load %arg3[%get3A_3, %get3A_4] : memref<1000x16xf32, #tpu.memory_space<vmem>>, vector<1000x16xf32>
    %slice3A = vector.extract_strided_slice %get3A_5 {offsets = [0, 0], sizes = [1000, 8], strides = [1, 1]} : vector<1000x16xf32> to vector<1000x8xf32>
    %get3A_6 = arith.constant 0 : index
    %get3A_7 = arith.constant 0 : index
    %get3A_8 = vector.load %arg4[%get3A_6, %get3A_7] : memref<1000x16xf32, #tpu.memory_space<vmem>>, vector<1000x16xf32>
    %slice3A_9 = vector.extract_strided_slice %get3A_8 {offsets = [0, 0], sizes = [1000, 8], strides = [1, 1]} : vector<1000x16xf32> to vector<1000x8xf32>
    %add3A = arith.addf %slice3A, %slice3A_9 : vector<1000x8xf32>
    %ge3A = arith.constant 0.000000e+00 : f32
    %ge3A_10 = vector.broadcast %ge3A : f32 to vector<1000x8xf32>
    %ge3A_11 = arith.cmpf oge, %add3A, %ge3A_10 : vector<1000x8xf32>
    %mul3A = arith.constant 2.000000e-01 : f32
    %mul3A_12 = vector.broadcast %mul3A : f32 to vector<1000x8xf32>
    %mul3A_13 = arith.mulf %mul3A_12, %add3A : vector<1000x8xf32>
    %select_n3A = arith.select %ge3A_11, %add3A, %mul3A_13 : vector<1000x8xi1>, vector<1000x8xf32>
    %sub3A = vector.broadcast %get3A_2 : f32 to vector<1000x8xf32>
    %sub3A_14 = arith.subf %select_n3A, %sub3A : vector<1000x8xf32>
    %exp3A = math.exp %sub3A_14 : vector<1000x8xf32>
    %get3A_15 = arith.constant 0 : index
    %get3A_16 = arith.constant 0 : index
    %get3A_17 = arith.constant 0 : index
    %get3A_18 = vector.load %arg2[%get3A_15, %get3A_16, %get3A_17] : memref<2x1000x16xf32, #tpu.memory_space<vmem>>, vector<2x1000x16xf32>
    %slice3A_19 = vector.extract_strided_slice %get3A_18 {offsets = [0, 0, 0], sizes = [1, 1000, 16], strides = [1, 1, 1]} : vector<2x1000x16xf32> to vector<1x1000x16xf32>
    %squeeze3A = vector.shape_cast %slice3A_19 : vector<1x1000x16xf32> to vector<1000x16xf32>
    %slice3A_20 = vector.extract_strided_slice %squeeze3A {offsets = [0, 0], sizes = [1000, 8], strides = [1, 1]} : vector<1000x16xf32> to vector<1000x8xf32>
    %slice3A_21 = vector.extract_strided_slice %get3A_18 {offsets = [1, 0, 0], sizes = [1, 1000, 16], strides = [1, 1, 1]} : vector<2x1000x16xf32> to vector<1x1000x16xf32>
    %squeeze3A_22 = vector.shape_cast %slice3A_21 : vector<1x1000x16xf32> to vector<1000x16xf32>
    %slice3A_23 = vector.extract_strided_slice %squeeze3A_22 {offsets = [0, 0], sizes = [1000, 8], strides = [1, 1]} : vector<1000x16xf32> to vector<1000x8xf32>
    %add3A_24 = arith.addf %slice3A_20, %slice3A_23 : vector<1000x8xf32>
    %add3A_25 = arith.addf %add3A_24, %exp3A : vector<1000x8xf32>
    %get3A_26 = arith.constant 0 : index
    %get3A_27 = arith.constant 0 : index
    %get3A_28 = arith.constant 0 : index
    %get3A_29 = vector.load %arg1[%get3A_26, %get3A_27, %get3A_28] : memref<2x1000x64xf32, #tpu.memory_space<vmem>>, vector<2x1000x64xf32>
    %slice3A_30 = vector.extract_strided_slice %get3A_29 {offsets = [0, 0, 0], sizes = [1, 1000, 64], strides = [1, 1, 1]} : vector<2x1000x64xf32> to vector<1x1000x64xf32>
    %squeeze3A_31 = vector.shape_cast %slice3A_30 : vector<1x1000x64xf32> to vector<1000x64xf32>
    %slice3A_32 = vector.extract_strided_slice %get3A_29 {offsets = [1, 0, 0], sizes = [1, 1000, 64], strides = [1, 1, 1]} : vector<2x1000x64xf32> to vector<1x1000x64xf32>
    %squeeze3A_33 = vector.shape_cast %slice3A_32 : vector<1x1000x64xf32> to vector<1000x64xf32>
    %add3A_34 = arith.addf %squeeze3A_31, %squeeze3A_33 : vector<1000x64xf32>
    %get3A_35 = arith.constant 0 : index
    %get3A_36 = arith.constant 0 : index
    %get3A_37 = vector.load %arg11[%get3A_35, %get3A_36] : memref<8x64xf32, #tpu.memory_space<vmem>>, vector<8x64xf32>
    %dot_general3A = arith.constant dense<0.000000e+00> : vector<1000x64xf32>
    %dot_general3A_38 = tpu.matmul %exp3A, %get3A_37, %dot_general3A {dimension_numbers = #tpu.dot_dimension_numbers<[1], [0], [0], [1], [0, 0, 1, 1], [], []>, transpose_lhs_hint = false} : vector<1000x8xf32>, vector<8x64xf32>, vector<1000x64xf32> -> vector<1000x64xf32>
    %get3A_39 = arith.constant 0 : index
    %get3A_40 = arith.constant 0 : index
    %get3A_41 = vector.load %arg5[%get3A_39, %get3A_40] : memref<1000x64xf32, #tpu.memory_space<vmem>>, vector<1000x64xf32>
    %mul3A_42 = arith.mulf %dot_general3A_38, %get3A_41 : vector<1000x64xf32>
    %add3A_43 = arith.addf %add3A_34, %mul3A_42 : vector<1000x64xf32>
    %get3A_44 = arith.constant 0 : index
    %get3A_45 = arith.constant 0 : index
    %get3A_46 = vector.load %arg11[%get3A_44, %get3A_45] : memref<8x64xf32, #tpu.memory_space<vmem>>, vector<8x64xf32>
    %dot_general3A_47 = arith.constant dense<0.000000e+00> : vector<1000x64xf32>
    %dot_general3A_48 = tpu.matmul %add3A_25, %get3A_46, %dot_general3A_47 {dimension_numbers = #tpu.dot_dimension_numbers<[1], [0], [0], [1], [0, 0, 1, 1], [], []>, transpose_lhs_hint = false} : vector<1000x8xf32>, vector<8x64xf32>, vector<1000x64xf32> -> vector<1000x64xf32>
    %add3A_49 = arith.constant 1.000000e-16 : f32
    %add3A_50 = vector.broadcast %add3A_49 : f32 to vector<1000x64xf32>
    %add3A_51 = arith.addf %dot_general3A_48, %add3A_50 : vector<1000x64xf32>
    %div3A = arith.divf %add3A_43, %add3A_51 : vector<1000x64xf32>
    %get3A_52 = arith.constant 0 : index
    %get3A_53 = arith.constant 0 : index
    %get3A_54 = vector.load %arg10[%get3A_52, %get3A_53] : memref<1x64xf32, #tpu.memory_space<vmem>>, vector<1x64xf32>
    %add3A_55 = vector.broadcast %get3A_54 : vector<1x64xf32> to vector<1000x64xf32>
    %add3A_56 = arith.addf %div3A, %add3A_55 : vector<1000x64xf32>
    %gt3A = arith.constant 0.000000e+00 : f32
    %gt3A_57 = vector.broadcast %gt3A : f32 to vector<1000x64xf32>
    %gt3A_58 = arith.cmpf ogt, %add3A_56, %gt3A_57 : vector<1000x64xf32>
    %exp3A_59 = math.exp %add3A_56 : vector<1000x64xf32>
    %sub3A_60 = arith.constant 1.000000e+00 : f32
    %sub3A_61 = vector.broadcast %sub3A_60 : f32 to vector<1000x64xf32>
    %sub3A_62 = arith.subf %exp3A_59, %sub3A_61 : vector<1000x64xf32>
    %select_n3A_63 = arith.select %gt3A_58, %add3A_56, %sub3A_62 : vector<1000x64xi1>, vector<1000x64xf32>
    %get3A_64 = arith.constant 0 : index
    %get3A_65 = arith.constant 0 : index
    %get3A_66 = vector.load %arg7[%get3A_64, %get3A_65] : memref<64x64xf32, #tpu.memory_space<vmem>>, vector<64x64xf32>
    %dot_general3A_67 = arith.constant dense<0.000000e+00> : vector<1000x64xf32>
    %dot_general3A_68 = tpu.matmul %select_n3A_63, %get3A_66, %dot_general3A_67 {dimension_numbers = #tpu.dot_dimension_numbers<[1], [0], [0], [1], [0, 0, 1, 1], [], []>, transpose_lhs_hint = false} : vector<1000x64xf32>, vector<64x64xf32>, vector<1000x64xf32> -> vector<1000x64xf32>
    %swap3A = arith.constant 0 : index
    %swap3A_69 = arith.constant 0 : index
    %swap3A_70 = vector.load %arg12[%swap3A, %swap3A_69] : memref<1000x64xf32, #tpu.memory_space<vmem>>, vector<1000x64xf32>
    tpu.vector_store %arg12[%swap3A, %swap3A_69], %dot_general3A_68 {strides = array<i32>} : memref<1000x64xf32, #tpu.memory_space<vmem>>, vector<1000x64xf32>,
    %get3A_71 = arith.constant 0 : index
    %get3A_72 = arith.constant 0 : index
    %get3A_73 = vector.load %arg8[%get3A_71, %get3A_72] : memref<64x8xf32, #tpu.memory_space<vmem>>, vector<64x8xf32>
    %dot_general3A_74 = arith.constant dense<0.000000e+00> : vector<1000x8xf32>
    %dot_general3A_75 = tpu.matmul %dot_general3A_68, %get3A_73, %dot_general3A_74 {dimension_numbers = #tpu.dot_dimension_numbers<[1], [0], [0], [1], [0, 0, 1, 1], [], []>, transpose_lhs_hint = false} : vector<1000x64xf32>, vector<64x8xf32>, vector<1000x8xf32> -> vector<1000x8xf32>
    %get3A_76 = arith.constant 0 : index
    %get3A_77 = arith.constant 0 : index
    %get3A_78 = vector.load %arg9[%get3A_76, %get3A_77] : memref<64x8xf32, #tpu.memory_space<vmem>>, vector<64x8xf32>
    %dot_general3A_79 = arith.constant dense<0.000000e+00> : vector<1000x8xf32>
    %dot_general3A_80 = tpu.matmul %dot_general3A_68, %get3A_78, %dot_general3A_79 {dimension_numbers = #tpu.dot_dimension_numbers<[1], [0], [0], [1], [0, 0, 1, 1], [], []>, transpose_lhs_hint = false} : vector<1000x64xf32>, vector<64x8xf32>, vector<1000x8xf32> -> vector<1000x8xf32>
    %swap3A_81 = arith.constant 0 : index
    %swap3A_82 = arith.constant 0 : index
    %swap3A_83 = vector.load %arg13[%swap3A_81, %swap3A_82] : memref<1000x8xf32, #tpu.memory_space<vmem>>, vector<1000x8xf32>
    tpu.vector_store %arg13[%swap3A_81, %swap3A_82], %dot_general3A_75 {strides = array<i32>} : memref<1000x8xf32, #tpu.memory_space<vmem>>, vector<1000x8xf32>,
    %swap3A_84 = arith.constant 0 : index
    %swap3A_85 = arith.constant 0 : index
    %swap3A_86 = vector.load %arg14[%swap3A_84, %swap3A_85] : memref<1000x8xf32, #tpu.memory_space<vmem>>, vector<1000x8xf32>
    tpu.vector_store %arg14[%swap3A_84, %swap3A_85], %dot_general3A_80 {strides = array<i32>} : memref<1000x8xf32, #tpu.memory_space<vmem>>, vector<1000x8xf32>,
    %slice3A_87 = vector.extract_strided_slice %dot_general3A_75 {offsets = [0, 0], sizes = [1000, 1], strides = [1, 1]} : vector<1000x8xf32> to vector<1000x1xf32>
    %swap3A_88 = arith.constant 0 : index
    %swap3A_89 = arith.constant 0 : index
    %swap3A_90 = vector.load %arg15[%swap3A_88, %swap3A_89] : memref<1000x1xf32, #tpu.memory_space<vmem>>, vector<1000x1xf32>
    tpu.vector_store %arg15[%swap3A_88, %swap3A_89], %slice3A_87 {strides = array<i32>} : memref<1000x1xf32, #tpu.memory_space<vmem>>, vector<1000x1xf32>,
    %slice3A_91 = vector.extract_strided_slice %dot_general3A_80 {offsets = [0, 0], sizes = [1000, 1], strides = [1, 1]} : vector<1000x8xf32> to vector<1000x1xf32>
    %swap3A_92 = arith.constant 0 : index
    %swap3A_93 = arith.constant 0 : index
    %swap3A_94 = vector.load %arg16[%swap3A_92, %swap3A_93] : memref<1000x1xf32, #tpu.memory_space<vmem>>, vector<1000x1xf32>
    tpu.vector_store %arg16[%swap3A_92, %swap3A_93], %slice3A_91 {strides = array<i32>} : memref<1000x1xf32, #tpu.memory_space<vmem>>, vector<1000x1xf32>,
    %reduce_max3A = arith.constant dense<0xFF800000> : vector<8xf32>
    %reduce_max3A_95 = vector.multi_reduction <maximumf>, %dot_general3A_75, %reduce_max3A [0] : vector<1000x8xf32> to vector<8xf32>
    %broadcast_in_dim3A = vector.shape_cast %reduce_max3A_95 : vector<8xf32> to vector<1x8xf32>
    %reduce_max3A_96 = arith.constant dense<0xFF800000> : vector<8xf32>
    %reduce_max3A_97 = vector.multi_reduction <maximumf>, %dot_general3A_80, %reduce_max3A_96 [0] : vector<1000x8xf32> to vector<8xf32>
    %broadcast_in_dim3A_98 = vector.shape_cast %reduce_max3A_97 : vector<8xf32> to vector<1x8xf32>
    %broadcast_in_dim3A_99 = arith.constant 0xFF800000 : f32
    %broadcast_in_dim3A_100 = vector.broadcast %broadcast_in_dim3A_99 : f32 to vector<1x8xf32>
    %eq3A = arith.constant 0 : i32
    %eq3A_101 = arith.cmpi eq, %arg0, %eq3A : i32
    %get3A_102 = arith.constant 0 : index
    %get3A_103 = arith.constant 0 : index
    %get3A_104 = vector.load %arg17[%get3A_102, %get3A_103] : memref<1x8xf32, #tpu.memory_space<vmem>>, vector<1x8xf32>
    %select_n3A_105 = arith.select %eq3A_101, %broadcast_in_dim3A_100, %get3A_104 : vector<1x8xf32>
    %max3A = arith.maximumf %select_n3A_105, %broadcast_in_dim3A : vector<1x8xf32>
    %swap3A_106 = arith.constant 0 : index
    %swap3A_107 = arith.constant 0 : index
    %swap3A_108 = vector.load %arg17[%swap3A_106, %swap3A_107] : memref<1x8xf32, #tpu.memory_space<vmem>>, vector<1x8xf32>
    tpu.vector_store %arg17[%swap3A_106, %swap3A_107], %max3A {strides = array<i32>} : memref<1x8xf32, #tpu.memory_space<vmem>>, vector<1x8xf32>,
    %eq3A_109 = arith.constant 0 : i32
    %eq3A_110 = arith.cmpi eq, %arg0, %eq3A_109 : i32
    %get3A_111 = arith.constant 0 : index
    %get3A_112 = arith.constant 0 : index
    %get3A_113 = vector.load %arg18[%get3A_111, %get3A_112] : memref<1x8xf32, #tpu.memory_space<vmem>>, vector<1x8xf32>
    %select_n3A_114 = arith.select %eq3A_110, %broadcast_in_dim3A_100, %get3A_113 : vector<1x8xf32>
    %max3A_115 = arith.maximumf %select_n3A_114, %broadcast_in_dim3A_98 : vector<1x8xf32>
    %swap3A_116 = arith.constant 0 : index
    %swap3A_117 = arith.constant 0 : index
    %swap3A_118 = vector.load %arg18[%swap3A_116, %swap3A_117] : memref<1x8xf32, #tpu.memory_space<vmem>>, vector<1x8xf32>
    tpu.vector_store %arg18[%swap3A_116, %swap3A_117], %max3A_115 {strides = array<i32>} : memref<1x8xf32, #tpu.memory_space<vmem>>, vector<1x8xf32>,
    return
  }
  func.func @transform_0(%arg0: i32) -> (i32, i32, i32) {
    %c0_i32 = arith.constant 0 : i32
    %c0_i32_0 = arith.constant 0 : i32
    %c0_i32_1 = arith.constant 0 : i32
    return %c0_i32, %arg0, %c0_i32_0 : i32, i32, i32
  }
  func.func @transform_1(%arg0: i32) -> (i32, i32, i32) {
    %c0_i32 = arith.constant 0 : i32
    %c0_i32_0 = arith.constant 0 : i32
    %c0_i32_1 = arith.constant 0 : i32
    return %c0_i32, %arg0, %c0_i32_0 : i32, i32, i32
  }
  func.func @transform_2(%arg0: i32) -> (i32, i32) {
    %c0_i32 = arith.constant 0 : i32
    %c0_i32_0 = arith.constant 0 : i32
    return %arg0, %c0_i32 : i32, i32
  }
  func.func @transform_3(%arg0: i32) -> (i32, i32) {
    %c0_i32 = arith.constant 0 : i32
    %c0_i32_0 = arith.constant 0 : i32
    return %arg0, %c0_i32 : i32, i32
  }
  func.func @transform_4(%arg0: i32) -> (i32, i32) {
    %c0_i32 = arith.constant 0 : i32
    %c0_i32_0 = arith.constant 0 : i32
    return %arg0, %c0_i32 : i32, i32
  }
  func.func @transform_5(%arg0: i32) -> (i32, i32) {
    %c0_i32 = arith.constant 0 : i32
    %c0_i32_0 = arith.constant 0 : i32
    %c0_i32_1 = arith.constant 0 : i32
    return %c0_i32, %c0_i32_0 : i32, i32
  }
  func.func @transform_6(%arg0: i32) -> (i32, i32) {
    %c0_i32 = arith.constant 0 : i32
    %c0_i32_0 = arith.constant 0 : i32
    %c0_i32_1 = arith.constant 0 : i32
    return %c0_i32, %c0_i32_0 : i32, i32
  }
  func.func @transform_7(%arg0: i32) -> (i32, i32) {
    %c0_i32 = arith.constant 0 : i32
    %c0_i32_0 = arith.constant 0 : i32
    %c0_i32_1 = arith.constant 0 : i32
    return %c0_i32, %c0_i32_0 : i32, i32
  }
  func.func @transform_8(%arg0: i32) -> (i32, i32) {
    %c0_i32 = arith.constant 0 : i32
    %c0_i32_0 = arith.constant 0 : i32
    %c0_i32_1 = arith.constant 0 : i32
    return %c0_i32, %c0_i32_0 : i32, i32
  }
  func.func @transform_9(%arg0: i32) -> (i32, i32) {
    %c0_i32 = arith.constant 0 : i32
    %c0_i32_0 = arith.constant 0 : i32
    %c0_i32_1 = arith.constant 0 : i32
    return %c0_i32, %c0_i32_0 : i32, i32
  }
  func.func @transform_10(%arg0: i32) -> (i32, i32) {
    %c0_i32 = arith.constant 0 : i32
    %c0_i32_0 = arith.constant 0 : i32
    %c0_i32_1 = arith.constant 0 : i32
    return %c0_i32, %c0_i32_0 : i32, i32
  }
  func.func @transform_11(%arg0: i32) -> (i32, i32) {
    %c0_i32 = arith.constant 0 : i32
    %c0_i32_0 = arith.constant 0 : i32
    return %arg0, %c0_i32 : i32, i32
  }
  func.func @transform_12(%arg0: i32) -> (i32, i32) {
    %c0_i32 = arith.constant 0 : i32
    %c0_i32_0 = arith.constant 0 : i32
    return %arg0, %c0_i32 : i32, i32
  }
  func.func @transform_13(%arg0: i32) -> (i32, i32) {
    %c0_i32 = arith.constant 0 : i32
    %c0_i32_0 = arith.constant 0 : i32
    return %arg0, %c0_i32 : i32, i32
  }
  func.func @transform_14(%arg0: i32) -> (i32, i32) {
    %c0_i32 = arith.constant 0 : i32
    %c0_i32_0 = arith.constant 0 : i32
    return %arg0, %c0_i32 : i32, i32
  }
  func.func @transform_15(%arg0: i32) -> (i32, i32) {
    %c0_i32 = arith.constant 0 : i32
    %c0_i32_0 = arith.constant 0 : i32
    return %arg0, %c0_i32 : i32, i32
  }
  func.func @transform_16(%arg0: i32) -> (i32, i32) {
    %c0_i32 = arith.constant 0 : i32
    %c0_i32_0 = arith.constant 0 : i32
    %c0_i32_1 = arith.constant 0 : i32
    return %c0_i32, %c0_i32_0 : i32, i32
  }
  func.func @transform_17(%arg0: i32) -> (i32, i32) {
    %c0_i32 = arith.constant 0 : i32
    %c0_i32_0 = arith.constant 0 : i32
    %c0_i32_1 = arith.constant 0 : i32
    return %c0_i32, %c0_i32_0 : i32, i32
  }
}

module attributes {stable_mosaic.version = 14 : i64} {
  func.func @_final_body(%arg0: i32, %arg1: memref<2x1000x64xf32, #tpu.memory_space<vmem>>, %arg2: memref<2x1000x1xf32, #tpu.memory_space<vmem>>, %arg3: memref<1000x8xf32, #tpu.memory_space<vmem>>, %arg4: memref<1000x8xf32, #tpu.memory_space<vmem>>, %arg5: memref<1000x64xf32, #tpu.memory_space<vmem>>, %arg6: memref<1x1xf32, #tpu.memory_space<vmem>>, %arg7: memref<1x64xf32, #tpu.memory_space<vmem>>, %arg8: memref<1000x64xf32, #tpu.memory_space<vmem>>) attributes {dimension_semantics = [#tpu.dimension_semantics<arbitrary>], iteration_bounds = array<i64: 10>, scalar_prefetch = 0 : i64, scratch_operands = 0 : i64, tpu.core_type = #tpu.core_type<tc>, window_params = [{transform_indices = @transform_0, window_bounds = array<i64: 2, 1000, 64>}, {transform_indices = @transform_1, window_bounds = array<i64: 2, 1000, 1>}, {transform_indices = @transform_2, window_bounds = array<i64: 1000, 8>}, {transform_indices = @transform_3, window_bounds = array<i64: 1000, 8>}, {transform_indices = @transform_4, window_bounds = array<i64: 1000, 64>}, {pipeline_mode = #tpu.pipeline_mode<synchronous>, transform_indices = @transform_5, window_bounds = array<i64: 1, 1>}, {pipeline_mode = #tpu.pipeline_mode<synchronous>, transform_indices = @transform_6, window_bounds = array<i64: 1, 64>}, {transform_indices = @transform_7, window_bounds = array<i64: 1000, 64>}]} {
    %get3A = arith.constant 0 : index
    %get3A_0 = arith.constant 0 : index
    %get3A_1 = vector.load %arg6[%get3A, %get3A_0] : memref<1x1xf32, #tpu.memory_space<vmem>>, vector<1x1xf32>
    %get3A_2 = vector.extract %get3A_1[0, 0] : f32 from vector<1x1xf32>
    %get3A_3 = arith.constant 0 : index
    %get3A_4 = arith.constant 0 : index
    %get3A_5 = vector.load %arg3[%get3A_3, %get3A_4] : memref<1000x8xf32, #tpu.memory_space<vmem>>, vector<1000x8xf32>
    %slice3A = vector.extract_strided_slice %get3A_5 {offsets = [0, 0], sizes = [1000, 1], strides = [1, 1]} : vector<1000x8xf32> to vector<1000x1xf32>
    %get3A_6 = arith.constant 0 : index
    %get3A_7 = arith.constant 0 : index
    %get3A_8 = vector.load %arg4[%get3A_6, %get3A_7] : memref<1000x8xf32, #tpu.memory_space<vmem>>, vector<1000x8xf32>
    %slice3A_9 = vector.extract_strided_slice %get3A_8 {offsets = [0, 0], sizes = [1000, 1], strides = [1, 1]} : vector<1000x8xf32> to vector<1000x1xf32>
    %add3A = arith.addf %slice3A, %slice3A_9 : vector<1000x1xf32>
    %ge3A = arith.constant 0.000000e+00 : f32
    %ge3A_10 = vector.broadcast %ge3A : f32 to vector<1000x1xf32>
    %ge3A_11 = arith.cmpf oge, %add3A, %ge3A_10 : vector<1000x1xf32>
    %mul3A = arith.constant 2.000000e-01 : f32
    %mul3A_12 = vector.broadcast %mul3A : f32 to vector<1000x1xf32>
    %mul3A_13 = arith.mulf %mul3A_12, %add3A : vector<1000x1xf32>
    %select_n3A = arith.select %ge3A_11, %add3A, %mul3A_13 : vector<1000x1xi1>, vector<1000x1xf32>
    %sub3A = vector.broadcast %get3A_2 : f32 to vector<1000x1xf32>
    %sub3A_14 = arith.subf %select_n3A, %sub3A : vector<1000x1xf32>
    %exp3A = math.exp %sub3A_14 : vector<1000x1xf32>
    %get3A_15 = arith.constant 0 : index
    %get3A_16 = arith.constant 0 : index
    %get3A_17 = arith.constant 0 : index
    %get3A_18 = vector.load %arg2[%get3A_15, %get3A_16, %get3A_17] : memref<2x1000x1xf32, #tpu.memory_space<vmem>>, vector<2x1000x1xf32>
    %slice3A_19 = vector.extract_strided_slice %get3A_18 {offsets = [0, 0, 0], sizes = [1, 1000, 1], strides = [1, 1, 1]} : vector<2x1000x1xf32> to vector<1x1000x1xf32>
    %squeeze3A = vector.shape_cast %slice3A_19 : vector<1x1000x1xf32> to vector<1000x1xf32>
    %slice3A_20 = vector.extract_strided_slice %get3A_18 {offsets = [1, 0, 0], sizes = [1, 1000, 1], strides = [1, 1, 1]} : vector<2x1000x1xf32> to vector<1x1000x1xf32>
    %squeeze3A_21 = vector.shape_cast %slice3A_20 : vector<1x1000x1xf32> to vector<1000x1xf32>
    %add3A_22 = arith.addf %squeeze3A, %squeeze3A_21 : vector<1000x1xf32>
    %add3A_23 = arith.addf %add3A_22, %exp3A : vector<1000x1xf32>
    %get3A_24 = arith.constant 0 : index
    %get3A_25 = arith.constant 0 : index
    %get3A_26 = arith.constant 0 : index
    %get3A_27 = vector.load %arg1[%get3A_24, %get3A_25, %get3A_26] : memref<2x1000x64xf32, #tpu.memory_space<vmem>>, vector<2x1000x64xf32>
    %slice3A_28 = vector.extract_strided_slice %get3A_27 {offsets = [0, 0, 0], sizes = [1, 1000, 64], strides = [1, 1, 1]} : vector<2x1000x64xf32> to vector<1x1000x64xf32>
    %squeeze3A_29 = vector.shape_cast %slice3A_28 : vector<1x1000x64xf32> to vector<1000x64xf32>
    %slice3A_30 = vector.extract_strided_slice %get3A_27 {offsets = [1, 0, 0], sizes = [1, 1000, 64], strides = [1, 1, 1]} : vector<2x1000x64xf32> to vector<1x1000x64xf32>
    %squeeze3A_31 = vector.shape_cast %slice3A_30 : vector<1x1000x64xf32> to vector<1000x64xf32>
    %add3A_32 = arith.addf %squeeze3A_29, %squeeze3A_31 : vector<1000x64xf32>
    %get3A_33 = arith.constant 0 : index
    %get3A_34 = arith.constant 0 : index
    %get3A_35 = vector.load %arg5[%get3A_33, %get3A_34] : memref<1000x64xf32, #tpu.memory_space<vmem>>, vector<1000x64xf32>
    %mul3A_36 = vector.broadcast %exp3A : vector<1000x1xf32> to vector<1000x64xf32>
    %mul3A_37 = arith.mulf %mul3A_36, %get3A_35 : vector<1000x64xf32>
    %add3A_38 = arith.addf %add3A_32, %mul3A_37 : vector<1000x64xf32>
    %add3A_39 = arith.constant 1.000000e-16 : f32
    %add3A_40 = vector.broadcast %add3A_39 : f32 to vector<1000x1xf32>
    %add3A_41 = arith.addf %add3A_23, %add3A_40 : vector<1000x1xf32>
    %div3A = vector.broadcast %add3A_41 : vector<1000x1xf32> to vector<1000x64xf32>
    %div3A_42 = arith.divf %add3A_38, %div3A : vector<1000x64xf32>
    %get3A_43 = arith.constant 0 : index
    %get3A_44 = arith.constant 0 : index
    %get3A_45 = vector.load %arg7[%get3A_43, %get3A_44] : memref<1x64xf32, #tpu.memory_space<vmem>>, vector<1x64xf32>
    %add3A_46 = vector.broadcast %get3A_45 : vector<1x64xf32> to vector<1000x64xf32>
    %add3A_47 = arith.addf %div3A_42, %add3A_46 : vector<1000x64xf32>
    %reduce_max3A = arith.constant dense<0xFF800000> : vector<1000xf32>
    %reduce_max3A_48 = vector.multi_reduction <maximumf>, %add3A_47, %reduce_max3A [1] : vector<1000x64xf32> to vector<1000xf32>
    %broadcast_in_dim3A = vector.shape_cast %reduce_max3A_48 : vector<1000xf32> to vector<1000x1xf32>
    %sub3A_49 = vector.broadcast %broadcast_in_dim3A : vector<1000x1xf32> to vector<1000x64xf32>
    %sub3A_50 = arith.subf %add3A_47, %sub3A_49 : vector<1000x64xf32>
    %exp3A_51 = math.exp %sub3A_50 : vector<1000x64xf32>
    %reduce_sum3A = arith.constant dense<0.000000e+00> : vector<1000xf32>
    %reduce_sum3A_52 = vector.multi_reduction <add>, %exp3A_51, %reduce_sum3A [1] : vector<1000x64xf32> to vector<1000xf32>
    %broadcast_in_dim3A_53 = vector.shape_cast %reduce_sum3A_52 : vector<1000xf32> to vector<1000x1xf32>
    %log3A = math.log %broadcast_in_dim3A_53 : vector<1000x1xf32>
    %sub3A_54 = vector.broadcast %log3A : vector<1000x1xf32> to vector<1000x64xf32>
    %sub3A_55 = arith.subf %sub3A_50, %sub3A_54 : vector<1000x64xf32>
    %swap3A = arith.constant 0 : index
    %swap3A_56 = arith.constant 0 : index
    %swap3A_57 = vector.load %arg8[%swap3A, %swap3A_56] : memref<1000x64xf32, #tpu.memory_space<vmem>>, vector<1000x64xf32>
    tpu.vector_store %arg8[%swap3A, %swap3A_56], %sub3A_55 {strides = array<i32>} : memref<1000x64xf32, #tpu.memory_space<vmem>>, vector<1000x64xf32>,
    return
  }
  func.func @transform_0(%arg0: i32) -> (i32, i32, i32) {
    %c0_i32 = arith.constant 0 : i32
    %c0_i32_0 = arith.constant 0 : i32
    %c0_i32_1 = arith.constant 0 : i32
    return %c0_i32, %arg0, %c0_i32_0 : i32, i32, i32
  }
  func.func @transform_1(%arg0: i32) -> (i32, i32, i32) {
    %c0_i32 = arith.constant 0 : i32
    %c0_i32_0 = arith.constant 0 : i32
    %c0_i32_1 = arith.constant 0 : i32
    return %c0_i32, %arg0, %c0_i32_0 : i32, i32, i32
  }
  func.func @transform_2(%arg0: i32) -> (i32, i32) {
    %c0_i32 = arith.constant 0 : i32
    %c0_i32_0 = arith.constant 0 : i32
    return %arg0, %c0_i32 : i32, i32
  }
  func.func @transform_3(%arg0: i32) -> (i32, i32) {
    %c0_i32 = arith.constant 0 : i32
    %c0_i32_0 = arith.constant 0 : i32
    return %arg0, %c0_i32 : i32, i32
  }
  func.func @transform_4(%arg0: i32) -> (i32, i32) {
    %c0_i32 = arith.constant 0 : i32
    %c0_i32_0 = arith.constant 0 : i32
    return %arg0, %c0_i32 : i32, i32
  }
  func.func @transform_5(%arg0: i32) -> (i32, i32) {
    %c0_i32 = arith.constant 0 : i32
    %c0_i32_0 = arith.constant 0 : i32
    %c0_i32_1 = arith.constant 0 : i32
    return %c0_i32, %c0_i32_0 : i32, i32
  }
  func.func @transform_6(%arg0: i32) -> (i32, i32) {
    %c0_i32 = arith.constant 0 : i32
    %c0_i32_0 = arith.constant 0 : i32
    %c0_i32_1 = arith.constant 0 : i32
    return %c0_i32, %c0_i32_0 : i32, i32
  }
  func.func @transform_7(%arg0: i32) -> (i32, i32) {
    %c0_i32 = arith.constant 0 : i32
    %c0_i32_0 = arith.constant 0 : i32
    return %arg0, %c0_i32 : i32, i32
  }
}

</mosaic_0001>

<sc_bundles>
// kernel: kernel.10.cloned.1.call-start
scs
__scs_entry_jumppad:
0x0: {  	(pc) =	sbr.rel $0x88, $3  }
0x1: {  	(tag) =	ssettag $0x0;
	lr =	simm.s32 $0x1  }
0x2: {  	[smem:$0x3F97] =	sst lr;
	_ =	strace $0xD0000000  }
0x3: {  	_ = 	snop  }
0x4: {  	_ = 	snop  }
0x5: {  	_ = 	snop  }
0x6: {  	_ = 	snop  }
0x7: {  	_ = 	snop  }
__scs_overlays_trampoline_lowered:
0x8: {  	[smem:$0x3FA6] =	sst s0  }
0x9: {  	[smem:$0x3FA7] =	sst s1  }
0xa: {  	[smem:$0x3FA8] =	sst s2  }
0xb: {  	[smem:$0x3FA9] =	sst s3  }
0xc: {  	[smem:$0x3FAA] =	sst s4  }
0xd: {  	[smem:$0x3FAB] =	sst s5  }
0xe: {  	[smem:$0x3FAC] =	sst s6  }
0xf: {  	[smem:$0x3FAD] =	sst s7  }
0x10: {  	[smem:$0x3FAE] =	sst s8  }
0x11: {  	[smem:$0x3FAF] =	sst s9;
	s0 =	simm.s32 @!p0 $0x0  }
0x12: {  	s1 =	sld [smem:$0x3F95];
	s0 =	simm.s32 @p0 $0x1  }
0x13: {  	[smem:$0x3FB0] =	sst s0;
	s0 =	simm.s32 @!p1 $0x0  }
0x14: {  	s2 =	sld [smem:$0x3F94];
	s0 =	simm.s32 @p1 $0x1  }
0x15: {  	[smem:$0x3FB1] =	sst s0;
	s0 =	simm.s32 @!p2 $0x0  }
0x16: {  	s3 =	sld [smem:$0x3FDB];
	s0 =	simm.s32 @p2 $0x1  }
0x17: {  	s4 =	simm.s32 $0x1BF5;
	[smem:$0x3FB3] =	sst s0  }
0x18: {  	s0 =	sld [smem:$0x3F96];
	_ =	swait.ge [sflag:s4], $0x0  }
0x19: {  	s7 =	sld [smem:$0x3F97]  }
0x1a: {  	s8 =	sadd.s32 $0xFFFFE003, lr  }
0x1b: {  	s9 =	sadd.s32 $0xFFFFFEF7, lr;
	s5 =	simm.s32 $0xFFFFFFFF;
	p2 =	slt.u32 s8, $0xFFFFF086  }
0x1c: {  	p1 =	slt.u32 s9, $0xF7A;
	s5 =	simm.s32 @!p2 $0x0  }
0x1d: {  	s5 =	simm.s32 @p1 $0x1;
	p0 =	seq.s32 s7, s2  }
0x1e: {  	s7 =	smul.u32 @!p0 $0xF7A, s2;
	p2 =	seq.s32 @!p0 s5, $0x0  }
0x1f: {  	s9 =	smul.u32 $0xF7A, s1;
	s8 =	simm.s32 @!p0 $0x1BF5;
	p2 =	por !p2, p0  }
0x20: {  	[sflag:s8] =	ssyncset.s32 @!p0 $0xFFFFF086;
	s6 =	sadd.s32 @!p0 s3, s7;
	s7 =	simm.s32 @!p0 $0x108  }
0x21: {  	s3 =	sadd.s32 s3, s9;
	s6 =	sadd.s32 @!p0 $0x88, s6;
	s7 =	simm.s32 @p2 $0x1082  }
0x22: {  	[simem:s7], [sflag:s8] =	dma.local @!p0 [hbm:s6], $0xF7A  }
0x23: {  	s9 =	sor.u32 $0xD0000000, s2;
	s6 =	simm.s32 $0x108;
	_ =	swait.ge @!p0 [sflag:s8], $0x0  }
0x24: {  	s3 =	sadd.s32 $0x88, s3;
	s6 =	simm.s32 @!p1 $0x1082;
	[sflag:s4] =	ssyncset.s32 $0xFFFFF086  }
0x25: {  	[simem:s6], [sflag:s4] =	dma.local [hbm:s3], $0xF7A  }
0x26: {  	[smem:$0x3F97] =	sst s1;
	(tag) =	ssettag s2;
	_ =	strace s9  }
0x27: {  	s1 =	sld [smem:$0x3FA7]  }
0x28: {  	s2 =	sld [smem:$0x3FA8]  }
0x29: {  	s4 =	sld [smem:$0x3FAA]  }
0x2a: {  	p0 =	seq.s32 s5, $0x0;
	s5 =	sld [smem:$0x3FAB]  }
0x2b: {  	s6 =	sld [smem:$0x3FAC]  }
0x2c: {  	s7 =	sld [smem:$0x3FAD]  }
0x2d: {  	s3 =	simm.s32 $0x108;
	s8 =	sld [smem:$0x3FAE]  }
0x2e: {  	s3 =	simm.s32 @!p0 $0x1082;
	s9 =	sld [smem:$0x3FAF]  }
0x2f: {  	lr =	sadd.s32 s0, s3;
	s0 =	sld [smem:$0x3FA6]  }
0x30: {  	s3 =	sld [smem:$0x3FA9]  }
0x31: {  	[smem:$0x3FB2] =	sst s10  }
0x32: {  	s10 =	sld [smem:$0x3FB0];
	_ =	sdelay $0x3  }
0x33: {  	p0 =	seq.s32 s10, $0x1;
	s10 =	sld [smem:$0x3FB2];
	_ =	sdelay $0x3  }
0x34: {  	[smem:$0x3FB2] =	sst s10  }
0x35: {  	s10 =	sld [smem:$0x3FB1];
	_ =	sdelay $0x3  }
0x36: {  	p1 =	seq.s32 s10, $0x1;
	s10 =	sld [smem:$0x3FB2];
	_ =	sdelay $0x3  }
0x37: {  	[smem:$0x3FB2] =	sst s10  }
0x38: {  	s10 =	sld [smem:$0x3FB3]  }
0x39: {  	_ = 	snop;
	(pc) =	sbr.ind lr, $3  }
0x3a: {  	_ = 	snop  }
0x3b: {  	_ = 	snop  }
0x3c: {  	p2 =	seq.s32 s10, $0x1;
	s10 =	sld [smem:$0x3FB2]  }
0x3d: {  	_ =	shalt  }
0x3e: {  	_ =	shalt  }
0x3f: {  	_ =	shalt  }
0x40: {  	_ =	shalt  }
0x41: {  	_ =	shalt  }
0x42: {  	_ =	shalt  }
0x43: {  	_ =	shalt  }
0x44: {  	_ =	shalt  }
0x45: {  	_ =	shalt  }
0x46: {  	_ =	shalt  }
0x47: {  	_ =	shalt  }
0x48: {  	_ =	shalt  }
0x49: {  	_ =	shalt  }
0x4a: {  	_ =	shalt  }
0x4b: {  	_ =	shalt  }
0x4c: {  	_ =	shalt  }
0x4d: {  	_ =	shalt  }
0x4e: {  	_ =	shalt  }
0x4f: {  	_ =	shalt  }
0x50: {  	_ =	shalt  }
0x51: {  	_ =	shalt  }
0x52: {  	_ =	shalt  }
0x53: {  	_ =	shalt  }
0x54: {  	_ =	shalt  }
0x55: {  	_ =	shalt  }
0x56: {  	_ =	shalt  }
0x57: {  	_ =	shalt  }
0x58: {  	_ =	shalt  }
0x59: {  	_ =	shalt  }
0x5a: {  	_ =	shalt  }
0x5b: {  	_ =	shalt  }
0x5c: {  	_ =	shalt  }
0x5d: {  	_ =	shalt  }
0x5e: {  	_ =	shalt  }
0x5f: {  	_ =	shalt  }
0x60: {  	_ =	shalt  }
0x61: {  	_ =	shalt  }
0x62: {  	_ =	shalt  }
0x63: {  	_ =	shalt  }
0x64: {  	_ =	shalt  }
0x65: {  	_ =	shalt  }
0x66: {  	_ =	shalt  }
0x67: {  	_ =	shalt  }
0x68: {  	_ =	shalt  }
0x69: {  	_ =	shalt  }
0x6a: {  	_ =	shalt  }
0x6b: {  	_ =	shalt  }
0x6c: {  	_ =	shalt  }
0x6d: {  	_ =	shalt  }
0x6e: {  	_ =	shalt  }
0x6f: {  	_ =	shalt  }
0x70: {  	_ =	shalt  }
0x71: {  	_ =	shalt  }
0x72: {  	_ =	shalt  }
0x73: {  	_ =	shalt  }
0x74: {  	_ =	shalt  }
0x75: {  	_ =	shalt  }
0x76: {  	_ =	shalt  }
0x77: {  	_ =	shalt  }
0x78: {  	_ =	shalt  }
0x79: {  	_ =	shalt  }
0x7a: {  	_ =	shalt  }
0x7b: {  	_ =	shalt  }
0x7c: {  	_ =	shalt  }
0x7d: {  	_ =	shalt  }
0x7e: {  	_ =	shalt  }
0x7f: {  	_ =	shalt  }
0x80: {  	_ =	shalt  }
0x81: {  	_ =	shalt  }
0x82: {  	_ =	shalt  }
0x83: {  	_ =	shalt  }
0x84: {  	_ =	shalt  }
0x85: {  	_ =	shalt  }
0x86: {  	_ =	shalt  }
0x87: {  	_ =	shalt  }
.Lfunc_end0:
.L_simem_size_0:
called_computation.1_lowered:
.L_overlay_start_0:
0x88: {  	s2 =	sld [smem:$0x3FD9]  }
0x89: {  	s3 =	sld [smem:$0x3FFE];
	_ =	sdelay $0x1  }
0x8a: {  	s1 =	srdreg.scid  }
0x8b: {  	s0 =	sand.u32 $0x1, s1  }
0x8c: {  	s17 =	sshll.u32 s0, $0xA;
	s2 =	sadd.s32 s3, s2  }
0x8d: {  	s2 =	sadd.s32 s2, s17  }
0x8e: {  	[smem:$0x3FBE] =	sst s2  }
0x8f: {  	_ = 	snop  }
0x90: {  	s2 =	sld [smem:$0x3FD0];
	(tm) =	ssettm $0x1  }
0x91: {  	s18 =	sld [smem:$0x3FFB];
	_ =	sdelay $0x3  }
0x92: {  	_ =	strace s18  }
0x93: {  	s3 =	sld [smem:$0x3FFC];
	_ =	sdelay $0x3  }
0x94: {  	_ =	strace s3  }
0x95: {  	s3 =	sld [smem:$0x3FFD];
	_ =	sdelay $0x3  }
0x96: {  	_ =	strace s3  }
0x97: {  	_ =	strace $0x8FFFFFFF  }
0x98: {  	s19 =	sld [smem:$0x3FDB];
	_ =	sdelay $0x1  }
0x99: {  	s4 =	simm.s32 $_scs_section_size  }
0x9a: {  	s5 =	simm.s32 $_size__tile_overlayer_lowered;
	s6 =	simm.s32 $_tile_overlayer_lowered  }
0x9b: {  	s22 =	simm.s32 $0x1BFF;
	s21 =	sshll.u32 s6, $0x1;
	s3 =	sadd.s32 s4, s19  }
0x9c: {  	s7 =	simm.s32 $0x0;
	s20 =	sshll.u32 s5, $0x1;
	s5 =	sadd.s32 s21, s3  }
0x9d: {  	[timem:s7], [sflag:s22] =	dma.local [hbm:s5], s20  }
0x9e: {  	_ =	swait.ge [sflag:s22], s20  }
0x9f: {  	s4 =	ssub.s32 $0x0, s20;
	[sflag:s22] =	ssyncset.done $0x0  }
0xa0: {  	[sflag:s22] =	ssyncadd.s32 s4;
	_ =	sdelay $0x1  }
0xa1: {  	s23 =	simm.s32 $0x1B8B  }
0xa2: {  	_ =	swait.ge [sflag:s23], $0x1  }
0xa3: {  	[sflag:s23] =	ssyncset.done $0x0  }
0xa4: {  	s25 =	simm.s32 $0x1B8E;
	s24 =	sld [smem:$0x3FFE];
	[sflag:s23] =	ssyncadd.s32 $0xFFFFFFFF  }
0xa5: {  	s26 =	simm.s32 $execute0_lowered;
	[smem:$0x3FD2] =	sst s25  }
0xa6: {  	s5 =	sshll.u32 s26, $0x1;
	_ =	strace $0x80000049;
	[dreg:$0x1] =	wrdreg $0xFFFFFFFF  }
0xa7: {  	s28 =	simm.s32 $_size_execute0_lowered;
	s3 =	sadd.s32 s3, s5;
	[dreg:$0x0] =	wrdreg $0x0  }
0xa8: {  	s5 =	sshll.u32 s28, $0x1;
	[dreg:$0x2] =	wrdreg s3  }
0xa9: {  	[dreg:$0x3] =	wrdreg s5  }
0xaa: {  	[dreg:$0x4] =	wrdreg $0xC0  }
0xab: {  	_ =	task [dreg:s7], $0x5FFFF  }
0xac: {  	[dreg:$0x1] =	wrdreg $0xFFFFFFFF  }
0xad: {  	[dreg:$0x0] =	wrdreg $0x60  }
0xae: {  	[dreg:$0x2] =	wrdreg s24  }
0xaf: {  	[dreg:$0x3] =	wrdreg s2  }
0xb0: {  	[dreg:$0x4] =	wrdreg $0x0  }
0xb1: {  	[dreg:$0x5] =	wrdreg $0xA0000  }
0xb2: {  	[dreg:$0x6] =	wrdreg $0x9  }
0xb3: {  	_ =	task.clear_ibuf [dreg:s7], $0x7FFFF;
	_ =	strace $0x90000049  }
0xb4: {  	s29 =	simm.s32 $0x9;
	_ =	strace $0x8000004B  }
0xb5: {  	_ =	swait.ge [sflag:s29], $0x1  }
0xb6: {  	[sflag:s29] =	ssyncadd.s32 $0xFFFFFFFF  }
0xb7: {  	_ =	strace $0x9000004B  }
0xb8: {  	_ =	sfence  }
0xb9: {  	s30 =	sld [smem:$0x0];
	_ =	sdelay $0x2  }
0xba: {  	s31 =	sshll.u32 s1, $0xD;
	s1 =	sshrl.u32 s1, $0x2  }
0xbb: {  	s3 =	sand.u32 $0x4000, s31;
	s1 =	sadd.s32 s1, s30  }
0xbc: {  	s0 =	sor.u32 s3, s0;
	s1 =	sshll.u32 s1, $0x11  }
0xbd: {  	s0 =	sor.u32 s1, s0  }
0xbe: {  	s0 =	sadd.s32 $0x8F2B, s0  }
0xbf: {  	[sflag:s0] =	ssyncadd.remote.s32 $0x1  }
0xc0: {  	_ =	sfence.sel $0xFFFF  }
0xc1: {  	[dreg:$0x0] =	wrdreg $0xFFFFFFFF;
	(pc) =	sbr.abs _section_cstart, $3  }
0xc2: {  	[dreg:$0x1] =	wrdreg $0xFFFFFFFF  }
0xc3: {  	_ =	task.clear_ibuf [dreg:s7], $0x2FFFF;
	_ =	strace $0x9FFFFFFF  }
0xc4: {  	(tm) =	ssettm $0x7FFFFFFF  }
0xc5: {  	_ =	shalt  }
tec
execute0_lowered:
.L_overlay_start_1:
0x0: {  	(tag) =	ssettag $0x1  }
0x1: {  	s0 =	rddreg [dreg:$0x0]  }
0x2: {  	s1 =	rddreg [dreg:$0x1]  }
0x3: {  	s3 =	srdreg.scid;
	s2 =	rddreg [dreg:$0x2]  }
0x4: {  	s17 =	stileid.u32;
	s4 =	simm.s32 $0x0;
	s16 =	simm.s32 $0xCA90  }
0x5: {  	s18 =	simm.s32 $0xF290;
	s28 =	simm.s32 $0x13A90;
	s29 =	simm.s32 $0x1  }
0x6: {  	s30 =	simm.s32 $0x15BB0;
	s5 =	sand.u32 $0x1, s3;
	s3 =	rddreg [dreg:$0x3]  }
0x7: {  	s31 =	simm.s32 $0x2;
	[smem:$0x7FF] =	sst s4;
	s8 =	smul.u32 $0xA000, s17  }
0x8: {  	s7 =	sadd.s32 $0x14A00, s0;
	s20 =	sadd.s32 $0x14400, s0;
	s9 =	smul.u32 $0x280, s17  }
0x9: {  	s12 =	sadd.s32 $0x15000, s0;
	_ =	strace $0x8000004A;
	[dreg:$0x5] =	wrdreg s7  }
0xa: {  	s26 =	sshll.u32 s17, $0x6;
	s6 =	sshll.u32 s5, $0x4;
	[dreg:$0x6] =	wrdreg s20  }
0xb: {  	s7 =	sadd.s32 $0x400, s0;
	s11 =	smul.u32 $0xA0000, s5;
	[dreg:$0x7] =	wrdreg s12  }
0xc: {  	s13 =	ssub.s32 $0x2, s5;
	s5 =	smul.u32 $0x2800, s5;
	s19 =	sor.u32 $0x1C05, s26  }
0xd: {  	s26 =	simm.s32 $0x11A90;
	s6 =	sor.u32 s17, s6;
	s10 =	sshrl.u32 s8, $0x3  }
0xe: {  	s21 =	sshrl.u32 s9, $0x3;
	s14 =	sshrl.u32 s13, $0x1;
	s23 =	sadd.s32 s9, s3  }
0xf: {  	s17 =	simm.s32 $0x5;
	s6 =	smul.u32 $0x280, s6;
	s10 =	sadd.s32 s10, s0  }
0x10: {  	s12 =	sadd.s32 s21, s0;
	s11 =	sadd.s32 s8, s11;
	s22 =	ssub.s32 s13, s14  }
0x11: {  	s8 =	sadd.s32 s8, s2;
	s5 =	sadd.s32 s9, s5;
	s21 =	sshrl.u32 s23, $0x3  }
0x12: {  	s23 =	simm.s32 $0x0;
	s11 =	sshrl.u32 s11, $0x3;
	s10 =	sadd.s32 $0xA0800, s10  }
0x13: {  	s24 =	sadd.s32 $0x15200, s12;
	s5 =	sshrl.u32 s5, $0x3;
	s15 =	smax.u32 s22, $0x1  }
0x14: {  	s20 =	sshrl.u32 s8, $0x3;
	s22 =	simm.s32 $0x4;
	[dreg:$0x8] =	wrdreg s10  }
0x15: {  	s6 =	sadd.s32 s6, s0;
	s0 =	sadd.s32 s11, s0;
	[dreg:$0x9] =	wrdreg s24  }
0x16: {  	s14 =	sadd.s32 s1, s5;
	s1 =	simm.s32 $0x3;
	s25 =	sadd.s32 $0x9B600, s6  }
0x17: {  	s6 =	sadd.s32 $0x96600, s6;
	s13 =	sadd.s32 $0x15800, s0;
	[dreg:$0xa] =	wrdreg s25  }
0x18: {  	s0 =	simm.s32 $0x17BB0;
	[dreg:$0xb] =	wrdreg s6;
	s25 =	simm.s32 $0x80  }
.LBB2_1:
0x19: {  	s5 =	rddreg [dreg:$0x5]  }
0x1a: {  	[tilespmem:s16], [sflag:$0x5] =	stream.linear.gather [hbm4b:s5+s4], $0x2800, $0x38;
	[tilespmem:$0x19BB0] =	vst v63  }
0x1b: {  	_ =	swait.ge [sflag:s17], $0x2800  }
0x1c: {  	[sflag:s17] =	ssyncset.done $0x0  }
0x1d: {  	s24 =	rddreg [dreg:$0x6];
	[sflag:s17] =	ssyncadd.s32 $0xFFFFD800  }
0x1e: {  	[tilespmem:s18], [sflag:$0x5] =	stream.linear.gather [hbm4b:s24+s4], $0x2800, $0x38;
	[tilespmem:$0x19BB0] =	vst v63  }
0x1f: {  	_ =	swait.ge [sflag:s17], $0x2800  }
0x20: {  	[sflag:s17] =	ssyncset.done $0x0  }
0x21: {  	s6 =	rddreg [dreg:$0x8];
	[sflag:s17] =	ssyncadd.s32 $0xFFFFD800  }
0x22: {  	[spmem:s20], [sflag:s19] =	dma.local [hbm:s6], $0x1400  }
0x23: {  	_ =	swait.ge [sflag:s17], $0x1400  }
0x24: {  	[sflag:s17] =	ssyncset.done $0x0  }
0x25: {  	s8 =	rddreg [dreg:$0x9];
	[sflag:s17] =	ssyncadd.s32 $0xFFFFEC00  }
0x26: {  	[spmem:s21], [sflag:s19] =	dma.local [hbm:s8], $0x50  }
0x27: {  	_ =	swait.ge [sflag:s17], $0x50  }
0x28: {  	[sflag:s17] =	ssyncset.done $0x0  }
0x29: {  	s6 =	simm.s32 $0xCA80;
	s9 =	rddreg [dreg:$0x7];
	[sflag:s17] =	ssyncadd.s32 $0xFFFFFFB0  }
0x2a: {  	[tilespmem:s6], [sflag:$0x5] =	stream.linear.gather [hbm4b:s9+s4], $0x10, $0x38;
	[tilespmem:$0x19BB0] =	vst v63  }
0x2b: {  	_ =	swait.ge [sflag:s17], $0x10  }
0x2c: {  	[sflag:s17] =	ssyncset.done $0x0  }
0x2d: {  	s11 =	simm.s32 $0xA280;
	s10 =	rddreg [dreg:$0xa];
	[sflag:s17] =	ssyncadd.s32 $0xFFFFFFF0  }
0x2e: {  	[tilespmem:s11], [sflag:$0x5] =	stream.linear.gather [hbm4b:s10+s4], $0x1400, $0x38;
	[tilespmem:$0x19BB0] =	vst v63  }
0x2f: {  	_ =	swait.ge [sflag:s17], $0x1400  }
0x30: {  	[sflag:s17] =	ssyncset.done $0x0  }
0x31: {  	s24 =	simm.s32 $0xB680;
	s12 =	rddreg [dreg:$0xb];
	[sflag:s17] =	ssyncadd.s32 $0xFFFFEC00  }
0x32: {  	[tilespmem:s24], [sflag:$0x5] =	stream.linear.gather [hbm4b:s12+s4], $0x1400, $0x38;
	[tilespmem:$0x19BB0] =	vst v63  }
0x33: {  	_ =	swait.ge [sflag:s17], $0x1400  }
0x34: {  	[sflag:s17] =	ssyncset.done $0x0  }
0x35: {  	[sflag:s17] =	ssyncadd.s32 $0xFFFFEC00  }
0x36: {  	[bflag:$0x0] =	sbarrier.arrive $0xFFFF  }
0x37: {  	s24 =	simm.s32 $0x0;
	v0 =	vld [tilespmem:$0xCA80]  }
.LBB2_2:
0x38: {  	s5 =	sshll.u32 s24, $0x8  }
0x39: {  	s6 =	sadd.s32 $0xA280, s5  }
0x3a: {  	[tilespmem:s26], [sflag:$0x1] =	stream.indirect.gather [hbm4b:s7+s25], $0x40, s6, s25, $0xb8;
	[tilespmem:$0x19BB0] =	vst v63  }
0x3b: {  	s12 =	sadd.s32 $0xA300, s5  }
0x3c: {  	[tilespmem:s28], [sflag:$0x2] =	stream.indirect.gather [hbm4b:s7+s25], $0x40, s12, s25, $0xb8;
	[tilespmem:$0x19BB0] =	vst v63  }
0x3d: {  	v1 =	vld [tilespmem:s5+$0xA280]  }
0x3e: {  	v2 =	vld [tilespmem:s5+$0xB680];
	_ =	sdelay $0x6  }
0x3f: {  	v1 =	vld.idx.msk [tilespmem:v1+s16+$0x0], $0xffff  }
0x40: {  	v2 =	vld.idx.msk [tilespmem:v2+s18+$0x0], $0xffff;
	_ =	sdelay $0x4  }
0x41: {  	v1 =	vadd.f32 v2, v1;
	_ =	sdelay $0x1  }
0x42: {  	v2 =	vmul.f32 $2.000000030e-01, v1  }
0x43: {  	vm0 =	vge.f32 v1, $0.0e+00  }
0x44: {  	v1 =	vsel vm0, v1, v2  }
0x45: {  	v1 =	vsub.f32 v1, v0;
	_ =	sdelay $0x1  }
0x46: {  	v1 =	vmul.f32 $1.442695020e+00, v1;
	_ =	sdelay $0x1  }
0x47: {  	(erf) = vpow2.f32 v1;
	_ =	sdelay $0x8  }
0x48: {  	v1 =	vpop (erf)  }
0x49: {  	[tilespmem:$0x15A90] =	vst v1  }
0x4a: {  	v1 =	vld [tilespmem:s5+$0xA290]  }
0x4b: {  	v2 =	vld [tilespmem:s5+$0xB690];
	_ =	sdelay $0x6  }
0x4c: {  	v1 =	vld.idx.msk [tilespmem:v1+s16+$0x0], $0xffff  }
0x4d: {  	v2 =	vld.idx.msk [tilespmem:v2+s18+$0x0], $0xffff;
	_ =	sdelay $0x4  }
0x4e: {  	v1 =	vadd.f32 v2, v1;
	_ =	sdelay $0x1  }
0x4f: {  	v2 =	vmul.f32 $2.000000030e-01, v1  }
0x50: {  	vm9 =	vge.f32 v1, $0.0e+00  }
0x51: {  	v1 =	vsel vm9, v1, v2  }
0x52: {  	v1 =	vsub.f32 v1, v0;
	_ =	sdelay $0x1  }
0x53: {  	v1 =	vmul.f32 $1.442695020e+00, v1;
	_ =	sdelay $0x1  }
0x54: {  	(erf) = vpow2.f32 v1;
	_ =	sdelay $0x8  }
0x55: {  	v1 =	vpop (erf)  }
0x56: {  	[tilespmem:$0x15AA0] =	vst v1  }
0x57: {  	v1 =	vld [tilespmem:s5+$0xA2A0]  }
0x58: {  	v2 =	vld [tilespmem:s5+$0xB6A0];
	_ =	sdelay $0x6  }
0x59: {  	v1 =	vld.idx.msk [tilespmem:v1+s16+$0x0], $0xffff  }
0x5a: {  	v2 =	vld.idx.msk [tilespmem:v2+s18+$0x0], $0xffff;
	_ =	sdelay $0x4  }
0x5b: {  	v1 =	vadd.f32 v2, v1;
	_ =	sdelay $0x1  }
0x5c: {  	v2 =	vmul.f32 $2.000000030e-01, v1  }
0x5d: {  	vm10 =	vge.f32 v1, $0.0e+00  }
0x5e: {  	v1 =	vsel vm10, v1, v2  }
0x5f: {  	v1 =	vsub.f32 v1, v0;
	_ =	sdelay $0x1  }
0x60: {  	v1 =	vmul.f32 $1.442695020e+00, v1;
	_ =	sdelay $0x1  }
0x61: {  	(erf) = vpow2.f32 v1;
	_ =	sdelay $0x8  }
0x62: {  	v1 =	vpop (erf)  }
0x63: {  	[tilespmem:$0x15AB0] =	vst v1  }
0x64: {  	v1 =	vld [tilespmem:s5+$0xA2B0]  }
0x65: {  	v2 =	vld [tilespmem:s5+$0xB6B0];
	_ =	sdelay $0x6  }
0x66: {  	v1 =	vld.idx.msk [tilespmem:v1+s16+$0x0], $0xffff  }
0x67: {  	v2 =	vld.idx.msk [tilespmem:v2+s18+$0x0], $0xffff;
	_ =	sdelay $0x4  }
0x68: {  	v1 =	vadd.f32 v2, v1;
	_ =	sdelay $0x1  }
0x69: {  	v2 =	vmul.f32 $2.000000030e-01, v1  }
0x6a: {  	vm11 =	vge.f32 v1, $0.0e+00  }
0x6b: {  	v1 =	vsel vm11, v1, v2  }
0x6c: {  	v1 =	vsub.f32 v1, v0;
	_ =	sdelay $0x1  }
0x6d: {  	v1 =	vmul.f32 $1.442695020e+00, v1;
	_ =	sdelay $0x1  }
0x6e: {  	(erf) = vpow2.f32 v1;
	_ =	sdelay $0x8  }
0x6f: {  	v1 =	vpop (erf)  }
0x70: {  	[tilespmem:$0x15AC0] =	vst v1  }
0x71: {  	v1 =	vld [tilespmem:s5+$0xA2C0]  }
0x72: {  	v2 =	vld [tilespmem:s5+$0xB6C0];
	_ =	sdelay $0x6  }
0x73: {  	v1 =	vld.idx.msk [tilespmem:v1+s16+$0x0], $0xffff  }
0x74: {  	v2 =	vld.idx.msk [tilespmem:v2+s18+$0x0], $0xffff;
	_ =	sdelay $0x4  }
0x75: {  	v1 =	vadd.f32 v2, v1;
	_ =	sdelay $0x1  }
0x76: {  	v2 =	vmul.f32 $2.000000030e-01, v1  }
0x77: {  	vm12 =	vge.f32 v1, $0.0e+00  }
0x78: {  	v1 =	vsel vm12, v1, v2  }
0x79: {  	v1 =	vsub.f32 v1, v0;
	_ =	sdelay $0x1  }
0x7a: {  	v1 =	vmul.f32 $1.442695020e+00, v1;
	_ =	sdelay $0x1  }
0x7b: {  	(erf) = vpow2.f32 v1;
	_ =	sdelay $0x8  }
0x7c: {  	v1 =	vpop (erf)  }
0x7d: {  	[tilespmem:$0x15AD0] =	vst v1  }
0x7e: {  	v1 =	vld [tilespmem:s5+$0xA2D0]  }
0x7f: {  	v2 =	vld [tilespmem:s5+$0xB6D0];
	_ =	sdelay $0x6  }
0x80: {  	v1 =	vld.idx.msk [tilespmem:v1+s16+$0x0], $0xffff  }
0x81: {  	v2 =	vld.idx.msk [tilespmem:v2+s18+$0x0], $0xffff;
	_ =	sdelay $0x4  }
0x82: {  	v1 =	vadd.f32 v2, v1;
	_ =	sdelay $0x1  }
0x83: {  	v2 =	vmul.f32 $2.000000030e-01, v1  }
0x84: {  	vm13 =	vge.f32 v1, $0.0e+00  }
0x85: {  	v1 =	vsel vm13, v1, v2  }
0x86: {  	v1 =	vsub.f32 v1, v0;
	_ =	sdelay $0x1  }
0x87: {  	v1 =	vmul.f32 $1.442695020e+00, v1;
	_ =	sdelay $0x1  }
0x88: {  	(erf) = vpow2.f32 v1;
	_ =	sdelay $0x8  }
0x89: {  	v1 =	vpop (erf)  }
0x8a: {  	[tilespmem:$0x15AE0] =	vst v1  }
0x8b: {  	v1 =	vld [tilespmem:s5+$0xA2E0]  }
0x8c: {  	v2 =	vld [tilespmem:s5+$0xB6E0];
	_ =	sdelay $0x6  }
0x8d: {  	v1 =	vld.idx.msk [tilespmem:v1+s16+$0x0], $0xffff  }
0x8e: {  	v2 =	vld.idx.msk [tilespmem:v2+s18+$0x0], $0xffff;
	_ =	sdelay $0x4  }
0x8f: {  	v1 =	vadd.f32 v2, v1;
	_ =	sdelay $0x1  }
0x90: {  	v2 =	vmul.f32 $2.000000030e-01, v1  }
0x91: {  	vm14 =	vge.f32 v1, $0.0e+00  }
0x92: {  	v1 =	vsel vm14, v1, v2  }
0x93: {  	v1 =	vsub.f32 v1, v0;
	_ =	sdelay $0x1  }
0x94: {  	v1 =	vmul.f32 $1.442695020e+00, v1;
	_ =	sdelay $0x1  }
0x95: {  	(erf) = vpow2.f32 v1;
	_ =	sdelay $0x8  }
0x96: {  	v1 =	vpop (erf)  }
0x97: {  	[tilespmem:$0x15AF0] =	vst v1  }
0x98: {  	v1 =	vld [tilespmem:s5+$0xA2F0]  }
0x99: {  	v2 =	vld [tilespmem:s5+$0xB6F0];
	_ =	sdelay $0x6  }
0x9a: {  	v1 =	vld.idx.msk [tilespmem:v1+s16+$0x0], $0xffff  }
0x9b: {  	v2 =	vld.idx.msk [tilespmem:v2+s18+$0x0], $0xffff;
	_ =	sdelay $0x4  }
0x9c: {  	v1 =	vadd.f32 v2, v1;
	_ =	sdelay $0x1  }
0x9d: {  	v2 =	vmul.f32 $2.000000030e-01, v1  }
0x9e: {  	vm15 =	vge.f32 v1, $0.0e+00  }
0x9f: {  	v1 =	vsel vm15, v1, v2  }
0xa0: {  	v1 =	vsub.f32 v1, v0;
	_ =	sdelay $0x1  }
0xa1: {  	v1 =	vmul.f32 $1.442695020e+00, v1;
	_ =	sdelay $0x1  }
0xa2: {  	(erf) = vpow2.f32 v1;
	_ =	sdelay $0x8  }
0xa3: {  	v1 =	vpop (erf)  }
0xa4: {  	s10 =	simm.s32 $0x15A90;
	s8 =	sadd.s32 $0xB680, s5;
	[tilespmem:$0x15B00] =	vst v1  }
0xa5: {  	[spmem:s3] =	stream.indirect.scatter.add.f32 [tilespmem:s10], [sflag:$0x3], $0x1, s8, s25, $0xb8;
	[tilespmem:$0x19BB0] =	vst v63  }
0xa6: {  	_ =	swait.ge [sflag:s29], $0x2000  }
0xa7: {  	[sflag:s29] =	ssyncset.done $0x0  }
0xa8: {  	s9 =	simm.s32 $0x0;
	[sflag:s29] =	ssyncadd.s32 $0xFFFFE000  }
0xa9: {  	v6 =	vld [tilespmem:s9+$0x11A90]  }
0xaa: {  	v7 =	vld [tilespmem:s9+$0x11AA0]  }
0xab: {  	v3 =	vld [tilespmem:s9+$0x11AB0]  }
0xac: {  	v5 =	vld [tilespmem:s9+$0x11AC0]  }
0xad: {  	v2 =	vld [tilespmem:s9+$0x11AD0]  }
0xae: {  	v4 =	vld [tilespmem:s9+$0x11AE0]  }
0xaf: {  	v1 =	vld [tilespmem:s9+$0x11AF0]  }
0xb0: {  	s11 =	simm.s32 $0x400;
	s6 =	sor.u32 $0x80, s5;
	v8 =	vld [tilespmem:s10+$0x0]  }
.LBB2_3:
0xb1: {  	p0 =	sne.s32 s11, $0x7C00;
	v9 =	vld [tilespmem:s9+$0x11B00]  }
0xb2: {  	v10 =	vld [tilespmem:s9+$0x11B10]  }
0xb3: {  	v11 =	vld [tilespmem:s9+$0x11B20]  }
0xb4: {  	v12 =	vld [tilespmem:s9+$0x11B30]  }
0xb5: {  	v13 =	vbroadcast v8, $0x0;
	v14 =	vbroadcast v8, $0x1;
	v15 =	vld [tilespmem:s9+$0x11B40]  }
0xb6: {  	v16 =	vbroadcast v8, $0x2;
	v8 =	vbroadcast v8, $0x3;
	v17 =	vld [tilespmem:s9+$0x11B50]  }
0xb7: {  	v6 =	vmul.f32 v13, v6;
	v7 =	vmul.f32 v7, v13;
	v18 =	vld [tilespmem:s9+$0x11B60]  }
0xb8: {  	v3 =	vmul.f32 v3, v13;
	v5 =	vmul.f32 v5, v13;
	v13 =	vld [tilespmem:s9+$0x11B70]  }
0xb9: {  	v2 =	vmul.f32 v2, v14;
	v4 =	vmul.f32 v4, v14;
	[tilespmem:s9+$0x15BB0] =	vst v6;
	v6 =	vld [tilespmem:s9+$0x11B80]  }
0xba: {  	v1 =	vmul.f32 v1, v14;
	[tilespmem:s9+$0x15BC0] =	vst v7;
	v7 =	vmul.f32 v9, v14  }
0xbb: {  	v9 =	vmul.f32 v11, v16;
	[tilespmem:s9+$0x15BD0] =	vst v3;
	v3 =	vmul.f32 v10, v16  }
0xbc: {  	v10 =	vmul.f32 v15, v16;
	[tilespmem:s9+$0x15BE0] =	vst v5;
	v5 =	vmul.f32 v12, v16  }
0xbd: {  	v11 =	vmul.f32 v18, v8;
	[tilespmem:s9+$0x15BF0] =	vst v2;
	v2 =	vmul.f32 v17, v8  }
0xbe: {  	v12 =	vmul.f32 v13, v8;
	[tilespmem:s9+$0x15C00] =	vst v4;
	v8 =	vmul.f32 v6, v8  }
0xbf: {  	[tilespmem:s9+$0x15C10] =	vst v1  }
0xc0: {  	[tilespmem:s9+$0x15C20] =	vst v7  }
0xc1: {  	s12 =	sshra.s32 s11, $0x2;
	[tilespmem:s9+$0x15C30] =	vst v3  }
0xc2: {  	v6 =	vld [tilespmem:s12+$0x11A90];
	[tilespmem:s9+$0x15C40] =	vst v9  }
0xc3: {  	v7 =	vld [tilespmem:s12+$0x11AA0];
	[tilespmem:s9+$0x15C50] =	vst v5  }
0xc4: {  	v3 =	vld [tilespmem:s12+$0x11AB0];
	[tilespmem:s9+$0x15C60] =	vst v10  }
.Ltmp0:
0xc5: {  	v5 =	vld [tilespmem:s12+$0x11AC0];
	[tilespmem:s9+$0x15C70] =	vst v2;
	(pc) =	sbr.rel @p0 .LBB2_3-.Ltmp0, $4  }
0xc6: {  	v2 =	vld [tilespmem:s12+$0x11AD0];
	[tilespmem:s9+$0x15C80] =	vst v11  }
0xc7: {  	v4 =	vld [tilespmem:s12+$0x11AE0];
	[tilespmem:s9+$0x15C90] =	vst v12  }
0xc8: {  	s10 =	sadd.s32 $0x4, s10;
	v1 =	vld [tilespmem:s12+$0x11AF0];
	[tilespmem:s9+$0x15CA0] =	vst v8;
	s9 =	smov.u32 s12  }
0xc9: {  	s11 =	sadd.s32 $0x400, s11;
	v8 =	vld [tilespmem:s10+$0x0]  }
0xca: {  	_ =	sdelay $0x3  }
0xcb: {  	v13 =	vbroadcast v8, $0x0;
	_ =	sdelay $0x1  }
0xcc: {  	v6 =	vmul.f32 v13, v6  }
0xcd: {  	v7 =	vmul.f32 v7, v13  }
0xce: {  	v9 =	vld [tilespmem:s9+$0x11B00];
	v3 =	vmul.f32 v3, v13;
	[tilespmem:s9+$0x15BB0] =	vst v6;
	v6 =	vbroadcast v8, $0x1  }
0xcf: {  	v10 =	vld [tilespmem:s9+$0x11B10];
	v5 =	vmul.f32 v5, v13;
	[tilespmem:s9+$0x15BC0] =	vst v7  }
0xd0: {  	v11 =	vld [tilespmem:s9+$0x11B20];
	[tilespmem:s9+$0x15BD0] =	vst v3;
	v2 =	vmul.f32 v2, v6  }
0xd1: {  	v12 =	vld [tilespmem:s9+$0x11B30];
	[tilespmem:s9+$0x15BE0] =	vst v5;
	v3 =	vmul.f32 v4, v6  }
0xd2: {  	v14 =	vld [tilespmem:s9+$0x11B40];
	v4 =	vbroadcast v8, $0x2;
	v1 =	vmul.f32 v1, v6;
	[tilespmem:s9+$0x15BF0] =	vst v2  }
0xd3: {  	v15 =	vld [tilespmem:s9+$0x11B50];
	v2 =	vmul.f32 v9, v6;
	[tilespmem:s9+$0x15C00] =	vst v3  }
0xd4: {  	v16 =	vld [tilespmem:s9+$0x11B60];
	v3 =	vmul.f32 v10, v4;
	[tilespmem:s9+$0x15C10] =	vst v1  }
0xd5: {  	v17 =	vld [tilespmem:s9+$0x11B70];
	v1 =	vmul.f32 v11, v4;
	[tilespmem:s9+$0x15C20] =	vst v2  }
0xd6: {  	v18 =	vld [tilespmem:s9+$0x11B80];
	v5 =	vmul.f32 v12, v4;
	v2 =	vbroadcast v8, $0x3;
	[tilespmem:s9+$0x15C30] =	vst v3  }
0xd7: {  	v3 =	vmul.f32 v14, v4;
	[tilespmem:s9+$0x15C40] =	vst v1  }
0xd8: {  	[tilespmem:s9+$0x15C50] =	vst v5;
	v1 =	vmul.f32 v15, v2  }
0xd9: {  	v4 =	vmul.f32 v16, v2;
	[tilespmem:s9+$0x15C60] =	vst v3  }
0xda: {  	v3 =	vmul.f32 v17, v2;
	[tilespmem:s9+$0x15C70] =	vst v1  }
0xdb: {  	v1 =	vmul.f32 v18, v2;
	[tilespmem:s9+$0x15C80] =	vst v4  }
0xdc: {  	[tilespmem:s9+$0x15C90] =	vst v3  }
0xdd: {  	[tilespmem:s9+$0x15CA0] =	vst v1  }
0xde: {  	[spmem:s2] =	stream.indirect.scatter.add.f32 [tilespmem:s30], [sflag:$0x3], $0x40, s8, s25, $0xb8;
	[tilespmem:$0x19BB0] =	vst v63  }
0xdf: {  	v1 =	vld [tilespmem:s6+$0xA280]  }
0xe0: {  	v2 =	vld [tilespmem:s6+$0xB680];
	_ =	sdelay $0x6  }
0xe1: {  	v1 =	vld.idx.msk [tilespmem:v1+s16+$0x0], $0xffff  }
0xe2: {  	v2 =	vld.idx.msk [tilespmem:v2+s18+$0x0], $0xffff;
	_ =	sdelay $0x4  }
0xe3: {  	v1 =	vadd.f32 v2, v1;
	_ =	sdelay $0x1  }
0xe4: {  	v2 =	vmul.f32 $2.000000030e-01, v1  }
0xe5: {  	vm0 =	vge.f32 v1, $0.0e+00  }
0xe6: {  	v1 =	vsel vm0, v1, v2  }
0xe7: {  	v1 =	vsub.f32 v1, v0;
	_ =	sdelay $0x1  }
0xe8: {  	v1 =	vmul.f32 $1.442695020e+00, v1;
	_ =	sdelay $0x1  }
0xe9: {  	(erf) = vpow2.f32 v1;
	_ =	sdelay $0x8  }
0xea: {  	v1 =	vpop (erf)  }
0xeb: {  	[tilespmem:$0x15B20] =	vst v1  }
0xec: {  	v1 =	vld [tilespmem:s5+$0xA310]  }
0xed: {  	v2 =	vld [tilespmem:s5+$0xB710];
	_ =	sdelay $0x6  }
0xee: {  	v1 =	vld.idx.msk [tilespmem:v1+s16+$0x0], $0xffff  }
0xef: {  	v2 =	vld.idx.msk [tilespmem:v2+s18+$0x0], $0xffff;
	_ =	sdelay $0x4  }
0xf0: {  	v1 =	vadd.f32 v2, v1;
	_ =	sdelay $0x1  }
0xf1: {  	v2 =	vmul.f32 $2.000000030e-01, v1  }
0xf2: {  	vm9 =	vge.f32 v1, $0.0e+00  }
0xf3: {  	v1 =	vsel vm9, v1, v2  }
0xf4: {  	v1 =	vsub.f32 v1, v0;
	_ =	sdelay $0x1  }
0xf5: {  	v1 =	vmul.f32 $1.442695020e+00, v1;
	_ =	sdelay $0x1  }
0xf6: {  	(erf) = vpow2.f32 v1;
	_ =	sdelay $0x8  }
0xf7: {  	v1 =	vpop (erf)  }
0xf8: {  	[tilespmem:$0x15B30] =	vst v1  }
0xf9: {  	v1 =	vld [tilespmem:s5+$0xA320]  }
0xfa: {  	v2 =	vld [tilespmem:s5+$0xB720];
	_ =	sdelay $0x6  }
0xfb: {  	v1 =	vld.idx.msk [tilespmem:v1+s16+$0x0], $0xffff  }
0xfc: {  	v2 =	vld.idx.msk [tilespmem:v2+s18+$0x0], $0xffff;
	_ =	sdelay $0x4  }
0xfd: {  	v1 =	vadd.f32 v2, v1;
	_ =	sdelay $0x1  }
0xfe: {  	v2 =	vmul.f32 $2.000000030e-01, v1  }
0xff: {  	vm10 =	vge.f32 v1, $0.0e+00  }
0x100: {  	v1 =	vsel vm10, v1, v2  }
0x101: {  	v1 =	vsub.f32 v1, v0;
	_ =	sdelay $0x1  }
0x102: {  	v1 =	vmul.f32 $1.442695020e+00, v1;
	_ =	sdelay $0x1  }
0x103: {  	(erf) = vpow2.f32 v1;
	_ =	sdelay $0x8  }
0x104: {  	v1 =	vpop (erf)  }
0x105: {  	[tilespmem:$0x15B40] =	vst v1  }
0x106: {  	v1 =	vld [tilespmem:s5+$0xA330]  }
0x107: {  	v2 =	vld [tilespmem:s5+$0xB730];
	_ =	sdelay $0x6  }
0x108: {  	v1 =	vld.idx.msk [tilespmem:v1+s16+$0x0], $0xffff  }
0x109: {  	v2 =	vld.idx.msk [tilespmem:v2+s18+$0x0], $0xffff;
	_ =	sdelay $0x4  }
0x10a: {  	v1 =	vadd.f32 v2, v1;
	_ =	sdelay $0x1  }
0x10b: {  	v2 =	vmul.f32 $2.000000030e-01, v1  }
0x10c: {  	vm11 =	vge.f32 v1, $0.0e+00  }
0x10d: {  	v1 =	vsel vm11, v1, v2  }
0x10e: {  	v1 =	vsub.f32 v1, v0;
	_ =	sdelay $0x1  }
0x10f: {  	v1 =	vmul.f32 $1.442695020e+00, v1;
	_ =	sdelay $0x1  }
0x110: {  	(erf) = vpow2.f32 v1;
	_ =	sdelay $0x8  }
0x111: {  	v1 =	vpop (erf)  }
0x112: {  	[tilespmem:$0x15B50] =	vst v1  }
0x113: {  	v1 =	vld [tilespmem:s5+$0xA340]  }
0x114: {  	v2 =	vld [tilespmem:s5+$0xB740];
	_ =	sdelay $0x6  }
0x115: {  	v1 =	vld.idx.msk [tilespmem:v1+s16+$0x0], $0xffff  }
0x116: {  	v2 =	vld.idx.msk [tilespmem:v2+s18+$0x0], $0xffff;
	_ =	sdelay $0x4  }
0x117: {  	v1 =	vadd.f32 v2, v1;
	_ =	sdelay $0x1  }
0x118: {  	v2 =	vmul.f32 $2.000000030e-01, v1  }
0x119: {  	vm12 =	vge.f32 v1, $0.0e+00  }
0x11a: {  	v1 =	vsel vm12, v1, v2  }
0x11b: {  	v1 =	vsub.f32 v1, v0;
	_ =	sdelay $0x1  }
0x11c: {  	v1 =	vmul.f32 $1.442695020e+00, v1;
	_ =	sdelay $0x1  }
0x11d: {  	(erf) = vpow2.f32 v1;
	_ =	sdelay $0x8  }
0x11e: {  	v1 =	vpop (erf)  }
0x11f: {  	[tilespmem:$0x15B60] =	vst v1  }
0x120: {  	v1 =	vld [tilespmem:s5+$0xA350]  }
0x121: {  	v2 =	vld [tilespmem:s5+$0xB750];
	_ =	sdelay $0x6  }
0x122: {  	v1 =	vld.idx.msk [tilespmem:v1+s16+$0x0], $0xffff  }
0x123: {  	v2 =	vld.idx.msk [tilespmem:v2+s18+$0x0], $0xffff;
	_ =	sdelay $0x4  }
0x124: {  	v1 =	vadd.f32 v2, v1;
	_ =	sdelay $0x1  }
0x125: {  	v2 =	vmul.f32 $2.000000030e-01, v1  }
0x126: {  	vm13 =	vge.f32 v1, $0.0e+00  }
0x127: {  	v1 =	vsel vm13, v1, v2  }
0x128: {  	v1 =	vsub.f32 v1, v0;
	_ =	sdelay $0x1  }
0x129: {  	v1 =	vmul.f32 $1.442695020e+00, v1;
	_ =	sdelay $0x1  }
0x12a: {  	(erf) = vpow2.f32 v1;
	_ =	sdelay $0x8  }
0x12b: {  	v1 =	vpop (erf)  }
0x12c: {  	[tilespmem:$0x15B70] =	vst v1  }
0x12d: {  	v1 =	vld [tilespmem:s5+$0xA360]  }
0x12e: {  	v2 =	vld [tilespmem:s5+$0xB760];
	_ =	sdelay $0x6  }
0x12f: {  	v1 =	vld.idx.msk [tilespmem:v1+s16+$0x0], $0xffff  }
0x130: {  	v2 =	vld.idx.msk [tilespmem:v2+s18+$0x0], $0xffff;
	_ =	sdelay $0x4  }
0x131: {  	v1 =	vadd.f32 v2, v1;
	_ =	sdelay $0x1  }
0x132: {  	v2 =	vmul.f32 $2.000000030e-01, v1  }
0x133: {  	vm14 =	vge.f32 v1, $0.0e+00  }
0x134: {  	v1 =	vsel vm14, v1, v2  }
0x135: {  	v1 =	vsub.f32 v1, v0;
	_ =	sdelay $0x1  }
0x136: {  	v1 =	vmul.f32 $1.442695020e+00, v1;
	_ =	sdelay $0x1  }
0x137: {  	(erf) = vpow2.f32 v1;
	_ =	sdelay $0x8  }
0x138: {  	v1 =	vpop (erf)  }
0x139: {  	[tilespmem:$0x15B80] =	vst v1  }
0x13a: {  	v1 =	vld [tilespmem:s5+$0xA370]  }
0x13b: {  	v2 =	vld [tilespmem:s5+$0xB770];
	_ =	sdelay $0x6  }
0x13c: {  	v1 =	vld.idx.msk [tilespmem:v1+s16+$0x0], $0xffff  }
0x13d: {  	v2 =	vld.idx.msk [tilespmem:v2+s18+$0x0], $0xffff;
	_ =	sdelay $0x4  }
0x13e: {  	v1 =	vadd.f32 v2, v1;
	_ =	sdelay $0x1  }
0x13f: {  	v2 =	vmul.f32 $2.000000030e-01, v1  }
0x140: {  	vm15 =	vge.f32 v1, $0.0e+00  }
0x141: {  	v1 =	vsel vm15, v1, v2  }
0x142: {  	v1 =	vsub.f32 v1, v0;
	_ =	sdelay $0x1  }
0x143: {  	v1 =	vmul.f32 $1.442695020e+00, v1;
	_ =	sdelay $0x1  }
0x144: {  	(erf) = vpow2.f32 v1;
	_ =	sdelay $0x8  }
0x145: {  	v1 =	vpop (erf)  }
0x146: {  	s8 =	simm.s32 $0x15B20;
	s5 =	sadd.s32 $0xB680, s6;
	[tilespmem:$0x15B90] =	vst v1  }
0x147: {  	[spmem:s3] =	stream.indirect.scatter.add.f32 [tilespmem:s8], [sflag:$0x4], $0x1, s5, s25, $0xb8;
	[tilespmem:$0x19BB0] =	vst v63  }
0x148: {  	_ =	swait.ge [sflag:s31], $0x2000  }
0x149: {  	[sflag:s31] =	ssyncset.done $0x0  }
0x14a: {  	s6 =	simm.s32 $0x0;
	[sflag:s31] =	ssyncadd.s32 $0xFFFFE000  }
0x14b: {  	v6 =	vld [tilespmem:s6+$0x13A90]  }
0x14c: {  	v7 =	vld [tilespmem:s6+$0x13AA0]  }
0x14d: {  	v3 =	vld [tilespmem:s6+$0x13AB0]  }
0x14e: {  	v5 =	vld [tilespmem:s6+$0x13AC0]  }
0x14f: {  	v2 =	vld [tilespmem:s6+$0x13AD0]  }
0x150: {  	v4 =	vld [tilespmem:s6+$0x13AE0]  }
0x151: {  	v1 =	vld [tilespmem:s6+$0x13AF0]  }
0x152: {  	s9 =	simm.s32 $0x400;
	v8 =	vld [tilespmem:s8+$0x0]  }
.LBB2_5:
0x153: {  	p0 =	sne.s32 s9, $0x7C00;
	v9 =	vld [tilespmem:s6+$0x13B00]  }
0x154: {  	v10 =	vld [tilespmem:s6+$0x13B10]  }
0x155: {  	v11 =	vld [tilespmem:s6+$0x13B20]  }
0x156: {  	v12 =	vld [tilespmem:s6+$0x13B30]  }
0x157: {  	v13 =	vbroadcast v8, $0x0;
	v14 =	vbroadcast v8, $0x1;
	v15 =	vld [tilespmem:s6+$0x13B40]  }
0x158: {  	v16 =	vbroadcast v8, $0x2;
	v8 =	vbroadcast v8, $0x3;
	v17 =	vld [tilespmem:s6+$0x13B50]  }
0x159: {  	v6 =	vmul.f32 v13, v6;
	v7 =	vmul.f32 v7, v13;
	v18 =	vld [tilespmem:s6+$0x13B60]  }
0x15a: {  	v3 =	vmul.f32 v3, v13;
	v5 =	vmul.f32 v5, v13;
	v13 =	vld [tilespmem:s6+$0x13B70]  }
0x15b: {  	v2 =	vmul.f32 v2, v14;
	v4 =	vmul.f32 v4, v14;
	[tilespmem:s6+$0x17BB0] =	vst v6;
	v6 =	vld [tilespmem:s6+$0x13B80]  }
0x15c: {  	v1 =	vmul.f32 v1, v14;
	[tilespmem:s6+$0x17BC0] =	vst v7;
	v7 =	vmul.f32 v9, v14  }
0x15d: {  	v9 =	vmul.f32 v11, v16;
	[tilespmem:s6+$0x17BD0] =	vst v3;
	v3 =	vmul.f32 v10, v16  }
0x15e: {  	v10 =	vmul.f32 v15, v16;
	[tilespmem:s6+$0x17BE0] =	vst v5;
	v5 =	vmul.f32 v12, v16  }
0x15f: {  	v11 =	vmul.f32 v18, v8;
	[tilespmem:s6+$0x17BF0] =	vst v2;
	v2 =	vmul.f32 v17, v8  }
0x160: {  	v12 =	vmul.f32 v13, v8;
	[tilespmem:s6+$0x17C00] =	vst v4;
	v8 =	vmul.f32 v6, v8  }
0x161: {  	[tilespmem:s6+$0x17C10] =	vst v1  }
0x162: {  	[tilespmem:s6+$0x17C20] =	vst v7  }
0x163: {  	s10 =	sshra.s32 s9, $0x2;
	[tilespmem:s6+$0x17C30] =	vst v3  }
0x164: {  	v6 =	vld [tilespmem:s10+$0x13A90];
	[tilespmem:s6+$0x17C40] =	vst v9  }
0x165: {  	v7 =	vld [tilespmem:s10+$0x13AA0];
	[tilespmem:s6+$0x17C50] =	vst v5  }
0x166: {  	v3 =	vld [tilespmem:s10+$0x13AB0];
	[tilespmem:s6+$0x17C60] =	vst v10  }
.Ltmp1:
0x167: {  	v5 =	vld [tilespmem:s10+$0x13AC0];
	[tilespmem:s6+$0x17C70] =	vst v2;
	(pc) =	sbr.rel @p0 .LBB2_5-.Ltmp1, $4  }
0x168: {  	v2 =	vld [tilespmem:s10+$0x13AD0];
	[tilespmem:s6+$0x17C80] =	vst v11  }
0x169: {  	v4 =	vld [tilespmem:s10+$0x13AE0];
	[tilespmem:s6+$0x17C90] =	vst v12  }
0x16a: {  	s8 =	sadd.s32 $0x4, s8;
	v1 =	vld [tilespmem:s10+$0x13AF0];
	[tilespmem:s6+$0x17CA0] =	vst v8;
	s6 =	smov.u32 s10  }
0x16b: {  	s9 =	sadd.s32 $0x400, s9;
	v8 =	vld [tilespmem:s8+$0x0]  }
0x16c: {  	_ =	sdelay $0x3  }
0x16d: {  	v13 =	vbroadcast v8, $0x0;
	_ =	sdelay $0x1  }
0x16e: {  	v6 =	vmul.f32 v13, v6  }
0x16f: {  	v12 =	vld [tilespmem:s6+$0x13B30];
	v7 =	vmul.f32 v7, v13  }
0x170: {  	v60 =	vbroadcast v8, $0x1;
	v3 =	vmul.f32 v3, v13;
	[tilespmem:s6+$0x17BB0] =	vst v6  }
0x171: {  	v9 =	vld [tilespmem:s6+$0x13B00];
	v5 =	vmul.f32 v5, v13;
	[tilespmem:s6+$0x17BC0] =	vst v7  }
0x172: {  	v10 =	vld [tilespmem:s6+$0x13B10];
	v61 =	vbroadcast v8, $0x2;
	v2 =	vmul.f32 v2, v60;
	[tilespmem:s6+$0x17BD0] =	vst v3  }
0x173: {  	v11 =	vld [tilespmem:s6+$0x13B20];
	v1 =	vmul.f32 v1, v60;
	[tilespmem:s6+$0x17BE0] =	vst v5  }
0x174: {  	v14 =	vld [tilespmem:s6+$0x13B40];
	v62 =	vmul.f32 v12, v61;
	[tilespmem:s6+$0x17BF0] =	vst v2  }
0x175: {  	v15 =	vld [tilespmem:s6+$0x13B50];
	v3 =	vmul.f32 v4, v60;
	[tilespmem:s6+$0x17C10] =	vst v1  }
0x176: {  	v16 =	vld [tilespmem:s6+$0x13B60];
	v2 =	vmul.f32 v9, v60;
	[tilespmem:s6+$0x17C50] =	vst v62  }
0x177: {  	v17 =	vld [tilespmem:s6+$0x13B70];
	[tilespmem:s6+$0x17C00] =	vst v3;
	v3 =	vmul.f32 v10, v61  }
0x178: {  	v18 =	vld [tilespmem:s6+$0x13B80];
	v1 =	vmul.f32 v11, v61;
	[tilespmem:s6+$0x17C20] =	vst v2;
	v2 =	vbroadcast v8, $0x3  }
0x179: {  	[tilespmem:s6+$0x17C30] =	vst v3;
	v3 =	vmul.f32 v14, v61  }
0x17a: {  	[tilespmem:s6+$0x17C40] =	vst v1;
	v1 =	vmul.f32 v15, v2  }
0x17b: {  	v63 =	vmul.f32 v16, v2;
	[tilespmem:s6+$0x17C60] =	vst v3  }
0x17c: {  	v3 =	vmul.f32 v17, v2;
	[tilespmem:s6+$0x17C70] =	vst v1  }
0x17d: {  	v1 =	vmul.f32 v18, v2;
	[tilespmem:s6+$0x17C80] =	vst v63  }
0x17e: {  	[tilespmem:s6+$0x17C90] =	vst v3  }
0x17f: {  	[tilespmem:s6+$0x17CA0] =	vst v1  }
0x180: {  	[spmem:s2] =	stream.indirect.scatter.add.f32 [tilespmem:s0], [sflag:$0x4], $0x40, s5, s25, $0xb8;
	[tilespmem:$0x19BB0] =	vst v63  }
0x181: {  	_ =	swait.ge [sflag:s1], $0x80  }
0x182: {  	[sflag:s1] =	ssyncset.done $0x0  }
0x183: {  	[sflag:s1] =	ssyncadd.s32 $0xFFFFFF80  }
0x184: {  	_ =	swait.ge [sflag:s1], $0x2000  }
0x185: {  	[sflag:s1] =	ssyncset.done $0x0  }
0x186: {  	s24 =	sadd.s32 $0x1, s24;
	[sflag:s1] =	ssyncadd.s32 $0xFFFFE000  }
0x187: {  	p0 =	sne.s32 s24, $0x14;
	_ =	swait.ge [sflag:s22], $0x80  }
.Ltmp2:
0x188: {  	[sflag:s22] =	ssyncset.done $0x0;
	(pc) =	sbr.rel @p0 .LBB2_2-.Ltmp2, $4  }
0x189: {  	[sflag:s22] =	ssyncadd.s32 $0xFFFFFF80  }
0x18a: {  	_ =	swait.ge [sflag:s22], $0x2000  }
0x18b: {  	[sflag:s22] =	ssyncset.done $0x0  }
0x18c: {  	[sflag:s22] =	ssyncadd.s32 $0xFFFFE000  }
0x18d: {  	[bflag:$0x0] =	sbarrier.arrive $0xFFFF  }
0x18e: {  	[hbm:s13], [sflag:s19] =	dma.local [spmem:s20], $0x1400  }
0x18f: {  	s23 =	sadd.s32 $0x1, s23;
	_ =	swait.ge [sflag:s17], $0x1400  }
0x190: {  	p0 =	sne.s32 s23, s15;
	[sflag:s17] =	ssyncset.done $0x0  }
.Ltmp3:
0x191: {  	[sflag:s17] =	ssyncadd.s32 $0xFFFFEC00;
	(pc) =	sbr.rel @p0 .LBB2_1-.Ltmp3, $4  }
0x192: {  	[hbm:s14], [sflag:s19] =	dma.local [spmem:s21], $0x50  }
0x193: {  	_ =	swait.ge [sflag:s17], $0x50  }
0x194: {  	[sflag:s17] =	ssyncset.done $0x0  }
0x195: {  	[sflag:s17] =	ssyncadd.s32 $0xFFFFFFB0  }
0x196: {  	_ =	sfence.sel $0x180000  }
0x197: {  	[bflag:$0x0] =	sbarrier.arrive $0xFFFF  }
0x198: {  	_ =	strace $0x9000004A  }
0x199: {  	s0 =	stileid.u32;
	[bflag:$0x2] =	sbarrier.arrive $0xFFFF  }
0x19a: {  	p0 =	sne.s32 s0, $0x0;
	s0 =	rddreg [dreg:$0x4]  }
0x19b: {  	s0 =	sadd.s32 @!p0 $0x100000, s0  }
0x19c: {  	[sflag:s0] =	ssyncadd.tile.s32 @!p0 $0x1;
	_ =	shalt  }
.Lfunc_end2:
_tile_overlayer_lowered:
.L_overlay_start_2:
0x19d: {  	(tag) =	ssettag $0x2  }
0x19e: {  	s0 =	rddreg [dreg:$0x0];
	s2 =	stileid.u32  }
0x19f: {  	s1 =	rddreg [dreg:$0x1];
	p0 =	sne.s32 s2, $0x0  }
0x1a0: {  	s3 =	rddreg [dreg:$0x2];
	[bflag:$0x3] =	sbarrier.arrive $0xFFFF;
	s2 =	simm.s32 @!p0 $0x1C05  }
0x1a1: {  	[timem:s3], [sflag:s2] =	dma.local @!p0 [hbm:s0], s1  }
0x1a2: {  	s0 =	simm.s32 @!p0 $0x5  }
0x1a3: {  	_ =	swait.ge @!p0 [sflag:s0], s1  }
0x1a4: {  	s1 =	ssub.s32 @!p0 $0x0, s1;
	[sflag:s0] =	ssyncset.done @!p0 $0x0  }
0x1a5: {  	[sflag:s0] =	ssyncadd.s32 @!p0 s1  }
0x1a6: {  	[bflag:$0x3] =	sbarrier.arrive $0xFFFF  }
0x1a7: {  	_ =	shalt  }

// kernel: kernel.7.cloned.1.call-start
scs
__scs_entry_jumppad:
0x0: {  	(pc) =	sbr.rel $0x88, $3  }
0x1: {  	(tag) =	ssettag $0x0;
	lr =	simm.s32 $0x1  }
0x2: {  	[smem:$0x3F97] =	sst lr;
	_ =	strace $0xD0000000  }
0x3: {  	_ = 	snop  }
0x4: {  	_ = 	snop  }
0x5: {  	_ = 	snop  }
0x6: {  	_ = 	snop  }
0x7: {  	_ = 	snop  }
__scs_overlays_trampoline_lowered:
0x8: {  	[smem:$0x3FA6] =	sst s0  }
0x9: {  	[smem:$0x3FA7] =	sst s1  }
0xa: {  	[smem:$0x3FA8] =	sst s2  }
0xb: {  	[smem:$0x3FA9] =	sst s3  }
0xc: {  	[smem:$0x3FAA] =	sst s4  }
0xd: {  	[smem:$0x3FAB] =	sst s5  }
0xe: {  	[smem:$0x3FAC] =	sst s6  }
0xf: {  	[smem:$0x3FAD] =	sst s7  }
0x10: {  	[smem:$0x3FAE] =	sst s8  }
0x11: {  	[smem:$0x3FAF] =	sst s9;
	s0 =	simm.s32 @!p0 $0x0  }
0x12: {  	s1 =	sld [smem:$0x3F95];
	s0 =	simm.s32 @p0 $0x1  }
0x13: {  	[smem:$0x3FB0] =	sst s0;
	s0 =	simm.s32 @!p1 $0x0  }
0x14: {  	s2 =	sld [smem:$0x3F94];
	s0 =	simm.s32 @p1 $0x1  }
0x15: {  	[smem:$0x3FB1] =	sst s0;
	s0 =	simm.s32 @!p2 $0x0  }
0x16: {  	s3 =	sld [smem:$0x3FDB];
	s0 =	simm.s32 @p2 $0x1  }
0x17: {  	s4 =	simm.s32 $0x1BF5;
	[smem:$0x3FB3] =	sst s0  }
0x18: {  	s0 =	sld [smem:$0x3F96];
	_ =	swait.ge [sflag:s4], $0x0  }
0x19: {  	s7 =	sld [smem:$0x3F97]  }
0x1a: {  	s8 =	sadd.s32 $0xFFFFE003, lr  }
0x1b: {  	s9 =	sadd.s32 $0xFFFFFEF7, lr;
	s5 =	simm.s32 $0xFFFFFFFF;
	p2 =	slt.u32 s8, $0xFFFFF086  }
0x1c: {  	p1 =	slt.u32 s9, $0xF7A;
	s5 =	simm.s32 @!p2 $0x0  }
0x1d: {  	s5 =	simm.s32 @p1 $0x1;
	p0 =	seq.s32 s7, s2  }
0x1e: {  	s7 =	smul.u32 @!p0 $0xF7A, s2;
	p2 =	seq.s32 @!p0 s5, $0x0  }
0x1f: {  	s9 =	smul.u32 $0xF7A, s1;
	s8 =	simm.s32 @!p0 $0x1BF5;
	p2 =	por !p2, p0  }
0x20: {  	[sflag:s8] =	ssyncset.s32 @!p0 $0xFFFFF086;
	s6 =	sadd.s32 @!p0 s3, s7;
	s7 =	simm.s32 @!p0 $0x108  }
0x21: {  	s3 =	sadd.s32 s3, s9;
	s6 =	sadd.s32 @!p0 $0x88, s6;
	s7 =	simm.s32 @p2 $0x1082  }
0x22: {  	[simem:s7], [sflag:s8] =	dma.local @!p0 [hbm:s6], $0xF7A  }
0x23: {  	s9 =	sor.u32 $0xD0000000, s2;
	s6 =	simm.s32 $0x108;
	_ =	swait.ge @!p0 [sflag:s8], $0x0  }
0x24: {  	s3 =	sadd.s32 $0x88, s3;
	s6 =	simm.s32 @!p1 $0x1082;
	[sflag:s4] =	ssyncset.s32 $0xFFFFF086  }
0x25: {  	[simem:s6], [sflag:s4] =	dma.local [hbm:s3], $0xF7A  }
0x26: {  	[smem:$0x3F97] =	sst s1;
	(tag) =	ssettag s2;
	_ =	strace s9  }
0x27: {  	s1 =	sld [smem:$0x3FA7]  }
0x28: {  	s2 =	sld [smem:$0x3FA8]  }
0x29: {  	s4 =	sld [smem:$0x3FAA]  }
0x2a: {  	p0 =	seq.s32 s5, $0x0;
	s5 =	sld [smem:$0x3FAB]  }
0x2b: {  	s6 =	sld [smem:$0x3FAC]  }
0x2c: {  	s7 =	sld [smem:$0x3FAD]  }
0x2d: {  	s3 =	simm.s32 $0x108;
	s8 =	sld [smem:$0x3FAE]  }
0x2e: {  	s3 =	simm.s32 @!p0 $0x1082;
	s9 =	sld [smem:$0x3FAF]  }
0x2f: {  	lr =	sadd.s32 s0, s3;
	s0 =	sld [smem:$0x3FA6]  }
0x30: {  	s3 =	sld [smem:$0x3FA9]  }
0x31: {  	[smem:$0x3FB2] =	sst s10  }
0x32: {  	s10 =	sld [smem:$0x3FB0];
	_ =	sdelay $0x3  }
0x33: {  	p0 =	seq.s32 s10, $0x1;
	s10 =	sld [smem:$0x3FB2];
	_ =	sdelay $0x3  }
0x34: {  	[smem:$0x3FB2] =	sst s10  }
0x35: {  	s10 =	sld [smem:$0x3FB1];
	_ =	sdelay $0x3  }
0x36: {  	p1 =	seq.s32 s10, $0x1;
	s10 =	sld [smem:$0x3FB2];
	_ =	sdelay $0x3  }
0x37: {  	[smem:$0x3FB2] =	sst s10  }
0x38: {  	s10 =	sld [smem:$0x3FB3]  }
0x39: {  	_ = 	snop;
	(pc) =	sbr.ind lr, $3  }
0x3a: {  	_ = 	snop  }
0x3b: {  	_ = 	snop  }
0x3c: {  	p2 =	seq.s32 s10, $0x1;
	s10 =	sld [smem:$0x3FB2]  }
0x3d: {  	_ =	shalt  }
0x3e: {  	_ =	shalt  }
0x3f: {  	_ =	shalt  }
0x40: {  	_ =	shalt  }
0x41: {  	_ =	shalt  }
0x42: {  	_ =	shalt  }
0x43: {  	_ =	shalt  }
0x44: {  	_ =	shalt  }
0x45: {  	_ =	shalt  }
0x46: {  	_ =	shalt  }
0x47: {  	_ =	shalt  }
0x48: {  	_ =	shalt  }
0x49: {  	_ =	shalt  }
0x4a: {  	_ =	shalt  }
0x4b: {  	_ =	shalt  }
0x4c: {  	_ =	shalt  }
0x4d: {  	_ =	shalt  }
0x4e: {  	_ =	shalt  }
0x4f: {  	_ =	shalt  }
0x50: {  	_ =	shalt  }
0x51: {  	_ =	shalt  }
0x52: {  	_ =	shalt  }
0x53: {  	_ =	shalt  }
0x54: {  	_ =	shalt  }
0x55: {  	_ =	shalt  }
0x56: {  	_ =	shalt  }
0x57: {  	_ =	shalt  }
0x58: {  	_ =	shalt  }
0x59: {  	_ =	shalt  }
0x5a: {  	_ =	shalt  }
0x5b: {  	_ =	shalt  }
0x5c: {  	_ =	shalt  }
0x5d: {  	_ =	shalt  }
0x5e: {  	_ =	shalt  }
0x5f: {  	_ =	shalt  }
0x60: {  	_ =	shalt  }
0x61: {  	_ =	shalt  }
0x62: {  	_ =	shalt  }
0x63: {  	_ =	shalt  }
0x64: {  	_ =	shalt  }
0x65: {  	_ =	shalt  }
0x66: {  	_ =	shalt  }
0x67: {  	_ =	shalt  }
0x68: {  	_ =	shalt  }
0x69: {  	_ =	shalt  }
0x6a: {  	_ =	shalt  }
0x6b: {  	_ =	shalt  }
0x6c: {  	_ =	shalt  }
0x6d: {  	_ =	shalt  }
0x6e: {  	_ =	shalt  }
0x6f: {  	_ =	shalt  }
0x70: {  	_ =	shalt  }
0x71: {  	_ =	shalt  }
0x72: {  	_ =	shalt  }
0x73: {  	_ =	shalt  }
0x74: {  	_ =	shalt  }
0x75: {  	_ =	shalt  }
0x76: {  	_ =	shalt  }
0x77: {  	_ =	shalt  }
0x78: {  	_ =	shalt  }
0x79: {  	_ =	shalt  }
0x7a: {  	_ =	shalt  }
0x7b: {  	_ =	shalt  }
0x7c: {  	_ =	shalt  }
0x7d: {  	_ =	shalt  }
0x7e: {  	_ =	shalt  }
0x7f: {  	_ =	shalt  }
0x80: {  	_ =	shalt  }
0x81: {  	_ =	shalt  }
0x82: {  	_ =	shalt  }
0x83: {  	_ =	shalt  }
0x84: {  	_ =	shalt  }
0x85: {  	_ =	shalt  }
0x86: {  	_ =	shalt  }
0x87: {  	_ =	shalt  }
.Lfunc_end0:
.L_simem_size_0:
called_computation_lowered:
.L_overlay_start_0:
0x88: {  	s2 =	sld [smem:$0x3FD9]  }
0x89: {  	s3 =	sld [smem:$0x3FFE];
	_ =	sdelay $0x1  }
0x8a: {  	s1 =	srdreg.scid  }
0x8b: {  	s0 =	sand.u32 $0x1, s1  }
0x8c: {  	s17 =	sshll.u32 s0, $0xA;
	s2 =	sadd.s32 s3, s2  }
0x8d: {  	s2 =	sadd.s32 s2, s17  }
0x8e: {  	[smem:$0x3FBE] =	sst s2  }
0x8f: {  	_ = 	snop  }
0x90: {  	s2 =	sld [smem:$0x3FD0];
	(tm) =	ssettm $0x1  }
0x91: {  	s18 =	sld [smem:$0x3FFB];
	_ =	sdelay $0x3  }
0x92: {  	_ =	strace s18  }
0x93: {  	s3 =	sld [smem:$0x3FFC];
	_ =	sdelay $0x3  }
0x94: {  	_ =	strace s3  }
0x95: {  	s3 =	sld [smem:$0x3FFD];
	_ =	sdelay $0x3  }
0x96: {  	_ =	strace s3  }
0x97: {  	_ =	strace $0x8FFFFFFF  }
0x98: {  	s19 =	sld [smem:$0x3FDB];
	_ =	sdelay $0x1  }
0x99: {  	s4 =	simm.s32 $_scs_section_size  }
0x9a: {  	s5 =	simm.s32 $_size__tile_overlayer_lowered;
	s6 =	simm.s32 $_tile_overlayer_lowered  }
0x9b: {  	s22 =	simm.s32 $0x1BFF;
	s21 =	sshll.u32 s6, $0x1;
	s3 =	sadd.s32 s4, s19  }
0x9c: {  	s7 =	simm.s32 $0x0;
	s20 =	sshll.u32 s5, $0x1;
	s5 =	sadd.s32 s21, s3  }
0x9d: {  	[timem:s7], [sflag:s22] =	dma.local [hbm:s5], s20  }
0x9e: {  	_ =	swait.ge [sflag:s22], s20  }
0x9f: {  	s4 =	ssub.s32 $0x0, s20;
	[sflag:s22] =	ssyncset.done $0x0  }
0xa0: {  	[sflag:s22] =	ssyncadd.s32 s4;
	_ =	sdelay $0x1  }
0xa1: {  	s23 =	simm.s32 $0x1B8B  }
0xa2: {  	_ =	swait.ge [sflag:s23], $0x1  }
0xa3: {  	[sflag:s23] =	ssyncset.done $0x0  }
0xa4: {  	s25 =	simm.s32 $0x1B8E;
	s24 =	sld [smem:$0x3FFE];
	[sflag:s23] =	ssyncadd.s32 $0xFFFFFFFF  }
0xa5: {  	s26 =	simm.s32 $execute0_lowered;
	[smem:$0x3FD2] =	sst s25  }
0xa6: {  	s5 =	sshll.u32 s26, $0x1;
	_ =	strace $0x80000046;
	[dreg:$0x1] =	wrdreg $0xFFFFFFFF  }
0xa7: {  	s28 =	simm.s32 $_size_execute0_lowered;
	s3 =	sadd.s32 s3, s5;
	[dreg:$0x0] =	wrdreg $0x0  }
0xa8: {  	s5 =	sshll.u32 s28, $0x1;
	[dreg:$0x2] =	wrdreg s3  }
0xa9: {  	[dreg:$0x3] =	wrdreg s5  }
0xaa: {  	[dreg:$0x4] =	wrdreg $0xC0  }
0xab: {  	_ =	task [dreg:s7], $0x5FFFF  }
0xac: {  	[dreg:$0x1] =	wrdreg $0xFFFFFFFF  }
0xad: {  	[dreg:$0x0] =	wrdreg $0x60  }
0xae: {  	[dreg:$0x2] =	wrdreg s24  }
0xaf: {  	[dreg:$0x3] =	wrdreg s2  }
0xb0: {  	[dreg:$0x4] =	wrdreg $0x0  }
0xb1: {  	[dreg:$0x5] =	wrdreg $0x28000  }
0xb2: {  	[dreg:$0x6] =	wrdreg $0x50000  }
0xb3: {  	[dreg:$0x7] =	wrdreg $0xF0000  }
0xb4: {  	[dreg:$0x8] =	wrdreg $0x9  }
0xb5: {  	_ =	task.clear_ibuf [dreg:s7], $0x9FFFF;
	_ =	strace $0x90000046  }
0xb6: {  	s29 =	simm.s32 $0x9;
	_ =	strace $0x80000048  }
0xb7: {  	_ =	swait.ge [sflag:s29], $0x1  }
0xb8: {  	[sflag:s29] =	ssyncadd.s32 $0xFFFFFFFF  }
0xb9: {  	_ =	strace $0x90000048  }
0xba: {  	_ =	sfence  }
0xbb: {  	s30 =	sld [smem:$0x0];
	_ =	sdelay $0x2  }
0xbc: {  	s31 =	sshll.u32 s1, $0xD;
	s1 =	sshrl.u32 s1, $0x2  }
0xbd: {  	s3 =	sand.u32 $0x4000, s31;
	s1 =	sadd.s32 s1, s30  }
0xbe: {  	s0 =	sor.u32 s3, s0;
	s1 =	sshll.u32 s1, $0x11  }
0xbf: {  	s0 =	sor.u32 s1, s0  }
0xc0: {  	s0 =	sadd.s32 $0x8F2B, s0  }
0xc1: {  	[sflag:s0] =	ssyncadd.remote.s32 $0x1  }
0xc2: {  	_ =	sfence.sel $0xFFFF  }
0xc3: {  	[dreg:$0x0] =	wrdreg $0xFFFFFFFF;
	(pc) =	sbr.abs _section_cstart, $3  }
0xc4: {  	[dreg:$0x1] =	wrdreg $0xFFFFFFFF  }
0xc5: {  	_ =	task.clear_ibuf [dreg:s7], $0x2FFFF;
	_ =	strace $0x9FFFFFFF  }
0xc6: {  	(tm) =	ssettm $0x7FFFFFFF  }
0xc7: {  	_ =	shalt  }
tec
execute0_lowered:
.L_overlay_start_1:
0x0: {  	(tag) =	ssettag $0x1  }
0x1: {  	s2 =	rddreg [dreg:$0x0]  }
0x2: {  	s3 =	rddreg [dreg:$0x1]  }
0x3: {  	s0 =	rddreg [dreg:$0x2]  }
0x4: {  	s1 =	rddreg [dreg:$0x3];
	s5 =	srdreg.scid  }
0x5: {  	s4 =	rddreg [dreg:$0x4];
	s16 =	stileid.u32  }
0x6: {  	s8 =	simm.s32 $0x0;
	s28 =	simm.s32 $0x80;
	s29 =	simm.s32 $0x16010  }
0x7: {  	s30 =	simm.s32 $0x14010;
	s6 =	sand.u32 $0x1, s5;
	s5 =	rddreg [dreg:$0x5]  }
0x8: {  	s31 =	simm.s32 $0x15010;
	[smem:$0x7FF] =	sst s8;
	s9 =	smul.u32 $0xA000, s16  }
0x9: {  	s11 =	sadd.s32 $0xA0600, s2;
	s12 =	smul.u32 $0x2800, s16;
	s25 =	sshll.u32 s16, $0x6  }
0xa: {  	s7 =	sshll.u32 s6, $0x4;
	_ =	strace $0x80000047;
	s10 =	smul.u32 $0xA0000, s6  }
0xb: {  	[dreg:$0x7] =	wrdreg s11;
	s13 =	ssub.s32 $0x2, s6;
	s17 =	sor.u32 $0x1C07, s25  }
0xc: {  	s6 =	smul.u32 $0x28000, s6;
	s7 =	sor.u32 s16, s7;
	s23 =	sshrl.u32 s9, $0x3  }
0xd: {  	s14 =	sshrl.u32 s12, $0x3;
	s15 =	sshrl.u32 s13, $0x1;
	s26 =	sadd.s32 s12, s1  }
0xe: {  	s20 =	sadd.s32 s12, s5;
	s16 =	simm.s32 $0x6;
	[dreg:$0x9] =	wrdreg s17  }
0xf: {  	s22 =	smul.u32 $0x280, s7;
	s7 =	sadd.s32 $0x78600, s2;
	s11 =	sadd.s32 s23, s2  }
0x10: {  	s10 =	sadd.s32 s9, s10;
	s14 =	sadd.s32 s14, s2;
	s9 =	sadd.s32 s9, s4  }
0x11: {  	[dreg:$0xd] =	wrdreg s20;
	s6 =	sadd.s32 s12, s6;
	s26 =	sshrl.u32 s26, $0x3  }
0x12: {  	s10 =	sshrl.u32 s10, $0x3;
	s24 =	sadd.s32 $0x91600, s14;
	s18 =	sadd.s32 $0x8C600, s14  }
0x13: {  	[dreg:$0xb] =	wrdreg s9;
	s19 =	sadd.s32 $0xA0800, s11;
	s21 =	sadd.s32 $0xB4800, s14  }
0x14: {  	s6 =	sshrl.u32 s6, $0x3;
	[dreg:$0x15] =	wrdreg s26;
	s26 =	simm.s32 $0x1A010  }
0x15: {  	s9 =	simm.s32 $0x1B010;
	s11 =	simm.s32 $0x2;
	[dreg:$0x8] =	wrdreg s24  }
0x16: {  	s14 =	simm.s32 $0x1D010;
	s8 =	sadd.s32 s22, s2;
	[dreg:$0xa] =	wrdreg s18  }
0x17: {  	s2 =	sadd.s32 s10, s2;
	s10 =	ssub.s32 s13, s15;
	[dreg:$0xc] =	wrdreg s19  }
0x18: {  	s13 =	sadd.s32 s12, s0;
	[dreg:$0xe] =	wrdreg s21;
	s23 =	sadd.s32 s3, s6  }
0x19: {  	s3 =	simm.s32 $0x14810;
	s22 =	sadd.s32 $0x9B600, s8;
	[dreg:$0x12] =	wrdreg s23  }
0x1a: {  	s12 =	simm.s32 $0x1A810;
	s8 =	sadd.s32 $0x96600, s8;
	[dreg:$0xf] =	wrdreg s22  }
0x1b: {  	s15 =	simm.s32 $0x5;
	s2 =	sadd.s32 $0xB9800, s2;
	[dreg:$0x10] =	wrdreg s8  }
0x1c: {  	s24 =	smax.u32 s10, $0x1;
	s25 =	sshrl.u32 s13, $0x3;
	[dreg:$0x11] =	wrdreg s2  }
0x1d: {  	s13 =	simm.s32 $0x4;
	s10 =	simm.s32 $0x0;
	[dreg:$0x13] =	wrdreg s24  }
0x1e: {  	[dreg:$0x14] =	wrdreg s25;
	s22 =	simm.s32 $0x7;
	s2 =	simm.s32 $0x18010  }
0x1f: {  	vm0 =	vmmov $0xff;
	s24 =	simm.s32 $0x15810;
	s25 =	simm.s32 $0x1;
	s8 =	simm.s32 $0x3  }
.LBB2_1:
0x20: {  	[dreg:$0x16] =	wrdreg s10  }
0x21: {  	s6 =	rddreg [dreg:$0x8]  }
0x22: {  	s20 =	rddreg [dreg:$0x14]  }
0x23: {  	[spmem:s20], [sflag:s17] =	dma.local [hbm:s6], $0x500  }
0x24: {  	_ =	swait.ge [sflag:s22], $0x500  }
0x25: {  	[sflag:s22] =	ssyncset.done $0x0;
	s21 =	rddreg [dreg:$0xa]  }
0x26: {  	s23 =	rddreg [dreg:$0x15];
	[sflag:s22] =	ssyncadd.s32 $0xFFFFFB00  }
0x27: {  	[spmem:s23], [sflag:s17] =	dma.local [hbm:s21], $0x500  }
0x28: {  	_ =	swait.ge [sflag:s22], $0x500  }
0x29: {  	s10 =	rddreg [dreg:$0xb]  }
0x2a: {  	[sflag:s22] =	ssyncset.done $0x0;
	s19 =	rddreg [dreg:$0xc];
	s18 =	sshrl.u32 s10, $0x3  }
0x2b: {  	[sflag:s22] =	ssyncadd.s32 $0xFFFFFB00;
	[dreg:$0x17] =	wrdreg s18  }
0x2c: {  	[spmem:s18], [sflag:s17] =	dma.local [hbm:s19], $0x1400  }
0x2d: {  	_ =	swait.ge [sflag:s22], $0x1400  }
0x2e: {  	s20 =	rddreg [dreg:$0xd]  }
0x2f: {  	[sflag:s22] =	ssyncset.done $0x0;
	s23 =	rddreg [dreg:$0xe];
	s21 =	sshrl.u32 s20, $0x3  }
0x30: {  	[sflag:s22] =	ssyncadd.s32 $0xFFFFEC00;
	[dreg:$0x18] =	wrdreg s21  }
0x31: {  	[spmem:s21], [sflag:s17] =	dma.local [hbm:s23], $0x500  }
0x32: {  	_ =	swait.ge [sflag:s22], $0x500  }
0x33: {  	s6 =	simm.s32 $0x0;
	[sflag:s22] =	ssyncset.done $0x0  }
0x34: {  	s18 =	simm.s32 $0x14000;
	s17 =	rddreg [dreg:$0x7];
	[sflag:s22] =	ssyncadd.s32 $0xFFFFFB00  }
0x35: {  	[tilespmem:s18], [sflag:$0x7] =	stream.linear.gather [hbm4b:s17+s6], $0x10, $0x38;
	[tilespmem:$0x1F010] =	vst v63  }
0x36: {  	_ =	swait.ge [sflag:s22], $0x10  }
0x37: {  	[sflag:s22] =	ssyncset.done $0x0  }
0x38: {  	s20 =	simm.s32 $0x11800;
	s19 =	rddreg [dreg:$0xf];
	[sflag:s22] =	ssyncadd.s32 $0xFFFFFFF0  }
0x39: {  	[tilespmem:s20], [sflag:$0x7] =	stream.linear.gather [hbm4b:s19+s6], $0x1400, $0x38;
	[tilespmem:$0x1F010] =	vst v63  }
0x3a: {  	_ =	swait.ge [sflag:s22], $0x1400  }
0x3b: {  	[sflag:s22] =	ssyncset.done $0x0  }
0x3c: {  	s23 =	simm.s32 $0x12C00;
	s21 =	rddreg [dreg:$0x10];
	[sflag:s22] =	ssyncadd.s32 $0xFFFFEC00  }
0x3d: {  	[tilespmem:s23], [sflag:$0x7] =	stream.linear.gather [hbm4b:s21+s6], $0x1400, $0x38;
	[tilespmem:$0x1F010] =	vst v63  }
0x3e: {  	_ =	swait.ge [sflag:s22], $0x1400  }
0x3f: {  	[sflag:s22] =	ssyncset.done $0x0  }
0x40: {  	[sflag:s22] =	ssyncadd.s32 $0xFFFFEC00  }
0x41: {  	[bflag:$0x0] =	sbarrier.arrive $0xFFFF  }
0x42: {  	v0 =	vld [tilespmem:$0x14000];
	_ =	sdelay $0x3  }
0x43: {  	s20 =	simm.s32 $0x0  }
.LBB2_2:
0x44: {  	s6 =	sshll.u32 s20, $0x8  }
0x45: {  	s10 =	sadd.s32 $0x11800, s6  }
0x46: {  	[tilespmem:s29], [sflag:$0x3] =	stream.indirect.gather [hbm4b:s7+s28], $0x40, s10, s28, $0xb8;
	[tilespmem:$0x1F010] =	vst v63  }
0x47: {  	_ = 	snop  }
0x48: {  	[tilespmem:s30], [sflag:$0x1] =	stream.indirect.gather [spmem:s0], $0x10, s10, s28, $0xb8;
	[tilespmem:$0x1F010] =	vst v63  }
0x49: {  	s23 =	sadd.s32 $0x12C00, s6  }
0x4a: {  	[tilespmem:s31], [sflag:$0x1] =	stream.indirect.gather [spmem:s1], $0x10, s23, s28, $0xb8;
	[tilespmem:$0x1F010] =	vst v63  }
0x4b: {  	s21 =	sadd.s32 $0x11880, s6  }
0x4c: {  	[tilespmem:s2], [sflag:$0x4] =	stream.indirect.gather [hbm4b:s7+s28], $0x40, s21, s28, $0xb8;
	[tilespmem:$0x1F010] =	vst v63  }
0x4d: {  	_ = 	snop  }
0x4e: {  	[tilespmem:s3], [sflag:$0x2] =	stream.indirect.gather [spmem:s0], $0x10, s21, s28, $0xb8;
	[tilespmem:$0x1F010] =	vst v63  }
0x4f: {  	s21 =	sadd.s32 $0x12C80, s6  }
0x50: {  	[tilespmem:s24], [sflag:$0x2] =	stream.indirect.gather [spmem:s1], $0x10, s21, s28, $0xb8;
	[tilespmem:$0x1F010] =	vst v63  }
0x51: {  	_ =	swait.ge [sflag:s25], $0x800  }
0x52: {  	[sflag:s25] =	ssyncset.done $0x0  }
0x53: {  	[sflag:s25] =	ssyncadd.s32 $0xFFFFF800  }
0x54: {  	_ =	swait.ge [sflag:s25], $0x800  }
0x55: {  	[sflag:s25] =	ssyncset.done $0x0  }
0x56: {  	s10 =	simm.s32 $0x0;
	[sflag:s25] =	ssyncadd.s32 $0xFFFFF800  }
0x57: {  	v1 =	vld [tilespmem:s10+$0x14040]  }
0x58: {  	v2 =	vld [tilespmem:s10+$0x15040]  }
0x59: {  	v3 =	vld [tilespmem:s10+$0x14010]  }
0x5a: {  	v4 =	vld [tilespmem:s10+$0x15010]  }
0x5b: {  	v5 =	vld [tilespmem:s10+$0x14020]  }
0x5c: {  	v6 =	vld [tilespmem:s10+$0x15020];
	_ =	sdelay $0x1  }
0x5d: {  	v7 =	vld [tilespmem:s10+$0x14030];
	v1 =	vadd.f32 v2, v1  }
0x5e: {  	s6 =	simm.s32 $0x40;
	v2 =	vld [tilespmem:s10+$0x15030]  }
0x5f: {  	v3 =	vadd.f32 v4, v3;
	v4 =	vld [tilespmem:s6+$0x14040];
	v8 =	vmul.f32 $2.000000030e-01, v1  }
0x60: {  	v5 =	vadd.f32 v6, v5;
	v6 =	vld [tilespmem:s6+$0x15040];
	vm1 =	vge.f32 v1, $0.0e+00  }
0x61: {  	v9 =	vld [tilespmem:s6+$0x14010];
	v1 =	vsel vm1, v1, v8  }
0x62: {  	v11 =	vld [tilespmem:s6+$0x15020];
	v10 =	vmul.f32 $2.000000030e-01, v5;
	v8 =	vmul.f32 $2.000000030e-01, v3;
	v1 =	vsub.f32 v1, v0  }
0x63: {  	vm2 =	vge.f32 v5, $0.0e+00;
	vm1 =	vge.f32 v3, $0.0e+00;
	v2 =	vadd.f32 v2, v7;
	v7 =	vld [tilespmem:s6+$0x15010]  }
0x64: {  	v5 =	vsel vm2, v5, v10;
	v3 =	vsel vm1, v3, v8;
	v8 =	vld [tilespmem:s6+$0x14020];
	v1 =	vmul.f32 $1.442695020e+00, v1  }
0x65: {  	v4 =	vadd.f32 v6, v4;
	v6 =	vld [tilespmem:s6+$0x15030];
	v10 =	vmul.f32 $2.000000030e-01, v2;
	v3 =	vsub.f32 v3, v0  }
0x66: {  	vm1 =	vge.f32 v2, $0.0e+00;
	(erf) = vpow2.f32 v1;
	v1 =	vld [tilespmem:s6+$0x14030]  }
0x67: {  	v5 =	vsub.f32 v5, v0;
	v2 =	vsel vm1, v2, v10;
	v3 =	vmul.f32 $1.442695020e+00, v3  }
0x68: {  	s18 =	simm.s32 $0x80;
	v10 =	vmul.f32 $2.000000030e-01, v4;
	vm1 =	vge.f32 v4, $0.0e+00;
	v2 =	vsub.f32 v2, v0  }
0x69: {  	(erf) = vpow2.f32 v3;
	v3 =	vadd.f32 v7, v9;
	v7 =	vld [tilespmem:s18+$0x14040];
	v8 =	vadd.f32 v11, v8  }
0x6a: {  	v5 =	vmul.f32 $1.442695020e+00, v5;
	v4 =	vsel vm1, v4, v10;
	v9 =	vld [tilespmem:s18+$0x15040];
	v2 =	vmul.f32 $1.442695020e+00, v2  }
0x6b: {  	v10 =	vld [tilespmem:s18+$0x14010];
	v4 =	vsub.f32 v4, v0;
	v1 =	vadd.f32 v6, v1;
	v6 =	vmul.f32 $2.000000030e-01, v8  }
0x6c: {  	v11 =	vld [tilespmem:s18+$0x15010];
	(erf) = vpow2.f32 v5;
	v5 =	vmul.f32 $2.000000030e-01, v3;
	vm1 =	vge.f32 v3, $0.0e+00  }
0x6d: {  	vm2 =	vge.f32 v8, $0.0e+00;
	v4 =	vmul.f32 $1.442695020e+00, v4;
	(erf) = vpow2.f32 v2  }
0x6e: {  	v3 =	vsel vm1, v3, v5;
	v2 =	vmul.f32 $2.000000030e-01, v1;
	v5 =	vsel vm2, v8, v6  }
0x6f: {  	v12 =	vld [tilespmem:s18+$0x14020];
	vm1 =	vge.f32 v1, $0.0e+00;
	v3 =	vsub.f32 v3, v0;
	v9 =	vadd.f32 v9, v7;
	v6 =	vpop (erf)  }
0x70: {  	v13 =	vld [tilespmem:s18+$0x15020];
	(erf) = vpow2.f32 v4;
	v5 =	vsub.f32 v5, v0;
	v1 =	vsel vm1, v1, v2;
	[tilespmem:s10+$0x1A040] =	vst v6  }
0x71: {  	v6 =	vmul.f32 $1.442695020e+00, v3;
	v3 =	vadd.f32 v11, v10;
	v10 =	vmul.f32 $2.000000030e-01, v9;
	v2 =	vld [tilespmem:s18+$0x14030]  }
0x72: {  	v1 =	vsub.f32 v1, v0;
	v4 =	vld [tilespmem:s18+$0x15030]  }
0x73: {  	v7 =	vmul.f32 $1.442695020e+00, v5;
	v8 =	vpop (erf)  }
0x74: {  	s19 =	simm.s32 $0xC0;
	vm1 =	vge.f32 v9, $0.0e+00;
	v5 =	vmul.f32 $1.442695020e+00, v1;
	(erf) = vpow2.f32 v6;
	[tilespmem:s10+$0x1A010] =	vst v8  }
0x75: {  	s17 =	simm.s32 $0x400;
	v8 =	vmul.f32 $2.000000030e-01, v3;
	v6 =	vadd.f32 v13, v12;
	v9 =	vsel vm1, v9, v10;
	v1 =	vld [tilespmem:s19+$0x14040];
	v10 =	vpop (erf)  }
.LBB2_3:
0x76: {  	p0 =	sne.s32 s17, $0x1F00;
	v11 =	vld [tilespmem:s19+$0x15040];
	vm1 =	vge.f32 v3, $0.0e+00;
	v9 =	vsub.f32 v9, v0;
	(erf) = vpow2.f32 v7;
	[tilespmem:s10+$0x1A020] =	vst v10  }
0x77: {  	v10 =	vld [tilespmem:s19+$0x14010];
	vm2 =	vge.f32 v6, $0.0e+00;
	v7 =	vmul.f32 $2.000000030e-01, v6;
	v4 =	vadd.f32 v4, v2;
	v2 =	vpop (erf)  }
0x78: {  	v3 =	vsel vm1, v3, v8;
	v12 =	vld [tilespmem:s19+$0x15010];
	v8 =	vmul.f32 $1.442695020e+00, v9;
	(erf) = vpow2.f32 v5;
	[tilespmem:s10+$0x1A030] =	vst v2;
	s10 =	smov.u32 s6;
	s6 =	smov.u32 s18;
	s18 =	smov.u32 s19  }
0x79: {  	v9 =	vld [tilespmem:s18+$0x14020];
	v2 =	vsel vm2, v6, v7;
	vm1 =	vge.f32 v4, $0.0e+00;
	v5 =	vmul.f32 $2.000000030e-01, v4;
	v6 =	vpop (erf)  }
0x7a: {  	v3 =	vsub.f32 v3, v0;
	v13 =	vld [tilespmem:s18+$0x15020];
	v7 =	vsub.f32 v2, v0;
	(erf) = vpow2.f32 v8;
	[tilespmem:s10+$0x1A040] =	vst v6  }
.Ltmp0:
0x7b: {  	v2 =	vld [tilespmem:s18+$0x14030];
	v11 =	vadd.f32 v11, v1;
	v1 =	vsel vm1, v4, v5;
	(pc) =	sbr.rel @p0 .LBB2_3-.Ltmp0, $4  }
0x7c: {  	v6 =	vmul.f32 $1.442695020e+00, v3;
	v4 =	vld [tilespmem:s18+$0x15030];
	v7 =	vmul.f32 $1.442695020e+00, v7;
	v1 =	vsub.f32 v1, v0  }
0x7d: {  	v3 =	vadd.f32 v12, v10;
	v12 =	vmul.f32 $2.000000030e-01, v11;
	v8 =	vpop (erf)  }
0x7e: {  	s19 =	sshra.s32 s17, $0x2;
	vm1 =	vge.f32 v11, $0.0e+00;
	v5 =	vmul.f32 $1.442695020e+00, v1;
	(erf) = vpow2.f32 v6;
	[tilespmem:s10+$0x1A010] =	vst v8  }
0x7f: {  	s17 =	sadd.s32 $0x100, s17;
	v1 =	vld [tilespmem:s19+$0x14040];
	v8 =	vmul.f32 $2.000000030e-01, v3;
	v6 =	vadd.f32 v13, v9;
	v9 =	vsel vm1, v11, v12;
	v10 =	vpop (erf)  }
0x80: {  	v11 =	vld [tilespmem:s19+$0x15040];
	[tilespmem:s10+$0x1A020] =	vst v10  }
0x81: {  	vm1 =	vge.f32 v3, $0.0e+00;
	v9 =	vsub.f32 v9, v0;
	v10 =	vld [tilespmem:s19+$0x14010];
	v12 =	vpop (erf)  }
0x82: {  	v13 =	vld [tilespmem:s19+$0x15010];
	v2 =	vadd.f32 v4, v2;
	(erf) = vpow2.f32 v7;
	v34 =	vmul.f32 $2.000000030e-01, v6;
	[tilespmem:s10+$0x1A030] =	vst v12  }
0x83: {  	v3 =	vsel vm1, v3, v8;
	vm1 =	vge.f32 v6, $0.0e+00;
	v37 =	vmul.f32 $1.442695020e+00, v9;
	v33 =	vld [tilespmem:s19+$0x14020];
	v35 =	vpop (erf)  }
0x84: {  	v3 =	vsub.f32 v3, v0;
	v12 =	vld [tilespmem:s19+$0x15020];
	v36 =	vmul.f32 $2.000000030e-01, v2;
	v6 =	vsel vm1, v6, v34;
	[tilespmem:s6+$0x1A040] =	vst v35  }
0x85: {  	(erf) = vpow2.f32 v5;
	vm1 =	vge.f32 v2, $0.0e+00;
	v6 =	vsub.f32 v6, v0;
	v38 =	vld [tilespmem:s19+$0x14030]  }
0x86: {  	v3 =	vmul.f32 $1.442695020e+00, v3;
	v2 =	vsel vm1, v2, v36;
	v39 =	vld [tilespmem:s19+$0x15030];
	v1 =	vadd.f32 v11, v1  }
0x87: {  	(erf) = vpow2.f32 v37;
	v2 =	vsub.f32 v2, v0;
	v6 =	vmul.f32 $1.442695020e+00, v6  }
0x88: {  	v40 =	vadd.f32 v13, v10;
	(erf) = vpow2.f32 v3;
	v41 =	vmul.f32 $2.000000030e-01, v1  }
0x89: {  	vm1 =	vge.f32 v1, $0.0e+00;
	v2 =	vmul.f32 $1.442695020e+00, v2;
	v4 =	vadd.f32 v12, v33  }
0x8a: {  	v3 =	vmul.f32 $2.000000030e-01, v40;
	(erf) = vpow2.f32 v6;
	v1 =	vsel vm1, v1, v41  }
0x8b: {  	vm1 =	vge.f32 v40, $0.0e+00;
	v5 =	vadd.f32 v39, v38;
	v42 =	vmul.f32 $2.000000030e-01, v4  }
0x8c: {  	v1 =	vsub.f32 v1, v0;
	vm2 =	vge.f32 v4, $0.0e+00;
	v3 =	vsel vm1, v40, v3  }
0x8d: {  	v3 =	vsub.f32 v3, v0;
	v7 =	vmul.f32 $2.000000030e-01, v5;
	v4 =	vsel vm2, v4, v42  }
0x8e: {  	vm1 =	vge.f32 v5, $0.0e+00;
	v1 =	vmul.f32 $1.442695020e+00, v1;
	v4 =	vsub.f32 v4, v0  }
0x8f: {  	(erf) = vpow2.f32 v2;
	v2 =	vmul.f32 $1.442695020e+00, v3;
	v5 =	vsel vm1, v5, v7  }
0x90: {  	(erf) = vpow2.f32 v1;
	v3 =	vsub.f32 v5, v0;
	v1 =	vmul.f32 $1.442695020e+00, v4;
	_ =	sdelay $0x1  }
0x91: {  	(erf) = vpow2.f32 v2;
	v3 =	vmul.f32 $1.442695020e+00, v3  }
0x92: {  	v2 =	vpop (erf);
	(erf) = vpow2.f32 v1  }
0x93: {  	[tilespmem:s6+$0x1A010] =	vst v2;
	v1 =	vpop (erf);
	(erf) = vpow2.f32 v3  }
0x94: {  	v2 =	vpop (erf);
	[tilespmem:s6+$0x1A020] =	vst v1  }
0x95: {  	v1 =	vpop (erf);
	[tilespmem:s6+$0x1A030] =	vst v2  }
0x96: {  	v2 =	vpop (erf);
	[tilespmem:s18+$0x1A040] =	vst v1  }
0x97: {  	v1 =	vpop (erf);
	[tilespmem:s18+$0x1A010] =	vst v2  }
0x98: {  	v2 =	vpop (erf);
	[tilespmem:s18+$0x1A020] =	vst v1  }
0x99: {  	[tilespmem:s18+$0x1A030] =	vst v2;
	v1 =	vpop (erf)  }
0x9a: {  	[tilespmem:s19+$0x1A040] =	vst v1;
	v1 =	vpop (erf)  }
0x9b: {  	[tilespmem:s19+$0x1A010] =	vst v1;
	v1 =	vpop (erf)  }
0x9c: {  	[tilespmem:s19+$0x1A020] =	vst v1;
	v1 =	vpop (erf)  }
0x9d: {  	[tilespmem:s19+$0x1A030] =	vst v1  }
0x9e: {  	[spmem:s5] =	stream.indirect.scatter.add.f32 [tilespmem:s26], [sflag:$0x5], $0x10, s23, s28, $0xb8;
	[tilespmem:$0x1F010] =	vst v63  }
0x9f: {  	_ =	swait.ge [sflag:s8], $0x2000  }
0xa0: {  	[sflag:s8] =	ssyncset.done $0x0  }
0xa1: {  	s18 =	simm.s32 $0x1A030;
	[sflag:s8] =	ssyncadd.s32 $0xFFFFE000  }
0xa2: {  	v1 =	vld [tilespmem:s18+$0xFFFFFFE0];
	_ =	sdelay $0x2  }
0xa3: {  	s6 =	simm.s32 $0x0  }
0xa4: {  	v2 =	vld [tilespmem:s6+$0x16020]  }
0xa5: {  	v3 =	vld [tilespmem:s6+$0x16030];
	v43 =	vbroadcast v1, $0x2;
	v45 =	vbroadcast v1, $0x6  }
0xa6: {  	v47 =	vld [tilespmem:s6+$0x16010];
	v46 =	vbroadcast v1, $0x3;
	v48 =	vbroadcast v1, $0x5  }
0xa7: {  	v44 =	vld [tilespmem:s6+$0x16040];
	v49 =	vbroadcast v1, $0x4;
	v50 =	vbroadcast v1, $0x0  }
0xa8: {  	v51 =	vbroadcast v1, $0x7;
	v1 =	vbroadcast v1, $0x1;
	v4 =	vsel vm0, v43, v46  }
0xa9: {  	v52 =	vsel vm0, v49, v48;
	v2 =	vmul.f32 v2, v4  }
0xaa: {  	v1 =	vsel vm0, v50, v1;
	v3 =	vmul.f32 v3, v52  }
0xab: {  	v53 =	vsel vm0, v45, v51;
	v1 =	vmul.f32 v1, v47;
	[tilespmem:s6+$0x1B020] =	vst v2  }
0xac: {  	v2 =	vmul.f32 v44, v53;
	[tilespmem:s6+$0x1B030] =	vst v3  }
0xad: {  	[tilespmem:s6+$0x1B010] =	vst v1  }
0xae: {  	[tilespmem:s6+$0x1B040] =	vst v2  }
0xaf: {  	v1 =	vld [tilespmem:s18+$0xFFFFFFF0];
	_ =	sdelay $0x3  }
0xb0: {  	v2 =	vld [tilespmem:s6+$0x16060]  }
0xb1: {  	v54 =	vld [tilespmem:s6+$0x16070];
	v3 =	vbroadcast v1, $0x0  }
0xb2: {  	v56 =	vld [tilespmem:s6+$0x16050];
	v55 =	vbroadcast v1, $0x3;
	v57 =	vbroadcast v1, $0x2  }
0xb3: {  	v58 =	vld [tilespmem:s6+$0x16080];
	v59 =	vbroadcast v1, $0x5;
	v60 =	vbroadcast v1, $0x4  }
0xb4: {  	v61 =	vbroadcast v1, $0x6;
	v62 =	vbroadcast v1, $0x1;
	v5 =	vsel vm0, v57, v55  }
0xb5: {  	v1 =	vbroadcast v1, $0x7;
	v63 =	vsel vm0, v60, v59;
	v2 =	vmul.f32 v2, v5  }
0xb6: {  	v3 =	vsel vm0, v3, v62;
	v4 =	vmul.f32 v54, v63  }
0xb7: {  	v1 =	vsel vm0, v61, v1;
	v3 =	vmul.f32 v3, v56;
	[tilespmem:s6+$0x1B060] =	vst v2  }
0xb8: {  	v1 =	vmul.f32 v58, v1;
	[tilespmem:s6+$0x1B070] =	vst v4  }
0xb9: {  	[tilespmem:s6+$0x1B050] =	vst v3  }
0xba: {  	[tilespmem:s6+$0x1B080] =	vst v1  }
0xbb: {  	s10 =	simm.s32 $0x400;
	s19 =	simm.s32 $0x1A030;
	v1 =	vld [tilespmem:s18+$0x0]  }
.LBB2_5:
0xbc: {  	_ = 	snop  }
0xbd: {  	p0 =	sne.s32 s10, $0x7C00  }
0xbe: {  	v2 =	vld [tilespmem:s6+$0x160C0];
	s18 =	sadd.s32 $0x40, s18;
	s17 =	smov.u32 s10;
	s10 =	sadd.s32 $0x400, s10  }
0xbf: {  	v3 =	vld [tilespmem:s6+$0x160A0]  }
0xc0: {  	v6 =	vld [tilespmem:s6+$0x160B0];
	v4 =	vbroadcast v1, $0x0;
	v5 =	vbroadcast v1, $0x3  }
0xc1: {  	v8 =	vbroadcast v1, $0x2;
	v9 =	vbroadcast v1, $0x5;
	v7 =	vld [tilespmem:s6+$0x16090]  }
0xc2: {  	v10 =	vbroadcast v1, $0x4;
	v11 =	vbroadcast v1, $0x6  }
0xc3: {  	v12 =	vbroadcast v1, $0x1;
	v1 =	vbroadcast v1, $0x7;
	v5 =	vsel vm0, v8, v5  }
0xc4: {  	v3 =	vmul.f32 v3, v5;
	v5 =	vsel vm0, v10, v9  }
0xc5: {  	v4 =	vsel vm0, v4, v12;
	v1 =	vsel vm0, v11, v1;
	v5 =	vmul.f32 v6, v5  }
0xc6: {  	v1 =	vmul.f32 v2, v1;
	v4 =	vmul.f32 v4, v7;
	[tilespmem:s6+$0x1B0A0] =	vst v3  }
0xc7: {  	[tilespmem:s6+$0x1B0B0] =	vst v5  }
0xc8: {  	[tilespmem:s6+$0x1B090] =	vst v4  }
0xc9: {  	[tilespmem:s6+$0x1B0C0] =	vst v1  }
0xca: {  	v1 =	vld [tilespmem:s19+$0x10];
	s19 =	smov.u32 s18;
	_ =	sdelay $0x2  }
0xcb: {  	v2 =	vld [tilespmem:s6+$0x160E0]  }
0xcc: {  	v3 =	vld [tilespmem:s6+$0x160D0]  }
0xcd: {  	v4 =	vbroadcast v1, $0x0;
	v5 =	vbroadcast v1, $0x1;
	v6 =	vld [tilespmem:s6+$0x160F0]  }
0xce: {  	v7 =	vbroadcast v1, $0x2;
	v8 =	vbroadcast v1, $0x3;
	v9 =	vld [tilespmem:s6+$0x16100]  }
0xcf: {  	v10 =	vbroadcast v1, $0x5;
	v4 =	vsel vm0, v4, v5;
	v5 =	vbroadcast v1, $0x4  }
0xd0: {  	v7 =	vsel vm0, v7, v8;
	v8 =	vbroadcast v1, $0x6;
	v1 =	vbroadcast v1, $0x7  }
0xd1: {  	v2 =	vmul.f32 v2, v7;
	v3 =	vmul.f32 v4, v3;
	v4 =	vsel vm0, v5, v10  }
0xd2: {  	v1 =	vsel vm0, v8, v1;
	v4 =	vmul.f32 v6, v4  }
0xd3: {  	[tilespmem:s6+$0x1B0E0] =	vst v2;
	v1 =	vmul.f32 v9, v1  }
0xd4: {  	[tilespmem:s6+$0x1B0F0] =	vst v4  }
0xd5: {  	[tilespmem:s6+$0x1B100] =	vst v1  }
0xd6: {  	[tilespmem:s6+$0x1B0D0] =	vst v3  }
0xd7: {  	v1 =	vld [tilespmem:s18+$0xFFFFFFE0]  }
0xd8: {  	s6 =	sshra.s32 s17, $0x2  }
0xd9: {  	v2 =	vld [tilespmem:s6+$0x16010]  }
0xda: {  	v3 =	vld [tilespmem:s6+$0x16040]  }
0xdb: {  	v4 =	vld [tilespmem:s6+$0x16030]  }
0xdc: {  	v5 =	vbroadcast v1, $0x2;
	v6 =	vld [tilespmem:s6+$0x16020];
	v7 =	vbroadcast v1, $0x6  }
0xdd: {  	v8 =	vbroadcast v1, $0x3;
	v9 =	vbroadcast v1, $0x5  }
0xde: {  	v10 =	vbroadcast v1, $0x0;
	v11 =	vbroadcast v1, $0x1  }
0xdf: {  	v12 =	vbroadcast v1, $0x4;
	v1 =	vbroadcast v1, $0x7  }
0xe0: {  	v10 =	vsel vm0, v10, v11;
	v5 =	vsel vm0, v5, v8  }
0xe1: {  	v2 =	vmul.f32 v10, v2;
	v5 =	vmul.f32 v6, v5;
	v6 =	vsel vm0, v12, v9  }
0xe2: {  	v1 =	vsel vm0, v7, v1;
	v4 =	vmul.f32 v4, v6  }
0xe3: {  	v1 =	vmul.f32 v3, v1;
	[tilespmem:s6+$0x1B020] =	vst v5  }
0xe4: {  	[tilespmem:s6+$0x1B030] =	vst v4  }
0xe5: {  	[tilespmem:s6+$0x1B040] =	vst v1  }
0xe6: {  	[tilespmem:s6+$0x1B010] =	vst v2  }
0xe7: {  	v1 =	vld [tilespmem:s18+$0xFFFFFFF0];
	_ =	sdelay $0x2  }
0xe8: {  	v2 =	vld [tilespmem:s6+$0x16080]  }
0xe9: {  	v3 =	vld [tilespmem:s6+$0x16060]  }
0xea: {  	v4 =	vbroadcast v1, $0x0;
	v5 =	vbroadcast v1, $0x3;
	v6 =	vld [tilespmem:s6+$0x16070]  }
0xeb: {  	v8 =	vbroadcast v1, $0x2;
	v9 =	vbroadcast v1, $0x5;
	v7 =	vld [tilespmem:s6+$0x16050]  }
0xec: {  	v10 =	vbroadcast v1, $0x4;
	v11 =	vbroadcast v1, $0x6  }
0xed: {  	v12 =	vbroadcast v1, $0x1;
	v1 =	vbroadcast v1, $0x7;
	v5 =	vsel vm0, v8, v5  }
0xee: {  	v3 =	vmul.f32 v3, v5;
	v5 =	vsel vm0, v10, v9  }
0xef: {  	v4 =	vsel vm0, v4, v12;
	v1 =	vsel vm0, v11, v1;
	v5 =	vmul.f32 v6, v5  }
.Ltmp1:
0xf0: {  	v1 =	vmul.f32 v2, v1;
	v4 =	vmul.f32 v4, v7;
	[tilespmem:s6+$0x1B060] =	vst v3;
	(pc) =	sbr.rel @p0 .LBB2_5-.Ltmp1, $4  }
0xf1: {  	[tilespmem:s6+$0x1B070] =	vst v5  }
0xf2: {  	[tilespmem:s6+$0x1B050] =	vst v4  }
0xf3: {  	[tilespmem:s6+$0x1B080] =	vst v1  }
0xf4: {  	v1 =	vld [tilespmem:s18+$0x0]  }
0xf5: {  	_ =	sdelay $0x2  }
0xf6: {  	v2 =	vld [tilespmem:s6+$0x160A0]  }
0xf7: {  	v6 =	vld [tilespmem:s6+$0x16090];
	v3 =	vbroadcast v1, $0x0;
	v5 =	vbroadcast v1, $0x3  }
0xf8: {  	v8 =	vld [tilespmem:s6+$0x160C0];
	v7 =	vbroadcast v1, $0x2;
	v9 =	vbroadcast v1, $0x5  }
0xf9: {  	v4 =	vld [tilespmem:s6+$0x160B0];
	v10 =	vbroadcast v1, $0x4;
	v12 =	vbroadcast v1, $0x1  }
0xfa: {  	v11 =	vbroadcast v1, $0x6;
	v1 =	vbroadcast v1, $0x7;
	v5 =	vsel vm0, v7, v5  }
0xfb: {  	v3 =	vsel vm0, v3, v12;
	v2 =	vmul.f32 v2, v5  }
0xfc: {  	v1 =	vsel vm0, v11, v1;
	v3 =	vmul.f32 v3, v6  }
0xfd: {  	v5 =	vsel vm0, v10, v9;
	v1 =	vmul.f32 v8, v1;
	[tilespmem:s6+$0x1B0A0] =	vst v2  }
0xfe: {  	v4 =	vmul.f32 v4, v5;
	[tilespmem:s6+$0x1B090] =	vst v3  }
0xff: {  	[tilespmem:s6+$0x1B0C0] =	vst v1  }
0x100: {  	[tilespmem:s6+$0x1B0B0] =	vst v4  }
0x101: {  	v1 =	vld [tilespmem:s19+$0x10];
	_ =	sdelay $0x3  }
0x102: {  	v2 =	vld [tilespmem:s6+$0x160E0]  }
0x103: {  	v4 =	vld [tilespmem:s6+$0x160F0];
	v3 =	vbroadcast v1, $0x0  }
0x104: {  	v7 =	vld [tilespmem:s6+$0x16100];
	v5 =	vbroadcast v1, $0x2;
	v6 =	vbroadcast v1, $0x3  }
0x105: {  	v8 =	vld [tilespmem:s6+$0x160D0];
	v9 =	vbroadcast v1, $0x4;
	v10 =	vbroadcast v1, $0x5  }
0x106: {  	v11 =	vbroadcast v1, $0x7;
	v5 =	vsel vm0, v5, v6;
	v6 =	vbroadcast v1, $0x6  }
0x107: {  	v1 =	vbroadcast v1, $0x1;
	v2 =	vmul.f32 v2, v5;
	v5 =	vsel vm0, v9, v10  }
0x108: {  	v4 =	vmul.f32 v4, v5;
	v5 =	vsel vm0, v6, v11  }
0x109: {  	v1 =	vsel vm0, v3, v1;
	[tilespmem:s6+$0x1B0E0] =	vst v2;
	v2 =	vmul.f32 v7, v5  }
0x10a: {  	v1 =	vmul.f32 v1, v8;
	[tilespmem:s6+$0x1B0F0] =	vst v4  }
0x10b: {  	[tilespmem:s6+$0x1B100] =	vst v2  }
0x10c: {  	[tilespmem:s6+$0x1B0D0] =	vst v1  }
0x10d: {  	[spmem:s4] =	stream.indirect.scatter.add.f32 [tilespmem:s9], [sflag:$0x5], $0x40, s23, s28, $0xb8;
	[tilespmem:$0x1F010] =	vst v63  }
0x10e: {  	_ =	swait.ge [sflag:s11], $0x800  }
0x10f: {  	[sflag:s11] =	ssyncset.done $0x0  }
0x110: {  	[sflag:s11] =	ssyncadd.s32 $0xFFFFF800  }
0x111: {  	_ =	swait.ge [sflag:s11], $0x800  }
0x112: {  	[sflag:s11] =	ssyncset.done $0x0  }
0x113: {  	s10 =	simm.s32 $0x0;
	[sflag:s11] =	ssyncadd.s32 $0xFFFFF800  }
0x114: {  	v1 =	vld [tilespmem:s10+$0x14840]  }
0x115: {  	v2 =	vld [tilespmem:s10+$0x15840]  }
0x116: {  	v3 =	vld [tilespmem:s10+$0x14810]  }
0x117: {  	v4 =	vld [tilespmem:s10+$0x15810]  }
0x118: {  	v5 =	vld [tilespmem:s10+$0x14820]  }
0x119: {  	v6 =	vld [tilespmem:s10+$0x15820];
	_ =	sdelay $0x1  }
0x11a: {  	v7 =	vld [tilespmem:s10+$0x14830];
	v1 =	vadd.f32 v2, v1  }
0x11b: {  	s6 =	simm.s32 $0x40;
	v2 =	vld [tilespmem:s10+$0x15830]  }
0x11c: {  	v3 =	vadd.f32 v4, v3;
	v4 =	vld [tilespmem:s6+$0x14840];
	v8 =	vmul.f32 $2.000000030e-01, v1  }
0x11d: {  	v5 =	vadd.f32 v6, v5;
	v6 =	vld [tilespmem:s6+$0x15840];
	vm1 =	vge.f32 v1, $0.0e+00  }
0x11e: {  	v9 =	vld [tilespmem:s6+$0x14810];
	v1 =	vsel vm1, v1, v8  }
0x11f: {  	v11 =	vld [tilespmem:s6+$0x15820];
	v10 =	vmul.f32 $2.000000030e-01, v5;
	v8 =	vmul.f32 $2.000000030e-01, v3;
	v1 =	vsub.f32 v1, v0  }
0x120: {  	vm2 =	vge.f32 v5, $0.0e+00;
	vm1 =	vge.f32 v3, $0.0e+00;
	v2 =	vadd.f32 v2, v7;
	v7 =	vld [tilespmem:s6+$0x15810]  }
0x121: {  	v5 =	vsel vm2, v5, v10;
	v3 =	vsel vm1, v3, v8;
	v8 =	vld [tilespmem:s6+$0x14820];
	v1 =	vmul.f32 $1.442695020e+00, v1  }
0x122: {  	v4 =	vadd.f32 v6, v4;
	v6 =	vld [tilespmem:s6+$0x15830];
	v10 =	vmul.f32 $2.000000030e-01, v2;
	v3 =	vsub.f32 v3, v0  }
0x123: {  	vm1 =	vge.f32 v2, $0.0e+00;
	(erf) = vpow2.f32 v1;
	v1 =	vld [tilespmem:s6+$0x14830]  }
0x124: {  	v5 =	vsub.f32 v5, v0;
	v2 =	vsel vm1, v2, v10;
	v3 =	vmul.f32 $1.442695020e+00, v3  }
0x125: {  	s18 =	simm.s32 $0x80;
	v10 =	vmul.f32 $2.000000030e-01, v4;
	vm1 =	vge.f32 v4, $0.0e+00;
	v2 =	vsub.f32 v2, v0  }
0x126: {  	(erf) = vpow2.f32 v3;
	v3 =	vadd.f32 v7, v9;
	v7 =	vld [tilespmem:s18+$0x14840];
	v8 =	vadd.f32 v11, v8  }
0x127: {  	v5 =	vmul.f32 $1.442695020e+00, v5;
	v4 =	vsel vm1, v4, v10;
	v9 =	vld [tilespmem:s18+$0x15840];
	v2 =	vmul.f32 $1.442695020e+00, v2  }
0x128: {  	v10 =	vld [tilespmem:s18+$0x14810];
	v4 =	vsub.f32 v4, v0;
	v1 =	vadd.f32 v6, v1;
	v6 =	vmul.f32 $2.000000030e-01, v8  }
0x129: {  	v11 =	vld [tilespmem:s18+$0x15810];
	(erf) = vpow2.f32 v5;
	v5 =	vmul.f32 $2.000000030e-01, v3;
	vm1 =	vge.f32 v3, $0.0e+00  }
0x12a: {  	vm2 =	vge.f32 v8, $0.0e+00;
	v4 =	vmul.f32 $1.442695020e+00, v4;
	(erf) = vpow2.f32 v2  }
0x12b: {  	v3 =	vsel vm1, v3, v5;
	v2 =	vmul.f32 $2.000000030e-01, v1;
	v5 =	vsel vm2, v8, v6  }
0x12c: {  	v63 =	vld [tilespmem:s18+$0x14820];
	vm1 =	vge.f32 v1, $0.0e+00;
	v3 =	vsub.f32 v3, v0;
	v9 =	vadd.f32 v9, v7;
	v6 =	vpop (erf)  }
0x12d: {  	v13 =	vld [tilespmem:s18+$0x15820];
	(erf) = vpow2.f32 v4;
	v5 =	vsub.f32 v5, v0;
	v1 =	vsel vm1, v1, v2;
	[tilespmem:s10+$0x1A840] =	vst v6  }
0x12e: {  	v6 =	vmul.f32 $1.442695020e+00, v3;
	v3 =	vadd.f32 v11, v10;
	v10 =	vmul.f32 $2.000000030e-01, v9;
	v2 =	vld [tilespmem:s18+$0x14830]  }
0x12f: {  	v1 =	vsub.f32 v1, v0;
	v4 =	vld [tilespmem:s18+$0x15830]  }
0x130: {  	v7 =	vmul.f32 $1.442695020e+00, v5;
	v8 =	vpop (erf)  }
0x131: {  	s19 =	simm.s32 $0xC0;
	vm1 =	vge.f32 v9, $0.0e+00;
	v5 =	vmul.f32 $1.442695020e+00, v1;
	(erf) = vpow2.f32 v6;
	[tilespmem:s10+$0x1A810] =	vst v8  }
0x132: {  	s17 =	simm.s32 $0x400;
	v8 =	vmul.f32 $2.000000030e-01, v3;
	v6 =	vadd.f32 v13, v63;
	v9 =	vsel vm1, v9, v10;
	v1 =	vld [tilespmem:s19+$0x14840];
	v10 =	vpop (erf)  }
.LBB2_7:
0x133: {  	p0 =	sne.s32 s17, $0x1F00;
	v11 =	vld [tilespmem:s19+$0x15840];
	vm1 =	vge.f32 v3, $0.0e+00;
	v9 =	vsub.f32 v9, v0;
	(erf) = vpow2.f32 v7;
	[tilespmem:s10+$0x1A820] =	vst v10  }
0x134: {  	v10 =	vld [tilespmem:s19+$0x14810];
	vm2 =	vge.f32 v6, $0.0e+00;
	v7 =	vmul.f32 $2.000000030e-01, v6;
	v4 =	vadd.f32 v4, v2;
	v2 =	vpop (erf)  }
0x135: {  	v3 =	vsel vm1, v3, v8;
	v12 =	vld [tilespmem:s19+$0x15810];
	v8 =	vmul.f32 $1.442695020e+00, v9;
	(erf) = vpow2.f32 v5;
	[tilespmem:s10+$0x1A830] =	vst v2;
	s10 =	smov.u32 s6;
	s6 =	smov.u32 s18;
	s18 =	smov.u32 s19  }
0x136: {  	v9 =	vld [tilespmem:s18+$0x14820];
	v2 =	vsel vm2, v6, v7;
	vm1 =	vge.f32 v4, $0.0e+00;
	v5 =	vmul.f32 $2.000000030e-01, v4;
	v6 =	vpop (erf)  }
0x137: {  	v3 =	vsub.f32 v3, v0;
	v13 =	vld [tilespmem:s18+$0x15820];
	v7 =	vsub.f32 v2, v0;
	(erf) = vpow2.f32 v8;
	[tilespmem:s10+$0x1A840] =	vst v6  }
.Ltmp2:
0x138: {  	v2 =	vld [tilespmem:s18+$0x14830];
	v11 =	vadd.f32 v11, v1;
	v1 =	vsel vm1, v4, v5;
	(pc) =	sbr.rel @p0 .LBB2_7-.Ltmp2, $4  }
0x139: {  	v6 =	vmul.f32 $1.442695020e+00, v3;
	v4 =	vld [tilespmem:s18+$0x15830];
	v7 =	vmul.f32 $1.442695020e+00, v7;
	v1 =	vsub.f32 v1, v0  }
0x13a: {  	v3 =	vadd.f32 v12, v10;
	v12 =	vmul.f32 $2.000000030e-01, v11;
	v8 =	vpop (erf)  }
0x13b: {  	s19 =	sshra.s32 s17, $0x2;
	vm1 =	vge.f32 v11, $0.0e+00;
	v5 =	vmul.f32 $1.442695020e+00, v1;
	(erf) = vpow2.f32 v6;
	[tilespmem:s10+$0x1A810] =	vst v8  }
0x13c: {  	s17 =	sadd.s32 $0x100, s17;
	v1 =	vld [tilespmem:s19+$0x14840];
	v8 =	vmul.f32 $2.000000030e-01, v3;
	v6 =	vadd.f32 v13, v9;
	v9 =	vsel vm1, v11, v12;
	v10 =	vpop (erf)  }
0x13d: {  	v11 =	vld [tilespmem:s19+$0x15840];
	[tilespmem:s10+$0x1A820] =	vst v10  }
0x13e: {  	vm1 =	vge.f32 v3, $0.0e+00;
	v9 =	vsub.f32 v9, v0;
	v10 =	vld [tilespmem:s19+$0x14810];
	v12 =	vpop (erf)  }
0x13f: {  	v13 =	vld [tilespmem:s19+$0x15810];
	v2 =	vadd.f32 v4, v2;
	(erf) = vpow2.f32 v7;
	v34 =	vmul.f32 $2.000000030e-01, v6;
	[tilespmem:s10+$0x1A830] =	vst v12  }
0x140: {  	v3 =	vsel vm1, v3, v8;
	vm1 =	vge.f32 v6, $0.0e+00;
	v37 =	vmul.f32 $1.442695020e+00, v9;
	v33 =	vld [tilespmem:s19+$0x14820];
	v35 =	vpop (erf)  }
0x141: {  	v3 =	vsub.f32 v3, v0;
	v12 =	vld [tilespmem:s19+$0x15820];
	v36 =	vmul.f32 $2.000000030e-01, v2;
	v6 =	vsel vm1, v6, v34;
	[tilespmem:s6+$0x1A840] =	vst v35  }
0x142: {  	(erf) = vpow2.f32 v5;
	vm1 =	vge.f32 v2, $0.0e+00;
	v6 =	vsub.f32 v6, v0;
	v38 =	vld [tilespmem:s19+$0x14830]  }
0x143: {  	v3 =	vmul.f32 $1.442695020e+00, v3;
	v2 =	vsel vm1, v2, v36;
	v39 =	vld [tilespmem:s19+$0x15830];
	v1 =	vadd.f32 v11, v1  }
0x144: {  	(erf) = vpow2.f32 v37;
	v2 =	vsub.f32 v2, v0;
	v6 =	vmul.f32 $1.442695020e+00, v6  }
0x145: {  	v40 =	vadd.f32 v13, v10;
	(erf) = vpow2.f32 v3;
	v41 =	vmul.f32 $2.000000030e-01, v1  }
0x146: {  	vm1 =	vge.f32 v1, $0.0e+00;
	v2 =	vmul.f32 $1.442695020e+00, v2;
	v4 =	vadd.f32 v12, v33  }
0x147: {  	v3 =	vmul.f32 $2.000000030e-01, v40;
	(erf) = vpow2.f32 v6;
	v1 =	vsel vm1, v1, v41  }
0x148: {  	vm1 =	vge.f32 v40, $0.0e+00;
	v5 =	vadd.f32 v39, v38;
	v42 =	vmul.f32 $2.000000030e-01, v4  }
0x149: {  	v1 =	vsub.f32 v1, v0;
	vm2 =	vge.f32 v4, $0.0e+00;
	v3 =	vsel vm1, v40, v3  }
0x14a: {  	v3 =	vsub.f32 v3, v0;
	v7 =	vmul.f32 $2.000000030e-01, v5;
	v4 =	vsel vm2, v4, v42  }
0x14b: {  	vm1 =	vge.f32 v5, $0.0e+00;
	v1 =	vmul.f32 $1.442695020e+00, v1;
	v4 =	vsub.f32 v4, v0  }
0x14c: {  	(erf) = vpow2.f32 v2;
	v2 =	vmul.f32 $1.442695020e+00, v3;
	v5 =	vsel vm1, v5, v7  }
0x14d: {  	(erf) = vpow2.f32 v1;
	v3 =	vsub.f32 v5, v0;
	v1 =	vmul.f32 $1.442695020e+00, v4;
	_ =	sdelay $0x1  }
0x14e: {  	(erf) = vpow2.f32 v2;
	v3 =	vmul.f32 $1.442695020e+00, v3  }
0x14f: {  	v2 =	vpop (erf);
	(erf) = vpow2.f32 v1  }
0x150: {  	[tilespmem:s6+$0x1A810] =	vst v2;
	v1 =	vpop (erf);
	(erf) = vpow2.f32 v3  }
0x151: {  	v2 =	vpop (erf);
	[tilespmem:s6+$0x1A820] =	vst v1  }
0x152: {  	v1 =	vpop (erf);
	[tilespmem:s6+$0x1A830] =	vst v2  }
0x153: {  	v2 =	vpop (erf);
	[tilespmem:s18+$0x1A840] =	vst v1  }
0x154: {  	v1 =	vpop (erf);
	[tilespmem:s18+$0x1A810] =	vst v2  }
0x155: {  	v2 =	vpop (erf);
	[tilespmem:s18+$0x1A820] =	vst v1  }
0x156: {  	[tilespmem:s18+$0x1A830] =	vst v2;
	v1 =	vpop (erf)  }
0x157: {  	[tilespmem:s19+$0x1A840] =	vst v1;
	v1 =	vpop (erf)  }
0x158: {  	[tilespmem:s19+$0x1A810] =	vst v1;
	v1 =	vpop (erf)  }
0x159: {  	[tilespmem:s19+$0x1A820] =	vst v1;
	v1 =	vpop (erf)  }
0x15a: {  	[tilespmem:s19+$0x1A830] =	vst v1  }
0x15b: {  	[spmem:s5] =	stream.indirect.scatter.add.f32 [tilespmem:s12], [sflag:$0x6], $0x10, s21, s28, $0xb8;
	[tilespmem:$0x1F010] =	vst v63  }
0x15c: {  	_ =	swait.ge [sflag:s13], $0x2000  }
0x15d: {  	[sflag:s13] =	ssyncset.done $0x0  }
0x15e: {  	s18 =	simm.s32 $0x1A830;
	[sflag:s13] =	ssyncadd.s32 $0xFFFFE000  }
0x15f: {  	v1 =	vld [tilespmem:s18+$0xFFFFFFE0];
	_ =	sdelay $0x2  }
0x160: {  	s6 =	simm.s32 $0x0  }
0x161: {  	v2 =	vld [tilespmem:s6+$0x18020]  }
0x162: {  	v3 =	vld [tilespmem:s6+$0x18030];
	v43 =	vbroadcast v1, $0x2;
	v45 =	vbroadcast v1, $0x6  }
0x163: {  	v47 =	vld [tilespmem:s6+$0x18010];
	v46 =	vbroadcast v1, $0x3;
	v48 =	vbroadcast v1, $0x5  }
0x164: {  	v44 =	vld [tilespmem:s6+$0x18040];
	v49 =	vbroadcast v1, $0x4;
	v50 =	vbroadcast v1, $0x0  }
0x165: {  	v51 =	vbroadcast v1, $0x7;
	v1 =	vbroadcast v1, $0x1;
	v4 =	vsel vm0, v43, v46  }
0x166: {  	v52 =	vsel vm0, v49, v48;
	v2 =	vmul.f32 v2, v4  }
0x167: {  	v1 =	vsel vm0, v50, v1;
	v3 =	vmul.f32 v3, v52  }
0x168: {  	v53 =	vsel vm0, v45, v51;
	v1 =	vmul.f32 v1, v47;
	[tilespmem:s6+$0x1D020] =	vst v2  }
0x169: {  	v2 =	vmul.f32 v44, v53;
	[tilespmem:s6+$0x1D030] =	vst v3  }
0x16a: {  	[tilespmem:s6+$0x1D010] =	vst v1  }
0x16b: {  	[tilespmem:s6+$0x1D040] =	vst v2  }
0x16c: {  	v1 =	vld [tilespmem:s18+$0xFFFFFFF0];
	_ =	sdelay $0x3  }
0x16d: {  	v2 =	vld [tilespmem:s6+$0x18060]  }
0x16e: {  	v54 =	vld [tilespmem:s6+$0x18070];
	v3 =	vbroadcast v1, $0x0  }
0x16f: {  	v56 =	vld [tilespmem:s6+$0x18050];
	v55 =	vbroadcast v1, $0x3;
	v57 =	vbroadcast v1, $0x2  }
0x170: {  	v58 =	vld [tilespmem:s6+$0x18080];
	v59 =	vbroadcast v1, $0x5;
	v60 =	vbroadcast v1, $0x4  }
0x171: {  	v61 =	vbroadcast v1, $0x6;
	v62 =	vbroadcast v1, $0x1;
	v5 =	vsel vm0, v57, v55  }
0x172: {  	v1 =	vbroadcast v1, $0x7;
	v63 =	vsel vm0, v60, v59;
	v2 =	vmul.f32 v2, v5  }
0x173: {  	v3 =	vsel vm0, v3, v62;
	v4 =	vmul.f32 v54, v63  }
0x174: {  	v1 =	vsel vm0, v61, v1;
	v3 =	vmul.f32 v3, v56;
	[tilespmem:s6+$0x1D060] =	vst v2  }
0x175: {  	v1 =	vmul.f32 v58, v1;
	[tilespmem:s6+$0x1D070] =	vst v4  }
0x176: {  	[tilespmem:s6+$0x1D050] =	vst v3  }
0x177: {  	[tilespmem:s6+$0x1D080] =	vst v1  }
0x178: {  	s10 =	simm.s32 $0x400;
	s19 =	simm.s32 $0x1A830;
	v1 =	vld [tilespmem:s18+$0x0]  }
.LBB2_9:
0x179: {  	_ = 	snop  }
0x17a: {  	p0 =	sne.s32 s10, $0x7C00  }
0x17b: {  	v2 =	vld [tilespmem:s6+$0x180C0];
	s18 =	sadd.s32 $0x40, s18;
	s17 =	smov.u32 s10;
	s10 =	sadd.s32 $0x400, s10  }
0x17c: {  	v3 =	vld [tilespmem:s6+$0x180A0]  }
0x17d: {  	v6 =	vld [tilespmem:s6+$0x180B0];
	v4 =	vbroadcast v1, $0x0;
	v5 =	vbroadcast v1, $0x3  }
0x17e: {  	v8 =	vbroadcast v1, $0x2;
	v9 =	vbroadcast v1, $0x5;
	v7 =	vld [tilespmem:s6+$0x18090]  }
0x17f: {  	v10 =	vbroadcast v1, $0x4;
	v11 =	vbroadcast v1, $0x6  }
0x180: {  	v12 =	vbroadcast v1, $0x1;
	v1 =	vbroadcast v1, $0x7;
	v5 =	vsel vm0, v8, v5  }
0x181: {  	v3 =	vmul.f32 v3, v5;
	v5 =	vsel vm0, v10, v9  }
0x182: {  	v4 =	vsel vm0, v4, v12;
	v1 =	vsel vm0, v11, v1;
	v5 =	vmul.f32 v6, v5  }
0x183: {  	v1 =	vmul.f32 v2, v1;
	v4 =	vmul.f32 v4, v7;
	[tilespmem:s6+$0x1D0A0] =	vst v3  }
0x184: {  	[tilespmem:s6+$0x1D0B0] =	vst v5  }
0x185: {  	[tilespmem:s6+$0x1D090] =	vst v4  }
0x186: {  	[tilespmem:s6+$0x1D0C0] =	vst v1  }
0x187: {  	v1 =	vld [tilespmem:s19+$0x10];
	s19 =	smov.u32 s18;
	_ =	sdelay $0x2  }
0x188: {  	v2 =	vld [tilespmem:s6+$0x180E0]  }
0x189: {  	v3 =	vld [tilespmem:s6+$0x180D0]  }
0x18a: {  	v4 =	vbroadcast v1, $0x0;
	v5 =	vbroadcast v1, $0x1;
	v6 =	vld [tilespmem:s6+$0x180F0]  }
0x18b: {  	v7 =	vbroadcast v1, $0x2;
	v8 =	vbroadcast v1, $0x3;
	v9 =	vld [tilespmem:s6+$0x18100]  }
0x18c: {  	v10 =	vbroadcast v1, $0x5;
	v4 =	vsel vm0, v4, v5;
	v5 =	vbroadcast v1, $0x4  }
0x18d: {  	v7 =	vsel vm0, v7, v8;
	v8 =	vbroadcast v1, $0x6;
	v1 =	vbroadcast v1, $0x7  }
0x18e: {  	v2 =	vmul.f32 v2, v7;
	v3 =	vmul.f32 v4, v3;
	v4 =	vsel vm0, v5, v10  }
0x18f: {  	v1 =	vsel vm0, v8, v1;
	v4 =	vmul.f32 v6, v4  }
0x190: {  	[tilespmem:s6+$0x1D0E0] =	vst v2;
	v1 =	vmul.f32 v9, v1  }
0x191: {  	[tilespmem:s6+$0x1D0F0] =	vst v4  }
0x192: {  	[tilespmem:s6+$0x1D100] =	vst v1  }
0x193: {  	[tilespmem:s6+$0x1D0D0] =	vst v3  }
0x194: {  	v1 =	vld [tilespmem:s18+$0xFFFFFFE0]  }
0x195: {  	s6 =	sshra.s32 s17, $0x2  }
0x196: {  	v2 =	vld [tilespmem:s6+$0x18010]  }
0x197: {  	v3 =	vld [tilespmem:s6+$0x18040]  }
0x198: {  	v4 =	vld [tilespmem:s6+$0x18030]  }
0x199: {  	v5 =	vbroadcast v1, $0x2;
	v6 =	vld [tilespmem:s6+$0x18020];
	v7 =	vbroadcast v1, $0x6  }
0x19a: {  	v8 =	vbroadcast v1, $0x3;
	v9 =	vbroadcast v1, $0x5  }
0x19b: {  	v10 =	vbroadcast v1, $0x0;
	v11 =	vbroadcast v1, $0x1  }
0x19c: {  	v12 =	vbroadcast v1, $0x4;
	v1 =	vbroadcast v1, $0x7  }
0x19d: {  	v10 =	vsel vm0, v10, v11;
	v5 =	vsel vm0, v5, v8  }
0x19e: {  	v2 =	vmul.f32 v10, v2;
	v5 =	vmul.f32 v6, v5;
	v6 =	vsel vm0, v12, v9  }
0x19f: {  	v1 =	vsel vm0, v7, v1;
	v4 =	vmul.f32 v4, v6  }
0x1a0: {  	v1 =	vmul.f32 v3, v1;
	[tilespmem:s6+$0x1D020] =	vst v5  }
0x1a1: {  	[tilespmem:s6+$0x1D030] =	vst v4  }
0x1a2: {  	[tilespmem:s6+$0x1D040] =	vst v1  }
0x1a3: {  	[tilespmem:s6+$0x1D010] =	vst v2  }
0x1a4: {  	v1 =	vld [tilespmem:s18+$0xFFFFFFF0];
	_ =	sdelay $0x2  }
0x1a5: {  	v2 =	vld [tilespmem:s6+$0x18080]  }
0x1a6: {  	v3 =	vld [tilespmem:s6+$0x18060]  }
0x1a7: {  	v4 =	vbroadcast v1, $0x0;
	v5 =	vbroadcast v1, $0x3;
	v6 =	vld [tilespmem:s6+$0x18070]  }
0x1a8: {  	v8 =	vbroadcast v1, $0x2;
	v9 =	vbroadcast v1, $0x5;
	v7 =	vld [tilespmem:s6+$0x18050]  }
0x1a9: {  	v10 =	vbroadcast v1, $0x4;
	v11 =	vbroadcast v1, $0x6  }
0x1aa: {  	v12 =	vbroadcast v1, $0x1;
	v1 =	vbroadcast v1, $0x7;
	v5 =	vsel vm0, v8, v5  }
0x1ab: {  	v3 =	vmul.f32 v3, v5;
	v5 =	vsel vm0, v10, v9  }
0x1ac: {  	v4 =	vsel vm0, v4, v12;
	v1 =	vsel vm0, v11, v1;
	v5 =	vmul.f32 v6, v5  }
.Ltmp3:
0x1ad: {  	v1 =	vmul.f32 v2, v1;
	v4 =	vmul.f32 v4, v7;
	[tilespmem:s6+$0x1D060] =	vst v3;
	(pc) =	sbr.rel @p0 .LBB2_9-.Ltmp3, $4  }
0x1ae: {  	[tilespmem:s6+$0x1D070] =	vst v5  }
0x1af: {  	[tilespmem:s6+$0x1D050] =	vst v4  }
0x1b0: {  	[tilespmem:s6+$0x1D080] =	vst v1  }
0x1b1: {  	v1 =	vld [tilespmem:s18+$0x0]  }
0x1b2: {  	_ =	sdelay $0x2  }
0x1b3: {  	v2 =	vld [tilespmem:s6+$0x180A0]  }
0x1b4: {  	v4 =	vld [tilespmem:s6+$0x180B0];
	v3 =	vbroadcast v1, $0x0  }
0x1b5: {  	v6 =	vld [tilespmem:s6+$0x18090];
	v5 =	vbroadcast v1, $0x3;
	v7 =	vbroadcast v1, $0x2  }
0x1b6: {  	v8 =	vld [tilespmem:s6+$0x180C0];
	v9 =	vbroadcast v1, $0x5;
	v10 =	vbroadcast v1, $0x4  }
0x1b7: {  	v11 =	vbroadcast v1, $0x6;
	v12 =	vbroadcast v1, $0x1;
	v5 =	vsel vm0, v7, v5  }
0x1b8: {  	v1 =	vbroadcast v1, $0x7;
	v52 =	vsel vm0, v10, v9;
	v2 =	vmul.f32 v2, v5  }
0x1b9: {  	v3 =	vsel vm0, v3, v12;
	v4 =	vmul.f32 v4, v52  }
0x1ba: {  	v1 =	vsel vm0, v11, v1;
	v3 =	vmul.f32 v3, v6;
	[tilespmem:s6+$0x1D0A0] =	vst v2  }
0x1bb: {  	v1 =	vmul.f32 v8, v1;
	[tilespmem:s6+$0x1D0B0] =	vst v4  }
0x1bc: {  	[tilespmem:s6+$0x1D090] =	vst v3  }
0x1bd: {  	[tilespmem:s6+$0x1D0C0] =	vst v1  }
0x1be: {  	v1 =	vld [tilespmem:s19+$0x10];
	_ =	sdelay $0x3  }
0x1bf: {  	v2 =	vld [tilespmem:s6+$0x180E0]  }
0x1c0: {  	v53 =	vld [tilespmem:s6+$0x180F0];
	v3 =	vbroadcast v1, $0x0;
	v54 =	vbroadcast v1, $0x2  }
0x1c1: {  	v57 =	vld [tilespmem:s6+$0x180D0];
	v55 =	vbroadcast v1, $0x3;
	v58 =	vbroadcast v1, $0x4  }
0x1c2: {  	v56 =	vld [tilespmem:s6+$0x18100];
	v59 =	vbroadcast v1, $0x5;
	v60 =	vbroadcast v1, $0x6  }
0x1c3: {  	v61 =	vbroadcast v1, $0x7;
	v1 =	vbroadcast v1, $0x1;
	v5 =	vsel vm0, v54, v55  }
0x1c4: {  	v62 =	vsel vm0, v58, v59;
	v2 =	vmul.f32 v2, v5  }
0x1c5: {  	v1 =	vsel vm0, v3, v1;
	v4 =	vmul.f32 v53, v62  }
0x1c6: {  	v63 =	vsel vm0, v60, v61;
	v1 =	vmul.f32 v1, v57;
	[tilespmem:s6+$0x1D0E0] =	vst v2  }
0x1c7: {  	v2 =	vmul.f32 v56, v63;
	[tilespmem:s6+$0x1D0F0] =	vst v4  }
0x1c8: {  	[tilespmem:s6+$0x1D0D0] =	vst v1  }
0x1c9: {  	[tilespmem:s6+$0x1D100] =	vst v2  }
0x1ca: {  	[spmem:s4] =	stream.indirect.scatter.add.f32 [tilespmem:s14], [sflag:$0x6], $0x40, s21, s28, $0xb8;
	[tilespmem:$0x1F010] =	vst v63  }
0x1cb: {  	_ =	swait.ge [sflag:s15], $0x800  }
0x1cc: {  	[sflag:s15] =	ssyncset.done $0x0  }
0x1cd: {  	[sflag:s15] =	ssyncadd.s32 $0xFFFFF800  }
0x1ce: {  	_ =	swait.ge [sflag:s15], $0x2000  }
0x1cf: {  	[sflag:s15] =	ssyncset.done $0x0  }
0x1d0: {  	s20 =	sadd.s32 $0x1, s20;
	[sflag:s15] =	ssyncadd.s32 $0xFFFFE000  }
0x1d1: {  	p0 =	sne.s32 s20, $0x14;
	_ =	swait.ge [sflag:s16], $0x800  }
.Ltmp4:
0x1d2: {  	[sflag:s16] =	ssyncset.done $0x0;
	(pc) =	sbr.rel @p0 .LBB2_2-.Ltmp4, $4  }
0x1d3: {  	[sflag:s16] =	ssyncadd.s32 $0xFFFFF800  }
0x1d4: {  	_ =	swait.ge [sflag:s16], $0x2000  }
0x1d5: {  	[sflag:s16] =	ssyncset.done $0x0  }
0x1d6: {  	[sflag:s16] =	ssyncadd.s32 $0xFFFFE000  }
0x1d7: {  	[bflag:$0x0] =	sbarrier.arrive $0xFFFF  }
0x1d8: {  	s17 =	rddreg [dreg:$0x9]  }
0x1d9: {  	s6 =	rddreg [dreg:$0x11]  }
0x1da: {  	s10 =	rddreg [dreg:$0x17]  }
0x1db: {  	[hbm:s6], [sflag:s17] =	dma.local [spmem:s10], $0x1400  }
0x1dc: {  	_ =	swait.ge [sflag:s22], $0x1400  }
0x1dd: {  	[sflag:s22] =	ssyncset.done $0x0;
	s19 =	rddreg [dreg:$0x12]  }
0x1de: {  	s20 =	rddreg [dreg:$0x18];
	[sflag:s22] =	ssyncadd.s32 $0xFFFFEC00  }
0x1df: {  	[hbm:s19], [sflag:s17] =	dma.local [spmem:s20], $0x500  }
0x1e0: {  	_ =	swait.ge [sflag:s22], $0x500  }
0x1e1: {  	s21 =	rddreg [dreg:$0x16]  }
0x1e2: {  	s23 =	rddreg [dreg:$0x13];
	s10 =	sadd.s32 $0x1, s21  }
0x1e3: {  	p0 =	sne.s32 s10, s23  }
.Ltmp5:
0x1e4: {  	_ = 	snop;
	(pc) =	sbr.rel @p0 .LBB2_1-.Ltmp5, $3  }
0x1e5: {  	_ =	sdelay $0x1  }
0x1e6: {  	[sflag:s22] =	ssyncset.done $0x0  }
0x1e7: {  	[sflag:s22] =	ssyncadd.s32 $0xFFFFFB00  }
0x1e8: {  	_ =	sfence.sel $0x180000  }
0x1e9: {  	[bflag:$0x0] =	sbarrier.arrive $0xFFFF  }
0x1ea: {  	_ =	strace $0x90000047  }
0x1eb: {  	s0 =	stileid.u32;
	[bflag:$0x2] =	sbarrier.arrive $0xFFFF  }
0x1ec: {  	p0 =	sne.s32 s0, $0x0;
	s0 =	rddreg [dreg:$0x6]  }
0x1ed: {  	s0 =	sadd.s32 @!p0 $0x100000, s0  }
0x1ee: {  	[sflag:s0] =	ssyncadd.tile.s32 @!p0 $0x1;
	_ =	shalt  }
.Lfunc_end2:
_tile_overlayer_lowered:
.L_overlay_start_2:
0x1ef: {  	(tag) =	ssettag $0x2  }
0x1f0: {  	s0 =	rddreg [dreg:$0x0];
	s2 =	stileid.u32  }
0x1f1: {  	s1 =	rddreg [dreg:$0x1];
	p0 =	sne.s32 s2, $0x0  }
0x1f2: {  	s3 =	rddreg [dreg:$0x2];
	[bflag:$0x3] =	sbarrier.arrive $0xFFFF;
	s2 =	simm.s32 @!p0 $0x1C07  }
0x1f3: {  	[timem:s3], [sflag:s2] =	dma.local @!p0 [hbm:s0], s1  }
0x1f4: {  	s0 =	simm.s32 @!p0 $0x7  }
0x1f5: {  	_ =	swait.ge @!p0 [sflag:s0], s1  }
0x1f6: {  	s1 =	ssub.s32 @!p0 $0x0, s1;
	[sflag:s0] =	ssyncset.done @!p0 $0x0  }
0x1f7: {  	[sflag:s0] =	ssyncadd.s32 @!p0 s1  }
0x1f8: {  	[bflag:$0x3] =	sbarrier.arrive $0xFFFF  }
0x1f9: {  	_ =	shalt  }

</sc_bundles>
